<compile_context>
chip_gen: v7x
topology: tpu7x:2x2x1
jax: 0.10.2.dev20260603
libtpu: 0.0.44.dev20260713+nightly
codegen_flags: <defaults>
</compile_context>

<pallas_src>
import jax
import jax.numpy as jnp
import numpy as np
from jax import lax
from jax.experimental import pallas as pl
from jax.experimental.pallas import tpu as pltpu
from jax.experimental.pallas import tpu_sc as plsc

N = 10000
E = 320000
E2 = E // 2
STATE = 128
MSG = 64
PK = 2 * MSG
D_CUTOFF = 5.0
N_RBF = 10

NC = 2
NS = 16
NW = NC * NS
EPW = E // NW
CH = 1000
SUB = 125
KSUB = CH // SUB
CH2 = CH // 2
KSUB2 = CH2 // SUB
NCHUNK = EPW // CH
RPT = N // NS

BN = 2000
BE2 = 1280

_F32 = jnp.float32
_SQRT2 = np.sqrt(2.0).astype(np.float32)
_RBF_WIDTH = np.float32(D_CUTOFF / (N_RBF - 1))


def _mm(a, b):
    return lax.dot_general(a, b, (((1,), (0,)), ((), ())),
                           preferred_element_type=_F32,
                           precision=lax.Precision.DEFAULT)


def _gelu(x):
    return 0.5 * x * (1.0 + lax.erf(x / _SQRT2))


def _full(spec_shape):
    return pl.BlockSpec(spec_shape, lambda i: tuple(0 for _ in spec_shape))


def _rows(bs, cols):
    return pl.BlockSpec((bs, cols), lambda i: (i, 0))


def _blkdiag(w):
    k, m = w.shape
    z = jnp.zeros((k, m), _F32)
    return jnp.concatenate([jnp.concatenate([w, z], axis=1),
                            jnp.concatenate([z, w], axis=1)], axis=0)



def _embed_body(mi, e1, be1, e2, be2, wa, wb, h_ref, a_ref, b_ref):
    t = _gelu(_mm(mi[...], e1[...]) + be1[...])
    h = _mm(t, e2[...]) + be2[...]
    h_ref[...] = h
    a_ref[...] = _mm(h, wa[...])
    b_ref[...] = _mm(h, wb[...])


def _edge_feats(xs, xd, isb):
    dx = xs[...][:, 0:3] - xd[...][:, 0:3]
    d2 = jnp.sum(dx * dx, axis=1, keepdims=True)
    dist = jnp.sqrt(d2 + 1e-12)
    k = lax.broadcasted_iota(jnp.int32, (1, N_RBF), 1).astype(_F32)
    rbf = jnp.exp(-((dist * (1.0 / _RBF_WIDTH) - k) ** 2))
    return jnp.concatenate([isb[...], dist, rbf], axis=1)


def _edge0_body(pa, pb, xse, xso, xde, xdo, ibe, ibo,
                w1c, b1, w2, b2, w3, b3, msg_ref, efe_ref, efo_ref):
    efe = _edge_feats(xse, xde, ibe)
    efo = _edge_feats(xso, xdo, ibo)
    efe_ref[...] = efe
    efo_ref[...] = efo
    efw = jnp.concatenate([_mm(efe, w1c[...]), _mm(efo, w1c[...])], axis=1)
    t = _gelu(pa[...] + pb[...] + efw + b1[...])
    t = _gelu(_mm(t, w2[...]) + b2[...])
    msg_ref[...] = _mm(t, w3[...]) + b3[...]


def _edge1_body(pa, pb, efe, efo, w1c, b1, w2, b2, w3, b3, msg_ref):
    efw = jnp.concatenate([_mm(efe[...], w1c[...]),
                           _mm(efo[...], w1c[...])], axis=1)
    t = _gelu(pa[...] + pb[...] + efw + b1[...])
    t = _gelu(_mm(t, w2[...]) + b2[...])
    msg_ref[...] = _mm(t, w3[...]) + b3[...]


def _upd_body(h, p, u1a, u1b, b1, u2, b2, u3, b3, wa, wb,
              h_ref, a_ref, b_ref):
    nm = p[...][0] + p[...][1]
    t = _gelu(_mm(h[...], u1a[...]) + _mm(nm, u1b[...]) + b1[...])
    t = _gelu(_mm(t, u2[...]) + b2[...])
    hn = h[...] + _mm(t, u3[...]) + b3[...]
    h_ref[...] = hn
    a_ref[...] = _mm(hn, wa[...])
    b_ref[...] = _mm(hn, wb[...])


def _upd_last_body(h, p, u1a, u1b, b1, u2, b2, u3, b3, h_ref):
    nm = p[...][0] + p[...][1]
    t = _gelu(_mm(h[...], u1a[...]) + _mm(nm, u1b[...]) + b1[...])
    t = _gelu(_mm(t, u2[...]) + b2[...])
    h_ref[...] = h[...] + _mm(t, u3[...]) + b3[...]



def _mesh():
    return plsc.VectorSubcoreMesh(core_axis_name="c", subcore_axis_name="s",
                                  num_cores=NC, num_subcores=NS)


def _indirect_gather(table_hbm, idx2, nsub, buf, sem):
    for j in range(nsub):
        pltpu.async_copy(table_hbm.at[idx2.at[j]],
                         buf.at[pl.ds(j * SUB, SUB)], sem).wait()


def _gather0_body(a_hbm, b_hbm, xp_hbm, src_hbm, dst_hbm,
                  se_hbm, so_hbm, de_hbm, do_hbm,
                  prea_hbm, preb_hbm, xse_hbm, xso_hbm, xde_hbm, xdo_hbm,
                  idx_s, idx_d, idx4, rows, xbuf, sem):
    c = lax.axis_index("c")
    s = lax.axis_index("s")
    wid = s * NC + c

    def chunk(i, carry):
        base = wid * EPW + i * CH
        rbase = base // SUB
        pltpu.sync_copy(src_hbm.at[pl.ds(rbase, KSUB)], idx_s)
        pltpu.sync_copy(dst_hbm.at[pl.ds(rbase, KSUB)], idx_d)
        _indirect_gather(a_hbm, idx_s, KSUB, rows, sem)
        pltpu.sync_copy(rows, prea_hbm.at[pl.ds(base, CH)])
        _indirect_gather(b_hbm, idx_d, KSUB, rows, sem)
        pltpu.sync_copy(rows, preb_hbm.at[pl.ds(base, CH)])
        base2 = wid * (EPW // 2) + i * CH2
        rbase2 = base2 // SUB
        for ih, oh in ((se_hbm, xse_hbm), (so_hbm, xso_hbm),
                       (de_hbm, xde_hbm), (do_hbm, xdo_hbm)):
            pltpu.sync_copy(ih.at[pl.ds(rbase2, KSUB2)], idx4)
            _indirect_gather(xp_hbm, idx4, KSUB2, xbuf, sem)
            pltpu.sync_copy(xbuf, oh.at[pl.ds(base2, CH2)])
        return carry

    lax.fori_loop(0, NCHUNK, chunk, 0)


def _gather1_body(a_hbm, b_hbm, src_hbm, dst_hbm, prea_hbm, preb_hbm,
                  idx_s, idx_d, rows, sem):
    c = lax.axis_index("c")
    s = lax.axis_index("s")
    wid = s * NC + c

    def chunk(i, carry):
        base = wid * EPW + i * CH
        rbase = base // SUB
        pltpu.sync_copy(src_hbm.at[pl.ds(rbase, KSUB)], idx_s)
        pltpu.sync_copy(dst_hbm.at[pl.ds(rbase, KSUB)], idx_d)
        _indirect_gather(a_hbm, idx_s, KSUB, rows, sem)
        pltpu.sync_copy(rows, prea_hbm.at[pl.ds(base, CH)])
        _indirect_gather(b_hbm, idx_d, KSUB, rows, sem)
        pltpu.sync_copy(rows, preb_hbm.at[pl.ds(base, CH)])
        return carry

    lax.fori_loop(0, NCHUNK, chunk, 0)


def _scatter_body(msg_hbm, dst_hbm, zeros_hbm, out_hbm, idx_v, buf, acc, sem):
    c = lax.axis_index("c")
    s = lax.axis_index("s")
    r0 = s * RPT
    pltpu.sync_copy(zeros_hbm, acc.at[pl.ds(r0, RPT)])
    plsc.subcore_barrier()

    def chunk(i, carry):
        base = (c * NS + s) * EPW + i * CH
        pltpu.sync_copy(msg_hbm.at[pl.ds(base, CH)], buf)
        pltpu.sync_copy(dst_hbm.at[pl.ds(base // SUB, KSUB)], idx_v)
        for j in range(KSUB):
            pltpu.sync_copy(buf.at[pl.ds(j * SUB, SUB)],
                            acc.at[idx_v.at[j]], add=True)
        return carry

    lax.fori_loop(0, NCHUNK, chunk, 0)
    plsc.subcore_barrier()
    pltpu.sync_copy(acc.at[pl.ds(r0, RPT)], out_hbm.at[c, pl.ds(r0, RPT)])


def _sc_gather0(a, b, xpad, src, dst, se, so, de, do):
    return pl.kernel(
        _gather0_body,
        out_type=[
            jax.ShapeDtypeStruct((E, MSG), _F32),
            jax.ShapeDtypeStruct((E, MSG), _F32),
            jax.ShapeDtypeStruct((E2, 8), _F32),
            jax.ShapeDtypeStruct((E2, 8), _F32),
            jax.ShapeDtypeStruct((E2, 8), _F32),
            jax.ShapeDtypeStruct((E2, 8), _F32),
        ],
        mesh=_mesh(),
        compiler_params=pltpu.CompilerParams(use_tc_tiling_on_sc=False),
        scratch_types=[
            pltpu.VMEM((KSUB, SUB), jnp.int32),
            pltpu.VMEM((KSUB, SUB), jnp.int32),
            pltpu.VMEM((KSUB2, SUB), jnp.int32),
            pltpu.VMEM((CH, MSG), _F32),
            pltpu.VMEM((CH2, 8), _F32),
            pltpu.SemaphoreType.DMA,
        ],
    )(a, b, xpad, src, dst, se, so, de, do)


def _sc_gather1(a, b, src, dst):
    return pl.kernel(
        _gather1_body,
        out_type=[
            jax.ShapeDtypeStruct((E, MSG), _F32),
            jax.ShapeDtypeStruct((E, MSG), _F32),
        ],
        mesh=_mesh(),
        compiler_params=pltpu.CompilerParams(use_tc_tiling_on_sc=False),
        scratch_types=[
            pltpu.VMEM((KSUB, SUB), jnp.int32),
            pltpu.VMEM((KSUB, SUB), jnp.int32),
            pltpu.VMEM((CH, MSG), _F32),
            pltpu.SemaphoreType.DMA,
        ],
    )(a, b, src, dst)


def _sc_scatter(msg, dst, zeros_nm):
    return pl.kernel(
        _scatter_body,
        out_type=jax.ShapeDtypeStruct((NC, N, MSG), _F32),
        mesh=_mesh(),
        compiler_params=pltpu.CompilerParams(use_tc_tiling_on_sc=False),
        scratch_types=[
            pltpu.VMEM((KSUB, SUB), jnp.int32),
            pltpu.VMEM((CH, MSG), _F32),
            pltpu.VMEM_SHARED((N, MSG), _F32),
            pltpu.SemaphoreType.DMA,
        ],
    )(msg, dst, zeros_nm)



def _tc_embed(mi, e1, be1, e2, be2, wa, wb):
    return pl.pallas_call(
        _embed_body,
        grid=(N // BN,),
        in_specs=[_rows(BN, 32), _full((32, 64)), _full((1, 64)),
                  _full((64, STATE)), _full((1, STATE)),
                  _full((STATE, MSG)), _full((STATE, MSG))],
        out_specs=[_rows(BN, STATE), _rows(BN, MSG), _rows(BN, MSG)],
        out_shape=[jax.ShapeDtypeStruct((N, STATE), _F32),
                   jax.ShapeDtypeStruct((N, MSG), _F32),
                   jax.ShapeDtypeStruct((N, MSG), _F32)],
    )(mi, e1, be1, e2, be2, wa, wb)


def _tc_edge0(pa, pb, xse, xso, xde, xdo, ibe, ibo, w1c, b1, w2, b2, w3, b3):
    return pl.pallas_call(
        _edge0_body,
        grid=(E2 // BE2,),
        in_specs=[_rows(BE2, PK), _rows(BE2, PK),
                  _rows(BE2, 8), _rows(BE2, 8), _rows(BE2, 8), _rows(BE2, 8),
                  _rows(BE2, 1), _rows(BE2, 1),
                  _full((12, MSG)), _full((1, PK)),
                  _full((PK, PK)), _full((1, PK)),
                  _full((PK, PK)), _full((1, PK))],
        out_specs=[_rows(BE2, PK), _rows(BE2, 12), _rows(BE2, 12)],
        out_shape=[jax.ShapeDtypeStruct((E2, PK), _F32),
                   jax.ShapeDtypeStruct((E2, 12), _F32),
                   jax.ShapeDtypeStruct((E2, 12), _F32)],
    )(pa, pb, xse, xso, xde, xdo, ibe, ibo, w1c, b1, w2, b2, w3, b3)


def _tc_edge1(pa, pb, efe, efo, w1c, b1, w2, b2, w3, b3):
    return pl.pallas_call(
        _edge1_body,
        grid=(E2 // BE2,),
        in_specs=[_rows(BE2, PK), _rows(BE2, PK),
                  _rows(BE2, 12), _rows(BE2, 12),
                  _full((12, MSG)), _full((1, PK)),
                  _full((PK, PK)), _full((1, PK)),
                  _full((PK, PK)), _full((1, PK))],
        out_specs=_rows(BE2, PK),
        out_shape=jax.ShapeDtypeStruct((E2, PK), _F32),
    )(pa, pb, efe, efo, w1c, b1, w2, b2, w3, b3)


def _tc_update(h, p, u1a, u1b, b1, u2, b2, u3, b3, wa, wb):
    pspec = pl.BlockSpec((NC, BN, MSG), lambda i: (0, i, 0))
    return pl.pallas_call(
        _upd_body,
        grid=(N // BN,),
        in_specs=[_rows(BN, STATE), pspec,
                  _full((STATE, STATE)), _full((MSG, STATE)), _full((1, STATE)),
                  _full((STATE, STATE)), _full((1, STATE)),
                  _full((STATE, STATE)), _full((1, STATE)),
                  _full((STATE, MSG)), _full((STATE, MSG))],
        out_specs=[_rows(BN, STATE), _rows(BN, MSG), _rows(BN, MSG)],
        out_shape=[jax.ShapeDtypeStruct((N, STATE), _F32),
                   jax.ShapeDtypeStruct((N, MSG), _F32),
                   jax.ShapeDtypeStruct((N, MSG), _F32)],
    )(h, p, u1a, u1b, b1, u2, b2, u3, b3, wa, wb)


def _tc_update_last(h, p, u1a, u1b, b1, u2, b2, u3, b3):
    pspec = pl.BlockSpec((NC, BN, MSG), lambda i: (0, i, 0))
    return pl.pallas_call(
        _upd_last_body,
        grid=(N // BN,),
        in_specs=[_rows(BN, STATE), pspec,
                  _full((STATE, STATE)), _full((MSG, STATE)), _full((1, STATE)),
                  _full((STATE, STATE)), _full((1, STATE)),
                  _full((STATE, STATE)), _full((1, STATE))],
        out_specs=_rows(BN, STATE),
        out_shape=jax.ShapeDtypeStruct((N, STATE), _F32),
    )(h, p, u1a, u1b, b1, u2, b2, u3, b3)



def _pk(x):
    return jnp.reshape(x, (E2, PK))


def kernel(molecule_info, x, edge_index, is_bond, params):
    src = edge_index[0].reshape(E // SUB, SUB)
    dst = edge_index[1].reshape(E // SUB, SUB)
    se = edge_index[0, 0::2].reshape(E2 // SUB, SUB)
    so = edge_index[0, 1::2].reshape(E2 // SUB, SUB)
    de = edge_index[1, 0::2].reshape(E2 // SUB, SUB)
    do = edge_index[1, 1::2].reshape(E2 // SUB, SUB)
    ibe = is_bond[0::2][:, None]
    ibo = is_bond[1::2][:, None]
    xpad = jnp.pad(x, ((0, 0), (0, 5)))

    (e1, be1), (e2, be2) = params["embed"]
    msg_w = []
    for l in range(2):
        (w1, b1), (w2, b2), (w3, b3) = params["msg"][l]
        msg_w.append((w1[:STATE], w1[STATE:2 * STATE], w1[2 * STATE:],
                      jnp.tile(b1[None, :], (1, 2)),
                      _blkdiag(w2), jnp.tile(b2[None, :], (1, 2)),
                      _blkdiag(w3), jnp.tile(b3[None, :], (1, 2))))
    upd_w = []
    for l in range(2):
        (u1, ub1), (u2, ub2), (u3, ub3) = params["upd"][l]
        upd_w.append((u1[:STATE], u1[STATE:], ub1[None, :],
                      u2, ub2[None, :], u3, ub3[None, :]))

    zeros_nm = jnp.zeros((RPT, MSG), _F32)

    w1a0, w1b0, w1c0, mb10, mw20, mb20, mw30, mb30 = msg_w[0]
    w1a1, w1b1, w1c1, mb11, mw21, mb21, mw31, mb31 = msg_w[1]

    h0, a0, b0 = _tc_embed(molecule_info, e1, be1[None, :], e2, be2[None, :],
                           w1a0, w1b0)
    pa0, pb0, xse, xso, xde, xdo = _sc_gather0(a0, b0, xpad, src, dst,
                                               se, so, de, do)
    msg0, efe, efo = _tc_edge0(_pk(pa0), _pk(pb0), xse, xso, xde, xdo,
                               ibe, ibo, w1c0, mb10, mw20, mb20, mw30, mb30)
    p0 = _sc_scatter(jnp.reshape(msg0, (E, MSG)), dst, zeros_nm)
    u1a, u1b, ub1, u2, ub2, u3, ub3 = upd_w[0]
    h1, a1, b1v = _tc_update(h0, p0, u1a, u1b, ub1, u2, ub2, u3, ub3,
                             w1a1, w1b1)

    pa1, pb1 = _sc_gather1(a1, b1v, src, dst)
    msg1 = _tc_edge1(_pk(pa1), _pk(pb1), efe, efo,
                     w1c1, mb11, mw21, mb21, mw31, mb31)
    p1 = _sc_scatter(jnp.reshape(msg1, (E, MSG)), dst, zeros_nm)
    u1a, u1b, ub1, u2, ub2, u3, ub3 = upd_w[1]
    h2 = _tc_update_last(h1, p1, u1a, u1b, ub1, u2, ub2, u3, ub3)
    return h2

# --- scband reference (transcript-rebuilt; emitter-appended) ---
"""Pipeline reference for scband-molecular-embedding-gnn-76768245448870 (READ-ONLY COPY).

The authoritative reference and input builder live on the scoring server;
editing this copy changes nothing except your own understanding.
"""

import jax, jax.numpy as jnp
import numpy as np

N = 10000
E = 320000
INFO_DIM = 32
STATE = 128
MSG = 64
N_LAYERS = 2
D_CUTOFF = 5.0
N_RBF = 10


def _init_linear(key, fan_in, fan_out):
    kw, _ = jax.random.split(key)
    W = jax.random.normal(kw, (fan_in, fan_out), dtype=jnp.float32) / np.sqrt(fan_in)
    b = jnp.zeros((fan_out,), dtype=jnp.float32)
    return (W, b)


def _init_mlp(key, dims):
    layers = []
    for i in range(len(dims) - 1):
        layers.append(_init_linear(jax.random.fold_in(key, i), dims[i], dims[i + 1]))
    return layers


def setup_inputs(seed: int = 0) -> dict:
    key = jax.random.key(seed)
    ks = jax.random.split(key, 8)
    molecule_info = jax.random.normal(ks[0], (N, INFO_DIM), dtype=jnp.float32)
    x = jax.random.normal(ks[1], (N, 3), dtype=jnp.float32) * 3.0
    edge_index = jax.random.randint(ks[2], (2, E), 0, N, dtype=jnp.int32)
    is_bond = jax.random.uniform(ks[3], (E,), dtype=jnp.float32)
    n_edge_feat = 2 + N_RBF
    hidden_msg = max(64, MSG)
    hidden_upd = max(64, STATE)
    params = {
        "embed": _init_mlp(ks[4], [INFO_DIM, 64, STATE]),
        "msg": [_init_mlp(jax.random.fold_in(ks[5], l), [2 * STATE + n_edge_feat, hidden_msg, hidden_msg, MSG]) for l in range(N_LAYERS)],
        "upd": [_init_mlp(jax.random.fold_in(ks[6], l), [STATE + MSG, hidden_upd, hidden_upd, STATE]) for l in range(N_LAYERS)],
    }
    return {"molecule_info": molecule_info, "x": x, "edge_index": edge_index, "is_bond": is_bond, "params": params}


def _mlp(layers, h):
    n = len(layers)
    for i, (W, b) in enumerate(layers):
        h = h @ W + b
        if i < n - 1:
            h = jax.nn.gelu(h, approximate=False)
    return h


def _rbf(dist):
    centers = jnp.linspace(0.0, D_CUTOFF, N_RBF)
    width = D_CUTOFF / (N_RBF - 1)
    return jnp.exp(-((dist - centers[None, :]) / width) ** 2)


def _forward(molecule_info, x, is_bond, params, edge_index):
    h = _mlp(params["embed"], molecule_info)
    src = edge_index[0]
    dst = edge_index[1]
    dx = x[src] - x[dst]
    dist2 = jnp.sum(dx * dx, axis=1, keepdims=True)
    dist = jnp.sqrt(dist2 + 1e-12)
    rbf_embedding = _rbf(dist)
    edge_features = jnp.concatenate([is_bond[:, None], dist, rbf_embedding], axis=1)
    for l in range(N_LAYERS):
        message_inputs = jnp.concatenate([h[src], h[dst], edge_features], axis=1)
        messages = _mlp(params["msg"][l], message_inputs)
        node_messages = jnp.zeros((h.shape[0], MSG), dtype=h.dtype).at[dst].add(messages)
        update_inputs = jnp.concatenate([h, node_messages], axis=1)
        h = h + _mlp(params["upd"][l], update_inputs)
    return h


def reference(molecule_info, x, edge_index, is_bond, params):
    return _forward(molecule_info, x, is_bond, params, edge_index)

if __name__ == "__main__":
    import jax
    _d = setup_inputs()
    print(jax.jit(kernel)(*tuple(_d.values())))

</pallas_src>

<mosaic_0001>
#map = affine_map<(d0, d1) -> (0, 0)>
module attributes {stable_mosaic.version = 14 : i64} {
  func.func @_gather1_body(%arg0: i32, %arg1: i32, %arg2: memref<10000x64xf32, #tpu.memory_space<hbm>>, %arg3: memref<10000x64xf32, #tpu.memory_space<hbm>>, %arg4: memref<2560x125xi32, #tpu.memory_space<hbm>>, %arg5: memref<2560x125xi32, #tpu.memory_space<hbm>>, %arg6: memref<320000x64xf32, #tpu.memory_space<hbm>>, %arg7: memref<320000x64xf32, #tpu.memory_space<hbm>>, %arg8: memref<8x125xi32, #tpu.memory_space<vmem>>, %arg9: memref<8x125xi32, #tpu.memory_space<vmem>>, %arg10: memref<1000x64xf32, #tpu.memory_space<vmem>>, %arg11: memref<!tpu.dma_semaphore, #tpu.memory_space<semaphore_mem>>) attributes {dimension_semantics = [#tpu.dimension_semantics<core_parallel>, #tpu.dimension_semantics<subcore_parallel>], iteration_bounds = array<i64: 2, 16>, scalar_prefetch = 0 : i64, scratch_operands = 4 : i64, tpu.core_type = #tpu.core_type<sc_vector_subcore>, window_params = [{transform_indices = #map}, {transform_indices = #map}, {transform_indices = #map}, {transform_indices = #map}, {transform_indices = #map}, {transform_indices = #map}]} {
    %mul3A = arith.constant 2 : i32
    %mul3A_0 = arith.muli %arg1, %mul3A : i32
    %add3A = arith.addi %mul3A_0, %arg0 : i32
    %scan3A = arith.constant 0 : i32
    %scan3A_1 = arith.constant 0 : i32
    %scan3A_2 = arith.constant 10 : i32
    %scan3A_3 = arith.addi %scan3A_1, %scan3A_2 : i32
    %scan3A_4 = arith.constant 1 : i32
    scf.for %scan3A_6 = %scan3A_1 to %scan3A_3 step %scan3A_4  : i32 {
      %mul3A_7 = arith.constant 10000 : i32
      %mul3A_8 = arith.muli %add3A, %mul3A_7 : i32
      %mul3A_9 = arith.constant 1000 : i32
      %mul3A_10 = arith.muli %scan3A_6, %mul3A_9 : i32
      %add3A_11 = arith.addi %mul3A_8, %mul3A_10 : i32
      %jit3A = arith.constant 125 : i32
      %div3A = arith.divsi %add3A_11, %jit3A : i32
      %sign3A = arith.constant 0 : i32
      %sign3A_12 = arith.cmpi sgt, %add3A_11, %sign3A : i32
      %sign3A_13 = arith.extui %sign3A_12 : i1 to i32
      %sign3A_14 = arith.constant 0 : i32
      %sign3A_15 = arith.cmpi slt, %add3A_11, %sign3A_14 : i32
      %sign3A_16 = arith.extui %sign3A_15 : i1 to i32
      %sign3A_17 = arith.subi %sign3A_13, %sign3A_16 : i32
      %sign3A_18 = arith.constant 0 : i32
      %sign3A_19 = arith.cmpi sgt, %jit3A, %sign3A_18 : i32
      %sign3A_20 = arith.extui %sign3A_19 : i1 to i32
      %sign3A_21 = arith.constant 0 : i32
      %sign3A_22 = arith.cmpi slt, %jit3A, %sign3A_21 : i32
      %sign3A_23 = arith.extui %sign3A_22 : i1 to i32
      %sign3A_24 = arith.subi %sign3A_20, %sign3A_23 : i32
      %ne3A = arith.cmpi ne, %sign3A_17, %sign3A_24 : i32
      %rem3A = arith.remsi %add3A_11, %jit3A : i32
      %ne3A_25 = arith.constant 0 : i32
      %ne3A_26 = arith.cmpi ne, %rem3A, %ne3A_25 : i32
      %and3A = arith.andi %ne3A, %ne3A_26 : i1
      %sub3A = arith.constant 1 : i32
      %sub3A_27 = arith.subi %div3A, %sub3A : i32
      %select_n3A = arith.select %and3A, %sub3A_27, %div3A : i32
      "tpu.region"() ({
        %run_scoped3A = tpu.sem_alloc : memref<!tpu.dma_semaphore, #tpu.memory_space<semaphore_mem>>
        %dma_start3A_346 = arith.constant 0 : i32
        %dma_start3A_347 = tpu.memref_slice %arg4[%select_n3A, %dma_start3A_346] : memref<2560x125xi32, #tpu.memory_space<hbm>> -> memref<8x125xi32, #tpu.memory_space<hbm>>
        %dma_start3A_348 = arith.constant 0 : i32
        %dma_start3A_349 = tpu.memref_slice %arg4[%select_n3A, %dma_start3A_348] : memref<2560x125xi32, #tpu.memory_space<hbm>> -> memref<8x125xi32, #tpu.memory_space<hbm>>
        tpu.enqueue_dma source(%dma_start3A_349 : memref<8x125xi32, #tpu.memory_space<hbm>>) target(%arg8 : memref<8x125xi32, #tpu.memory_space<vmem>>) target_semaphore(%run_scoped3A : memref<!tpu.dma_semaphore, #tpu.memory_space<semaphore_mem>>)
        %dma_wait3A_350 = arith.constant 0 : i32
        %dma_wait3A_351 = tpu.memref_slice %arg4[%select_n3A, %dma_wait3A_350] : memref<2560x125xi32, #tpu.memory_space<hbm>> -> memref<8x125xi32, #tpu.memory_space<hbm>>
        %dma_wait3A_352 = arith.constant 0 : i32
        %dma_wait3A_353 = tpu.memref_slice %arg4[%select_n3A, %dma_wait3A_352] : memref<2560x125xi32, #tpu.memory_space<hbm>> -> memref<8x125xi32, #tpu.memory_space<hbm>>
        tpu.wait_dma2 semaphore(%run_scoped3A : memref<!tpu.dma_semaphore, #tpu.memory_space<semaphore_mem>>) src(%dma_wait3A_353 : memref<8x125xi32, #tpu.memory_space<hbm>>) dst(%arg8 : memref<8x125xi32, #tpu.memory_space<vmem>>)
        tpu.yield
      }) : () -> ()
      "tpu.region"() ({
        %run_scoped3A = tpu.sem_alloc : memref<!tpu.dma_semaphore, #tpu.memory_space<semaphore_mem>>
        %dma_start3A_346 = arith.constant 0 : i32
        %dma_start3A_347 = tpu.memref_slice %arg5[%select_n3A, %dma_start3A_346] : memref<2560x125xi32, #tpu.memory_space<hbm>> -> memref<8x125xi32, #tpu.memory_space<hbm>>
        %dma_start3A_348 = arith.constant 0 : i32
        %dma_start3A_349 = tpu.memref_slice %arg5[%select_n3A, %dma_start3A_348] : memref<2560x125xi32, #tpu.memory_space<hbm>> -> memref<8x125xi32, #tpu.memory_space<hbm>>
        tpu.enqueue_dma source(%dma_start3A_349 : memref<8x125xi32, #tpu.memory_space<hbm>>) target(%arg9 : memref<8x125xi32, #tpu.memory_space<vmem>>) target_semaphore(%run_scoped3A : memref<!tpu.dma_semaphore, #tpu.memory_space<semaphore_mem>>)
        %dma_wait3A_350 = arith.constant 0 : i32
        %dma_wait3A_351 = tpu.memref_slice %arg5[%select_n3A, %dma_wait3A_350] : memref<2560x125xi32, #tpu.memory_space<hbm>> -> memref<8x125xi32, #tpu.memory_space<hbm>>
        %dma_wait3A_352 = arith.constant 0 : i32
        %dma_wait3A_353 = tpu.memref_slice %arg5[%select_n3A, %dma_wait3A_352] : memref<2560x125xi32, #tpu.memory_space<hbm>> -> memref<8x125xi32, #tpu.memory_space<hbm>>
        tpu.wait_dma2 semaphore(%run_scoped3A : memref<!tpu.dma_semaphore, #tpu.memory_space<semaphore_mem>>) src(%dma_wait3A_353 : memref<8x125xi32, #tpu.memory_space<hbm>>) dst(%arg9 : memref<8x125xi32, #tpu.memory_space<vmem>>)
        tpu.yield
      }) : () -> ()
      %dma_start3A = arith.constant 0 : i32
      %dma_start3A_28 = arith.constant 0 : i32
      %dma_start3A_29 = arith.constant 0 : i32
      %dma_start3A_30 = tpu.memref_slice %arg10[%dma_start3A_28, %dma_start3A_29] : memref<1000x64xf32, #tpu.memory_space<vmem>> -> memref<125x64xf32, #tpu.memory_space<vmem>>
      %dma_start3A_31 = arith.constant 0 : i32
      %dma_start3A_32 = tpu.memref_slice %arg8[%dma_start3A, %dma_start3A_31] : memref<8x125xi32, #tpu.memory_space<vmem>> -> memref<1x125xi32, #tpu.memory_space<vmem>>
      %dma_start3A_33 = tpu.memref_squeeze %dma_start3A_32 : memref<1x125xi32, #tpu.memory_space<vmem>> -> memref<125xi32, #tpu.memory_space<vmem>>
      %dma_start3A_34 = arith.constant 0 : i32
      %dma_start3A_35 = arith.constant 0 : i32
      %dma_start3A_36 = tpu.memref_slice %arg2[%dma_start3A_34, %dma_start3A_35] : memref<10000x64xf32, #tpu.memory_space<hbm>> -> memref<10000x64xf32, #tpu.memory_space<hbm>>
      tpu.enqueue_indirect_dma source(%dma_start3A_36 : memref<10000x64xf32, #tpu.memory_space<hbm>>) target(%dma_start3A_30 : memref<125x64xf32, #tpu.memory_space<vmem>>) offsets(%dma_start3A_33 : memref<125xi32, #tpu.memory_space<vmem>>) semaphore(%arg11 : memref<!tpu.dma_semaphore, #tpu.memory_space<semaphore_mem>>)
      %dma_wait3A = arith.constant 0 : i32
      %dma_wait3A_37 = arith.constant 0 : i32
      %dma_wait3A_38 = arith.constant 0 : i32
      %dma_wait3A_39 = tpu.memref_slice %arg10[%dma_wait3A_37, %dma_wait3A_38] : memref<1000x64xf32, #tpu.memory_space<vmem>> -> memref<125x64xf32, #tpu.memory_space<vmem>>
      %dma_wait3A_40 = arith.constant 0 : i32
      %dma_wait3A_41 = tpu.memref_slice %arg8[%dma_wait3A, %dma_wait3A_40] : memref<8x125xi32, #tpu.memory_space<vmem>> -> memref<1x125xi32, #tpu.memory_space<vmem>>
      %dma_wait3A_42 = tpu.memref_squeeze %dma_wait3A_41 : memref<1x125xi32, #tpu.memory_space<vmem>> -> memref<125xi32, #tpu.memory_space<vmem>>
      %dma_wait3A_43 = arith.constant 0 : i32
      %dma_wait3A_44 = arith.constant 0 : i32
      %dma_wait3A_45 = tpu.memref_slice %arg2[%dma_wait3A_43, %dma_wait3A_44] : memref<10000x64xf32, #tpu.memory_space<hbm>> -> memref<10000x64xf32, #tpu.memory_space<hbm>>
      tpu.wait_indirect_dma semaphore(%arg11 : memref<!tpu.dma_semaphore, #tpu.memory_space<semaphore_mem>>) src(%dma_wait3A_45 : memref<10000x64xf32, #tpu.memory_space<hbm>>) dst(%dma_wait3A_39 : memref<125x64xf32, #tpu.memory_space<vmem>>)
      %dma_start3A_46 = arith.constant 1 : i32
      %dma_start3A_47 = arith.constant 125 : i32
      %dma_start3A_48 = arith.constant 0 : i32
      %dma_start3A_49 = tpu.memref_slice %arg10[%dma_start3A_47, %dma_start3A_48] : memref<1000x64xf32, #tpu.memory_space<vmem>> -> memref<125x64xf32, #tpu.memory_space<vmem>>
      %dma_start3A_50 = arith.constant 0 : i32
      %dma_start3A_51 = tpu.memref_slice %arg8[%dma_start3A_46, %dma_start3A_50] : memref<8x125xi32, #tpu.memory_space<vmem>> -> memref<1x125xi32, #tpu.memory_space<vmem>>
      %dma_start3A_52 = tpu.memref_squeeze %dma_start3A_51 : memref<1x125xi32, #tpu.memory_space<vmem>> -> memref<125xi32, #tpu.memory_space<vmem>>
      %dma_start3A_53 = arith.constant 0 : i32
      %dma_start3A_54 = arith.constant 0 : i32
      %dma_start3A_55 = tpu.memref_slice %arg2[%dma_start3A_53, %dma_start3A_54] : memref<10000x64xf32, #tpu.memory_space<hbm>> -> memref<10000x64xf32, #tpu.memory_space<hbm>>
      tpu.enqueue_indirect_dma source(%dma_start3A_55 : memref<10000x64xf32, #tpu.memory_space<hbm>>) target(%dma_start3A_49 : memref<125x64xf32, #tpu.memory_space<vmem>>) offsets(%dma_start3A_52 : memref<125xi32, #tpu.memory_space<vmem>>) semaphore(%arg11 : memref<!tpu.dma_semaphore, #tpu.memory_space<semaphore_mem>>)
      %dma_wait3A_56 = arith.constant 1 : i32
      %dma_wait3A_57 = arith.constant 125 : i32
      %dma_wait3A_58 = arith.constant 0 : i32
      %dma_wait3A_59 = tpu.memref_slice %arg10[%dma_wait3A_57, %dma_wait3A_58] : memref<1000x64xf32, #tpu.memory_space<vmem>> -> memref<125x64xf32, #tpu.memory_space<vmem>>
      %dma_wait3A_60 = arith.constant 0 : i32
      %dma_wait3A_61 = tpu.memref_slice %arg8[%dma_wait3A_56, %dma_wait3A_60] : memref<8x125xi32, #tpu.memory_space<vmem>> -> memref<1x125xi32, #tpu.memory_space<vmem>>
      %dma_wait3A_62 = tpu.memref_squeeze %dma_wait3A_61 : memref<1x125xi32, #tpu.memory_space<vmem>> -> memref<125xi32, #tpu.memory_space<vmem>>
      %dma_wait3A_63 = arith.constant 0 : i32
      %dma_wait3A_64 = arith.constant 0 : i32
      %dma_wait3A_65 = tpu.memref_slice %arg2[%dma_wait3A_63, %dma_wait3A_64] : memref<10000x64xf32, #tpu.memory_space<hbm>> -> memref<10000x64xf32, #tpu.memory_space<hbm>>
      tpu.wait_indirect_dma semaphore(%arg11 : memref<!tpu.dma_semaphore, #tpu.memory_space<semaphore_mem>>) src(%dma_wait3A_65 : memref<10000x64xf32, #tpu.memory_space<hbm>>) dst(%dma_wait3A_59 : memref<125x64xf32, #tpu.memory_space<vmem>>)
      %dma_start3A_66 = arith.constant 2 : i32
      %dma_start3A_67 = arith.constant 250 : i32
      %dma_start3A_68 = arith.constant 0 : i32
      %dma_start3A_69 = tpu.memref_slice %arg10[%dma_start3A_67, %dma_start3A_68] : memref<1000x64xf32, #tpu.memory_space<vmem>> -> memref<125x64xf32, #tpu.memory_space<vmem>>
      %dma_start3A_70 = arith.constant 0 : i32
      %dma_start3A_71 = tpu.memref_slice %arg8[%dma_start3A_66, %dma_start3A_70] : memref<8x125xi32, #tpu.memory_space<vmem>> -> memref<1x125xi32, #tpu.memory_space<vmem>>
      %dma_start3A_72 = tpu.memref_squeeze %dma_start3A_71 : memref<1x125xi32, #tpu.memory_space<vmem>> -> memref<125xi32, #tpu.memory_space<vmem>>
      %dma_start3A_73 = arith.constant 0 : i32
      %dma_start3A_74 = arith.constant 0 : i32
      %dma_start3A_75 = tpu.memref_slice %arg2[%dma_start3A_73, %dma_start3A_74] : memref<10000x64xf32, #tpu.memory_space<hbm>> -> memref<10000x64xf32, #tpu.memory_space<hbm>>
      tpu.enqueue_indirect_dma source(%dma_start3A_75 : memref<10000x64xf32, #tpu.memory_space<hbm>>) target(%dma_start3A_69 : memref<125x64xf32, #tpu.memory_space<vmem>>) offsets(%dma_start3A_72 : memref<125xi32, #tpu.memory_space<vmem>>) semaphore(%arg11 : memref<!tpu.dma_semaphore, #tpu.memory_space<semaphore_mem>>)
      %dma_wait3A_76 = arith.constant 2 : i32
      %dma_wait3A_77 = arith.constant 250 : i32
      %dma_wait3A_78 = arith.constant 0 : i32
      %dma_wait3A_79 = tpu.memref_slice %arg10[%dma_wait3A_77, %dma_wait3A_78] : memref<1000x64xf32, #tpu.memory_space<vmem>> -> memref<125x64xf32, #tpu.memory_space<vmem>>
      %dma_wait3A_80 = arith.constant 0 : i32
      %dma_wait3A_81 = tpu.memref_slice %arg8[%dma_wait3A_76, %dma_wait3A_80] : memref<8x125xi32, #tpu.memory_space<vmem>> -> memref<1x125xi32, #tpu.memory_space<vmem>>
      %dma_wait3A_82 = tpu.memref_squeeze %dma_wait3A_81 : memref<1x125xi32, #tpu.memory_space<vmem>> -> memref<125xi32, #tpu.memory_space<vmem>>
      %dma_wait3A_83 = arith.constant 0 : i32
      %dma_wait3A_84 = arith.constant 0 : i32
      %dma_wait3A_85 = tpu.memref_slice %arg2[%dma_wait3A_83, %dma_wait3A_84] : memref<10000x64xf32, #tpu.memory_space<hbm>> -> memref<10000x64xf32, #tpu.memory_space<hbm>>
      tpu.wait_indirect_dma semaphore(%arg11 : memref<!tpu.dma_semaphore, #tpu.memory_space<semaphore_mem>>) src(%dma_wait3A_85 : memref<10000x64xf32, #tpu.memory_space<hbm>>) dst(%dma_wait3A_79 : memref<125x64xf32, #tpu.memory_space<vmem>>)
      %dma_start3A_86 = arith.constant 3 : i32
      %dma_start3A_87 = arith.constant 375 : i32
      %dma_start3A_88 = arith.constant 0 : i32
      %dma_start3A_89 = tpu.memref_slice %arg10[%dma_start3A_87, %dma_start3A_88] : memref<1000x64xf32, #tpu.memory_space<vmem>> -> memref<125x64xf32, #tpu.memory_space<vmem>>
      %dma_start3A_90 = arith.constant 0 : i32
      %dma_start3A_91 = tpu.memref_slice %arg8[%dma_start3A_86, %dma_start3A_90] : memref<8x125xi32, #tpu.memory_space<vmem>> -> memref<1x125xi32, #tpu.memory_space<vmem>>
      %dma_start3A_92 = tpu.memref_squeeze %dma_start3A_91 : memref<1x125xi32, #tpu.memory_space<vmem>> -> memref<125xi32, #tpu.memory_space<vmem>>
      %dma_start3A_93 = arith.constant 0 : i32
      %dma_start3A_94 = arith.constant 0 : i32
      %dma_start3A_95 = tpu.memref_slice %arg2[%dma_start3A_93, %dma_start3A_94] : memref<10000x64xf32, #tpu.memory_space<hbm>> -> memref<10000x64xf32, #tpu.memory_space<hbm>>
      tpu.enqueue_indirect_dma source(%dma_start3A_95 : memref<10000x64xf32, #tpu.memory_space<hbm>>) target(%dma_start3A_89 : memref<125x64xf32, #tpu.memory_space<vmem>>) offsets(%dma_start3A_92 : memref<125xi32, #tpu.memory_space<vmem>>) semaphore(%arg11 : memref<!tpu.dma_semaphore, #tpu.memory_space<semaphore_mem>>)
      %dma_wait3A_96 = arith.constant 3 : i32
      %dma_wait3A_97 = arith.constant 375 : i32
      %dma_wait3A_98 = arith.constant 0 : i32
      %dma_wait3A_99 = tpu.memref_slice %arg10[%dma_wait3A_97, %dma_wait3A_98] : memref<1000x64xf32, #tpu.memory_space<vmem>> -> memref<125x64xf32, #tpu.memory_space<vmem>>
      %dma_wait3A_100 = arith.constant 0 : i32
      %dma_wait3A_101 = tpu.memref_slice %arg8[%dma_wait3A_96, %dma_wait3A_100] : memref<8x125xi32, #tpu.memory_space<vmem>> -> memref<1x125xi32, #tpu.memory_space<vmem>>
      %dma_wait3A_102 = tpu.memref_squeeze %dma_wait3A_101 : memref<1x125xi32, #tpu.memory_space<vmem>> -> memref<125xi32, #tpu.memory_space<vmem>>
      %dma_wait3A_103 = arith.constant 0 : i32
      %dma_wait3A_104 = arith.constant 0 : i32
      %dma_wait3A_105 = tpu.memref_slice %arg2[%dma_wait3A_103, %dma_wait3A_104] : memref<10000x64xf32, #tpu.memory_space<hbm>> -> memref<10000x64xf32, #tpu.memory_space<hbm>>
      tpu.wait_indirect_dma semaphore(%arg11 : memref<!tpu.dma_semaphore, #tpu.memory_space<semaphore_mem>>) src(%dma_wait3A_105 : memref<10000x64xf32, #tpu.memory_space<hbm>>) dst(%dma_wait3A_99 : memref<125x64xf32, #tpu.memory_space<vmem>>)
      %dma_start3A_106 = arith.constant 4 : i32
      %dma_start3A_107 = arith.constant 500 : i32
      %dma_start3A_108 = arith.constant 0 : i32
      %dma_start3A_109 = tpu.memref_slice %arg10[%dma_start3A_107, %dma_start3A_108] : memref<1000x64xf32, #tpu.memory_space<vmem>> -> memref<125x64xf32, #tpu.memory_space<vmem>>
      %dma_start3A_110 = arith.constant 0 : i32
      %dma_start3A_111 = tpu.memref_slice %arg8[%dma_start3A_106, %dma_start3A_110] : memref<8x125xi32, #tpu.memory_space<vmem>> -> memref<1x125xi32, #tpu.memory_space<vmem>>
      %dma_start3A_112 = tpu.memref_squeeze %dma_start3A_111 : memref<1x125xi32, #tpu.memory_space<vmem>> -> memref<125xi32, #tpu.memory_space<vmem>>
      %dma_start3A_113 = arith.constant 0 : i32
      %dma_start3A_114 = arith.constant 0 : i32
      %dma_start3A_115 = tpu.memref_slice %arg2[%dma_start3A_113, %dma_start3A_114] : memref<10000x64xf32, #tpu.memory_space<hbm>> -> memref<10000x64xf32, #tpu.memory_space<hbm>>
      tpu.enqueue_indirect_dma source(%dma_start3A_115 : memref<10000x64xf32, #tpu.memory_space<hbm>>) target(%dma_start3A_109 : memref<125x64xf32, #tpu.memory_space<vmem>>) offsets(%dma_start3A_112 : memref<125xi32, #tpu.memory_space<vmem>>) semaphore(%arg11 : memref<!tpu.dma_semaphore, #tpu.memory_space<semaphore_mem>>)
      %dma_wait3A_116 = arith.constant 4 : i32
      %dma_wait3A_117 = arith.constant 500 : i32
      %dma_wait3A_118 = arith.constant 0 : i32
      %dma_wait3A_119 = tpu.memref_slice %arg10[%dma_wait3A_117, %dma_wait3A_118] : memref<1000x64xf32, #tpu.memory_space<vmem>> -> memref<125x64xf32, #tpu.memory_space<vmem>>
      %dma_wait3A_120 = arith.constant 0 : i32
      %dma_wait3A_121 = tpu.memref_slice %arg8[%dma_wait3A_116, %dma_wait3A_120] : memref<8x125xi32, #tpu.memory_space<vmem>> -> memref<1x125xi32, #tpu.memory_space<vmem>>
      %dma_wait3A_122 = tpu.memref_squeeze %dma_wait3A_121 : memref<1x125xi32, #tpu.memory_space<vmem>> -> memref<125xi32, #tpu.memory_space<vmem>>
      %dma_wait3A_123 = arith.constant 0 : i32
      %dma_wait3A_124 = arith.constant 0 : i32
      %dma_wait3A_125 = tpu.memref_slice %arg2[%dma_wait3A_123, %dma_wait3A_124] : memref<10000x64xf32, #tpu.memory_space<hbm>> -> memref<10000x64xf32, #tpu.memory_space<hbm>>
      tpu.wait_indirect_dma semaphore(%arg11 : memref<!tpu.dma_semaphore, #tpu.memory_space<semaphore_mem>>) src(%dma_wait3A_125 : memref<10000x64xf32, #tpu.memory_space<hbm>>) dst(%dma_wait3A_119 : memref<125x64xf32, #tpu.memory_space<vmem>>)
      %dma_start3A_126 = arith.constant 5 : i32
      %dma_start3A_127 = arith.constant 625 : i32
      %dma_start3A_128 = arith.constant 0 : i32
      %dma_start3A_129 = tpu.memref_slice %arg10[%dma_start3A_127, %dma_start3A_128] : memref<1000x64xf32, #tpu.memory_space<vmem>> -> memref<125x64xf32, #tpu.memory_space<vmem>>
      %dma_start3A_130 = arith.constant 0 : i32
      %dma_start3A_131 = tpu.memref_slice %arg8[%dma_start3A_126, %dma_start3A_130] : memref<8x125xi32, #tpu.memory_space<vmem>> -> memref<1x125xi32, #tpu.memory_space<vmem>>
      %dma_start3A_132 = tpu.memref_squeeze %dma_start3A_131 : memref<1x125xi32, #tpu.memory_space<vmem>> -> memref<125xi32, #tpu.memory_space<vmem>>
      %dma_start3A_133 = arith.constant 0 : i32
      %dma_start3A_134 = arith.constant 0 : i32
      %dma_start3A_135 = tpu.memref_slice %arg2[%dma_start3A_133, %dma_start3A_134] : memref<10000x64xf32, #tpu.memory_space<hbm>> -> memref<10000x64xf32, #tpu.memory_space<hbm>>
      tpu.enqueue_indirect_dma source(%dma_start3A_135 : memref<10000x64xf32, #tpu.memory_space<hbm>>) target(%dma_start3A_129 : memref<125x64xf32, #tpu.memory_space<vmem>>) offsets(%dma_start3A_132 : memref<125xi32, #tpu.memory_space<vmem>>) semaphore(%arg11 : memref<!tpu.dma_semaphore, #tpu.memory_space<semaphore_mem>>)
      %dma_wait3A_136 = arith.constant 5 : i32
      %dma_wait3A_137 = arith.constant 625 : i32
      %dma_wait3A_138 = arith.constant 0 : i32
      %dma_wait3A_139 = tpu.memref_slice %arg10[%dma_wait3A_137, %dma_wait3A_138] : memref<1000x64xf32, #tpu.memory_space<vmem>> -> memref<125x64xf32, #tpu.memory_space<vmem>>
      %dma_wait3A_140 = arith.constant 0 : i32
      %dma_wait3A_141 = tpu.memref_slice %arg8[%dma_wait3A_136, %dma_wait3A_140] : memref<8x125xi32, #tpu.memory_space<vmem>> -> memref<1x125xi32, #tpu.memory_space<vmem>>
      %dma_wait3A_142 = tpu.memref_squeeze %dma_wait3A_141 : memref<1x125xi32, #tpu.memory_space<vmem>> -> memref<125xi32, #tpu.memory_space<vmem>>
      %dma_wait3A_143 = arith.constant 0 : i32
      %dma_wait3A_144 = arith.constant 0 : i32
      %dma_wait3A_145 = tpu.memref_slice %arg2[%dma_wait3A_143, %dma_wait3A_144] : memref<10000x64xf32, #tpu.memory_space<hbm>> -> memref<10000x64xf32, #tpu.memory_space<hbm>>
      tpu.wait_indirect_dma semaphore(%arg11 : memref<!tpu.dma_semaphore, #tpu.memory_space<semaphore_mem>>) src(%dma_wait3A_145 : memref<10000x64xf32, #tpu.memory_space<hbm>>) dst(%dma_wait3A_139 : memref<125x64xf32, #tpu.memory_space<vmem>>)
      %dma_start3A_146 = arith.constant 6 : i32
      %dma_start3A_147 = arith.constant 750 : i32
      %dma_start3A_148 = arith.constant 0 : i32
      %dma_start3A_149 = tpu.memref_slice %arg10[%dma_start3A_147, %dma_start3A_148] : memref<1000x64xf32, #tpu.memory_space<vmem>> -> memref<125x64xf32, #tpu.memory_space<vmem>>
      %dma_start3A_150 = arith.constant 0 : i32
      %dma_start3A_151 = tpu.memref_slice %arg8[%dma_start3A_146, %dma_start3A_150] : memref<8x125xi32, #tpu.memory_space<vmem>> -> memref<1x125xi32, #tpu.memory_space<vmem>>
      %dma_start3A_152 = tpu.memref_squeeze %dma_start3A_151 : memref<1x125xi32, #tpu.memory_space<vmem>> -> memref<125xi32, #tpu.memory_space<vmem>>
      %dma_start3A_153 = arith.constant 0 : i32
      %dma_start3A_154 = arith.constant 0 : i32
      %dma_start3A_155 = tpu.memref_slice %arg2[%dma_start3A_153, %dma_start3A_154] : memref<10000x64xf32, #tpu.memory_space<hbm>> -> memref<10000x64xf32, #tpu.memory_space<hbm>>
      tpu.enqueue_indirect_dma source(%dma_start3A_155 : memref<10000x64xf32, #tpu.memory_space<hbm>>) target(%dma_start3A_149 : memref<125x64xf32, #tpu.memory_space<vmem>>) offsets(%dma_start3A_152 : memref<125xi32, #tpu.memory_space<vmem>>) semaphore(%arg11 : memref<!tpu.dma_semaphore, #tpu.memory_space<semaphore_mem>>)
      %dma_wait3A_156 = arith.constant 6 : i32
      %dma_wait3A_157 = arith.constant 750 : i32
      %dma_wait3A_158 = arith.constant 0 : i32
      %dma_wait3A_159 = tpu.memref_slice %arg10[%dma_wait3A_157, %dma_wait3A_158] : memref<1000x64xf32, #tpu.memory_space<vmem>> -> memref<125x64xf32, #tpu.memory_space<vmem>>
      %dma_wait3A_160 = arith.constant 0 : i32
      %dma_wait3A_161 = tpu.memref_slice %arg8[%dma_wait3A_156, %dma_wait3A_160] : memref<8x125xi32, #tpu.memory_space<vmem>> -> memref<1x125xi32, #tpu.memory_space<vmem>>
      %dma_wait3A_162 = tpu.memref_squeeze %dma_wait3A_161 : memref<1x125xi32, #tpu.memory_space<vmem>> -> memref<125xi32, #tpu.memory_space<vmem>>
      %dma_wait3A_163 = arith.constant 0 : i32
      %dma_wait3A_164 = arith.constant 0 : i32
      %dma_wait3A_165 = tpu.memref_slice %arg2[%dma_wait3A_163, %dma_wait3A_164] : memref<10000x64xf32, #tpu.memory_space<hbm>> -> memref<10000x64xf32, #tpu.memory_space<hbm>>
      tpu.wait_indirect_dma semaphore(%arg11 : memref<!tpu.dma_semaphore, #tpu.memory_space<semaphore_mem>>) src(%dma_wait3A_165 : memref<10000x64xf32, #tpu.memory_space<hbm>>) dst(%dma_wait3A_159 : memref<125x64xf32, #tpu.memory_space<vmem>>)
      %dma_start3A_166 = arith.constant 7 : i32
      %dma_start3A_167 = arith.constant 875 : i32
      %dma_start3A_168 = arith.constant 0 : i32
      %dma_start3A_169 = tpu.memref_slice %arg10[%dma_start3A_167, %dma_start3A_168] : memref<1000x64xf32, #tpu.memory_space<vmem>> -> memref<125x64xf32, #tpu.memory_space<vmem>>
      %dma_start3A_170 = arith.constant 0 : i32
      %dma_start3A_171 = tpu.memref_slice %arg8[%dma_start3A_166, %dma_start3A_170] : memref<8x125xi32, #tpu.memory_space<vmem>> -> memref<1x125xi32, #tpu.memory_space<vmem>>
      %dma_start3A_172 = tpu.memref_squeeze %dma_start3A_171 : memref<1x125xi32, #tpu.memory_space<vmem>> -> memref<125xi32, #tpu.memory_space<vmem>>
      %dma_start3A_173 = arith.constant 0 : i32
      %dma_start3A_174 = arith.constant 0 : i32
      %dma_start3A_175 = tpu.memref_slice %arg2[%dma_start3A_173, %dma_start3A_174] : memref<10000x64xf32, #tpu.memory_space<hbm>> -> memref<10000x64xf32, #tpu.memory_space<hbm>>
      tpu.enqueue_indirect_dma source(%dma_start3A_175 : memref<10000x64xf32, #tpu.memory_space<hbm>>) target(%dma_start3A_169 : memref<125x64xf32, #tpu.memory_space<vmem>>) offsets(%dma_start3A_172 : memref<125xi32, #tpu.memory_space<vmem>>) semaphore(%arg11 : memref<!tpu.dma_semaphore, #tpu.memory_space<semaphore_mem>>)
      %dma_wait3A_176 = arith.constant 7 : i32
      %dma_wait3A_177 = arith.constant 875 : i32
      %dma_wait3A_178 = arith.constant 0 : i32
      %dma_wait3A_179 = tpu.memref_slice %arg10[%dma_wait3A_177, %dma_wait3A_178] : memref<1000x64xf32, #tpu.memory_space<vmem>> -> memref<125x64xf32, #tpu.memory_space<vmem>>
      %dma_wait3A_180 = arith.constant 0 : i32
      %dma_wait3A_181 = tpu.memref_slice %arg8[%dma_wait3A_176, %dma_wait3A_180] : memref<8x125xi32, #tpu.memory_space<vmem>> -> memref<1x125xi32, #tpu.memory_space<vmem>>
      %dma_wait3A_182 = tpu.memref_squeeze %dma_wait3A_181 : memref<1x125xi32, #tpu.memory_space<vmem>> -> memref<125xi32, #tpu.memory_space<vmem>>
      %dma_wait3A_183 = arith.constant 0 : i32
      %dma_wait3A_184 = arith.constant 0 : i32
      %dma_wait3A_185 = tpu.memref_slice %arg2[%dma_wait3A_183, %dma_wait3A_184] : memref<10000x64xf32, #tpu.memory_space<hbm>> -> memref<10000x64xf32, #tpu.memory_space<hbm>>
      tpu.wait_indirect_dma semaphore(%arg11 : memref<!tpu.dma_semaphore, #tpu.memory_space<semaphore_mem>>) src(%dma_wait3A_185 : memref<10000x64xf32, #tpu.memory_space<hbm>>) dst(%dma_wait3A_179 : memref<125x64xf32, #tpu.memory_space<vmem>>)
      "tpu.region"() ({
        %run_scoped3A = tpu.sem_alloc : memref<!tpu.dma_semaphore, #tpu.memory_space<semaphore_mem>>
        %dma_start3A_346 = arith.constant 0 : i32
        %dma_start3A_347 = tpu.memref_slice %arg6[%add3A_11, %dma_start3A_346] : memref<320000x64xf32, #tpu.memory_space<hbm>> -> memref<1000x64xf32, #tpu.memory_space<hbm>>
        %dma_start3A_348 = arith.constant 0 : i32
        %dma_start3A_349 = tpu.memref_slice %arg6[%add3A_11, %dma_start3A_348] : memref<320000x64xf32, #tpu.memory_space<hbm>> -> memref<1000x64xf32, #tpu.memory_space<hbm>>
        tpu.enqueue_dma source(%arg10 : memref<1000x64xf32, #tpu.memory_space<vmem>>) target(%dma_start3A_349 : memref<1000x64xf32, #tpu.memory_space<hbm>>) target_semaphore(%run_scoped3A : memref<!tpu.dma_semaphore, #tpu.memory_space<semaphore_mem>>)
        %dma_wait3A_350 = arith.constant 0 : i32
        %dma_wait3A_351 = tpu.memref_slice %arg6[%add3A_11, %dma_wait3A_350] : memref<320000x64xf32, #tpu.memory_space<hbm>> -> memref<1000x64xf32, #tpu.memory_space<hbm>>
        %dma_wait3A_352 = arith.constant 0 : i32
        %dma_wait3A_353 = tpu.memref_slice %arg6[%add3A_11, %dma_wait3A_352] : memref<320000x64xf32, #tpu.memory_space<hbm>> -> memref<1000x64xf32, #tpu.memory_space<hbm>>
        tpu.wait_dma2 semaphore(%run_scoped3A : memref<!tpu.dma_semaphore, #tpu.memory_space<semaphore_mem>>) src(%arg10 : memref<1000x64xf32, #tpu.memory_space<vmem>>) dst(%dma_wait3A_353 : memref<1000x64xf32, #tpu.memory_space<hbm>>)
        tpu.yield
      }) : () -> ()
      %dma_start3A_186 = arith.constant 0 : i32
      %dma_start3A_187 = arith.constant 0 : i32
      %dma_start3A_188 = arith.constant 0 : i32
      %dma_start3A_189 = tpu.memref_slice %arg10[%dma_start3A_187, %dma_start3A_188] : memref<1000x64xf32, #tpu.memory_space<vmem>> -> memref<125x64xf32, #tpu.memory_space<vmem>>
      %dma_start3A_190 = arith.constant 0 : i32
      %dma_start3A_191 = tpu.memref_slice %arg9[%dma_start3A_186, %dma_start3A_190] : memref<8x125xi32, #tpu.memory_space<vmem>> -> memref<1x125xi32, #tpu.memory_space<vmem>>
      %dma_start3A_192 = tpu.memref_squeeze %dma_start3A_191 : memref<1x125xi32, #tpu.memory_space<vmem>> -> memref<125xi32, #tpu.memory_space<vmem>>
      %dma_start3A_193 = arith.constant 0 : i32
      %dma_start3A_194 = arith.constant 0 : i32
      %dma_start3A_195 = tpu.memref_slice %arg3[%dma_start3A_193, %dma_start3A_194] : memref<10000x64xf32, #tpu.memory_space<hbm>> -> memref<10000x64xf32, #tpu.memory_space<hbm>>
      tpu.enqueue_indirect_dma source(%dma_start3A_195 : memref<10000x64xf32, #tpu.memory_space<hbm>>) target(%dma_start3A_189 : memref<125x64xf32, #tpu.memory_space<vmem>>) offsets(%dma_start3A_192 : memref<125xi32, #tpu.memory_space<vmem>>) semaphore(%arg11 : memref<!tpu.dma_semaphore, #tpu.memory_space<semaphore_mem>>)
      %dma_wait3A_196 = arith.constant 0 : i32
      %dma_wait3A_197 = arith.constant 0 : i32
      %dma_wait3A_198 = arith.constant 0 : i32
      %dma_wait3A_199 = tpu.memref_slice %arg10[%dma_wait3A_197, %dma_wait3A_198] : memref<1000x64xf32, #tpu.memory_space<vmem>> -> memref<125x64xf32, #tpu.memory_space<vmem>>
      %dma_wait3A_200 = arith.constant 0 : i32
      %dma_wait3A_201 = tpu.memref_slice %arg9[%dma_wait3A_196, %dma_wait3A_200] : memref<8x125xi32, #tpu.memory_space<vmem>> -> memref<1x125xi32, #tpu.memory_space<vmem>>
      %dma_wait3A_202 = tpu.memref_squeeze %dma_wait3A_201 : memref<1x125xi32, #tpu.memory_space<vmem>> -> memref<125xi32, #tpu.memory_space<vmem>>
      %dma_wait3A_203 = arith.constant 0 : i32
      %dma_wait3A_204 = arith.constant 0 : i32
      %dma_wait3A_205 = tpu.memref_slice %arg3[%dma_wait3A_203, %dma_wait3A_204] : memref<10000x64xf32, #tpu.memory_space<hbm>> -> memref<10000x64xf32, #tpu.memory_space<hbm>>
      tpu.wait_indirect_dma semaphore(%arg11 : memref<!tpu.dma_semaphore, #tpu.memory_space<semaphore_mem>>) src(%dma_wait3A_205 : memref<10000x64xf32, #tpu.memory_space<hbm>>) dst(%dma_wait3A_199 : memref<125x64xf32, #tpu.memory_space<vmem>>)
      %dma_start3A_206 = arith.constant 1 : i32
      %dma_start3A_207 = arith.constant 125 : i32
      %dma_start3A_208 = arith.constant 0 : i32
      %dma_start3A_209 = tpu.memref_slice %arg10[%dma_start3A_207, %dma_start3A_208] : memref<1000x64xf32, #tpu.memory_space<vmem>> -> memref<125x64xf32, #tpu.memory_space<vmem>>
      %dma_start3A_210 = arith.constant 0 : i32
      %dma_start3A_211 = tpu.memref_slice %arg9[%dma_start3A_206, %dma_start3A_210] : memref<8x125xi32, #tpu.memory_space<vmem>> -> memref<1x125xi32, #tpu.memory_space<vmem>>
      %dma_start3A_212 = tpu.memref_squeeze %dma_start3A_211 : memref<1x125xi32, #tpu.memory_space<vmem>> -> memref<125xi32, #tpu.memory_space<vmem>>
      %dma_start3A_213 = arith.constant 0 : i32
      %dma_start3A_214 = arith.constant 0 : i32
      %dma_start3A_215 = tpu.memref_slice %arg3[%dma_start3A_213, %dma_start3A_214] : memref<10000x64xf32, #tpu.memory_space<hbm>> -> memref<10000x64xf32, #tpu.memory_space<hbm>>
      tpu.enqueue_indirect_dma source(%dma_start3A_215 : memref<10000x64xf32, #tpu.memory_space<hbm>>) target(%dma_start3A_209 : memref<125x64xf32, #tpu.memory_space<vmem>>) offsets(%dma_start3A_212 : memref<125xi32, #tpu.memory_space<vmem>>) semaphore(%arg11 : memref<!tpu.dma_semaphore, #tpu.memory_space<semaphore_mem>>)
      %dma_wait3A_216 = arith.constant 1 : i32
      %dma_wait3A_217 = arith.constant 125 : i32
      %dma_wait3A_218 = arith.constant 0 : i32
      %dma_wait3A_219 = tpu.memref_slice %arg10[%dma_wait3A_217, %dma_wait3A_218] : memref<1000x64xf32, #tpu.memory_space<vmem>> -> memref<125x64xf32, #tpu.memory_space<vmem>>
      %dma_wait3A_220 = arith.constant 0 : i32
      %dma_wait3A_221 = tpu.memref_slice %arg9[%dma_wait3A_216, %dma_wait3A_220] : memref<8x125xi32, #tpu.memory_space<vmem>> -> memref<1x125xi32, #tpu.memory_space<vmem>>
      %dma_wait3A_222 = tpu.memref_squeeze %dma_wait3A_221 : memref<1x125xi32, #tpu.memory_space<vmem>> -> memref<125xi32, #tpu.memory_space<vmem>>
      %dma_wait3A_223 = arith.constant 0 : i32
      %dma_wait3A_224 = arith.constant 0 : i32
      %dma_wait3A_225 = tpu.memref_slice %arg3[%dma_wait3A_223, %dma_wait3A_224] : memref<10000x64xf32, #tpu.memory_space<hbm>> -> memref<10000x64xf32, #tpu.memory_space<hbm>>
      tpu.wait_indirect_dma semaphore(%arg11 : memref<!tpu.dma_semaphore, #tpu.memory_space<semaphore_mem>>) src(%dma_wait3A_225 : memref<10000x64xf32, #tpu.memory_space<hbm>>) dst(%dma_wait3A_219 : memref<125x64xf32, #tpu.memory_space<vmem>>)
      %dma_start3A_226 = arith.constant 2 : i32
      %dma_start3A_227 = arith.constant 250 : i32
      %dma_start3A_228 = arith.constant 0 : i32
      %dma_start3A_229 = tpu.memref_slice %arg10[%dma_start3A_227, %dma_start3A_228] : memref<1000x64xf32, #tpu.memory_space<vmem>> -> memref<125x64xf32, #tpu.memory_space<vmem>>
      %dma_start3A_230 = arith.constant 0 : i32
      %dma_start3A_231 = tpu.memref_slice %arg9[%dma_start3A_226, %dma_start3A_230] : memref<8x125xi32, #tpu.memory_space<vmem>> -> memref<1x125xi32, #tpu.memory_space<vmem>>
      %dma_start3A_232 = tpu.memref_squeeze %dma_start3A_231 : memref<1x125xi32, #tpu.memory_space<vmem>> -> memref<125xi32, #tpu.memory_space<vmem>>
      %dma_start3A_233 = arith.constant 0 : i32
      %dma_start3A_234 = arith.constant 0 : i32
      %dma_start3A_235 = tpu.memref_slice %arg3[%dma_start3A_233, %dma_start3A_234] : memref<10000x64xf32, #tpu.memory_space<hbm>> -> memref<10000x64xf32, #tpu.memory_space<hbm>>
      tpu.enqueue_indirect_dma source(%dma_start3A_235 : memref<10000x64xf32, #tpu.memory_space<hbm>>) target(%dma_start3A_229 : memref<125x64xf32, #tpu.memory_space<vmem>>) offsets(%dma_start3A_232 : memref<125xi32, #tpu.memory_space<vmem>>) semaphore(%arg11 : memref<!tpu.dma_semaphore, #tpu.memory_space<semaphore_mem>>)
      %dma_wait3A_236 = arith.constant 2 : i32
      %dma_wait3A_237 = arith.constant 250 : i32
      %dma_wait3A_238 = arith.constant 0 : i32
      %dma_wait3A_239 = tpu.memref_slice %arg10[%dma_wait3A_237, %dma_wait3A_238] : memref<1000x64xf32, #tpu.memory_space<vmem>> -> memref<125x64xf32, #tpu.memory_space<vmem>>
      %dma_wait3A_240 = arith.constant 0 : i32
      %dma_wait3A_241 = tpu.memref_slice %arg9[%dma_wait3A_236, %dma_wait3A_240] : memref<8x125xi32, #tpu.memory_space<vmem>> -> memref<1x125xi32, #tpu.memory_space<vmem>>
      %dma_wait3A_242 = tpu.memref_squeeze %dma_wait3A_241 : memref<1x125xi32, #tpu.memory_space<vmem>> -> memref<125xi32, #tpu.memory_space<vmem>>
      %dma_wait3A_243 = arith.constant 0 : i32
      %dma_wait3A_244 = arith.constant 0 : i32
      %dma_wait3A_245 = tpu.memref_slice %arg3[%dma_wait3A_243, %dma_wait3A_244] : memref<10000x64xf32, #tpu.memory_space<hbm>> -> memref<10000x64xf32, #tpu.memory_space<hbm>>
      tpu.wait_indirect_dma semaphore(%arg11 : memref<!tpu.dma_semaphore, #tpu.memory_space<semaphore_mem>>) src(%dma_wait3A_245 : memref<10000x64xf32, #tpu.memory_space<hbm>>) dst(%dma_wait3A_239 : memref<125x64xf32, #tpu.memory_space<vmem>>)
      %dma_start3A_246 = arith.constant 3 : i32
      %dma_start3A_247 = arith.constant 375 : i32
      %dma_start3A_248 = arith.constant 0 : i32
      %dma_start3A_249 = tpu.memref_slice %arg10[%dma_start3A_247, %dma_start3A_248] : memref<1000x64xf32, #tpu.memory_space<vmem>> -> memref<125x64xf32, #tpu.memory_space<vmem>>
      %dma_start3A_250 = arith.constant 0 : i32
      %dma_start3A_251 = tpu.memref_slice %arg9[%dma_start3A_246, %dma_start3A_250] : memref<8x125xi32, #tpu.memory_space<vmem>> -> memref<1x125xi32, #tpu.memory_space<vmem>>
      %dma_start3A_252 = tpu.memref_squeeze %dma_start3A_251 : memref<1x125xi32, #tpu.memory_space<vmem>> -> memref<125xi32, #tpu.memory_space<vmem>>
      %dma_start3A_253 = arith.constant 0 : i32
      %dma_start3A_254 = arith.constant 0 : i32
      %dma_start3A_255 = tpu.memref_slice %arg3[%dma_start3A_253, %dma_start3A_254] : memref<10000x64xf32, #tpu.memory_space<hbm>> -> memref<10000x64xf32, #tpu.memory_space<hbm>>
      tpu.enqueue_indirect_dma source(%dma_start3A_255 : memref<10000x64xf32, #tpu.memory_space<hbm>>) target(%dma_start3A_249 : memref<125x64xf32, #tpu.memory_space<vmem>>) offsets(%dma_start3A_252 : memref<125xi32, #tpu.memory_space<vmem>>) semaphore(%arg11 : memref<!tpu.dma_semaphore, #tpu.memory_space<semaphore_mem>>)
      %dma_wait3A_256 = arith.constant 3 : i32
      %dma_wait3A_257 = arith.constant 375 : i32
      %dma_wait3A_258 = arith.constant 0 : i32
      %dma_wait3A_259 = tpu.memref_slice %arg10[%dma_wait3A_257, %dma_wait3A_258] : memref<1000x64xf32, #tpu.memory_space<vmem>> -> memref<125x64xf32, #tpu.memory_space<vmem>>
      %dma_wait3A_260 = arith.constant 0 : i32
      %dma_wait3A_261 = tpu.memref_slice %arg9[%dma_wait3A_256, %dma_wait3A_260] : memref<8x125xi32, #tpu.memory_space<vmem>> -> memref<1x125xi32, #tpu.memory_space<vmem>>
      %dma_wait3A_262 = tpu.memref_squeeze %dma_wait3A_261 : memref<1x125xi32, #tpu.memory_space<vmem>> -> memref<125xi32, #tpu.memory_space<vmem>>
      %dma_wait3A_263 = arith.constant 0 : i32
      %dma_wait3A_264 = arith.constant 0 : i32
      %dma_wait3A_265 = tpu.memref_slice %arg3[%dma_wait3A_263, %dma_wait3A_264] : memref<10000x64xf32, #tpu.memory_space<hbm>> -> memref<10000x64xf32, #tpu.memory_space<hbm>>
      tpu.wait_indirect_dma semaphore(%arg11 : memref<!tpu.dma_semaphore, #tpu.memory_space<semaphore_mem>>) src(%dma_wait3A_265 : memref<10000x64xf32, #tpu.memory_space<hbm>>) dst(%dma_wait3A_259 : memref<125x64xf32, #tpu.memory_space<vmem>>)
      %dma_start3A_266 = arith.constant 4 : i32
      %dma_start3A_267 = arith.constant 500 : i32
      %dma_start3A_268 = arith.constant 0 : i32
      %dma_start3A_269 = tpu.memref_slice %arg10[%dma_start3A_267, %dma_start3A_268] : memref<1000x64xf32, #tpu.memory_space<vmem>> -> memref<125x64xf32, #tpu.memory_space<vmem>>
      %dma_start3A_270 = arith.constant 0 : i32
      %dma_start3A_271 = tpu.memref_slice %arg9[%dma_start3A_266, %dma_start3A_270] : memref<8x125xi32, #tpu.memory_space<vmem>> -> memref<1x125xi32, #tpu.memory_space<vmem>>
      %dma_start3A_272 = tpu.memref_squeeze %dma_start3A_271 : memref<1x125xi32, #tpu.memory_space<vmem>> -> memref<125xi32, #tpu.memory_space<vmem>>
      %dma_start3A_273 = arith.constant 0 : i32
      %dma_start3A_274 = arith.constant 0 : i32
      %dma_start3A_275 = tpu.memref_slice %arg3[%dma_start3A_273, %dma_start3A_274] : memref<10000x64xf32, #tpu.memory_space<hbm>> -> memref<10000x64xf32, #tpu.memory_space<hbm>>
      tpu.enqueue_indirect_dma source(%dma_start3A_275 : memref<10000x64xf32, #tpu.memory_space<hbm>>) target(%dma_start3A_269 : memref<125x64xf32, #tpu.memory_space<vmem>>) offsets(%dma_start3A_272 : memref<125xi32, #tpu.memory_space<vmem>>) semaphore(%arg11 : memref<!tpu.dma_semaphore, #tpu.memory_space<semaphore_mem>>)
      %dma_wait3A_276 = arith.constant 4 : i32
      %dma_wait3A_277 = arith.constant 500 : i32
      %dma_wait3A_278 = arith.constant 0 : i32
      %dma_wait3A_279 = tpu.memref_slice %arg10[%dma_wait3A_277, %dma_wait3A_278] : memref<1000x64xf32, #tpu.memory_space<vmem>> -> memref<125x64xf32, #tpu.memory_space<vmem>>
      %dma_wait3A_280 = arith.constant 0 : i32
      %dma_wait3A_281 = tpu.memref_slice %arg9[%dma_wait3A_276, %dma_wait3A_280] : memref<8x125xi32, #tpu.memory_space<vmem>> -> memref<1x125xi32, #tpu.memory_space<vmem>>
      %dma_wait3A_282 = tpu.memref_squeeze %dma_wait3A_281 : memref<1x125xi32, #tpu.memory_space<vmem>> -> memref<125xi32, #tpu.memory_space<vmem>>
      %dma_wait3A_283 = arith.constant 0 : i32
      %dma_wait3A_284 = arith.constant 0 : i32
      %dma_wait3A_285 = tpu.memref_slice %arg3[%dma_wait3A_283, %dma_wait3A_284] : memref<10000x64xf32, #tpu.memory_space<hbm>> -> memref<10000x64xf32, #tpu.memory_space<hbm>>
      tpu.wait_indirect_dma semaphore(%arg11 : memref<!tpu.dma_semaphore, #tpu.memory_space<semaphore_mem>>) src(%dma_wait3A_285 : memref<10000x64xf32, #tpu.memory_space<hbm>>) dst(%dma_wait3A_279 : memref<125x64xf32, #tpu.memory_space<vmem>>)
      %dma_start3A_286 = arith.constant 5 : i32
      %dma_start3A_287 = arith.constant 625 : i32
      %dma_start3A_288 = arith.constant 0 : i32
      %dma_start3A_289 = tpu.memref_slice %arg10[%dma_start3A_287, %dma_start3A_288] : memref<1000x64xf32, #tpu.memory_space<vmem>> -> memref<125x64xf32, #tpu.memory_space<vmem>>
      %dma_start3A_290 = arith.constant 0 : i32
      %dma_start3A_291 = tpu.memref_slice %arg9[%dma_start3A_286, %dma_start3A_290] : memref<8x125xi32, #tpu.memory_space<vmem>> -> memref<1x125xi32, #tpu.memory_space<vmem>>
      %dma_start3A_292 = tpu.memref_squeeze %dma_start3A_291 : memref<1x125xi32, #tpu.memory_space<vmem>> -> memref<125xi32, #tpu.memory_space<vmem>>
      %dma_start3A_293 = arith.constant 0 : i32
      %dma_start3A_294 = arith.constant 0 : i32
      %dma_start3A_295 = tpu.memref_slice %arg3[%dma_start3A_293, %dma_start3A_294] : memref<10000x64xf32, #tpu.memory_space<hbm>> -> memref<10000x64xf32, #tpu.memory_space<hbm>>
      tpu.enqueue_indirect_dma source(%dma_start3A_295 : memref<10000x64xf32, #tpu.memory_space<hbm>>) target(%dma_start3A_289 : memref<125x64xf32, #tpu.memory_space<vmem>>) offsets(%dma_start3A_292 : memref<125xi32, #tpu.memory_space<vmem>>) semaphore(%arg11 : memref<!tpu.dma_semaphore, #tpu.memory_space<semaphore_mem>>)
      %dma_wait3A_296 = arith.constant 5 : i32
      %dma_wait3A_297 = arith.constant 625 : i32
      %dma_wait3A_298 = arith.constant 0 : i32
      %dma_wait3A_299 = tpu.memref_slice %arg10[%dma_wait3A_297, %dma_wait3A_298] : memref<1000x64xf32, #tpu.memory_space<vmem>> -> memref<125x64xf32, #tpu.memory_space<vmem>>
      %dma_wait3A_300 = arith.constant 0 : i32
      %dma_wait3A_301 = tpu.memref_slice %arg9[%dma_wait3A_296, %dma_wait3A_300] : memref<8x125xi32, #tpu.memory_space<vmem>> -> memref<1x125xi32, #tpu.memory_space<vmem>>
      %dma_wait3A_302 = tpu.memref_squeeze %dma_wait3A_301 : memref<1x125xi32, #tpu.memory_space<vmem>> -> memref<125xi32, #tpu.memory_space<vmem>>
      %dma_wait3A_303 = arith.constant 0 : i32
      %dma_wait3A_304 = arith.constant 0 : i32
      %dma_wait3A_305 = tpu.memref_slice %arg3[%dma_wait3A_303, %dma_wait3A_304] : memref<10000x64xf32, #tpu.memory_space<hbm>> -> memref<10000x64xf32, #tpu.memory_space<hbm>>
      tpu.wait_indirect_dma semaphore(%arg11 : memref<!tpu.dma_semaphore, #tpu.memory_space<semaphore_mem>>) src(%dma_wait3A_305 : memref<10000x64xf32, #tpu.memory_space<hbm>>) dst(%dma_wait3A_299 : memref<125x64xf32, #tpu.memory_space<vmem>>)
      %dma_start3A_306 = arith.constant 6 : i32
      %dma_start3A_307 = arith.constant 750 : i32
      %dma_start3A_308 = arith.constant 0 : i32
      %dma_start3A_309 = tpu.memref_slice %arg10[%dma_start3A_307, %dma_start3A_308] : memref<1000x64xf32, #tpu.memory_space<vmem>> -> memref<125x64xf32, #tpu.memory_space<vmem>>
      %dma_start3A_310 = arith.constant 0 : i32
      %dma_start3A_311 = tpu.memref_slice %arg9[%dma_start3A_306, %dma_start3A_310] : memref<8x125xi32, #tpu.memory_space<vmem>> -> memref<1x125xi32, #tpu.memory_space<vmem>>
      %dma_start3A_312 = tpu.memref_squeeze %dma_start3A_311 : memref<1x125xi32, #tpu.memory_space<vmem>> -> memref<125xi32, #tpu.memory_space<vmem>>
      %dma_start3A_313 = arith.constant 0 : i32
      %dma_start3A_314 = arith.constant 0 : i32
      %dma_start3A_315 = tpu.memref_slice %arg3[%dma_start3A_313, %dma_start3A_314] : memref<10000x64xf32, #tpu.memory_space<hbm>> -> memref<10000x64xf32, #tpu.memory_space<hbm>>
      tpu.enqueue_indirect_dma source(%dma_start3A_315 : memref<10000x64xf32, #tpu.memory_space<hbm>>) target(%dma_start3A_309 : memref<125x64xf32, #tpu.memory_space<vmem>>) offsets(%dma_start3A_312 : memref<125xi32, #tpu.memory_space<vmem>>) semaphore(%arg11 : memref<!tpu.dma_semaphore, #tpu.memory_space<semaphore_mem>>)
      %dma_wait3A_316 = arith.constant 6 : i32
      %dma_wait3A_317 = arith.constant 750 : i32
      %dma_wait3A_318 = arith.constant 0 : i32
      %dma_wait3A_319 = tpu.memref_slice %arg10[%dma_wait3A_317, %dma_wait3A_318] : memref<1000x64xf32, #tpu.memory_space<vmem>> -> memref<125x64xf32, #tpu.memory_space<vmem>>
      %dma_wait3A_320 = arith.constant 0 : i32
      %dma_wait3A_321 = tpu.memref_slice %arg9[%dma_wait3A_316, %dma_wait3A_320] : memref<8x125xi32, #tpu.memory_space<vmem>> -> memref<1x125xi32, #tpu.memory_space<vmem>>
      %dma_wait3A_322 = tpu.memref_squeeze %dma_wait3A_321 : memref<1x125xi32, #tpu.memory_space<vmem>> -> memref<125xi32, #tpu.memory_space<vmem>>
      %dma_wait3A_323 = arith.constant 0 : i32
      %dma_wait3A_324 = arith.constant 0 : i32
      %dma_wait3A_325 = tpu.memref_slice %arg3[%dma_wait3A_323, %dma_wait3A_324] : memref<10000x64xf32, #tpu.memory_space<hbm>> -> memref<10000x64xf32, #tpu.memory_space<hbm>>
      tpu.wait_indirect_dma semaphore(%arg11 : memref<!tpu.dma_semaphore, #tpu.memory_space<semaphore_mem>>) src(%dma_wait3A_325 : memref<10000x64xf32, #tpu.memory_space<hbm>>) dst(%dma_wait3A_319 : memref<125x64xf32, #tpu.memory_space<vmem>>)
      %dma_start3A_326 = arith.constant 7 : i32
      %dma_start3A_327 = arith.constant 875 : i32
      %dma_start3A_328 = arith.constant 0 : i32
      %dma_start3A_329 = tpu.memref_slice %arg10[%dma_start3A_327, %dma_start3A_328] : memref<1000x64xf32, #tpu.memory_space<vmem>> -> memref<125x64xf32, #tpu.memory_space<vmem>>
      %dma_start3A_330 = arith.constant 0 : i32
      %dma_start3A_331 = tpu.memref_slice %arg9[%dma_start3A_326, %dma_start3A_330] : memref<8x125xi32, #tpu.memory_space<vmem>> -> memref<1x125xi32, #tpu.memory_space<vmem>>
      %dma_start3A_332 = tpu.memref_squeeze %dma_start3A_331 : memref<1x125xi32, #tpu.memory_space<vmem>> -> memref<125xi32, #tpu.memory_space<vmem>>
      %dma_start3A_333 = arith.constant 0 : i32
      %dma_start3A_334 = arith.constant 0 : i32
      %dma_start3A_335 = tpu.memref_slice %arg3[%dma_start3A_333, %dma_start3A_334] : memref<10000x64xf32, #tpu.memory_space<hbm>> -> memref<10000x64xf32, #tpu.memory_space<hbm>>
      tpu.enqueue_indirect_dma source(%dma_start3A_335 : memref<10000x64xf32, #tpu.memory_space<hbm>>) target(%dma_start3A_329 : memref<125x64xf32, #tpu.memory_space<vmem>>) offsets(%dma_start3A_332 : memref<125xi32, #tpu.memory_space<vmem>>) semaphore(%arg11 : memref<!tpu.dma_semaphore, #tpu.memory_space<semaphore_mem>>)
      %dma_wait3A_336 = arith.constant 7 : i32
      %dma_wait3A_337 = arith.constant 875 : i32
      %dma_wait3A_338 = arith.constant 0 : i32
      %dma_wait3A_339 = tpu.memref_slice %arg10[%dma_wait3A_337, %dma_wait3A_338] : memref<1000x64xf32, #tpu.memory_space<vmem>> -> memref<125x64xf32, #tpu.memory_space<vmem>>
      %dma_wait3A_340 = arith.constant 0 : i32
      %dma_wait3A_341 = tpu.memref_slice %arg9[%dma_wait3A_336, %dma_wait3A_340] : memref<8x125xi32, #tpu.memory_space<vmem>> -> memref<1x125xi32, #tpu.memory_space<vmem>>
      %dma_wait3A_342 = tpu.memref_squeeze %dma_wait3A_341 : memref<1x125xi32, #tpu.memory_space<vmem>> -> memref<125xi32, #tpu.memory_space<vmem>>
      %dma_wait3A_343 = arith.constant 0 : i32
      %dma_wait3A_344 = arith.constant 0 : i32
      %dma_wait3A_345 = tpu.memref_slice %arg3[%dma_wait3A_343, %dma_wait3A_344] : memref<10000x64xf32, #tpu.memory_space<hbm>> -> memref<10000x64xf32, #tpu.memory_space<hbm>>
      tpu.wait_indirect_dma semaphore(%arg11 : memref<!tpu.dma_semaphore, #tpu.memory_space<semaphore_mem>>) src(%dma_wait3A_345 : memref<10000x64xf32, #tpu.memory_space<hbm>>) dst(%dma_wait3A_339 : memref<125x64xf32, #tpu.memory_space<vmem>>)
      "tpu.region"() ({
        %run_scoped3A = tpu.sem_alloc : memref<!tpu.dma_semaphore, #tpu.memory_space<semaphore_mem>>
        %dma_start3A_346 = arith.constant 0 : i32
        %dma_start3A_347 = tpu.memref_slice %arg7[%add3A_11, %dma_start3A_346] : memref<320000x64xf32, #tpu.memory_space<hbm>> -> memref<1000x64xf32, #tpu.memory_space<hbm>>
        %dma_start3A_348 = arith.constant 0 : i32
        %dma_start3A_349 = tpu.memref_slice %arg7[%add3A_11, %dma_start3A_348] : memref<320000x64xf32, #tpu.memory_space<hbm>> -> memref<1000x64xf32, #tpu.memory_space<hbm>>
        tpu.enqueue_dma source(%arg10 : memref<1000x64xf32, #tpu.memory_space<vmem>>) target(%dma_start3A_349 : memref<1000x64xf32, #tpu.memory_space<hbm>>) target_semaphore(%run_scoped3A : memref<!tpu.dma_semaphore, #tpu.memory_space<semaphore_mem>>)
        %dma_wait3A_350 = arith.constant 0 : i32
        %dma_wait3A_351 = tpu.memref_slice %arg7[%add3A_11, %dma_wait3A_350] : memref<320000x64xf32, #tpu.memory_space<hbm>> -> memref<1000x64xf32, #tpu.memory_space<hbm>>
        %dma_wait3A_352 = arith.constant 0 : i32
        %dma_wait3A_353 = tpu.memref_slice %arg7[%add3A_11, %dma_wait3A_352] : memref<320000x64xf32, #tpu.memory_space<hbm>> -> memref<1000x64xf32, #tpu.memory_space<hbm>>
        tpu.wait_dma2 semaphore(%run_scoped3A : memref<!tpu.dma_semaphore, #tpu.memory_space<semaphore_mem>>) src(%arg10 : memref<1000x64xf32, #tpu.memory_space<vmem>>) dst(%dma_wait3A_353 : memref<1000x64xf32, #tpu.memory_space<hbm>>)
        tpu.yield
      }) : () -> ()
    }
    %scan3A_5 = arith.constant 10 : i32
    return
  }
}

#map = affine_map<(d0, d1) -> (0, 0)>
module attributes {stable_mosaic.version = 14 : i64} {
  func.func @_gather0_body(%arg0: i32, %arg1: i32, %arg2: memref<10000x64xf32, #tpu.memory_space<hbm>>, %arg3: memref<10000x64xf32, #tpu.memory_space<hbm>>, %arg4: memref<10000x8xf32, #tpu.memory_space<hbm>>, %arg5: memref<2560x125xi32, #tpu.memory_space<hbm>>, %arg6: memref<2560x125xi32, #tpu.memory_space<hbm>>, %arg7: memref<1280x125xi32, #tpu.memory_space<hbm>>, %arg8: memref<1280x125xi32, #tpu.memory_space<hbm>>, %arg9: memref<1280x125xi32, #tpu.memory_space<hbm>>, %arg10: memref<1280x125xi32, #tpu.memory_space<hbm>>, %arg11: memref<320000x64xf32, #tpu.memory_space<hbm>>, %arg12: memref<320000x64xf32, #tpu.memory_space<hbm>>, %arg13: memref<160000x8xf32, #tpu.memory_space<hbm>>, %arg14: memref<160000x8xf32, #tpu.memory_space<hbm>>, %arg15: memref<160000x8xf32, #tpu.memory_space<hbm>>, %arg16: memref<160000x8xf32, #tpu.memory_space<hbm>>, %arg17: memref<8x125xi32, #tpu.memory_space<vmem>>, %arg18: memref<8x125xi32, #tpu.memory_space<vmem>>, %arg19: memref<4x125xi32, #tpu.memory_space<vmem>>, %arg20: memref<1000x64xf32, #tpu.memory_space<vmem>>, %arg21: memref<500x8xf32, #tpu.memory_space<vmem>>, %arg22: memref<!tpu.dma_semaphore, #tpu.memory_space<semaphore_mem>>) attributes {dimension_semantics = [#tpu.dimension_semantics<core_parallel>, #tpu.dimension_semantics<subcore_parallel>], iteration_bounds = array<i64: 2, 16>, scalar_prefetch = 0 : i64, scratch_operands = 6 : i64, tpu.core_type = #tpu.core_type<sc_vector_subcore>, window_params = [{transform_indices = #map}, {transform_indices = #map}, {transform_indices = #map}, {transform_indices = #map}, {transform_indices = #map}, {transform_indices = #map}, {transform_indices = #map}, {transform_indices = #map}, {transform_indices = #map}, {transform_indices = #map}, {transform_indices = #map}, {transform_indices = #map}, {transform_indices = #map}, {transform_indices = #map}, {transform_indices = #map}]} {
    %mul3A = arith.constant 2 : i32
    %mul3A_0 = arith.muli %arg1, %mul3A : i32
    %add3A = arith.addi %mul3A_0, %arg0 : i32
    %scan3A = arith.constant 0 : i32
    %scan3A_1 = arith.constant 0 : i32
    %scan3A_2 = arith.constant 10 : i32
    %scan3A_3 = arith.addi %scan3A_1, %scan3A_2 : i32
    %scan3A_4 = arith.constant 1 : i32
    scf.for %scan3A_6 = %scan3A_1 to %scan3A_3 step %scan3A_4  : i32 {
      %mul3A_7 = arith.constant 10000 : i32
      %mul3A_8 = arith.muli %add3A, %mul3A_7 : i32
      %mul3A_9 = arith.constant 1000 : i32
      %mul3A_10 = arith.muli %scan3A_6, %mul3A_9 : i32
      %add3A_11 = arith.addi %mul3A_8, %mul3A_10 : i32
      %jit3A = arith.constant 125 : i32
      %div3A = arith.divsi %add3A_11, %jit3A : i32
      %sign3A = arith.constant 0 : i32
      %sign3A_12 = arith.cmpi sgt, %add3A_11, %sign3A : i32
      %sign3A_13 = arith.extui %sign3A_12 : i1 to i32
      %sign3A_14 = arith.constant 0 : i32
      %sign3A_15 = arith.cmpi slt, %add3A_11, %sign3A_14 : i32
      %sign3A_16 = arith.extui %sign3A_15 : i1 to i32
      %sign3A_17 = arith.subi %sign3A_13, %sign3A_16 : i32
      %sign3A_18 = arith.constant 0 : i32
      %sign3A_19 = arith.cmpi sgt, %jit3A, %sign3A_18 : i32
      %sign3A_20 = arith.extui %sign3A_19 : i1 to i32
      %sign3A_21 = arith.constant 0 : i32
      %sign3A_22 = arith.cmpi slt, %jit3A, %sign3A_21 : i32
      %sign3A_23 = arith.extui %sign3A_22 : i1 to i32
      %sign3A_24 = arith.subi %sign3A_20, %sign3A_23 : i32
      %ne3A = arith.cmpi ne, %sign3A_17, %sign3A_24 : i32
      %rem3A = arith.remsi %add3A_11, %jit3A : i32
      %ne3A_25 = arith.constant 0 : i32
      %ne3A_26 = arith.cmpi ne, %rem3A, %ne3A_25 : i32
      %and3A = arith.andi %ne3A, %ne3A_26 : i1
      %sub3A = arith.constant 1 : i32
      %sub3A_27 = arith.subi %div3A, %sub3A : i32
      %select_n3A = arith.select %and3A, %sub3A_27, %div3A : i32
      "tpu.region"() ({
        %run_scoped3A = tpu.sem_alloc : memref<!tpu.dma_semaphore, #tpu.memory_space<semaphore_mem>>
        %dma_start3A_695 = arith.constant 0 : i32
        %dma_start3A_696 = tpu.memref_slice %arg5[%select_n3A, %dma_start3A_695] : memref<2560x125xi32, #tpu.memory_space<hbm>> -> memref<8x125xi32, #tpu.memory_space<hbm>>
        %dma_start3A_697 = arith.constant 0 : i32
        %dma_start3A_698 = tpu.memref_slice %arg5[%select_n3A, %dma_start3A_697] : memref<2560x125xi32, #tpu.memory_space<hbm>> -> memref<8x125xi32, #tpu.memory_space<hbm>>
        tpu.enqueue_dma source(%dma_start3A_698 : memref<8x125xi32, #tpu.memory_space<hbm>>) target(%arg17 : memref<8x125xi32, #tpu.memory_space<vmem>>) target_semaphore(%run_scoped3A : memref<!tpu.dma_semaphore, #tpu.memory_space<semaphore_mem>>)
        %dma_wait3A_699 = arith.constant 0 : i32
        %dma_wait3A_700 = tpu.memref_slice %arg5[%select_n3A, %dma_wait3A_699] : memref<2560x125xi32, #tpu.memory_space<hbm>> -> memref<8x125xi32, #tpu.memory_space<hbm>>
        %dma_wait3A_701 = arith.constant 0 : i32
        %dma_wait3A_702 = tpu.memref_slice %arg5[%select_n3A, %dma_wait3A_701] : memref<2560x125xi32, #tpu.memory_space<hbm>> -> memref<8x125xi32, #tpu.memory_space<hbm>>
        tpu.wait_dma2 semaphore(%run_scoped3A : memref<!tpu.dma_semaphore, #tpu.memory_space<semaphore_mem>>) src(%dma_wait3A_702 : memref<8x125xi32, #tpu.memory_space<hbm>>) dst(%arg17 : memref<8x125xi32, #tpu.memory_space<vmem>>)
        tpu.yield
      }) : () -> ()
      "tpu.region"() ({
        %run_scoped3A = tpu.sem_alloc : memref<!tpu.dma_semaphore, #tpu.memory_space<semaphore_mem>>
        %dma_start3A_695 = arith.constant 0 : i32
        %dma_start3A_696 = tpu.memref_slice %arg6[%select_n3A, %dma_start3A_695] : memref<2560x125xi32, #tpu.memory_space<hbm>> -> memref<8x125xi32, #tpu.memory_space<hbm>>
        %dma_start3A_697 = arith.constant 0 : i32
        %dma_start3A_698 = tpu.memref_slice %arg6[%select_n3A, %dma_start3A_697] : memref<2560x125xi32, #tpu.memory_space<hbm>> -> memref<8x125xi32, #tpu.memory_space<hbm>>
        tpu.enqueue_dma source(%dma_start3A_698 : memref<8x125xi32, #tpu.memory_space<hbm>>) target(%arg18 : memref<8x125xi32, #tpu.memory_space<vmem>>) target_semaphore(%run_scoped3A : memref<!tpu.dma_semaphore, #tpu.memory_space<semaphore_mem>>)
        %dma_wait3A_699 = arith.constant 0 : i32
        %dma_wait3A_700 = tpu.memref_slice %arg6[%select_n3A, %dma_wait3A_699] : memref<2560x125xi32, #tpu.memory_space<hbm>> -> memref<8x125xi32, #tpu.memory_space<hbm>>
        %dma_wait3A_701 = arith.constant 0 : i32
        %dma_wait3A_702 = tpu.memref_slice %arg6[%select_n3A, %dma_wait3A_701] : memref<2560x125xi32, #tpu.memory_space<hbm>> -> memref<8x125xi32, #tpu.memory_space<hbm>>
        tpu.wait_dma2 semaphore(%run_scoped3A : memref<!tpu.dma_semaphore, #tpu.memory_space<semaphore_mem>>) src(%dma_wait3A_702 : memref<8x125xi32, #tpu.memory_space<hbm>>) dst(%arg18 : memref<8x125xi32, #tpu.memory_space<vmem>>)
        tpu.yield
      }) : () -> ()
      %dma_start3A = arith.constant 0 : i32
      %dma_start3A_28 = arith.constant 0 : i32
      %dma_start3A_29 = arith.constant 0 : i32
      %dma_start3A_30 = tpu.memref_slice %arg20[%dma_start3A_28, %dma_start3A_29] : memref<1000x64xf32, #tpu.memory_space<vmem>> -> memref<125x64xf32, #tpu.memory_space<vmem>>
      %dma_start3A_31 = arith.constant 0 : i32
      %dma_start3A_32 = tpu.memref_slice %arg17[%dma_start3A, %dma_start3A_31] : memref<8x125xi32, #tpu.memory_space<vmem>> -> memref<1x125xi32, #tpu.memory_space<vmem>>
      %dma_start3A_33 = tpu.memref_squeeze %dma_start3A_32 : memref<1x125xi32, #tpu.memory_space<vmem>> -> memref<125xi32, #tpu.memory_space<vmem>>
      %dma_start3A_34 = arith.constant 0 : i32
      %dma_start3A_35 = arith.constant 0 : i32
      %dma_start3A_36 = tpu.memref_slice %arg2[%dma_start3A_34, %dma_start3A_35] : memref<10000x64xf32, #tpu.memory_space<hbm>> -> memref<10000x64xf32, #tpu.memory_space<hbm>>
      tpu.enqueue_indirect_dma source(%dma_start3A_36 : memref<10000x64xf32, #tpu.memory_space<hbm>>) target(%dma_start3A_30 : memref<125x64xf32, #tpu.memory_space<vmem>>) offsets(%dma_start3A_33 : memref<125xi32, #tpu.memory_space<vmem>>) semaphore(%arg22 : memref<!tpu.dma_semaphore, #tpu.memory_space<semaphore_mem>>)
      %dma_wait3A = arith.constant 0 : i32
      %dma_wait3A_37 = arith.constant 0 : i32
      %dma_wait3A_38 = arith.constant 0 : i32
      %dma_wait3A_39 = tpu.memref_slice %arg20[%dma_wait3A_37, %dma_wait3A_38] : memref<1000x64xf32, #tpu.memory_space<vmem>> -> memref<125x64xf32, #tpu.memory_space<vmem>>
      %dma_wait3A_40 = arith.constant 0 : i32
      %dma_wait3A_41 = tpu.memref_slice %arg17[%dma_wait3A, %dma_wait3A_40] : memref<8x125xi32, #tpu.memory_space<vmem>> -> memref<1x125xi32, #tpu.memory_space<vmem>>
      %dma_wait3A_42 = tpu.memref_squeeze %dma_wait3A_41 : memref<1x125xi32, #tpu.memory_space<vmem>> -> memref<125xi32, #tpu.memory_space<vmem>>
      %dma_wait3A_43 = arith.constant 0 : i32
      %dma_wait3A_44 = arith.constant 0 : i32
      %dma_wait3A_45 = tpu.memref_slice %arg2[%dma_wait3A_43, %dma_wait3A_44] : memref<10000x64xf32, #tpu.memory_space<hbm>> -> memref<10000x64xf32, #tpu.memory_space<hbm>>
      tpu.wait_indirect_dma semaphore(%arg22 : memref<!tpu.dma_semaphore, #tpu.memory_space<semaphore_mem>>) src(%dma_wait3A_45 : memref<10000x64xf32, #tpu.memory_space<hbm>>) dst(%dma_wait3A_39 : memref<125x64xf32, #tpu.memory_space<vmem>>)
      %dma_start3A_46 = arith.constant 1 : i32
      %dma_start3A_47 = arith.constant 125 : i32
      %dma_start3A_48 = arith.constant 0 : i32
      %dma_start3A_49 = tpu.memref_slice %arg20[%dma_start3A_47, %dma_start3A_48] : memref<1000x64xf32, #tpu.memory_space<vmem>> -> memref<125x64xf32, #tpu.memory_space<vmem>>
      %dma_start3A_50 = arith.constant 0 : i32
      %dma_start3A_51 = tpu.memref_slice %arg17[%dma_start3A_46, %dma_start3A_50] : memref<8x125xi32, #tpu.memory_space<vmem>> -> memref<1x125xi32, #tpu.memory_space<vmem>>
      %dma_start3A_52 = tpu.memref_squeeze %dma_start3A_51 : memref<1x125xi32, #tpu.memory_space<vmem>> -> memref<125xi32, #tpu.memory_space<vmem>>
      %dma_start3A_53 = arith.constant 0 : i32
      %dma_start3A_54 = arith.constant 0 : i32
      %dma_start3A_55 = tpu.memref_slice %arg2[%dma_start3A_53, %dma_start3A_54] : memref<10000x64xf32, #tpu.memory_space<hbm>> -> memref<10000x64xf32, #tpu.memory_space<hbm>>
      tpu.enqueue_indirect_dma source(%dma_start3A_55 : memref<10000x64xf32, #tpu.memory_space<hbm>>) target(%dma_start3A_49 : memref<125x64xf32, #tpu.memory_space<vmem>>) offsets(%dma_start3A_52 : memref<125xi32, #tpu.memory_space<vmem>>) semaphore(%arg22 : memref<!tpu.dma_semaphore, #tpu.memory_space<semaphore_mem>>)
      %dma_wait3A_56 = arith.constant 1 : i32
      %dma_wait3A_57 = arith.constant 125 : i32
      %dma_wait3A_58 = arith.constant 0 : i32
      %dma_wait3A_59 = tpu.memref_slice %arg20[%dma_wait3A_57, %dma_wait3A_58] : memref<1000x64xf32, #tpu.memory_space<vmem>> -> memref<125x64xf32, #tpu.memory_space<vmem>>
      %dma_wait3A_60 = arith.constant 0 : i32
      %dma_wait3A_61 = tpu.memref_slice %arg17[%dma_wait3A_56, %dma_wait3A_60] : memref<8x125xi32, #tpu.memory_space<vmem>> -> memref<1x125xi32, #tpu.memory_space<vmem>>
      %dma_wait3A_62 = tpu.memref_squeeze %dma_wait3A_61 : memref<1x125xi32, #tpu.memory_space<vmem>> -> memref<125xi32, #tpu.memory_space<vmem>>
      %dma_wait3A_63 = arith.constant 0 : i32
      %dma_wait3A_64 = arith.constant 0 : i32
      %dma_wait3A_65 = tpu.memref_slice %arg2[%dma_wait3A_63, %dma_wait3A_64] : memref<10000x64xf32, #tpu.memory_space<hbm>> -> memref<10000x64xf32, #tpu.memory_space<hbm>>
      tpu.wait_indirect_dma semaphore(%arg22 : memref<!tpu.dma_semaphore, #tpu.memory_space<semaphore_mem>>) src(%dma_wait3A_65 : memref<10000x64xf32, #tpu.memory_space<hbm>>) dst(%dma_wait3A_59 : memref<125x64xf32, #tpu.memory_space<vmem>>)
      %dma_start3A_66 = arith.constant 2 : i32
      %dma_start3A_67 = arith.constant 250 : i32
      %dma_start3A_68 = arith.constant 0 : i32
      %dma_start3A_69 = tpu.memref_slice %arg20[%dma_start3A_67, %dma_start3A_68] : memref<1000x64xf32, #tpu.memory_space<vmem>> -> memref<125x64xf32, #tpu.memory_space<vmem>>
      %dma_start3A_70 = arith.constant 0 : i32
      %dma_start3A_71 = tpu.memref_slice %arg17[%dma_start3A_66, %dma_start3A_70] : memref<8x125xi32, #tpu.memory_space<vmem>> -> memref<1x125xi32, #tpu.memory_space<vmem>>
      %dma_start3A_72 = tpu.memref_squeeze %dma_start3A_71 : memref<1x125xi32, #tpu.memory_space<vmem>> -> memref<125xi32, #tpu.memory_space<vmem>>
      %dma_start3A_73 = arith.constant 0 : i32
      %dma_start3A_74 = arith.constant 0 : i32
      %dma_start3A_75 = tpu.memref_slice %arg2[%dma_start3A_73, %dma_start3A_74] : memref<10000x64xf32, #tpu.memory_space<hbm>> -> memref<10000x64xf32, #tpu.memory_space<hbm>>
      tpu.enqueue_indirect_dma source(%dma_start3A_75 : memref<10000x64xf32, #tpu.memory_space<hbm>>) target(%dma_start3A_69 : memref<125x64xf32, #tpu.memory_space<vmem>>) offsets(%dma_start3A_72 : memref<125xi32, #tpu.memory_space<vmem>>) semaphore(%arg22 : memref<!tpu.dma_semaphore, #tpu.memory_space<semaphore_mem>>)
      %dma_wait3A_76 = arith.constant 2 : i32
      %dma_wait3A_77 = arith.constant 250 : i32
      %dma_wait3A_78 = arith.constant 0 : i32
      %dma_wait3A_79 = tpu.memref_slice %arg20[%dma_wait3A_77, %dma_wait3A_78] : memref<1000x64xf32, #tpu.memory_space<vmem>> -> memref<125x64xf32, #tpu.memory_space<vmem>>
      %dma_wait3A_80 = arith.constant 0 : i32
      %dma_wait3A_81 = tpu.memref_slice %arg17[%dma_wait3A_76, %dma_wait3A_80] : memref<8x125xi32, #tpu.memory_space<vmem>> -> memref<1x125xi32, #tpu.memory_space<vmem>>
      %dma_wait3A_82 = tpu.memref_squeeze %dma_wait3A_81 : memref<1x125xi32, #tpu.memory_space<vmem>> -> memref<125xi32, #tpu.memory_space<vmem>>
      %dma_wait3A_83 = arith.constant 0 : i32
      %dma_wait3A_84 = arith.constant 0 : i32
      %dma_wait3A_85 = tpu.memref_slice %arg2[%dma_wait3A_83, %dma_wait3A_84] : memref<10000x64xf32, #tpu.memory_space<hbm>> -> memref<10000x64xf32, #tpu.memory_space<hbm>>
      tpu.wait_indirect_dma semaphore(%arg22 : memref<!tpu.dma_semaphore, #tpu.memory_space<semaphore_mem>>) src(%dma_wait3A_85 : memref<10000x64xf32, #tpu.memory_space<hbm>>) dst(%dma_wait3A_79 : memref<125x64xf32, #tpu.memory_space<vmem>>)
      %dma_start3A_86 = arith.constant 3 : i32
      %dma_start3A_87 = arith.constant 375 : i32
      %dma_start3A_88 = arith.constant 0 : i32
      %dma_start3A_89 = tpu.memref_slice %arg20[%dma_start3A_87, %dma_start3A_88] : memref<1000x64xf32, #tpu.memory_space<vmem>> -> memref<125x64xf32, #tpu.memory_space<vmem>>
      %dma_start3A_90 = arith.constant 0 : i32
      %dma_start3A_91 = tpu.memref_slice %arg17[%dma_start3A_86, %dma_start3A_90] : memref<8x125xi32, #tpu.memory_space<vmem>> -> memref<1x125xi32, #tpu.memory_space<vmem>>
      %dma_start3A_92 = tpu.memref_squeeze %dma_start3A_91 : memref<1x125xi32, #tpu.memory_space<vmem>> -> memref<125xi32, #tpu.memory_space<vmem>>
      %dma_start3A_93 = arith.constant 0 : i32
      %dma_start3A_94 = arith.constant 0 : i32
      %dma_start3A_95 = tpu.memref_slice %arg2[%dma_start3A_93, %dma_start3A_94] : memref<10000x64xf32, #tpu.memory_space<hbm>> -> memref<10000x64xf32, #tpu.memory_space<hbm>>
      tpu.enqueue_indirect_dma source(%dma_start3A_95 : memref<10000x64xf32, #tpu.memory_space<hbm>>) target(%dma_start3A_89 : memref<125x64xf32, #tpu.memory_space<vmem>>) offsets(%dma_start3A_92 : memref<125xi32, #tpu.memory_space<vmem>>) semaphore(%arg22 : memref<!tpu.dma_semaphore, #tpu.memory_space<semaphore_mem>>)
      %dma_wait3A_96 = arith.constant 3 : i32
      %dma_wait3A_97 = arith.constant 375 : i32
      %dma_wait3A_98 = arith.constant 0 : i32
      %dma_wait3A_99 = tpu.memref_slice %arg20[%dma_wait3A_97, %dma_wait3A_98] : memref<1000x64xf32, #tpu.memory_space<vmem>> -> memref<125x64xf32, #tpu.memory_space<vmem>>
      %dma_wait3A_100 = arith.constant 0 : i32
      %dma_wait3A_101 = tpu.memref_slice %arg17[%dma_wait3A_96, %dma_wait3A_100] : memref<8x125xi32, #tpu.memory_space<vmem>> -> memref<1x125xi32, #tpu.memory_space<vmem>>
      %dma_wait3A_102 = tpu.memref_squeeze %dma_wait3A_101 : memref<1x125xi32, #tpu.memory_space<vmem>> -> memref<125xi32, #tpu.memory_space<vmem>>
      %dma_wait3A_103 = arith.constant 0 : i32
      %dma_wait3A_104 = arith.constant 0 : i32
      %dma_wait3A_105 = tpu.memref_slice %arg2[%dma_wait3A_103, %dma_wait3A_104] : memref<10000x64xf32, #tpu.memory_space<hbm>> -> memref<10000x64xf32, #tpu.memory_space<hbm>>
      tpu.wait_indirect_dma semaphore(%arg22 : memref<!tpu.dma_semaphore, #tpu.memory_space<semaphore_mem>>) src(%dma_wait3A_105 : memref<10000x64xf32, #tpu.memory_space<hbm>>) dst(%dma_wait3A_99 : memref<125x64xf32, #tpu.memory_space<vmem>>)
      %dma_start3A_106 = arith.constant 4 : i32
      %dma_start3A_107 = arith.constant 500 : i32
      %dma_start3A_108 = arith.constant 0 : i32
      %dma_start3A_109 = tpu.memref_slice %arg20[%dma_start3A_107, %dma_start3A_108] : memref<1000x64xf32, #tpu.memory_space<vmem>> -> memref<125x64xf32, #tpu.memory_space<vmem>>
      %dma_start3A_110 = arith.constant 0 : i32
      %dma_start3A_111 = tpu.memref_slice %arg17[%dma_start3A_106, %dma_start3A_110] : memref<8x125xi32, #tpu.memory_space<vmem>> -> memref<1x125xi32, #tpu.memory_space<vmem>>
      %dma_start3A_112 = tpu.memref_squeeze %dma_start3A_111 : memref<1x125xi32, #tpu.memory_space<vmem>> -> memref<125xi32, #tpu.memory_space<vmem>>
      %dma_start3A_113 = arith.constant 0 : i32
      %dma_start3A_114 = arith.constant 0 : i32
      %dma_start3A_115 = tpu.memref_slice %arg2[%dma_start3A_113, %dma_start3A_114] : memref<10000x64xf32, #tpu.memory_space<hbm>> -> memref<10000x64xf32, #tpu.memory_space<hbm>>
      tpu.enqueue_indirect_dma source(%dma_start3A_115 : memref<10000x64xf32, #tpu.memory_space<hbm>>) target(%dma_start3A_109 : memref<125x64xf32, #tpu.memory_space<vmem>>) offsets(%dma_start3A_112 : memref<125xi32, #tpu.memory_space<vmem>>) semaphore(%arg22 : memref<!tpu.dma_semaphore, #tpu.memory_space<semaphore_mem>>)
      %dma_wait3A_116 = arith.constant 4 : i32
      %dma_wait3A_117 = arith.constant 500 : i32
      %dma_wait3A_118 = arith.constant 0 : i32
      %dma_wait3A_119 = tpu.memref_slice %arg20[%dma_wait3A_117, %dma_wait3A_118] : memref<1000x64xf32, #tpu.memory_space<vmem>> -> memref<125x64xf32, #tpu.memory_space<vmem>>
      %dma_wait3A_120 = arith.constant 0 : i32
      %dma_wait3A_121 = tpu.memref_slice %arg17[%dma_wait3A_116, %dma_wait3A_120] : memref<8x125xi32, #tpu.memory_space<vmem>> -> memref<1x125xi32, #tpu.memory_space<vmem>>
      %dma_wait3A_122 = tpu.memref_squeeze %dma_wait3A_121 : memref<1x125xi32, #tpu.memory_space<vmem>> -> memref<125xi32, #tpu.memory_space<vmem>>
      %dma_wait3A_123 = arith.constant 0 : i32
      %dma_wait3A_124 = arith.constant 0 : i32
      %dma_wait3A_125 = tpu.memref_slice %arg2[%dma_wait3A_123, %dma_wait3A_124] : memref<10000x64xf32, #tpu.memory_space<hbm>> -> memref<10000x64xf32, #tpu.memory_space<hbm>>
      tpu.wait_indirect_dma semaphore(%arg22 : memref<!tpu.dma_semaphore, #tpu.memory_space<semaphore_mem>>) src(%dma_wait3A_125 : memref<10000x64xf32, #tpu.memory_space<hbm>>) dst(%dma_wait3A_119 : memref<125x64xf32, #tpu.memory_space<vmem>>)
      %dma_start3A_126 = arith.constant 5 : i32
      %dma_start3A_127 = arith.constant 625 : i32
      %dma_start3A_128 = arith.constant 0 : i32
      %dma_start3A_129 = tpu.memref_slice %arg20[%dma_start3A_127, %dma_start3A_128] : memref<1000x64xf32, #tpu.memory_space<vmem>> -> memref<125x64xf32, #tpu.memory_space<vmem>>
      %dma_start3A_130 = arith.constant 0 : i32
      %dma_start3A_131 = tpu.memref_slice %arg17[%dma_start3A_126, %dma_start3A_130] : memref<8x125xi32, #tpu.memory_space<vmem>> -> memref<1x125xi32, #tpu.memory_space<vmem>>
      %dma_start3A_132 = tpu.memref_squeeze %dma_start3A_131 : memref<1x125xi32, #tpu.memory_space<vmem>> -> memref<125xi32, #tpu.memory_space<vmem>>
      %dma_start3A_133 = arith.constant 0 : i32
      %dma_start3A_134 = arith.constant 0 : i32
      %dma_start3A_135 = tpu.memref_slice %arg2[%dma_start3A_133, %dma_start3A_134] : memref<10000x64xf32, #tpu.memory_space<hbm>> -> memref<10000x64xf32, #tpu.memory_space<hbm>>
      tpu.enqueue_indirect_dma source(%dma_start3A_135 : memref<10000x64xf32, #tpu.memory_space<hbm>>) target(%dma_start3A_129 : memref<125x64xf32, #tpu.memory_space<vmem>>) offsets(%dma_start3A_132 : memref<125xi32, #tpu.memory_space<vmem>>) semaphore(%arg22 : memref<!tpu.dma_semaphore, #tpu.memory_space<semaphore_mem>>)
      %dma_wait3A_136 = arith.constant 5 : i32
      %dma_wait3A_137 = arith.constant 625 : i32
      %dma_wait3A_138 = arith.constant 0 : i32
      %dma_wait3A_139 = tpu.memref_slice %arg20[%dma_wait3A_137, %dma_wait3A_138] : memref<1000x64xf32, #tpu.memory_space<vmem>> -> memref<125x64xf32, #tpu.memory_space<vmem>>
      %dma_wait3A_140 = arith.constant 0 : i32
      %dma_wait3A_141 = tpu.memref_slice %arg17[%dma_wait3A_136, %dma_wait3A_140] : memref<8x125xi32, #tpu.memory_space<vmem>> -> memref<1x125xi32, #tpu.memory_space<vmem>>
      %dma_wait3A_142 = tpu.memref_squeeze %dma_wait3A_141 : memref<1x125xi32, #tpu.memory_space<vmem>> -> memref<125xi32, #tpu.memory_space<vmem>>
      %dma_wait3A_143 = arith.constant 0 : i32
      %dma_wait3A_144 = arith.constant 0 : i32
      %dma_wait3A_145 = tpu.memref_slice %arg2[%dma_wait3A_143, %dma_wait3A_144] : memref<10000x64xf32, #tpu.memory_space<hbm>> -> memref<10000x64xf32, #tpu.memory_space<hbm>>
      tpu.wait_indirect_dma semaphore(%arg22 : memref<!tpu.dma_semaphore, #tpu.memory_space<semaphore_mem>>) src(%dma_wait3A_145 : memref<10000x64xf32, #tpu.memory_space<hbm>>) dst(%dma_wait3A_139 : memref<125x64xf32, #tpu.memory_space<vmem>>)
      %dma_start3A_146 = arith.constant 6 : i32
      %dma_start3A_147 = arith.constant 750 : i32
      %dma_start3A_148 = arith.constant 0 : i32
      %dma_start3A_149 = tpu.memref_slice %arg20[%dma_start3A_147, %dma_start3A_148] : memref<1000x64xf32, #tpu.memory_space<vmem>> -> memref<125x64xf32, #tpu.memory_space<vmem>>
      %dma_start3A_150 = arith.constant 0 : i32
      %dma_start3A_151 = tpu.memref_slice %arg17[%dma_start3A_146, %dma_start3A_150] : memref<8x125xi32, #tpu.memory_space<vmem>> -> memref<1x125xi32, #tpu.memory_space<vmem>>
      %dma_start3A_152 = tpu.memref_squeeze %dma_start3A_151 : memref<1x125xi32, #tpu.memory_space<vmem>> -> memref<125xi32, #tpu.memory_space<vmem>>
      %dma_start3A_153 = arith.constant 0 : i32
      %dma_start3A_154 = arith.constant 0 : i32
      %dma_start3A_155 = tpu.memref_slice %arg2[%dma_start3A_153, %dma_start3A_154] : memref<10000x64xf32, #tpu.memory_space<hbm>> -> memref<10000x64xf32, #tpu.memory_space<hbm>>
      tpu.enqueue_indirect_dma source(%dma_start3A_155 : memref<10000x64xf32, #tpu.memory_space<hbm>>) target(%dma_start3A_149 : memref<125x64xf32, #tpu.memory_space<vmem>>) offsets(%dma_start3A_152 : memref<125xi32, #tpu.memory_space<vmem>>) semaphore(%arg22 : memref<!tpu.dma_semaphore, #tpu.memory_space<semaphore_mem>>)
      %dma_wait3A_156 = arith.constant 6 : i32
      %dma_wait3A_157 = arith.constant 750 : i32
      %dma_wait3A_158 = arith.constant 0 : i32
      %dma_wait3A_159 = tpu.memref_slice %arg20[%dma_wait3A_157, %dma_wait3A_158] : memref<1000x64xf32, #tpu.memory_space<vmem>> -> memref<125x64xf32, #tpu.memory_space<vmem>>
      %dma_wait3A_160 = arith.constant 0 : i32
      %dma_wait3A_161 = tpu.memref_slice %arg17[%dma_wait3A_156, %dma_wait3A_160] : memref<8x125xi32, #tpu.memory_space<vmem>> -> memref<1x125xi32, #tpu.memory_space<vmem>>
      %dma_wait3A_162 = tpu.memref_squeeze %dma_wait3A_161 : memref<1x125xi32, #tpu.memory_space<vmem>> -> memref<125xi32, #tpu.memory_space<vmem>>
      %dma_wait3A_163 = arith.constant 0 : i32
      %dma_wait3A_164 = arith.constant 0 : i32
      %dma_wait3A_165 = tpu.memref_slice %arg2[%dma_wait3A_163, %dma_wait3A_164] : memref<10000x64xf32, #tpu.memory_space<hbm>> -> memref<10000x64xf32, #tpu.memory_space<hbm>>
      tpu.wait_indirect_dma semaphore(%arg22 : memref<!tpu.dma_semaphore, #tpu.memory_space<semaphore_mem>>) src(%dma_wait3A_165 : memref<10000x64xf32, #tpu.memory_space<hbm>>) dst(%dma_wait3A_159 : memref<125x64xf32, #tpu.memory_space<vmem>>)
      %dma_start3A_166 = arith.constant 7 : i32
      %dma_start3A_167 = arith.constant 875 : i32
      %dma_start3A_168 = arith.constant 0 : i32
      %dma_start3A_169 = tpu.memref_slice %arg20[%dma_start3A_167, %dma_start3A_168] : memref<1000x64xf32, #tpu.memory_space<vmem>> -> memref<125x64xf32, #tpu.memory_space<vmem>>
      %dma_start3A_170 = arith.constant 0 : i32
      %dma_start3A_171 = tpu.memref_slice %arg17[%dma_start3A_166, %dma_start3A_170] : memref<8x125xi32, #tpu.memory_space<vmem>> -> memref<1x125xi32, #tpu.memory_space<vmem>>
      %dma_start3A_172 = tpu.memref_squeeze %dma_start3A_171 : memref<1x125xi32, #tpu.memory_space<vmem>> -> memref<125xi32, #tpu.memory_space<vmem>>
      %dma_start3A_173 = arith.constant 0 : i32
      %dma_start3A_174 = arith.constant 0 : i32
      %dma_start3A_175 = tpu.memref_slice %arg2[%dma_start3A_173, %dma_start3A_174] : memref<10000x64xf32, #tpu.memory_space<hbm>> -> memref<10000x64xf32, #tpu.memory_space<hbm>>
      tpu.enqueue_indirect_dma source(%dma_start3A_175 : memref<10000x64xf32, #tpu.memory_space<hbm>>) target(%dma_start3A_169 : memref<125x64xf32, #tpu.memory_space<vmem>>) offsets(%dma_start3A_172 : memref<125xi32, #tpu.memory_space<vmem>>) semaphore(%arg22 : memref<!tpu.dma_semaphore, #tpu.memory_space<semaphore_mem>>)
      %dma_wait3A_176 = arith.constant 7 : i32
      %dma_wait3A_177 = arith.constant 875 : i32
      %dma_wait3A_178 = arith.constant 0 : i32
      %dma_wait3A_179 = tpu.memref_slice %arg20[%dma_wait3A_177, %dma_wait3A_178] : memref<1000x64xf32, #tpu.memory_space<vmem>> -> memref<125x64xf32, #tpu.memory_space<vmem>>
      %dma_wait3A_180 = arith.constant 0 : i32
      %dma_wait3A_181 = tpu.memref_slice %arg17[%dma_wait3A_176, %dma_wait3A_180] : memref<8x125xi32, #tpu.memory_space<vmem>> -> memref<1x125xi32, #tpu.memory_space<vmem>>
      %dma_wait3A_182 = tpu.memref_squeeze %dma_wait3A_181 : memref<1x125xi32, #tpu.memory_space<vmem>> -> memref<125xi32, #tpu.memory_space<vmem>>
      %dma_wait3A_183 = arith.constant 0 : i32
      %dma_wait3A_184 = arith.constant 0 : i32
      %dma_wait3A_185 = tpu.memref_slice %arg2[%dma_wait3A_183, %dma_wait3A_184] : memref<10000x64xf32, #tpu.memory_space<hbm>> -> memref<10000x64xf32, #tpu.memory_space<hbm>>
      tpu.wait_indirect_dma semaphore(%arg22 : memref<!tpu.dma_semaphore, #tpu.memory_space<semaphore_mem>>) src(%dma_wait3A_185 : memref<10000x64xf32, #tpu.memory_space<hbm>>) dst(%dma_wait3A_179 : memref<125x64xf32, #tpu.memory_space<vmem>>)
      "tpu.region"() ({
        %run_scoped3A = tpu.sem_alloc : memref<!tpu.dma_semaphore, #tpu.memory_space<semaphore_mem>>
        %dma_start3A_695 = arith.constant 0 : i32
        %dma_start3A_696 = tpu.memref_slice %arg11[%add3A_11, %dma_start3A_695] : memref<320000x64xf32, #tpu.memory_space<hbm>> -> memref<1000x64xf32, #tpu.memory_space<hbm>>
        %dma_start3A_697 = arith.constant 0 : i32
        %dma_start3A_698 = tpu.memref_slice %arg11[%add3A_11, %dma_start3A_697] : memref<320000x64xf32, #tpu.memory_space<hbm>> -> memref<1000x64xf32, #tpu.memory_space<hbm>>
        tpu.enqueue_dma source(%arg20 : memref<1000x64xf32, #tpu.memory_space<vmem>>) target(%dma_start3A_698 : memref<1000x64xf32, #tpu.memory_space<hbm>>) target_semaphore(%run_scoped3A : memref<!tpu.dma_semaphore, #tpu.memory_space<semaphore_mem>>)
        %dma_wait3A_699 = arith.constant 0 : i32
        %dma_wait3A_700 = tpu.memref_slice %arg11[%add3A_11, %dma_wait3A_699] : memref<320000x64xf32, #tpu.memory_space<hbm>> -> memref<1000x64xf32, #tpu.memory_space<hbm>>
        %dma_wait3A_701 = arith.constant 0 : i32
        %dma_wait3A_702 = tpu.memref_slice %arg11[%add3A_11, %dma_wait3A_701] : memref<320000x64xf32, #tpu.memory_space<hbm>> -> memref<1000x64xf32, #tpu.memory_space<hbm>>
        tpu.wait_dma2 semaphore(%run_scoped3A : memref<!tpu.dma_semaphore, #tpu.memory_space<semaphore_mem>>) src(%arg20 : memref<1000x64xf32, #tpu.memory_space<vmem>>) dst(%dma_wait3A_702 : memref<1000x64xf32, #tpu.memory_space<hbm>>)
        tpu.yield
      }) : () -> ()
      %dma_start3A_186 = arith.constant 0 : i32
      %dma_start3A_187 = arith.constant 0 : i32
      %dma_start3A_188 = arith.constant 0 : i32
      %dma_start3A_189 = tpu.memref_slice %arg20[%dma_start3A_187, %dma_start3A_188] : memref<1000x64xf32, #tpu.memory_space<vmem>> -> memref<125x64xf32, #tpu.memory_space<vmem>>
      %dma_start3A_190 = arith.constant 0 : i32
      %dma_start3A_191 = tpu.memref_slice %arg18[%dma_start3A_186, %dma_start3A_190] : memref<8x125xi32, #tpu.memory_space<vmem>> -> memref<1x125xi32, #tpu.memory_space<vmem>>
      %dma_start3A_192 = tpu.memref_squeeze %dma_start3A_191 : memref<1x125xi32, #tpu.memory_space<vmem>> -> memref<125xi32, #tpu.memory_space<vmem>>
      %dma_start3A_193 = arith.constant 0 : i32
      %dma_start3A_194 = arith.constant 0 : i32
      %dma_start3A_195 = tpu.memref_slice %arg3[%dma_start3A_193, %dma_start3A_194] : memref<10000x64xf32, #tpu.memory_space<hbm>> -> memref<10000x64xf32, #tpu.memory_space<hbm>>
      tpu.enqueue_indirect_dma source(%dma_start3A_195 : memref<10000x64xf32, #tpu.memory_space<hbm>>) target(%dma_start3A_189 : memref<125x64xf32, #tpu.memory_space<vmem>>) offsets(%dma_start3A_192 : memref<125xi32, #tpu.memory_space<vmem>>) semaphore(%arg22 : memref<!tpu.dma_semaphore, #tpu.memory_space<semaphore_mem>>)
      %dma_wait3A_196 = arith.constant 0 : i32
      %dma_wait3A_197 = arith.constant 0 : i32
      %dma_wait3A_198 = arith.constant 0 : i32
      %dma_wait3A_199 = tpu.memref_slice %arg20[%dma_wait3A_197, %dma_wait3A_198] : memref<1000x64xf32, #tpu.memory_space<vmem>> -> memref<125x64xf32, #tpu.memory_space<vmem>>
      %dma_wait3A_200 = arith.constant 0 : i32
      %dma_wait3A_201 = tpu.memref_slice %arg18[%dma_wait3A_196, %dma_wait3A_200] : memref<8x125xi32, #tpu.memory_space<vmem>> -> memref<1x125xi32, #tpu.memory_space<vmem>>
      %dma_wait3A_202 = tpu.memref_squeeze %dma_wait3A_201 : memref<1x125xi32, #tpu.memory_space<vmem>> -> memref<125xi32, #tpu.memory_space<vmem>>
      %dma_wait3A_203 = arith.constant 0 : i32
      %dma_wait3A_204 = arith.constant 0 : i32
      %dma_wait3A_205 = tpu.memref_slice %arg3[%dma_wait3A_203, %dma_wait3A_204] : memref<10000x64xf32, #tpu.memory_space<hbm>> -> memref<10000x64xf32, #tpu.memory_space<hbm>>
      tpu.wait_indirect_dma semaphore(%arg22 : memref<!tpu.dma_semaphore, #tpu.memory_space<semaphore_mem>>) src(%dma_wait3A_205 : memref<10000x64xf32, #tpu.memory_space<hbm>>) dst(%dma_wait3A_199 : memref<125x64xf32, #tpu.memory_space<vmem>>)
      %dma_start3A_206 = arith.constant 1 : i32
      %dma_start3A_207 = arith.constant 125 : i32
      %dma_start3A_208 = arith.constant 0 : i32
      %dma_start3A_209 = tpu.memref_slice %arg20[%dma_start3A_207, %dma_start3A_208] : memref<1000x64xf32, #tpu.memory_space<vmem>> -> memref<125x64xf32, #tpu.memory_space<vmem>>
      %dma_start3A_210 = arith.constant 0 : i32
      %dma_start3A_211 = tpu.memref_slice %arg18[%dma_start3A_206, %dma_start3A_210] : memref<8x125xi32, #tpu.memory_space<vmem>> -> memref<1x125xi32, #tpu.memory_space<vmem>>
      %dma_start3A_212 = tpu.memref_squeeze %dma_start3A_211 : memref<1x125xi32, #tpu.memory_space<vmem>> -> memref<125xi32, #tpu.memory_space<vmem>>
      %dma_start3A_213 = arith.constant 0 : i32
      %dma_start3A_214 = arith.constant 0 : i32
      %dma_start3A_215 = tpu.memref_slice %arg3[%dma_start3A_213, %dma_start3A_214] : memref<10000x64xf32, #tpu.memory_space<hbm>> -> memref<10000x64xf32, #tpu.memory_space<hbm>>
      tpu.enqueue_indirect_dma source(%dma_start3A_215 : memref<10000x64xf32, #tpu.memory_space<hbm>>) target(%dma_start3A_209 : memref<125x64xf32, #tpu.memory_space<vmem>>) offsets(%dma_start3A_212 : memref<125xi32, #tpu.memory_space<vmem>>) semaphore(%arg22 : memref<!tpu.dma_semaphore, #tpu.memory_space<semaphore_mem>>)
      %dma_wait3A_216 = arith.constant 1 : i32
      %dma_wait3A_217 = arith.constant 125 : i32
      %dma_wait3A_218 = arith.constant 0 : i32
      %dma_wait3A_219 = tpu.memref_slice %arg20[%dma_wait3A_217, %dma_wait3A_218] : memref<1000x64xf32, #tpu.memory_space<vmem>> -> memref<125x64xf32, #tpu.memory_space<vmem>>
      %dma_wait3A_220 = arith.constant 0 : i32
      %dma_wait3A_221 = tpu.memref_slice %arg18[%dma_wait3A_216, %dma_wait3A_220] : memref<8x125xi32, #tpu.memory_space<vmem>> -> memref<1x125xi32, #tpu.memory_space<vmem>>
      %dma_wait3A_222 = tpu.memref_squeeze %dma_wait3A_221 : memref<1x125xi32, #tpu.memory_space<vmem>> -> memref<125xi32, #tpu.memory_space<vmem>>
      %dma_wait3A_223 = arith.constant 0 : i32
      %dma_wait3A_224 = arith.constant 0 : i32
      %dma_wait3A_225 = tpu.memref_slice %arg3[%dma_wait3A_223, %dma_wait3A_224] : memref<10000x64xf32, #tpu.memory_space<hbm>> -> memref<10000x64xf32, #tpu.memory_space<hbm>>
      tpu.wait_indirect_dma semaphore(%arg22 : memref<!tpu.dma_semaphore, #tpu.memory_space<semaphore_mem>>) src(%dma_wait3A_225 : memref<10000x64xf32, #tpu.memory_space<hbm>>) dst(%dma_wait3A_219 : memref<125x64xf32, #tpu.memory_space<vmem>>)
      %dma_start3A_226 = arith.constant 2 : i32
      %dma_start3A_227 = arith.constant 250 : i32
      %dma_start3A_228 = arith.constant 0 : i32
      %dma_start3A_229 = tpu.memref_slice %arg20[%dma_start3A_227, %dma_start3A_228] : memref<1000x64xf32, #tpu.memory_space<vmem>> -> memref<125x64xf32, #tpu.memory_space<vmem>>
      %dma_start3A_230 = arith.constant 0 : i32
      %dma_start3A_231 = tpu.memref_slice %arg18[%dma_start3A_226, %dma_start3A_230] : memref<8x125xi32, #tpu.memory_space<vmem>> -> memref<1x125xi32, #tpu.memory_space<vmem>>
      %dma_start3A_232 = tpu.memref_squeeze %dma_start3A_231 : memref<1x125xi32, #tpu.memory_space<vmem>> -> memref<125xi32, #tpu.memory_space<vmem>>
      %dma_start3A_233 = arith.constant 0 : i32
      %dma_start3A_234 = arith.constant 0 : i32
      %dma_start3A_235 = tpu.memref_slice %arg3[%dma_start3A_233, %dma_start3A_234] : memref<10000x64xf32, #tpu.memory_space<hbm>> -> memref<10000x64xf32, #tpu.memory_space<hbm>>
      tpu.enqueue_indirect_dma source(%dma_start3A_235 : memref<10000x64xf32, #tpu.memory_space<hbm>>) target(%dma_start3A_229 : memref<125x64xf32, #tpu.memory_space<vmem>>) offsets(%dma_start3A_232 : memref<125xi32, #tpu.memory_space<vmem>>) semaphore(%arg22 : memref<!tpu.dma_semaphore, #tpu.memory_space<semaphore_mem>>)
      %dma_wait3A_236 = arith.constant 2 : i32
      %dma_wait3A_237 = arith.constant 250 : i32
      %dma_wait3A_238 = arith.constant 0 : i32
      %dma_wait3A_239 = tpu.memref_slice %arg20[%dma_wait3A_237, %dma_wait3A_238] : memref<1000x64xf32, #tpu.memory_space<vmem>> -> memref<125x64xf32, #tpu.memory_space<vmem>>
      %dma_wait3A_240 = arith.constant 0 : i32
      %dma_wait3A_241 = tpu.memref_slice %arg18[%dma_wait3A_236, %dma_wait3A_240] : memref<8x125xi32, #tpu.memory_space<vmem>> -> memref<1x125xi32, #tpu.memory_space<vmem>>
      %dma_wait3A_242 = tpu.memref_squeeze %dma_wait3A_241 : memref<1x125xi32, #tpu.memory_space<vmem>> -> memref<125xi32, #tpu.memory_space<vmem>>
      %dma_wait3A_243 = arith.constant 0 : i32
      %dma_wait3A_244 = arith.constant 0 : i32
      %dma_wait3A_245 = tpu.memref_slice %arg3[%dma_wait3A_243, %dma_wait3A_244] : memref<10000x64xf32, #tpu.memory_space<hbm>> -> memref<10000x64xf32, #tpu.memory_space<hbm>>
      tpu.wait_indirect_dma semaphore(%arg22 : memref<!tpu.dma_semaphore, #tpu.memory_space<semaphore_mem>>) src(%dma_wait3A_245 : memref<10000x64xf32, #tpu.memory_space<hbm>>) dst(%dma_wait3A_239 : memref<125x64xf32, #tpu.memory_space<vmem>>)
      %dma_start3A_246 = arith.constant 3 : i32
      %dma_start3A_247 = arith.constant 375 : i32
      %dma_start3A_248 = arith.constant 0 : i32
      %dma_start3A_249 = tpu.memref_slice %arg20[%dma_start3A_247, %dma_start3A_248] : memref<1000x64xf32, #tpu.memory_space<vmem>> -> memref<125x64xf32, #tpu.memory_space<vmem>>
      %dma_start3A_250 = arith.constant 0 : i32
      %dma_start3A_251 = tpu.memref_slice %arg18[%dma_start3A_246, %dma_start3A_250] : memref<8x125xi32, #tpu.memory_space<vmem>> -> memref<1x125xi32, #tpu.memory_space<vmem>>
      %dma_start3A_252 = tpu.memref_squeeze %dma_start3A_251 : memref<1x125xi32, #tpu.memory_space<vmem>> -> memref<125xi32, #tpu.memory_space<vmem>>
      %dma_start3A_253 = arith.constant 0 : i32
      %dma_start3A_254 = arith.constant 0 : i32
      %dma_start3A_255 = tpu.memref_slice %arg3[%dma_start3A_253, %dma_start3A_254] : memref<10000x64xf32, #tpu.memory_space<hbm>> -> memref<10000x64xf32, #tpu.memory_space<hbm>>
      tpu.enqueue_indirect_dma source(%dma_start3A_255 : memref<10000x64xf32, #tpu.memory_space<hbm>>) target(%dma_start3A_249 : memref<125x64xf32, #tpu.memory_space<vmem>>) offsets(%dma_start3A_252 : memref<125xi32, #tpu.memory_space<vmem>>) semaphore(%arg22 : memref<!tpu.dma_semaphore, #tpu.memory_space<semaphore_mem>>)
      %dma_wait3A_256 = arith.constant 3 : i32
      %dma_wait3A_257 = arith.constant 375 : i32
      %dma_wait3A_258 = arith.constant 0 : i32
      %dma_wait3A_259 = tpu.memref_slice %arg20[%dma_wait3A_257, %dma_wait3A_258] : memref<1000x64xf32, #tpu.memory_space<vmem>> -> memref<125x64xf32, #tpu.memory_space<vmem>>
      %dma_wait3A_260 = arith.constant 0 : i32
      %dma_wait3A_261 = tpu.memref_slice %arg18[%dma_wait3A_256, %dma_wait3A_260] : memref<8x125xi32, #tpu.memory_space<vmem>> -> memref<1x125xi32, #tpu.memory_space<vmem>>
      %dma_wait3A_262 = tpu.memref_squeeze %dma_wait3A_261 : memref<1x125xi32, #tpu.memory_space<vmem>> -> memref<125xi32, #tpu.memory_space<vmem>>
      %dma_wait3A_263 = arith.constant 0 : i32
      %dma_wait3A_264 = arith.constant 0 : i32
      %dma_wait3A_265 = tpu.memref_slice %arg3[%dma_wait3A_263, %dma_wait3A_264] : memref<10000x64xf32, #tpu.memory_space<hbm>> -> memref<10000x64xf32, #tpu.memory_space<hbm>>
      tpu.wait_indirect_dma semaphore(%arg22 : memref<!tpu.dma_semaphore, #tpu.memory_space<semaphore_mem>>) src(%dma_wait3A_265 : memref<10000x64xf32, #tpu.memory_space<hbm>>) dst(%dma_wait3A_259 : memref<125x64xf32, #tpu.memory_space<vmem>>)
      %dma_start3A_266 = arith.constant 4 : i32
      %dma_start3A_267 = arith.constant 500 : i32
      %dma_start3A_268 = arith.constant 0 : i32
      %dma_start3A_269 = tpu.memref_slice %arg20[%dma_start3A_267, %dma_start3A_268] : memref<1000x64xf32, #tpu.memory_space<vmem>> -> memref<125x64xf32, #tpu.memory_space<vmem>>
      %dma_start3A_270 = arith.constant 0 : i32
      %dma_start3A_271 = tpu.memref_slice %arg18[%dma_start3A_266, %dma_start3A_270] : memref<8x125xi32, #tpu.memory_space<vmem>> -> memref<1x125xi32, #tpu.memory_space<vmem>>
      %dma_start3A_272 = tpu.memref_squeeze %dma_start3A_271 : memref<1x125xi32, #tpu.memory_space<vmem>> -> memref<125xi32, #tpu.memory_space<vmem>>
      %dma_start3A_273 = arith.constant 0 : i32
      %dma_start3A_274 = arith.constant 0 : i32
      %dma_start3A_275 = tpu.memref_slice %arg3[%dma_start3A_273, %dma_start3A_274] : memref<10000x64xf32, #tpu.memory_space<hbm>> -> memref<10000x64xf32, #tpu.memory_space<hbm>>
      tpu.enqueue_indirect_dma source(%dma_start3A_275 : memref<10000x64xf32, #tpu.memory_space<hbm>>) target(%dma_start3A_269 : memref<125x64xf32, #tpu.memory_space<vmem>>) offsets(%dma_start3A_272 : memref<125xi32, #tpu.memory_space<vmem>>) semaphore(%arg22 : memref<!tpu.dma_semaphore, #tpu.memory_space<semaphore_mem>>)
      %dma_wait3A_276 = arith.constant 4 : i32
      %dma_wait3A_277 = arith.constant 500 : i32
      %dma_wait3A_278 = arith.constant 0 : i32
      %dma_wait3A_279 = tpu.memref_slice %arg20[%dma_wait3A_277, %dma_wait3A_278] : memref<1000x64xf32, #tpu.memory_space<vmem>> -> memref<125x64xf32, #tpu.memory_space<vmem>>
      %dma_wait3A_280 = arith.constant 0 : i32
      %dma_wait3A_281 = tpu.memref_slice %arg18[%dma_wait3A_276, %dma_wait3A_280] : memref<8x125xi32, #tpu.memory_space<vmem>> -> memref<1x125xi32, #tpu.memory_space<vmem>>
      %dma_wait3A_282 = tpu.memref_squeeze %dma_wait3A_281 : memref<1x125xi32, #tpu.memory_space<vmem>> -> memref<125xi32, #tpu.memory_space<vmem>>
      %dma_wait3A_283 = arith.constant 0 : i32
      %dma_wait3A_284 = arith.constant 0 : i32
      %dma_wait3A_285 = tpu.memref_slice %arg3[%dma_wait3A_283, %dma_wait3A_284] : memref<10000x64xf32, #tpu.memory_space<hbm>> -> memref<10000x64xf32, #tpu.memory_space<hbm>>
      tpu.wait_indirect_dma semaphore(%arg22 : memref<!tpu.dma_semaphore, #tpu.memory_space<semaphore_mem>>) src(%dma_wait3A_285 : memref<10000x64xf32, #tpu.memory_space<hbm>>) dst(%dma_wait3A_279 : memref<125x64xf32, #tpu.memory_space<vmem>>)
      %dma_start3A_286 = arith.constant 5 : i32
      %dma_start3A_287 = arith.constant 625 : i32
      %dma_start3A_288 = arith.constant 0 : i32
      %dma_start3A_289 = tpu.memref_slice %arg20[%dma_start3A_287, %dma_start3A_288] : memref<1000x64xf32, #tpu.memory_space<vmem>> -> memref<125x64xf32, #tpu.memory_space<vmem>>
      %dma_start3A_290 = arith.constant 0 : i32
      %dma_start3A_291 = tpu.memref_slice %arg18[%dma_start3A_286, %dma_start3A_290] : memref<8x125xi32, #tpu.memory_space<vmem>> -> memref<1x125xi32, #tpu.memory_space<vmem>>
      %dma_start3A_292 = tpu.memref_squeeze %dma_start3A_291 : memref<1x125xi32, #tpu.memory_space<vmem>> -> memref<125xi32, #tpu.memory_space<vmem>>
      %dma_start3A_293 = arith.constant 0 : i32
      %dma_start3A_294 = arith.constant 0 : i32
      %dma_start3A_295 = tpu.memref_slice %arg3[%dma_start3A_293, %dma_start3A_294] : memref<10000x64xf32, #tpu.memory_space<hbm>> -> memref<10000x64xf32, #tpu.memory_space<hbm>>
      tpu.enqueue_indirect_dma source(%dma_start3A_295 : memref<10000x64xf32, #tpu.memory_space<hbm>>) target(%dma_start3A_289 : memref<125x64xf32, #tpu.memory_space<vmem>>) offsets(%dma_start3A_292 : memref<125xi32, #tpu.memory_space<vmem>>) semaphore(%arg22 : memref<!tpu.dma_semaphore, #tpu.memory_space<semaphore_mem>>)
      %dma_wait3A_296 = arith.constant 5 : i32
      %dma_wait3A_297 = arith.constant 625 : i32
      %dma_wait3A_298 = arith.constant 0 : i32
      %dma_wait3A_299 = tpu.memref_slice %arg20[%dma_wait3A_297, %dma_wait3A_298] : memref<1000x64xf32, #tpu.memory_space<vmem>> -> memref<125x64xf32, #tpu.memory_space<vmem>>
      %dma_wait3A_300 = arith.constant 0 : i32
      %dma_wait3A_301 = tpu.memref_slice %arg18[%dma_wait3A_296, %dma_wait3A_300] : memref<8x125xi32, #tpu.memory_space<vmem>> -> memref<1x125xi32, #tpu.memory_space<vmem>>
      %dma_wait3A_302 = tpu.memref_squeeze %dma_wait3A_301 : memref<1x125xi32, #tpu.memory_space<vmem>> -> memref<125xi32, #tpu.memory_space<vmem>>
      %dma_wait3A_303 = arith.constant 0 : i32
      %dma_wait3A_304 = arith.constant 0 : i32
      %dma_wait3A_305 = tpu.memref_slice %arg3[%dma_wait3A_303, %dma_wait3A_304] : memref<10000x64xf32, #tpu.memory_space<hbm>> -> memref<10000x64xf32, #tpu.memory_space<hbm>>
      tpu.wait_indirect_dma semaphore(%arg22 : memref<!tpu.dma_semaphore, #tpu.memory_space<semaphore_mem>>) src(%dma_wait3A_305 : memref<10000x64xf32, #tpu.memory_space<hbm>>) dst(%dma_wait3A_299 : memref<125x64xf32, #tpu.memory_space<vmem>>)
      %dma_start3A_306 = arith.constant 6 : i32
      %dma_start3A_307 = arith.constant 750 : i32
      %dma_start3A_308 = arith.constant 0 : i32
      %dma_start3A_309 = tpu.memref_slice %arg20[%dma_start3A_307, %dma_start3A_308] : memref<1000x64xf32, #tpu.memory_space<vmem>> -> memref<125x64xf32, #tpu.memory_space<vmem>>
      %dma_start3A_310 = arith.constant 0 : i32
      %dma_start3A_311 = tpu.memref_slice %arg18[%dma_start3A_306, %dma_start3A_310] : memref<8x125xi32, #tpu.memory_space<vmem>> -> memref<1x125xi32, #tpu.memory_space<vmem>>
      %dma_start3A_312 = tpu.memref_squeeze %dma_start3A_311 : memref<1x125xi32, #tpu.memory_space<vmem>> -> memref<125xi32, #tpu.memory_space<vmem>>
      %dma_start3A_313 = arith.constant 0 : i32
      %dma_start3A_314 = arith.constant 0 : i32
      %dma_start3A_315 = tpu.memref_slice %arg3[%dma_start3A_313, %dma_start3A_314] : memref<10000x64xf32, #tpu.memory_space<hbm>> -> memref<10000x64xf32, #tpu.memory_space<hbm>>
      tpu.enqueue_indirect_dma source(%dma_start3A_315 : memref<10000x64xf32, #tpu.memory_space<hbm>>) target(%dma_start3A_309 : memref<125x64xf32, #tpu.memory_space<vmem>>) offsets(%dma_start3A_312 : memref<125xi32, #tpu.memory_space<vmem>>) semaphore(%arg22 : memref<!tpu.dma_semaphore, #tpu.memory_space<semaphore_mem>>)
      %dma_wait3A_316 = arith.constant 6 : i32
      %dma_wait3A_317 = arith.constant 750 : i32
      %dma_wait3A_318 = arith.constant 0 : i32
      %dma_wait3A_319 = tpu.memref_slice %arg20[%dma_wait3A_317, %dma_wait3A_318] : memref<1000x64xf32, #tpu.memory_space<vmem>> -> memref<125x64xf32, #tpu.memory_space<vmem>>
      %dma_wait3A_320 = arith.constant 0 : i32
      %dma_wait3A_321 = tpu.memref_slice %arg18[%dma_wait3A_316, %dma_wait3A_320] : memref<8x125xi32, #tpu.memory_space<vmem>> -> memref<1x125xi32, #tpu.memory_space<vmem>>
      %dma_wait3A_322 = tpu.memref_squeeze %dma_wait3A_321 : memref<1x125xi32, #tpu.memory_space<vmem>> -> memref<125xi32, #tpu.memory_space<vmem>>
      %dma_wait3A_323 = arith.constant 0 : i32
      %dma_wait3A_324 = arith.constant 0 : i32
      %dma_wait3A_325 = tpu.memref_slice %arg3[%dma_wait3A_323, %dma_wait3A_324] : memref<10000x64xf32, #tpu.memory_space<hbm>> -> memref<10000x64xf32, #tpu.memory_space<hbm>>
      tpu.wait_indirect_dma semaphore(%arg22 : memref<!tpu.dma_semaphore, #tpu.memory_space<semaphore_mem>>) src(%dma_wait3A_325 : memref<10000x64xf32, #tpu.memory_space<hbm>>) dst(%dma_wait3A_319 : memref<125x64xf32, #tpu.memory_space<vmem>>)
      %dma_start3A_326 = arith.constant 7 : i32
      %dma_start3A_327 = arith.constant 875 : i32
      %dma_start3A_328 = arith.constant 0 : i32
      %dma_start3A_329 = tpu.memref_slice %arg20[%dma_start3A_327, %dma_start3A_328] : memref<1000x64xf32, #tpu.memory_space<vmem>> -> memref<125x64xf32, #tpu.memory_space<vmem>>
      %dma_start3A_330 = arith.constant 0 : i32
      %dma_start3A_331 = tpu.memref_slice %arg18[%dma_start3A_326, %dma_start3A_330] : memref<8x125xi32, #tpu.memory_space<vmem>> -> memref<1x125xi32, #tpu.memory_space<vmem>>
      %dma_start3A_332 = tpu.memref_squeeze %dma_start3A_331 : memref<1x125xi32, #tpu.memory_space<vmem>> -> memref<125xi32, #tpu.memory_space<vmem>>
      %dma_start3A_333 = arith.constant 0 : i32
      %dma_start3A_334 = arith.constant 0 : i32
      %dma_start3A_335 = tpu.memref_slice %arg3[%dma_start3A_333, %dma_start3A_334] : memref<10000x64xf32, #tpu.memory_space<hbm>> -> memref<10000x64xf32, #tpu.memory_space<hbm>>
      tpu.enqueue_indirect_dma source(%dma_start3A_335 : memref<10000x64xf32, #tpu.memory_space<hbm>>) target(%dma_start3A_329 : memref<125x64xf32, #tpu.memory_space<vmem>>) offsets(%dma_start3A_332 : memref<125xi32, #tpu.memory_space<vmem>>) semaphore(%arg22 : memref<!tpu.dma_semaphore, #tpu.memory_space<semaphore_mem>>)
      %dma_wait3A_336 = arith.constant 7 : i32
      %dma_wait3A_337 = arith.constant 875 : i32
      %dma_wait3A_338 = arith.constant 0 : i32
      %dma_wait3A_339 = tpu.memref_slice %arg20[%dma_wait3A_337, %dma_wait3A_338] : memref<1000x64xf32, #tpu.memory_space<vmem>> -> memref<125x64xf32, #tpu.memory_space<vmem>>
      %dma_wait3A_340 = arith.constant 0 : i32
      %dma_wait3A_341 = tpu.memref_slice %arg18[%dma_wait3A_336, %dma_wait3A_340] : memref<8x125xi32, #tpu.memory_space<vmem>> -> memref<1x125xi32, #tpu.memory_space<vmem>>
      %dma_wait3A_342 = tpu.memref_squeeze %dma_wait3A_341 : memref<1x125xi32, #tpu.memory_space<vmem>> -> memref<125xi32, #tpu.memory_space<vmem>>
      %dma_wait3A_343 = arith.constant 0 : i32
      %dma_wait3A_344 = arith.constant 0 : i32
      %dma_wait3A_345 = tpu.memref_slice %arg3[%dma_wait3A_343, %dma_wait3A_344] : memref<10000x64xf32, #tpu.memory_space<hbm>> -> memref<10000x64xf32, #tpu.memory_space<hbm>>
      tpu.wait_indirect_dma semaphore(%arg22 : memref<!tpu.dma_semaphore, #tpu.memory_space<semaphore_mem>>) src(%dma_wait3A_345 : memref<10000x64xf32, #tpu.memory_space<hbm>>) dst(%dma_wait3A_339 : memref<125x64xf32, #tpu.memory_space<vmem>>)
      "tpu.region"() ({
        %run_scoped3A = tpu.sem_alloc : memref<!tpu.dma_semaphore, #tpu.memory_space<semaphore_mem>>
        %dma_start3A_695 = arith.constant 0 : i32
        %dma_start3A_696 = tpu.memref_slice %arg12[%add3A_11, %dma_start3A_695] : memref<320000x64xf32, #tpu.memory_space<hbm>> -> memref<1000x64xf32, #tpu.memory_space<hbm>>
        %dma_start3A_697 = arith.constant 0 : i32
        %dma_start3A_698 = tpu.memref_slice %arg12[%add3A_11, %dma_start3A_697] : memref<320000x64xf32, #tpu.memory_space<hbm>> -> memref<1000x64xf32, #tpu.memory_space<hbm>>
        tpu.enqueue_dma source(%arg20 : memref<1000x64xf32, #tpu.memory_space<vmem>>) target(%dma_start3A_698 : memref<1000x64xf32, #tpu.memory_space<hbm>>) target_semaphore(%run_scoped3A : memref<!tpu.dma_semaphore, #tpu.memory_space<semaphore_mem>>)
        %dma_wait3A_699 = arith.constant 0 : i32
        %dma_wait3A_700 = tpu.memref_slice %arg12[%add3A_11, %dma_wait3A_699] : memref<320000x64xf32, #tpu.memory_space<hbm>> -> memref<1000x64xf32, #tpu.memory_space<hbm>>
        %dma_wait3A_701 = arith.constant 0 : i32
        %dma_wait3A_702 = tpu.memref_slice %arg12[%add3A_11, %dma_wait3A_701] : memref<320000x64xf32, #tpu.memory_space<hbm>> -> memref<1000x64xf32, #tpu.memory_space<hbm>>
        tpu.wait_dma2 semaphore(%run_scoped3A : memref<!tpu.dma_semaphore, #tpu.memory_space<semaphore_mem>>) src(%arg20 : memref<1000x64xf32, #tpu.memory_space<vmem>>) dst(%dma_wait3A_702 : memref<1000x64xf32, #tpu.memory_space<hbm>>)
        tpu.yield
      }) : () -> ()
      %mul3A_346 = arith.constant 5000 : i32
      %mul3A_347 = arith.muli %add3A, %mul3A_346 : i32
      %mul3A_348 = arith.constant 500 : i32
      %mul3A_349 = arith.muli %scan3A_6, %mul3A_348 : i32
      %add3A_350 = arith.addi %mul3A_347, %mul3A_349 : i32
      %jit3A_351 = arith.constant 125 : i32
      %div3A_352 = arith.divsi %add3A_350, %jit3A_351 : i32
      %sign3A_353 = arith.constant 0 : i32
      %sign3A_354 = arith.cmpi sgt, %add3A_350, %sign3A_353 : i32
      %sign3A_355 = arith.extui %sign3A_354 : i1 to i32
      %sign3A_356 = arith.constant 0 : i32
      %sign3A_357 = arith.cmpi slt, %add3A_350, %sign3A_356 : i32
      %sign3A_358 = arith.extui %sign3A_357 : i1 to i32
      %sign3A_359 = arith.subi %sign3A_355, %sign3A_358 : i32
      %sign3A_360 = arith.constant 0 : i32
      %sign3A_361 = arith.cmpi sgt, %jit3A_351, %sign3A_360 : i32
      %sign3A_362 = arith.extui %sign3A_361 : i1 to i32
      %sign3A_363 = arith.constant 0 : i32
      %sign3A_364 = arith.cmpi slt, %jit3A_351, %sign3A_363 : i32
      %sign3A_365 = arith.extui %sign3A_364 : i1 to i32
      %sign3A_366 = arith.subi %sign3A_362, %sign3A_365 : i32
      %ne3A_367 = arith.cmpi ne, %sign3A_359, %sign3A_366 : i32
      %rem3A_368 = arith.remsi %add3A_350, %jit3A_351 : i32
      %ne3A_369 = arith.constant 0 : i32
      %ne3A_370 = arith.cmpi ne, %rem3A_368, %ne3A_369 : i32
      %and3A_371 = arith.andi %ne3A_367, %ne3A_370 : i1
      %sub3A_372 = arith.constant 1 : i32
      %sub3A_373 = arith.subi %div3A_352, %sub3A_372 : i32
      %select_n3A_374 = arith.select %and3A_371, %sub3A_373, %div3A_352 : i32
      "tpu.region"() ({
        %run_scoped3A = tpu.sem_alloc : memref<!tpu.dma_semaphore, #tpu.memory_space<semaphore_mem>>
        %dma_start3A_695 = arith.constant 0 : i32
        %dma_start3A_696 = tpu.memref_slice %arg7[%select_n3A_374, %dma_start3A_695] : memref<1280x125xi32, #tpu.memory_space<hbm>> -> memref<4x125xi32, #tpu.memory_space<hbm>>
        %dma_start3A_697 = arith.constant 0 : i32
        %dma_start3A_698 = tpu.memref_slice %arg7[%select_n3A_374, %dma_start3A_697] : memref<1280x125xi32, #tpu.memory_space<hbm>> -> memref<4x125xi32, #tpu.memory_space<hbm>>
        tpu.enqueue_dma source(%dma_start3A_698 : memref<4x125xi32, #tpu.memory_space<hbm>>) target(%arg19 : memref<4x125xi32, #tpu.memory_space<vmem>>) target_semaphore(%run_scoped3A : memref<!tpu.dma_semaphore, #tpu.memory_space<semaphore_mem>>)
        %dma_wait3A_699 = arith.constant 0 : i32
        %dma_wait3A_700 = tpu.memref_slice %arg7[%select_n3A_374, %dma_wait3A_699] : memref<1280x125xi32, #tpu.memory_space<hbm>> -> memref<4x125xi32, #tpu.memory_space<hbm>>
        %dma_wait3A_701 = arith.constant 0 : i32
        %dma_wait3A_702 = tpu.memref_slice %arg7[%select_n3A_374, %dma_wait3A_701] : memref<1280x125xi32, #tpu.memory_space<hbm>> -> memref<4x125xi32, #tpu.memory_space<hbm>>
        tpu.wait_dma2 semaphore(%run_scoped3A : memref<!tpu.dma_semaphore, #tpu.memory_space<semaphore_mem>>) src(%dma_wait3A_702 : memref<4x125xi32, #tpu.memory_space<hbm>>) dst(%arg19 : memref<4x125xi32, #tpu.memory_space<vmem>>)
        tpu.yield
      }) : () -> ()
      %dma_start3A_375 = arith.constant 0 : i32
      %dma_start3A_376 = arith.constant 0 : i32
      %dma_start3A_377 = arith.constant 0 : i32
      %dma_start3A_378 = tpu.memref_slice %arg21[%dma_start3A_376, %dma_start3A_377] : memref<500x8xf32, #tpu.memory_space<vmem>> -> memref<125x8xf32, #tpu.memory_space<vmem>>
      %dma_start3A_379 = arith.constant 0 : i32
      %dma_start3A_380 = tpu.memref_slice %arg19[%dma_start3A_375, %dma_start3A_379] : memref<4x125xi32, #tpu.memory_space<vmem>> -> memref<1x125xi32, #tpu.memory_space<vmem>>
      %dma_start3A_381 = tpu.memref_squeeze %dma_start3A_380 : memref<1x125xi32, #tpu.memory_space<vmem>> -> memref<125xi32, #tpu.memory_space<vmem>>
      %dma_start3A_382 = arith.constant 0 : i32
      %dma_start3A_383 = arith.constant 0 : i32
      %dma_start3A_384 = tpu.memref_slice %arg4[%dma_start3A_382, %dma_start3A_383] : memref<10000x8xf32, #tpu.memory_space<hbm>> -> memref<10000x8xf32, #tpu.memory_space<hbm>>
      tpu.enqueue_indirect_dma source(%dma_start3A_384 : memref<10000x8xf32, #tpu.memory_space<hbm>>) target(%dma_start3A_378 : memref<125x8xf32, #tpu.memory_space<vmem>>) offsets(%dma_start3A_381 : memref<125xi32, #tpu.memory_space<vmem>>) semaphore(%arg22 : memref<!tpu.dma_semaphore, #tpu.memory_space<semaphore_mem>>)
      %dma_wait3A_385 = arith.constant 0 : i32
      %dma_wait3A_386 = arith.constant 0 : i32
      %dma_wait3A_387 = arith.constant 0 : i32
      %dma_wait3A_388 = tpu.memref_slice %arg21[%dma_wait3A_386, %dma_wait3A_387] : memref<500x8xf32, #tpu.memory_space<vmem>> -> memref<125x8xf32, #tpu.memory_space<vmem>>
      %dma_wait3A_389 = arith.constant 0 : i32
      %dma_wait3A_390 = tpu.memref_slice %arg19[%dma_wait3A_385, %dma_wait3A_389] : memref<4x125xi32, #tpu.memory_space<vmem>> -> memref<1x125xi32, #tpu.memory_space<vmem>>
      %dma_wait3A_391 = tpu.memref_squeeze %dma_wait3A_390 : memref<1x125xi32, #tpu.memory_space<vmem>> -> memref<125xi32, #tpu.memory_space<vmem>>
      %dma_wait3A_392 = arith.constant 0 : i32
      %dma_wait3A_393 = arith.constant 0 : i32
      %dma_wait3A_394 = tpu.memref_slice %arg4[%dma_wait3A_392, %dma_wait3A_393] : memref<10000x8xf32, #tpu.memory_space<hbm>> -> memref<10000x8xf32, #tpu.memory_space<hbm>>
      tpu.wait_indirect_dma semaphore(%arg22 : memref<!tpu.dma_semaphore, #tpu.memory_space<semaphore_mem>>) src(%dma_wait3A_394 : memref<10000x8xf32, #tpu.memory_space<hbm>>) dst(%dma_wait3A_388 : memref<125x8xf32, #tpu.memory_space<vmem>>)
      %dma_start3A_395 = arith.constant 1 : i32
      %dma_start3A_396 = arith.constant 125 : i32
      %dma_start3A_397 = arith.constant 0 : i32
      %dma_start3A_398 = tpu.memref_slice %arg21[%dma_start3A_396, %dma_start3A_397] : memref<500x8xf32, #tpu.memory_space<vmem>> -> memref<125x8xf32, #tpu.memory_space<vmem>>
      %dma_start3A_399 = arith.constant 0 : i32
      %dma_start3A_400 = tpu.memref_slice %arg19[%dma_start3A_395, %dma_start3A_399] : memref<4x125xi32, #tpu.memory_space<vmem>> -> memref<1x125xi32, #tpu.memory_space<vmem>>
      %dma_start3A_401 = tpu.memref_squeeze %dma_start3A_400 : memref<1x125xi32, #tpu.memory_space<vmem>> -> memref<125xi32, #tpu.memory_space<vmem>>
      %dma_start3A_402 = arith.constant 0 : i32
      %dma_start3A_403 = arith.constant 0 : i32
      %dma_start3A_404 = tpu.memref_slice %arg4[%dma_start3A_402, %dma_start3A_403] : memref<10000x8xf32, #tpu.memory_space<hbm>> -> memref<10000x8xf32, #tpu.memory_space<hbm>>
      tpu.enqueue_indirect_dma source(%dma_start3A_404 : memref<10000x8xf32, #tpu.memory_space<hbm>>) target(%dma_start3A_398 : memref<125x8xf32, #tpu.memory_space<vmem>>) offsets(%dma_start3A_401 : memref<125xi32, #tpu.memory_space<vmem>>) semaphore(%arg22 : memref<!tpu.dma_semaphore, #tpu.memory_space<semaphore_mem>>)
      %dma_wait3A_405 = arith.constant 1 : i32
      %dma_wait3A_406 = arith.constant 125 : i32
      %dma_wait3A_407 = arith.constant 0 : i32
      %dma_wait3A_408 = tpu.memref_slice %arg21[%dma_wait3A_406, %dma_wait3A_407] : memref<500x8xf32, #tpu.memory_space<vmem>> -> memref<125x8xf32, #tpu.memory_space<vmem>>
      %dma_wait3A_409 = arith.constant 0 : i32
      %dma_wait3A_410 = tpu.memref_slice %arg19[%dma_wait3A_405, %dma_wait3A_409] : memref<4x125xi32, #tpu.memory_space<vmem>> -> memref<1x125xi32, #tpu.memory_space<vmem>>
      %dma_wait3A_411 = tpu.memref_squeeze %dma_wait3A_410 : memref<1x125xi32, #tpu.memory_space<vmem>> -> memref<125xi32, #tpu.memory_space<vmem>>
      %dma_wait3A_412 = arith.constant 0 : i32
      %dma_wait3A_413 = arith.constant 0 : i32
      %dma_wait3A_414 = tpu.memref_slice %arg4[%dma_wait3A_412, %dma_wait3A_413] : memref<10000x8xf32, #tpu.memory_space<hbm>> -> memref<10000x8xf32, #tpu.memory_space<hbm>>
      tpu.wait_indirect_dma semaphore(%arg22 : memref<!tpu.dma_semaphore, #tpu.memory_space<semaphore_mem>>) src(%dma_wait3A_414 : memref<10000x8xf32, #tpu.memory_space<hbm>>) dst(%dma_wait3A_408 : memref<125x8xf32, #tpu.memory_space<vmem>>)
      %dma_start3A_415 = arith.constant 2 : i32
      %dma_start3A_416 = arith.constant 250 : i32
      %dma_start3A_417 = arith.constant 0 : i32
      %dma_start3A_418 = tpu.memref_slice %arg21[%dma_start3A_416, %dma_start3A_417] : memref<500x8xf32, #tpu.memory_space<vmem>> -> memref<125x8xf32, #tpu.memory_space<vmem>>
      %dma_start3A_419 = arith.constant 0 : i32
      %dma_start3A_420 = tpu.memref_slice %arg19[%dma_start3A_415, %dma_start3A_419] : memref<4x125xi32, #tpu.memory_space<vmem>> -> memref<1x125xi32, #tpu.memory_space<vmem>>
      %dma_start3A_421 = tpu.memref_squeeze %dma_start3A_420 : memref<1x125xi32, #tpu.memory_space<vmem>> -> memref<125xi32, #tpu.memory_space<vmem>>
      %dma_start3A_422 = arith.constant 0 : i32
      %dma_start3A_423 = arith.constant 0 : i32
      %dma_start3A_424 = tpu.memref_slice %arg4[%dma_start3A_422, %dma_start3A_423] : memref<10000x8xf32, #tpu.memory_space<hbm>> -> memref<10000x8xf32, #tpu.memory_space<hbm>>
      tpu.enqueue_indirect_dma source(%dma_start3A_424 : memref<10000x8xf32, #tpu.memory_space<hbm>>) target(%dma_start3A_418 : memref<125x8xf32, #tpu.memory_space<vmem>>) offsets(%dma_start3A_421 : memref<125xi32, #tpu.memory_space<vmem>>) semaphore(%arg22 : memref<!tpu.dma_semaphore, #tpu.memory_space<semaphore_mem>>)
      %dma_wait3A_425 = arith.constant 2 : i32
      %dma_wait3A_426 = arith.constant 250 : i32
      %dma_wait3A_427 = arith.constant 0 : i32
      %dma_wait3A_428 = tpu.memref_slice %arg21[%dma_wait3A_426, %dma_wait3A_427] : memref<500x8xf32, #tpu.memory_space<vmem>> -> memref<125x8xf32, #tpu.memory_space<vmem>>
      %dma_wait3A_429 = arith.constant 0 : i32
      %dma_wait3A_430 = tpu.memref_slice %arg19[%dma_wait3A_425, %dma_wait3A_429] : memref<4x125xi32, #tpu.memory_space<vmem>> -> memref<1x125xi32, #tpu.memory_space<vmem>>
      %dma_wait3A_431 = tpu.memref_squeeze %dma_wait3A_430 : memref<1x125xi32, #tpu.memory_space<vmem>> -> memref<125xi32, #tpu.memory_space<vmem>>
      %dma_wait3A_432 = arith.constant 0 : i32
      %dma_wait3A_433 = arith.constant 0 : i32
      %dma_wait3A_434 = tpu.memref_slice %arg4[%dma_wait3A_432, %dma_wait3A_433] : memref<10000x8xf32, #tpu.memory_space<hbm>> -> memref<10000x8xf32, #tpu.memory_space<hbm>>
      tpu.wait_indirect_dma semaphore(%arg22 : memref<!tpu.dma_semaphore, #tpu.memory_space<semaphore_mem>>) src(%dma_wait3A_434 : memref<10000x8xf32, #tpu.memory_space<hbm>>) dst(%dma_wait3A_428 : memref<125x8xf32, #tpu.memory_space<vmem>>)
      %dma_start3A_435 = arith.constant 3 : i32
      %dma_start3A_436 = arith.constant 375 : i32
      %dma_start3A_437 = arith.constant 0 : i32
      %dma_start3A_438 = tpu.memref_slice %arg21[%dma_start3A_436, %dma_start3A_437] : memref<500x8xf32, #tpu.memory_space<vmem>> -> memref<125x8xf32, #tpu.memory_space<vmem>>
      %dma_start3A_439 = arith.constant 0 : i32
      %dma_start3A_440 = tpu.memref_slice %arg19[%dma_start3A_435, %dma_start3A_439] : memref<4x125xi32, #tpu.memory_space<vmem>> -> memref<1x125xi32, #tpu.memory_space<vmem>>
      %dma_start3A_441 = tpu.memref_squeeze %dma_start3A_440 : memref<1x125xi32, #tpu.memory_space<vmem>> -> memref<125xi32, #tpu.memory_space<vmem>>
      %dma_start3A_442 = arith.constant 0 : i32
      %dma_start3A_443 = arith.constant 0 : i32
      %dma_start3A_444 = tpu.memref_slice %arg4[%dma_start3A_442, %dma_start3A_443] : memref<10000x8xf32, #tpu.memory_space<hbm>> -> memref<10000x8xf32, #tpu.memory_space<hbm>>
      tpu.enqueue_indirect_dma source(%dma_start3A_444 : memref<10000x8xf32, #tpu.memory_space<hbm>>) target(%dma_start3A_438 : memref<125x8xf32, #tpu.memory_space<vmem>>) offsets(%dma_start3A_441 : memref<125xi32, #tpu.memory_space<vmem>>) semaphore(%arg22 : memref<!tpu.dma_semaphore, #tpu.memory_space<semaphore_mem>>)
      %dma_wait3A_445 = arith.constant 3 : i32
      %dma_wait3A_446 = arith.constant 375 : i32
      %dma_wait3A_447 = arith.constant 0 : i32
      %dma_wait3A_448 = tpu.memref_slice %arg21[%dma_wait3A_446, %dma_wait3A_447] : memref<500x8xf32, #tpu.memory_space<vmem>> -> memref<125x8xf32, #tpu.memory_space<vmem>>
      %dma_wait3A_449 = arith.constant 0 : i32
      %dma_wait3A_450 = tpu.memref_slice %arg19[%dma_wait3A_445, %dma_wait3A_449] : memref<4x125xi32, #tpu.memory_space<vmem>> -> memref<1x125xi32, #tpu.memory_space<vmem>>
      %dma_wait3A_451 = tpu.memref_squeeze %dma_wait3A_450 : memref<1x125xi32, #tpu.memory_space<vmem>> -> memref<125xi32, #tpu.memory_space<vmem>>
      %dma_wait3A_452 = arith.constant 0 : i32
      %dma_wait3A_453 = arith.constant 0 : i32
      %dma_wait3A_454 = tpu.memref_slice %arg4[%dma_wait3A_452, %dma_wait3A_453] : memref<10000x8xf32, #tpu.memory_space<hbm>> -> memref<10000x8xf32, #tpu.memory_space<hbm>>
      tpu.wait_indirect_dma semaphore(%arg22 : memref<!tpu.dma_semaphore, #tpu.memory_space<semaphore_mem>>) src(%dma_wait3A_454 : memref<10000x8xf32, #tpu.memory_space<hbm>>) dst(%dma_wait3A_448 : memref<125x8xf32, #tpu.memory_space<vmem>>)
      "tpu.region"() ({
        %run_scoped3A = tpu.sem_alloc : memref<!tpu.dma_semaphore, #tpu.memory_space<semaphore_mem>>
        %dma_start3A_695 = arith.constant 0 : i32
        %dma_start3A_696 = tpu.memref_slice %arg13[%add3A_350, %dma_start3A_695] : memref<160000x8xf32, #tpu.memory_space<hbm>> -> memref<500x8xf32, #tpu.memory_space<hbm>>
        %dma_start3A_697 = arith.constant 0 : i32
        %dma_start3A_698 = tpu.memref_slice %arg13[%add3A_350, %dma_start3A_697] : memref<160000x8xf32, #tpu.memory_space<hbm>> -> memref<500x8xf32, #tpu.memory_space<hbm>>
        tpu.enqueue_dma source(%arg21 : memref<500x8xf32, #tpu.memory_space<vmem>>) target(%dma_start3A_698 : memref<500x8xf32, #tpu.memory_space<hbm>>) target_semaphore(%run_scoped3A : memref<!tpu.dma_semaphore, #tpu.memory_space<semaphore_mem>>)
        %dma_wait3A_699 = arith.constant 0 : i32
        %dma_wait3A_700 = tpu.memref_slice %arg13[%add3A_350, %dma_wait3A_699] : memref<160000x8xf32, #tpu.memory_space<hbm>> -> memref<500x8xf32, #tpu.memory_space<hbm>>
        %dma_wait3A_701 = arith.constant 0 : i32
        %dma_wait3A_702 = tpu.memref_slice %arg13[%add3A_350, %dma_wait3A_701] : memref<160000x8xf32, #tpu.memory_space<hbm>> -> memref<500x8xf32, #tpu.memory_space<hbm>>
        tpu.wait_dma2 semaphore(%run_scoped3A : memref<!tpu.dma_semaphore, #tpu.memory_space<semaphore_mem>>) src(%arg21 : memref<500x8xf32, #tpu.memory_space<vmem>>) dst(%dma_wait3A_702 : memref<500x8xf32, #tpu.memory_space<hbm>>)
        tpu.yield
      }) : () -> ()
      "tpu.region"() ({
        %run_scoped3A = tpu.sem_alloc : memref<!tpu.dma_semaphore, #tpu.memory_space<semaphore_mem>>
        %dma_start3A_695 = arith.constant 0 : i32
        %dma_start3A_696 = tpu.memref_slice %arg8[%select_n3A_374, %dma_start3A_695] : memref<1280x125xi32, #tpu.memory_space<hbm>> -> memref<4x125xi32, #tpu.memory_space<hbm>>
        %dma_start3A_697 = arith.constant 0 : i32
        %dma_start3A_698 = tpu.memref_slice %arg8[%select_n3A_374, %dma_start3A_697] : memref<1280x125xi32, #tpu.memory_space<hbm>> -> memref<4x125xi32, #tpu.memory_space<hbm>>
        tpu.enqueue_dma source(%dma_start3A_698 : memref<4x125xi32, #tpu.memory_space<hbm>>) target(%arg19 : memref<4x125xi32, #tpu.memory_space<vmem>>) target_semaphore(%run_scoped3A : memref<!tpu.dma_semaphore, #tpu.memory_space<semaphore_mem>>)
        %dma_wait3A_699 = arith.constant 0 : i32
        %dma_wait3A_700 = tpu.memref_slice %arg8[%select_n3A_374, %dma_wait3A_699] : memref<1280x125xi32, #tpu.memory_space<hbm>> -> memref<4x125xi32, #tpu.memory_space<hbm>>
        %dma_wait3A_701 = arith.constant 0 : i32
        %dma_wait3A_702 = tpu.memref_slice %arg8[%select_n3A_374, %dma_wait3A_701] : memref<1280x125xi32, #tpu.memory_space<hbm>> -> memref<4x125xi32, #tpu.memory_space<hbm>>
        tpu.wait_dma2 semaphore(%run_scoped3A : memref<!tpu.dma_semaphore, #tpu.memory_space<semaphore_mem>>) src(%dma_wait3A_702 : memref<4x125xi32, #tpu.memory_space<hbm>>) dst(%arg19 : memref<4x125xi32, #tpu.memory_space<vmem>>)
        tpu.yield
      }) : () -> ()
      %dma_start3A_455 = arith.constant 0 : i32
      %dma_start3A_456 = arith.constant 0 : i32
      %dma_start3A_457 = arith.constant 0 : i32
      %dma_start3A_458 = tpu.memref_slice %arg21[%dma_start3A_456, %dma_start3A_457] : memref<500x8xf32, #tpu.memory_space<vmem>> -> memref<125x8xf32, #tpu.memory_space<vmem>>
      %dma_start3A_459 = arith.constant 0 : i32
      %dma_start3A_460 = tpu.memref_slice %arg19[%dma_start3A_455, %dma_start3A_459] : memref<4x125xi32, #tpu.memory_space<vmem>> -> memref<1x125xi32, #tpu.memory_space<vmem>>
      %dma_start3A_461 = tpu.memref_squeeze %dma_start3A_460 : memref<1x125xi32, #tpu.memory_space<vmem>> -> memref<125xi32, #tpu.memory_space<vmem>>
      %dma_start3A_462 = arith.constant 0 : i32
      %dma_start3A_463 = arith.constant 0 : i32
      %dma_start3A_464 = tpu.memref_slice %arg4[%dma_start3A_462, %dma_start3A_463] : memref<10000x8xf32, #tpu.memory_space<hbm>> -> memref<10000x8xf32, #tpu.memory_space<hbm>>
      tpu.enqueue_indirect_dma source(%dma_start3A_464 : memref<10000x8xf32, #tpu.memory_space<hbm>>) target(%dma_start3A_458 : memref<125x8xf32, #tpu.memory_space<vmem>>) offsets(%dma_start3A_461 : memref<125xi32, #tpu.memory_space<vmem>>) semaphore(%arg22 : memref<!tpu.dma_semaphore, #tpu.memory_space<semaphore_mem>>)
      %dma_wait3A_465 = arith.constant 0 : i32
      %dma_wait3A_466 = arith.constant 0 : i32
      %dma_wait3A_467 = arith.constant 0 : i32
      %dma_wait3A_468 = tpu.memref_slice %arg21[%dma_wait3A_466, %dma_wait3A_467] : memref<500x8xf32, #tpu.memory_space<vmem>> -> memref<125x8xf32, #tpu.memory_space<vmem>>
      %dma_wait3A_469 = arith.constant 0 : i32
      %dma_wait3A_470 = tpu.memref_slice %arg19[%dma_wait3A_465, %dma_wait3A_469] : memref<4x125xi32, #tpu.memory_space<vmem>> -> memref<1x125xi32, #tpu.memory_space<vmem>>
      %dma_wait3A_471 = tpu.memref_squeeze %dma_wait3A_470 : memref<1x125xi32, #tpu.memory_space<vmem>> -> memref<125xi32, #tpu.memory_space<vmem>>
      %dma_wait3A_472 = arith.constant 0 : i32
      %dma_wait3A_473 = arith.constant 0 : i32
      %dma_wait3A_474 = tpu.memref_slice %arg4[%dma_wait3A_472, %dma_wait3A_473] : memref<10000x8xf32, #tpu.memory_space<hbm>> -> memref<10000x8xf32, #tpu.memory_space<hbm>>
      tpu.wait_indirect_dma semaphore(%arg22 : memref<!tpu.dma_semaphore, #tpu.memory_space<semaphore_mem>>) src(%dma_wait3A_474 : memref<10000x8xf32, #tpu.memory_space<hbm>>) dst(%dma_wait3A_468 : memref<125x8xf32, #tpu.memory_space<vmem>>)
      %dma_start3A_475 = arith.constant 1 : i32
      %dma_start3A_476 = arith.constant 125 : i32
      %dma_start3A_477 = arith.constant 0 : i32
      %dma_start3A_478 = tpu.memref_slice %arg21[%dma_start3A_476, %dma_start3A_477] : memref<500x8xf32, #tpu.memory_space<vmem>> -> memref<125x8xf32, #tpu.memory_space<vmem>>
      %dma_start3A_479 = arith.constant 0 : i32
      %dma_start3A_480 = tpu.memref_slice %arg19[%dma_start3A_475, %dma_start3A_479] : memref<4x125xi32, #tpu.memory_space<vmem>> -> memref<1x125xi32, #tpu.memory_space<vmem>>
      %dma_start3A_481 = tpu.memref_squeeze %dma_start3A_480 : memref<1x125xi32, #tpu.memory_space<vmem>> -> memref<125xi32, #tpu.memory_space<vmem>>
      %dma_start3A_482 = arith.constant 0 : i32
      %dma_start3A_483 = arith.constant 0 : i32
      %dma_start3A_484 = tpu.memref_slice %arg4[%dma_start3A_482, %dma_start3A_483] : memref<10000x8xf32, #tpu.memory_space<hbm>> -> memref<10000x8xf32, #tpu.memory_space<hbm>>
      tpu.enqueue_indirect_dma source(%dma_start3A_484 : memref<10000x8xf32, #tpu.memory_space<hbm>>) target(%dma_start3A_478 : memref<125x8xf32, #tpu.memory_space<vmem>>) offsets(%dma_start3A_481 : memref<125xi32, #tpu.memory_space<vmem>>) semaphore(%arg22 : memref<!tpu.dma_semaphore, #tpu.memory_space<semaphore_mem>>)
      %dma_wait3A_485 = arith.constant 1 : i32
      %dma_wait3A_486 = arith.constant 125 : i32
      %dma_wait3A_487 = arith.constant 0 : i32
      %dma_wait3A_488 = tpu.memref_slice %arg21[%dma_wait3A_486, %dma_wait3A_487] : memref<500x8xf32, #tpu.memory_space<vmem>> -> memref<125x8xf32, #tpu.memory_space<vmem>>
      %dma_wait3A_489 = arith.constant 0 : i32
      %dma_wait3A_490 = tpu.memref_slice %arg19[%dma_wait3A_485, %dma_wait3A_489] : memref<4x125xi32, #tpu.memory_space<vmem>> -> memref<1x125xi32, #tpu.memory_space<vmem>>
      %dma_wait3A_491 = tpu.memref_squeeze %dma_wait3A_490 : memref<1x125xi32, #tpu.memory_space<vmem>> -> memref<125xi32, #tpu.memory_space<vmem>>
      %dma_wait3A_492 = arith.constant 0 : i32
      %dma_wait3A_493 = arith.constant 0 : i32
      %dma_wait3A_494 = tpu.memref_slice %arg4[%dma_wait3A_492, %dma_wait3A_493] : memref<10000x8xf32, #tpu.memory_space<hbm>> -> memref<10000x8xf32, #tpu.memory_space<hbm>>
      tpu.wait_indirect_dma semaphore(%arg22 : memref<!tpu.dma_semaphore, #tpu.memory_space<semaphore_mem>>) src(%dma_wait3A_494 : memref<10000x8xf32, #tpu.memory_space<hbm>>) dst(%dma_wait3A_488 : memref<125x8xf32, #tpu.memory_space<vmem>>)
      %dma_start3A_495 = arith.constant 2 : i32
      %dma_start3A_496 = arith.constant 250 : i32
      %dma_start3A_497 = arith.constant 0 : i32
      %dma_start3A_498 = tpu.memref_slice %arg21[%dma_start3A_496, %dma_start3A_497] : memref<500x8xf32, #tpu.memory_space<vmem>> -> memref<125x8xf32, #tpu.memory_space<vmem>>
      %dma_start3A_499 = arith.constant 0 : i32
      %dma_start3A_500 = tpu.memref_slice %arg19[%dma_start3A_495, %dma_start3A_499] : memref<4x125xi32, #tpu.memory_space<vmem>> -> memref<1x125xi32, #tpu.memory_space<vmem>>
      %dma_start3A_501 = tpu.memref_squeeze %dma_start3A_500 : memref<1x125xi32, #tpu.memory_space<vmem>> -> memref<125xi32, #tpu.memory_space<vmem>>
      %dma_start3A_502 = arith.constant 0 : i32
      %dma_start3A_503 = arith.constant 0 : i32
      %dma_start3A_504 = tpu.memref_slice %arg4[%dma_start3A_502, %dma_start3A_503] : memref<10000x8xf32, #tpu.memory_space<hbm>> -> memref<10000x8xf32, #tpu.memory_space<hbm>>
      tpu.enqueue_indirect_dma source(%dma_start3A_504 : memref<10000x8xf32, #tpu.memory_space<hbm>>) target(%dma_start3A_498 : memref<125x8xf32, #tpu.memory_space<vmem>>) offsets(%dma_start3A_501 : memref<125xi32, #tpu.memory_space<vmem>>) semaphore(%arg22 : memref<!tpu.dma_semaphore, #tpu.memory_space<semaphore_mem>>)
      %dma_wait3A_505 = arith.constant 2 : i32
      %dma_wait3A_506 = arith.constant 250 : i32
      %dma_wait3A_507 = arith.constant 0 : i32
      %dma_wait3A_508 = tpu.memref_slice %arg21[%dma_wait3A_506, %dma_wait3A_507] : memref<500x8xf32, #tpu.memory_space<vmem>> -> memref<125x8xf32, #tpu.memory_space<vmem>>
      %dma_wait3A_509 = arith.constant 0 : i32
      %dma_wait3A_510 = tpu.memref_slice %arg19[%dma_wait3A_505, %dma_wait3A_509] : memref<4x125xi32, #tpu.memory_space<vmem>> -> memref<1x125xi32, #tpu.memory_space<vmem>>
      %dma_wait3A_511 = tpu.memref_squeeze %dma_wait3A_510 : memref<1x125xi32, #tpu.memory_space<vmem>> -> memref<125xi32, #tpu.memory_space<vmem>>
      %dma_wait3A_512 = arith.constant 0 : i32
      %dma_wait3A_513 = arith.constant 0 : i32
      %dma_wait3A_514 = tpu.memref_slice %arg4[%dma_wait3A_512, %dma_wait3A_513] : memref<10000x8xf32, #tpu.memory_space<hbm>> -> memref<10000x8xf32, #tpu.memory_space<hbm>>
      tpu.wait_indirect_dma semaphore(%arg22 : memref<!tpu.dma_semaphore, #tpu.memory_space<semaphore_mem>>) src(%dma_wait3A_514 : memref<10000x8xf32, #tpu.memory_space<hbm>>) dst(%dma_wait3A_508 : memref<125x8xf32, #tpu.memory_space<vmem>>)
      %dma_start3A_515 = arith.constant 3 : i32
      %dma_start3A_516 = arith.constant 375 : i32
      %dma_start3A_517 = arith.constant 0 : i32
      %dma_start3A_518 = tpu.memref_slice %arg21[%dma_start3A_516, %dma_start3A_517] : memref<500x8xf32, #tpu.memory_space<vmem>> -> memref<125x8xf32, #tpu.memory_space<vmem>>
      %dma_start3A_519 = arith.constant 0 : i32
      %dma_start3A_520 = tpu.memref_slice %arg19[%dma_start3A_515, %dma_start3A_519] : memref<4x125xi32, #tpu.memory_space<vmem>> -> memref<1x125xi32, #tpu.memory_space<vmem>>
      %dma_start3A_521 = tpu.memref_squeeze %dma_start3A_520 : memref<1x125xi32, #tpu.memory_space<vmem>> -> memref<125xi32, #tpu.memory_space<vmem>>
      %dma_start3A_522 = arith.constant 0 : i32
      %dma_start3A_523 = arith.constant 0 : i32
      %dma_start3A_524 = tpu.memref_slice %arg4[%dma_start3A_522, %dma_start3A_523] : memref<10000x8xf32, #tpu.memory_space<hbm>> -> memref<10000x8xf32, #tpu.memory_space<hbm>>
      tpu.enqueue_indirect_dma source(%dma_start3A_524 : memref<10000x8xf32, #tpu.memory_space<hbm>>) target(%dma_start3A_518 : memref<125x8xf32, #tpu.memory_space<vmem>>) offsets(%dma_start3A_521 : memref<125xi32, #tpu.memory_space<vmem>>) semaphore(%arg22 : memref<!tpu.dma_semaphore, #tpu.memory_space<semaphore_mem>>)
      %dma_wait3A_525 = arith.constant 3 : i32
      %dma_wait3A_526 = arith.constant 375 : i32
      %dma_wait3A_527 = arith.constant 0 : i32
      %dma_wait3A_528 = tpu.memref_slice %arg21[%dma_wait3A_526, %dma_wait3A_527] : memref<500x8xf32, #tpu.memory_space<vmem>> -> memref<125x8xf32, #tpu.memory_space<vmem>>
      %dma_wait3A_529 = arith.constant 0 : i32
      %dma_wait3A_530 = tpu.memref_slice %arg19[%dma_wait3A_525, %dma_wait3A_529] : memref<4x125xi32, #tpu.memory_space<vmem>> -> memref<1x125xi32, #tpu.memory_space<vmem>>
      %dma_wait3A_531 = tpu.memref_squeeze %dma_wait3A_530 : memref<1x125xi32, #tpu.memory_space<vmem>> -> memref<125xi32, #tpu.memory_space<vmem>>
      %dma_wait3A_532 = arith.constant 0 : i32
      %dma_wait3A_533 = arith.constant 0 : i32
      %dma_wait3A_534 = tpu.memref_slice %arg4[%dma_wait3A_532, %dma_wait3A_533] : memref<10000x8xf32, #tpu.memory_space<hbm>> -> memref<10000x8xf32, #tpu.memory_space<hbm>>
      tpu.wait_indirect_dma semaphore(%arg22 : memref<!tpu.dma_semaphore, #tpu.memory_space<semaphore_mem>>) src(%dma_wait3A_534 : memref<10000x8xf32, #tpu.memory_space<hbm>>) dst(%dma_wait3A_528 : memref<125x8xf32, #tpu.memory_space<vmem>>)
      "tpu.region"() ({
        %run_scoped3A = tpu.sem_alloc : memref<!tpu.dma_semaphore, #tpu.memory_space<semaphore_mem>>
        %dma_start3A_695 = arith.constant 0 : i32
        %dma_start3A_696 = tpu.memref_slice %arg14[%add3A_350, %dma_start3A_695] : memref<160000x8xf32, #tpu.memory_space<hbm>> -> memref<500x8xf32, #tpu.memory_space<hbm>>
        %dma_start3A_697 = arith.constant 0 : i32
        %dma_start3A_698 = tpu.memref_slice %arg14[%add3A_350, %dma_start3A_697] : memref<160000x8xf32, #tpu.memory_space<hbm>> -> memref<500x8xf32, #tpu.memory_space<hbm>>
        tpu.enqueue_dma source(%arg21 : memref<500x8xf32, #tpu.memory_space<vmem>>) target(%dma_start3A_698 : memref<500x8xf32, #tpu.memory_space<hbm>>) target_semaphore(%run_scoped3A : memref<!tpu.dma_semaphore, #tpu.memory_space<semaphore_mem>>)
        %dma_wait3A_699 = arith.constant 0 : i32
        %dma_wait3A_700 = tpu.memref_slice %arg14[%add3A_350, %dma_wait3A_699] : memref<160000x8xf32, #tpu.memory_space<hbm>> -> memref<500x8xf32, #tpu.memory_space<hbm>>
        %dma_wait3A_701 = arith.constant 0 : i32
        %dma_wait3A_702 = tpu.memref_slice %arg14[%add3A_350, %dma_wait3A_701] : memref<160000x8xf32, #tpu.memory_space<hbm>> -> memref<500x8xf32, #tpu.memory_space<hbm>>
        tpu.wait_dma2 semaphore(%run_scoped3A : memref<!tpu.dma_semaphore, #tpu.memory_space<semaphore_mem>>) src(%arg21 : memref<500x8xf32, #tpu.memory_space<vmem>>) dst(%dma_wait3A_702 : memref<500x8xf32, #tpu.memory_space<hbm>>)
        tpu.yield
      }) : () -> ()
      "tpu.region"() ({
        %run_scoped3A = tpu.sem_alloc : memref<!tpu.dma_semaphore, #tpu.memory_space<semaphore_mem>>
        %dma_start3A_695 = arith.constant 0 : i32
        %dma_start3A_696 = tpu.memref_slice %arg9[%select_n3A_374, %dma_start3A_695] : memref<1280x125xi32, #tpu.memory_space<hbm>> -> memref<4x125xi32, #tpu.memory_space<hbm>>
        %dma_start3A_697 = arith.constant 0 : i32
        %dma_start3A_698 = tpu.memref_slice %arg9[%select_n3A_374, %dma_start3A_697] : memref<1280x125xi32, #tpu.memory_space<hbm>> -> memref<4x125xi32, #tpu.memory_space<hbm>>
        tpu.enqueue_dma source(%dma_start3A_698 : memref<4x125xi32, #tpu.memory_space<hbm>>) target(%arg19 : memref<4x125xi32, #tpu.memory_space<vmem>>) target_semaphore(%run_scoped3A : memref<!tpu.dma_semaphore, #tpu.memory_space<semaphore_mem>>)
        %dma_wait3A_699 = arith.constant 0 : i32
        %dma_wait3A_700 = tpu.memref_slice %arg9[%select_n3A_374, %dma_wait3A_699] : memref<1280x125xi32, #tpu.memory_space<hbm>> -> memref<4x125xi32, #tpu.memory_space<hbm>>
        %dma_wait3A_701 = arith.constant 0 : i32
        %dma_wait3A_702 = tpu.memref_slice %arg9[%select_n3A_374, %dma_wait3A_701] : memref<1280x125xi32, #tpu.memory_space<hbm>> -> memref<4x125xi32, #tpu.memory_space<hbm>>
        tpu.wait_dma2 semaphore(%run_scoped3A : memref<!tpu.dma_semaphore, #tpu.memory_space<semaphore_mem>>) src(%dma_wait3A_702 : memref<4x125xi32, #tpu.memory_space<hbm>>) dst(%arg19 : memref<4x125xi32, #tpu.memory_space<vmem>>)
        tpu.yield
      }) : () -> ()
      %dma_start3A_535 = arith.constant 0 : i32
      %dma_start3A_536 = arith.constant 0 : i32
      %dma_start3A_537 = arith.constant 0 : i32
      %dma_start3A_538 = tpu.memref_slice %arg21[%dma_start3A_536, %dma_start3A_537] : memref<500x8xf32, #tpu.memory_space<vmem>> -> memref<125x8xf32, #tpu.memory_space<vmem>>
      %dma_start3A_539 = arith.constant 0 : i32
      %dma_start3A_540 = tpu.memref_slice %arg19[%dma_start3A_535, %dma_start3A_539] : memref<4x125xi32, #tpu.memory_space<vmem>> -> memref<1x125xi32, #tpu.memory_space<vmem>>
      %dma_start3A_541 = tpu.memref_squeeze %dma_start3A_540 : memref<1x125xi32, #tpu.memory_space<vmem>> -> memref<125xi32, #tpu.memory_space<vmem>>
      %dma_start3A_542 = arith.constant 0 : i32
      %dma_start3A_543 = arith.constant 0 : i32
      %dma_start3A_544 = tpu.memref_slice %arg4[%dma_start3A_542, %dma_start3A_543] : memref<10000x8xf32, #tpu.memory_space<hbm>> -> memref<10000x8xf32, #tpu.memory_space<hbm>>
      tpu.enqueue_indirect_dma source(%dma_start3A_544 : memref<10000x8xf32, #tpu.memory_space<hbm>>) target(%dma_start3A_538 : memref<125x8xf32, #tpu.memory_space<vmem>>) offsets(%dma_start3A_541 : memref<125xi32, #tpu.memory_space<vmem>>) semaphore(%arg22 : memref<!tpu.dma_semaphore, #tpu.memory_space<semaphore_mem>>)
      %dma_wait3A_545 = arith.constant 0 : i32
      %dma_wait3A_546 = arith.constant 0 : i32
      %dma_wait3A_547 = arith.constant 0 : i32
      %dma_wait3A_548 = tpu.memref_slice %arg21[%dma_wait3A_546, %dma_wait3A_547] : memref<500x8xf32, #tpu.memory_space<vmem>> -> memref<125x8xf32, #tpu.memory_space<vmem>>
      %dma_wait3A_549 = arith.constant 0 : i32
      %dma_wait3A_550 = tpu.memref_slice %arg19[%dma_wait3A_545, %dma_wait3A_549] : memref<4x125xi32, #tpu.memory_space<vmem>> -> memref<1x125xi32, #tpu.memory_space<vmem>>
      %dma_wait3A_551 = tpu.memref_squeeze %dma_wait3A_550 : memref<1x125xi32, #tpu.memory_space<vmem>> -> memref<125xi32, #tpu.memory_space<vmem>>
      %dma_wait3A_552 = arith.constant 0 : i32
      %dma_wait3A_553 = arith.constant 0 : i32
      %dma_wait3A_554 = tpu.memref_slice %arg4[%dma_wait3A_552, %dma_wait3A_553] : memref<10000x8xf32, #tpu.memory_space<hbm>> -> memref<10000x8xf32, #tpu.memory_space<hbm>>
      tpu.wait_indirect_dma semaphore(%arg22 : memref<!tpu.dma_semaphore, #tpu.memory_space<semaphore_mem>>) src(%dma_wait3A_554 : memref<10000x8xf32, #tpu.memory_space<hbm>>) dst(%dma_wait3A_548 : memref<125x8xf32, #tpu.memory_space<vmem>>)
      %dma_start3A_555 = arith.constant 1 : i32
      %dma_start3A_556 = arith.constant 125 : i32
      %dma_start3A_557 = arith.constant 0 : i32
      %dma_start3A_558 = tpu.memref_slice %arg21[%dma_start3A_556, %dma_start3A_557] : memref<500x8xf32, #tpu.memory_space<vmem>> -> memref<125x8xf32, #tpu.memory_space<vmem>>
      %dma_start3A_559 = arith.constant 0 : i32
      %dma_start3A_560 = tpu.memref_slice %arg19[%dma_start3A_555, %dma_start3A_559] : memref<4x125xi32, #tpu.memory_space<vmem>> -> memref<1x125xi32, #tpu.memory_space<vmem>>
      %dma_start3A_561 = tpu.memref_squeeze %dma_start3A_560 : memref<1x125xi32, #tpu.memory_space<vmem>> -> memref<125xi32, #tpu.memory_space<vmem>>
      %dma_start3A_562 = arith.constant 0 : i32
      %dma_start3A_563 = arith.constant 0 : i32
      %dma_start3A_564 = tpu.memref_slice %arg4[%dma_start3A_562, %dma_start3A_563] : memref<10000x8xf32, #tpu.memory_space<hbm>> -> memref<10000x8xf32, #tpu.memory_space<hbm>>
      tpu.enqueue_indirect_dma source(%dma_start3A_564 : memref<10000x8xf32, #tpu.memory_space<hbm>>) target(%dma_start3A_558 : memref<125x8xf32, #tpu.memory_space<vmem>>) offsets(%dma_start3A_561 : memref<125xi32, #tpu.memory_space<vmem>>) semaphore(%arg22 : memref<!tpu.dma_semaphore, #tpu.memory_space<semaphore_mem>>)
      %dma_wait3A_565 = arith.constant 1 : i32
      %dma_wait3A_566 = arith.constant 125 : i32
      %dma_wait3A_567 = arith.constant 0 : i32
      %dma_wait3A_568 = tpu.memref_slice %arg21[%dma_wait3A_566, %dma_wait3A_567] : memref<500x8xf32, #tpu.memory_space<vmem>> -> memref<125x8xf32, #tpu.memory_space<vmem>>
      %dma_wait3A_569 = arith.constant 0 : i32
      %dma_wait3A_570 = tpu.memref_slice %arg19[%dma_wait3A_565, %dma_wait3A_569] : memref<4x125xi32, #tpu.memory_space<vmem>> -> memref<1x125xi32, #tpu.memory_space<vmem>>
      %dma_wait3A_571 = tpu.memref_squeeze %dma_wait3A_570 : memref<1x125xi32, #tpu.memory_space<vmem>> -> memref<125xi32, #tpu.memory_space<vmem>>
      %dma_wait3A_572 = arith.constant 0 : i32
      %dma_wait3A_573 = arith.constant 0 : i32
      %dma_wait3A_574 = tpu.memref_slice %arg4[%dma_wait3A_572, %dma_wait3A_573] : memref<10000x8xf32, #tpu.memory_space<hbm>> -> memref<10000x8xf32, #tpu.memory_space<hbm>>
      tpu.wait_indirect_dma semaphore(%arg22 : memref<!tpu.dma_semaphore, #tpu.memory_space<semaphore_mem>>) src(%dma_wait3A_574 : memref<10000x8xf32, #tpu.memory_space<hbm>>) dst(%dma_wait3A_568 : memref<125x8xf32, #tpu.memory_space<vmem>>)
      %dma_start3A_575 = arith.constant 2 : i32
      %dma_start3A_576 = arith.constant 250 : i32
      %dma_start3A_577 = arith.constant 0 : i32
      %dma_start3A_578 = tpu.memref_slice %arg21[%dma_start3A_576, %dma_start3A_577] : memref<500x8xf32, #tpu.memory_space<vmem>> -> memref<125x8xf32, #tpu.memory_space<vmem>>
      %dma_start3A_579 = arith.constant 0 : i32
      %dma_start3A_580 = tpu.memref_slice %arg19[%dma_start3A_575, %dma_start3A_579] : memref<4x125xi32, #tpu.memory_space<vmem>> -> memref<1x125xi32, #tpu.memory_space<vmem>>
      %dma_start3A_581 = tpu.memref_squeeze %dma_start3A_580 : memref<1x125xi32, #tpu.memory_space<vmem>> -> memref<125xi32, #tpu.memory_space<vmem>>
      %dma_start3A_582 = arith.constant 0 : i32
      %dma_start3A_583 = arith.constant 0 : i32
      %dma_start3A_584 = tpu.memref_slice %arg4[%dma_start3A_582, %dma_start3A_583] : memref<10000x8xf32, #tpu.memory_space<hbm>> -> memref<10000x8xf32, #tpu.memory_space<hbm>>
      tpu.enqueue_indirect_dma source(%dma_start3A_584 : memref<10000x8xf32, #tpu.memory_space<hbm>>) target(%dma_start3A_578 : memref<125x8xf32, #tpu.memory_space<vmem>>) offsets(%dma_start3A_581 : memref<125xi32, #tpu.memory_space<vmem>>) semaphore(%arg22 : memref<!tpu.dma_semaphore, #tpu.memory_space<semaphore_mem>>)
      %dma_wait3A_585 = arith.constant 2 : i32
      %dma_wait3A_586 = arith.constant 250 : i32
      %dma_wait3A_587 = arith.constant 0 : i32
      %dma_wait3A_588 = tpu.memref_slice %arg21[%dma_wait3A_586, %dma_wait3A_587] : memref<500x8xf32, #tpu.memory_space<vmem>> -> memref<125x8xf32, #tpu.memory_space<vmem>>
      %dma_wait3A_589 = arith.constant 0 : i32
      %dma_wait3A_590 = tpu.memref_slice %arg19[%dma_wait3A_585, %dma_wait3A_589] : memref<4x125xi32, #tpu.memory_space<vmem>> -> memref<1x125xi32, #tpu.memory_space<vmem>>
      %dma_wait3A_591 = tpu.memref_squeeze %dma_wait3A_590 : memref<1x125xi32, #tpu.memory_space<vmem>> -> memref<125xi32, #tpu.memory_space<vmem>>
      %dma_wait3A_592 = arith.constant 0 : i32
      %dma_wait3A_593 = arith.constant 0 : i32
      %dma_wait3A_594 = tpu.memref_slice %arg4[%dma_wait3A_592, %dma_wait3A_593] : memref<10000x8xf32, #tpu.memory_space<hbm>> -> memref<10000x8xf32, #tpu.memory_space<hbm>>
      tpu.wait_indirect_dma semaphore(%arg22 : memref<!tpu.dma_semaphore, #tpu.memory_space<semaphore_mem>>) src(%dma_wait3A_594 : memref<10000x8xf32, #tpu.memory_space<hbm>>) dst(%dma_wait3A_588 : memref<125x8xf32, #tpu.memory_space<vmem>>)
      %dma_start3A_595 = arith.constant 3 : i32
      %dma_start3A_596 = arith.constant 375 : i32
      %dma_start3A_597 = arith.constant 0 : i32
      %dma_start3A_598 = tpu.memref_slice %arg21[%dma_start3A_596, %dma_start3A_597] : memref<500x8xf32, #tpu.memory_space<vmem>> -> memref<125x8xf32, #tpu.memory_space<vmem>>
      %dma_start3A_599 = arith.constant 0 : i32
      %dma_start3A_600 = tpu.memref_slice %arg19[%dma_start3A_595, %dma_start3A_599] : memref<4x125xi32, #tpu.memory_space<vmem>> -> memref<1x125xi32, #tpu.memory_space<vmem>>
      %dma_start3A_601 = tpu.memref_squeeze %dma_start3A_600 : memref<1x125xi32, #tpu.memory_space<vmem>> -> memref<125xi32, #tpu.memory_space<vmem>>
      %dma_start3A_602 = arith.constant 0 : i32
      %dma_start3A_603 = arith.constant 0 : i32
      %dma_start3A_604 = tpu.memref_slice %arg4[%dma_start3A_602, %dma_start3A_603] : memref<10000x8xf32, #tpu.memory_space<hbm>> -> memref<10000x8xf32, #tpu.memory_space<hbm>>
      tpu.enqueue_indirect_dma source(%dma_start3A_604 : memref<10000x8xf32, #tpu.memory_space<hbm>>) target(%dma_start3A_598 : memref<125x8xf32, #tpu.memory_space<vmem>>) offsets(%dma_start3A_601 : memref<125xi32, #tpu.memory_space<vmem>>) semaphore(%arg22 : memref<!tpu.dma_semaphore, #tpu.memory_space<semaphore_mem>>)
      %dma_wait3A_605 = arith.constant 3 : i32
      %dma_wait3A_606 = arith.constant 375 : i32
      %dma_wait3A_607 = arith.constant 0 : i32
      %dma_wait3A_608 = tpu.memref_slice %arg21[%dma_wait3A_606, %dma_wait3A_607] : memref<500x8xf32, #tpu.memory_space<vmem>> -> memref<125x8xf32, #tpu.memory_space<vmem>>
      %dma_wait3A_609 = arith.constant 0 : i32
      %dma_wait3A_610 = tpu.memref_slice %arg19[%dma_wait3A_605, %dma_wait3A_609] : memref<4x125xi32, #tpu.memory_space<vmem>> -> memref<1x125xi32, #tpu.memory_space<vmem>>
      %dma_wait3A_611 = tpu.memref_squeeze %dma_wait3A_610 : memref<1x125xi32, #tpu.memory_space<vmem>> -> memref<125xi32, #tpu.memory_space<vmem>>
      %dma_wait3A_612 = arith.constant 0 : i32
      %dma_wait3A_613 = arith.constant 0 : i32
      %dma_wait3A_614 = tpu.memref_slice %arg4[%dma_wait3A_612, %dma_wait3A_613] : memref<10000x8xf32, #tpu.memory_space<hbm>> -> memref<10000x8xf32, #tpu.memory_space<hbm>>
      tpu.wait_indirect_dma semaphore(%arg22 : memref<!tpu.dma_semaphore, #tpu.memory_space<semaphore_mem>>) src(%dma_wait3A_614 : memref<10000x8xf32, #tpu.memory_space<hbm>>) dst(%dma_wait3A_608 : memref<125x8xf32, #tpu.memory_space<vmem>>)
      "tpu.region"() ({
        %run_scoped3A = tpu.sem_alloc : memref<!tpu.dma_semaphore, #tpu.memory_space<semaphore_mem>>
        %dma_start3A_695 = arith.constant 0 : i32
        %dma_start3A_696 = tpu.memref_slice %arg15[%add3A_350, %dma_start3A_695] : memref<160000x8xf32, #tpu.memory_space<hbm>> -> memref<500x8xf32, #tpu.memory_space<hbm>>
        %dma_start3A_697 = arith.constant 0 : i32
        %dma_start3A_698 = tpu.memref_slice %arg15[%add3A_350, %dma_start3A_697] : memref<160000x8xf32, #tpu.memory_space<hbm>> -> memref<500x8xf32, #tpu.memory_space<hbm>>
        tpu.enqueue_dma source(%arg21 : memref<500x8xf32, #tpu.memory_space<vmem>>) target(%dma_start3A_698 : memref<500x8xf32, #tpu.memory_space<hbm>>) target_semaphore(%run_scoped3A : memref<!tpu.dma_semaphore, #tpu.memory_space<semaphore_mem>>)
        %dma_wait3A_699 = arith.constant 0 : i32
        %dma_wait3A_700 = tpu.memref_slice %arg15[%add3A_350, %dma_wait3A_699] : memref<160000x8xf32, #tpu.memory_space<hbm>> -> memref<500x8xf32, #tpu.memory_space<hbm>>
        %dma_wait3A_701 = arith.constant 0 : i32
        %dma_wait3A_702 = tpu.memref_slice %arg15[%add3A_350, %dma_wait3A_701] : memref<160000x8xf32, #tpu.memory_space<hbm>> -> memref<500x8xf32, #tpu.memory_space<hbm>>
        tpu.wait_dma2 semaphore(%run_scoped3A : memref<!tpu.dma_semaphore, #tpu.memory_space<semaphore_mem>>) src(%arg21 : memref<500x8xf32, #tpu.memory_space<vmem>>) dst(%dma_wait3A_702 : memref<500x8xf32, #tpu.memory_space<hbm>>)
        tpu.yield
      }) : () -> ()
      "tpu.region"() ({
        %run_scoped3A = tpu.sem_alloc : memref<!tpu.dma_semaphore, #tpu.memory_space<semaphore_mem>>
        %dma_start3A_695 = arith.constant 0 : i32
        %dma_start3A_696 = tpu.memref_slice %arg10[%select_n3A_374, %dma_start3A_695] : memref<1280x125xi32, #tpu.memory_space<hbm>> -> memref<4x125xi32, #tpu.memory_space<hbm>>
        %dma_start3A_697 = arith.constant 0 : i32
        %dma_start3A_698 = tpu.memref_slice %arg10[%select_n3A_374, %dma_start3A_697] : memref<1280x125xi32, #tpu.memory_space<hbm>> -> memref<4x125xi32, #tpu.memory_space<hbm>>
        tpu.enqueue_dma source(%dma_start3A_698 : memref<4x125xi32, #tpu.memory_space<hbm>>) target(%arg19 : memref<4x125xi32, #tpu.memory_space<vmem>>) target_semaphore(%run_scoped3A : memref<!tpu.dma_semaphore, #tpu.memory_space<semaphore_mem>>)
        %dma_wait3A_699 = arith.constant 0 : i32
        %dma_wait3A_700 = tpu.memref_slice %arg10[%select_n3A_374, %dma_wait3A_699] : memref<1280x125xi32, #tpu.memory_space<hbm>> -> memref<4x125xi32, #tpu.memory_space<hbm>>
        %dma_wait3A_701 = arith.constant 0 : i32
        %dma_wait3A_702 = tpu.memref_slice %arg10[%select_n3A_374, %dma_wait3A_701] : memref<1280x125xi32, #tpu.memory_space<hbm>> -> memref<4x125xi32, #tpu.memory_space<hbm>>
        tpu.wait_dma2 semaphore(%run_scoped3A : memref<!tpu.dma_semaphore, #tpu.memory_space<semaphore_mem>>) src(%dma_wait3A_702 : memref<4x125xi32, #tpu.memory_space<hbm>>) dst(%arg19 : memref<4x125xi32, #tpu.memory_space<vmem>>)
        tpu.yield
      }) : () -> ()
      %dma_start3A_615 = arith.constant 0 : i32
      %dma_start3A_616 = arith.constant 0 : i32
      %dma_start3A_617 = arith.constant 0 : i32
      %dma_start3A_618 = tpu.memref_slice %arg21[%dma_start3A_616, %dma_start3A_617] : memref<500x8xf32, #tpu.memory_space<vmem>> -> memref<125x8xf32, #tpu.memory_space<vmem>>
      %dma_start3A_619 = arith.constant 0 : i32
      %dma_start3A_620 = tpu.memref_slice %arg19[%dma_start3A_615, %dma_start3A_619] : memref<4x125xi32, #tpu.memory_space<vmem>> -> memref<1x125xi32, #tpu.memory_space<vmem>>
      %dma_start3A_621 = tpu.memref_squeeze %dma_start3A_620 : memref<1x125xi32, #tpu.memory_space<vmem>> -> memref<125xi32, #tpu.memory_space<vmem>>
      %dma_start3A_622 = arith.constant 0 : i32
      %dma_start3A_623 = arith.constant 0 : i32
      %dma_start3A_624 = tpu.memref_slice %arg4[%dma_start3A_622, %dma_start3A_623] : memref<10000x8xf32, #tpu.memory_space<hbm>> -> memref<10000x8xf32, #tpu.memory_space<hbm>>
      tpu.enqueue_indirect_dma source(%dma_start3A_624 : memref<10000x8xf32, #tpu.memory_space<hbm>>) target(%dma_start3A_618 : memref<125x8xf32, #tpu.memory_space<vmem>>) offsets(%dma_start3A_621 : memref<125xi32, #tpu.memory_space<vmem>>) semaphore(%arg22 : memref<!tpu.dma_semaphore, #tpu.memory_space<semaphore_mem>>)
      %dma_wait3A_625 = arith.constant 0 : i32
      %dma_wait3A_626 = arith.constant 0 : i32
      %dma_wait3A_627 = arith.constant 0 : i32
      %dma_wait3A_628 = tpu.memref_slice %arg21[%dma_wait3A_626, %dma_wait3A_627] : memref<500x8xf32, #tpu.memory_space<vmem>> -> memref<125x8xf32, #tpu.memory_space<vmem>>
      %dma_wait3A_629 = arith.constant 0 : i32
      %dma_wait3A_630 = tpu.memref_slice %arg19[%dma_wait3A_625, %dma_wait3A_629] : memref<4x125xi32, #tpu.memory_space<vmem>> -> memref<1x125xi32, #tpu.memory_space<vmem>>
      %dma_wait3A_631 = tpu.memref_squeeze %dma_wait3A_630 : memref<1x125xi32, #tpu.memory_space<vmem>> -> memref<125xi32, #tpu.memory_space<vmem>>
      %dma_wait3A_632 = arith.constant 0 : i32
      %dma_wait3A_633 = arith.constant 0 : i32
      %dma_wait3A_634 = tpu.memref_slice %arg4[%dma_wait3A_632, %dma_wait3A_633] : memref<10000x8xf32, #tpu.memory_space<hbm>> -> memref<10000x8xf32, #tpu.memory_space<hbm>>
      tpu.wait_indirect_dma semaphore(%arg22 : memref<!tpu.dma_semaphore, #tpu.memory_space<semaphore_mem>>) src(%dma_wait3A_634 : memref<10000x8xf32, #tpu.memory_space<hbm>>) dst(%dma_wait3A_628 : memref<125x8xf32, #tpu.memory_space<vmem>>)
      %dma_start3A_635 = arith.constant 1 : i32
      %dma_start3A_636 = arith.constant 125 : i32
      %dma_start3A_637 = arith.constant 0 : i32
      %dma_start3A_638 = tpu.memref_slice %arg21[%dma_start3A_636, %dma_start3A_637] : memref<500x8xf32, #tpu.memory_space<vmem>> -> memref<125x8xf32, #tpu.memory_space<vmem>>
      %dma_start3A_639 = arith.constant 0 : i32
      %dma_start3A_640 = tpu.memref_slice %arg19[%dma_start3A_635, %dma_start3A_639] : memref<4x125xi32, #tpu.memory_space<vmem>> -> memref<1x125xi32, #tpu.memory_space<vmem>>
      %dma_start3A_641 = tpu.memref_squeeze %dma_start3A_640 : memref<1x125xi32, #tpu.memory_space<vmem>> -> memref<125xi32, #tpu.memory_space<vmem>>
      %dma_start3A_642 = arith.constant 0 : i32
      %dma_start3A_643 = arith.constant 0 : i32
      %dma_start3A_644 = tpu.memref_slice %arg4[%dma_start3A_642, %dma_start3A_643] : memref<10000x8xf32, #tpu.memory_space<hbm>> -> memref<10000x8xf32, #tpu.memory_space<hbm>>
      tpu.enqueue_indirect_dma source(%dma_start3A_644 : memref<10000x8xf32, #tpu.memory_space<hbm>>) target(%dma_start3A_638 : memref<125x8xf32, #tpu.memory_space<vmem>>) offsets(%dma_start3A_641 : memref<125xi32, #tpu.memory_space<vmem>>) semaphore(%arg22 : memref<!tpu.dma_semaphore, #tpu.memory_space<semaphore_mem>>)
      %dma_wait3A_645 = arith.constant 1 : i32
      %dma_wait3A_646 = arith.constant 125 : i32
      %dma_wait3A_647 = arith.constant 0 : i32
      %dma_wait3A_648 = tpu.memref_slice %arg21[%dma_wait3A_646, %dma_wait3A_647] : memref<500x8xf32, #tpu.memory_space<vmem>> -> memref<125x8xf32, #tpu.memory_space<vmem>>
      %dma_wait3A_649 = arith.constant 0 : i32
      %dma_wait3A_650 = tpu.memref_slice %arg19[%dma_wait3A_645, %dma_wait3A_649] : memref<4x125xi32, #tpu.memory_space<vmem>> -> memref<1x125xi32, #tpu.memory_space<vmem>>
      %dma_wait3A_651 = tpu.memref_squeeze %dma_wait3A_650 : memref<1x125xi32, #tpu.memory_space<vmem>> -> memref<125xi32, #tpu.memory_space<vmem>>
      %dma_wait3A_652 = arith.constant 0 : i32
      %dma_wait3A_653 = arith.constant 0 : i32
      %dma_wait3A_654 = tpu.memref_slice %arg4[%dma_wait3A_652, %dma_wait3A_653] : memref<10000x8xf32, #tpu.memory_space<hbm>> -> memref<10000x8xf32, #tpu.memory_space<hbm>>
      tpu.wait_indirect_dma semaphore(%arg22 : memref<!tpu.dma_semaphore, #tpu.memory_space<semaphore_mem>>) src(%dma_wait3A_654 : memref<10000x8xf32, #tpu.memory_space<hbm>>) dst(%dma_wait3A_648 : memref<125x8xf32, #tpu.memory_space<vmem>>)
      %dma_start3A_655 = arith.constant 2 : i32
      %dma_start3A_656 = arith.constant 250 : i32
      %dma_start3A_657 = arith.constant 0 : i32
      %dma_start3A_658 = tpu.memref_slice %arg21[%dma_start3A_656, %dma_start3A_657] : memref<500x8xf32, #tpu.memory_space<vmem>> -> memref<125x8xf32, #tpu.memory_space<vmem>>
      %dma_start3A_659 = arith.constant 0 : i32
      %dma_start3A_660 = tpu.memref_slice %arg19[%dma_start3A_655, %dma_start3A_659] : memref<4x125xi32, #tpu.memory_space<vmem>> -> memref<1x125xi32, #tpu.memory_space<vmem>>
      %dma_start3A_661 = tpu.memref_squeeze %dma_start3A_660 : memref<1x125xi32, #tpu.memory_space<vmem>> -> memref<125xi32, #tpu.memory_space<vmem>>
      %dma_start3A_662 = arith.constant 0 : i32
      %dma_start3A_663 = arith.constant 0 : i32
      %dma_start3A_664 = tpu.memref_slice %arg4[%dma_start3A_662, %dma_start3A_663] : memref<10000x8xf32, #tpu.memory_space<hbm>> -> memref<10000x8xf32, #tpu.memory_space<hbm>>
      tpu.enqueue_indirect_dma source(%dma_start3A_664 : memref<10000x8xf32, #tpu.memory_space<hbm>>) target(%dma_start3A_658 : memref<125x8xf32, #tpu.memory_space<vmem>>) offsets(%dma_start3A_661 : memref<125xi32, #tpu.memory_space<vmem>>) semaphore(%arg22 : memref<!tpu.dma_semaphore, #tpu.memory_space<semaphore_mem>>)
      %dma_wait3A_665 = arith.constant 2 : i32
      %dma_wait3A_666 = arith.constant 250 : i32
      %dma_wait3A_667 = arith.constant 0 : i32
      %dma_wait3A_668 = tpu.memref_slice %arg21[%dma_wait3A_666, %dma_wait3A_667] : memref<500x8xf32, #tpu.memory_space<vmem>> -> memref<125x8xf32, #tpu.memory_space<vmem>>
      %dma_wait3A_669 = arith.constant 0 : i32
      %dma_wait3A_670 = tpu.memref_slice %arg19[%dma_wait3A_665, %dma_wait3A_669] : memref<4x125xi32, #tpu.memory_space<vmem>> -> memref<1x125xi32, #tpu.memory_space<vmem>>
      %dma_wait3A_671 = tpu.memref_squeeze %dma_wait3A_670 : memref<1x125xi32, #tpu.memory_space<vmem>> -> memref<125xi32, #tpu.memory_space<vmem>>
      %dma_wait3A_672 = arith.constant 0 : i32
      %dma_wait3A_673 = arith.constant 0 : i32
      %dma_wait3A_674 = tpu.memref_slice %arg4[%dma_wait3A_672, %dma_wait3A_673] : memref<10000x8xf32, #tpu.memory_space<hbm>> -> memref<10000x8xf32, #tpu.memory_space<hbm>>
      tpu.wait_indirect_dma semaphore(%arg22 : memref<!tpu.dma_semaphore, #tpu.memory_space<semaphore_mem>>) src(%dma_wait3A_674 : memref<10000x8xf32, #tpu.memory_space<hbm>>) dst(%dma_wait3A_668 : memref<125x8xf32, #tpu.memory_space<vmem>>)
      %dma_start3A_675 = arith.constant 3 : i32
      %dma_start3A_676 = arith.constant 375 : i32
      %dma_start3A_677 = arith.constant 0 : i32
      %dma_start3A_678 = tpu.memref_slice %arg21[%dma_start3A_676, %dma_start3A_677] : memref<500x8xf32, #tpu.memory_space<vmem>> -> memref<125x8xf32, #tpu.memory_space<vmem>>
      %dma_start3A_679 = arith.constant 0 : i32
      %dma_start3A_680 = tpu.memref_slice %arg19[%dma_start3A_675, %dma_start3A_679] : memref<4x125xi32, #tpu.memory_space<vmem>> -> memref<1x125xi32, #tpu.memory_space<vmem>>
      %dma_start3A_681 = tpu.memref_squeeze %dma_start3A_680 : memref<1x125xi32, #tpu.memory_space<vmem>> -> memref<125xi32, #tpu.memory_space<vmem>>
      %dma_start3A_682 = arith.constant 0 : i32
      %dma_start3A_683 = arith.constant 0 : i32
      %dma_start3A_684 = tpu.memref_slice %arg4[%dma_start3A_682, %dma_start3A_683] : memref<10000x8xf32, #tpu.memory_space<hbm>> -> memref<10000x8xf32, #tpu.memory_space<hbm>>
      tpu.enqueue_indirect_dma source(%dma_start3A_684 : memref<10000x8xf32, #tpu.memory_space<hbm>>) target(%dma_start3A_678 : memref<125x8xf32, #tpu.memory_space<vmem>>) offsets(%dma_start3A_681 : memref<125xi32, #tpu.memory_space<vmem>>) semaphore(%arg22 : memref<!tpu.dma_semaphore, #tpu.memory_space<semaphore_mem>>)
      %dma_wait3A_685 = arith.constant 3 : i32
      %dma_wait3A_686 = arith.constant 375 : i32
      %dma_wait3A_687 = arith.constant 0 : i32
      %dma_wait3A_688 = tpu.memref_slice %arg21[%dma_wait3A_686, %dma_wait3A_687] : memref<500x8xf32, #tpu.memory_space<vmem>> -> memref<125x8xf32, #tpu.memory_space<vmem>>
      %dma_wait3A_689 = arith.constant 0 : i32
      %dma_wait3A_690 = tpu.memref_slice %arg19[%dma_wait3A_685, %dma_wait3A_689] : memref<4x125xi32, #tpu.memory_space<vmem>> -> memref<1x125xi32, #tpu.memory_space<vmem>>
      %dma_wait3A_691 = tpu.memref_squeeze %dma_wait3A_690 : memref<1x125xi32, #tpu.memory_space<vmem>> -> memref<125xi32, #tpu.memory_space<vmem>>
      %dma_wait3A_692 = arith.constant 0 : i32
      %dma_wait3A_693 = arith.constant 0 : i32
      %dma_wait3A_694 = tpu.memref_slice %arg4[%dma_wait3A_692, %dma_wait3A_693] : memref<10000x8xf32, #tpu.memory_space<hbm>> -> memref<10000x8xf32, #tpu.memory_space<hbm>>
      tpu.wait_indirect_dma semaphore(%arg22 : memref<!tpu.dma_semaphore, #tpu.memory_space<semaphore_mem>>) src(%dma_wait3A_694 : memref<10000x8xf32, #tpu.memory_space<hbm>>) dst(%dma_wait3A_688 : memref<125x8xf32, #tpu.memory_space<vmem>>)
      "tpu.region"() ({
        %run_scoped3A = tpu.sem_alloc : memref<!tpu.dma_semaphore, #tpu.memory_space<semaphore_mem>>
        %dma_start3A_695 = arith.constant 0 : i32
        %dma_start3A_696 = tpu.memref_slice %arg16[%add3A_350, %dma_start3A_695] : memref<160000x8xf32, #tpu.memory_space<hbm>> -> memref<500x8xf32, #tpu.memory_space<hbm>>
        %dma_start3A_697 = arith.constant 0 : i32
        %dma_start3A_698 = tpu.memref_slice %arg16[%add3A_350, %dma_start3A_697] : memref<160000x8xf32, #tpu.memory_space<hbm>> -> memref<500x8xf32, #tpu.memory_space<hbm>>
        tpu.enqueue_dma source(%arg21 : memref<500x8xf32, #tpu.memory_space<vmem>>) target(%dma_start3A_698 : memref<500x8xf32, #tpu.memory_space<hbm>>) target_semaphore(%run_scoped3A : memref<!tpu.dma_semaphore, #tpu.memory_space<semaphore_mem>>)
        %dma_wait3A_699 = arith.constant 0 : i32
        %dma_wait3A_700 = tpu.memref_slice %arg16[%add3A_350, %dma_wait3A_699] : memref<160000x8xf32, #tpu.memory_space<hbm>> -> memref<500x8xf32, #tpu.memory_space<hbm>>
        %dma_wait3A_701 = arith.constant 0 : i32
        %dma_wait3A_702 = tpu.memref_slice %arg16[%add3A_350, %dma_wait3A_701] : memref<160000x8xf32, #tpu.memory_space<hbm>> -> memref<500x8xf32, #tpu.memory_space<hbm>>
        tpu.wait_dma2 semaphore(%run_scoped3A : memref<!tpu.dma_semaphore, #tpu.memory_space<semaphore_mem>>) src(%arg21 : memref<500x8xf32, #tpu.memory_space<vmem>>) dst(%dma_wait3A_702 : memref<500x8xf32, #tpu.memory_space<hbm>>)
        tpu.yield
      }) : () -> ()
    }
    %scan3A_5 = arith.constant 10 : i32
    return
  }
}

#map = affine_map<(d0, d1) -> (0, 0)>
#map1 = affine_map<(d0, d1) -> (0, 0, 0)>
module attributes {stable_mosaic.version = 14 : i64} {
  func.func @_scatter_body(%arg0: i32, %arg1: i32, %arg2: memref<320000x64xf32, #tpu.memory_space<hbm>>, %arg3: memref<2560x125xi32, #tpu.memory_space<hbm>>, %arg4: memref<625x64xf32, #tpu.memory_space<hbm>>, %arg5: memref<2x10000x64xf32, #tpu.memory_space<hbm>>, %arg6: memref<8x125xi32, #tpu.memory_space<vmem>>, %arg7: memref<1000x64xf32, #tpu.memory_space<vmem>>, %arg8: memref<10000x64xf32, #tpu.memory_space<vmem_shared>>, %arg9: memref<!tpu.dma_semaphore, #tpu.memory_space<semaphore_mem>>) attributes {dimension_semantics = [#tpu.dimension_semantics<core_parallel>, #tpu.dimension_semantics<subcore_parallel>], iteration_bounds = array<i64: 2, 16>, scalar_prefetch = 0 : i64, scratch_operands = 4 : i64, tpu.core_type = #tpu.core_type<sc_vector_subcore>, window_params = [{transform_indices = #map}, {transform_indices = #map}, {transform_indices = #map}, {transform_indices = #map1}]} {
    %mul3A = arith.constant 625 : i32
    %mul3A_0 = arith.muli %arg1, %mul3A : i32
    "tpu.region"() ({
      %run_scoped3A = tpu.sem_alloc : memref<!tpu.dma_semaphore, #tpu.memory_space<semaphore_mem>>
      %dma_start3A = arith.constant 0 : i32
      %dma_start3A_7 = tpu.memref_slice %arg8[%mul3A_0, %dma_start3A] : memref<10000x64xf32, #tpu.memory_space<vmem_shared>> -> memref<625x64xf32, #tpu.memory_space<vmem_shared>>
      tpu.enqueue_dma source(%arg4 : memref<625x64xf32, #tpu.memory_space<hbm>>) target(%dma_start3A_7 : memref<625x64xf32, #tpu.memory_space<vmem_shared>>) target_semaphore(%run_scoped3A : memref<!tpu.dma_semaphore, #tpu.memory_space<semaphore_mem>>)
      %dma_wait3A = arith.constant 0 : i32
      %dma_wait3A_8 = tpu.memref_slice %arg8[%mul3A_0, %dma_wait3A] : memref<10000x64xf32, #tpu.memory_space<vmem_shared>> -> memref<625x64xf32, #tpu.memory_space<vmem_shared>>
      tpu.wait_dma2 semaphore(%run_scoped3A : memref<!tpu.dma_semaphore, #tpu.memory_space<semaphore_mem>>) src(%arg4 : memref<625x64xf32, #tpu.memory_space<hbm>>) dst(%dma_wait3A_8 : memref<625x64xf32, #tpu.memory_space<vmem_shared>>)
      tpu.yield
    }) : () -> ()
    %barrier3A = arith.constant 0 : index
    tpu.barrier barrier_id(%barrier3A)
    %scan3A = arith.constant 0 : i32
    %scan3A_1 = arith.constant 0 : i32
    %scan3A_2 = arith.constant 10 : i32
    %scan3A_3 = arith.addi %scan3A_1, %scan3A_2 : i32
    %scan3A_4 = arith.constant 1 : i32
    scf.for %scan3A_7 = %scan3A_1 to %scan3A_3 step %scan3A_4  : i32 {
      %mul3A_8 = arith.constant 16 : i32
      %mul3A_9 = arith.muli %arg0, %mul3A_8 : i32
      %add3A = arith.addi %mul3A_9, %arg1 : i32
      %mul3A_10 = arith.constant 10000 : i32
      %mul3A_11 = arith.muli %add3A, %mul3A_10 : i32
      %mul3A_12 = arith.constant 1000 : i32
      %mul3A_13 = arith.muli %scan3A_7, %mul3A_12 : i32
      %add3A_14 = arith.addi %mul3A_11, %mul3A_13 : i32
      "tpu.region"() ({
        %run_scoped3A_38 = tpu.sem_alloc : memref<!tpu.dma_semaphore, #tpu.memory_space<semaphore_mem>>
        %dma_start3A = arith.constant 0 : i32
        %dma_start3A_39 = tpu.memref_slice %arg2[%add3A_14, %dma_start3A] : memref<320000x64xf32, #tpu.memory_space<hbm>> -> memref<1000x64xf32, #tpu.memory_space<hbm>>
        %dma_start3A_40 = arith.constant 0 : i32
        %dma_start3A_41 = tpu.memref_slice %arg2[%add3A_14, %dma_start3A_40] : memref<320000x64xf32, #tpu.memory_space<hbm>> -> memref<1000x64xf32, #tpu.memory_space<hbm>>
        tpu.enqueue_dma source(%dma_start3A_41 : memref<1000x64xf32, #tpu.memory_space<hbm>>) target(%arg7 : memref<1000x64xf32, #tpu.memory_space<vmem>>) target_semaphore(%run_scoped3A_38 : memref<!tpu.dma_semaphore, #tpu.memory_space<semaphore_mem>>)
        %dma_wait3A = arith.constant 0 : i32
        %dma_wait3A_42 = tpu.memref_slice %arg2[%add3A_14, %dma_wait3A] : memref<320000x64xf32, #tpu.memory_space<hbm>> -> memref<1000x64xf32, #tpu.memory_space<hbm>>
        %dma_wait3A_43 = arith.constant 0 : i32
        %dma_wait3A_44 = tpu.memref_slice %arg2[%add3A_14, %dma_wait3A_43] : memref<320000x64xf32, #tpu.memory_space<hbm>> -> memref<1000x64xf32, #tpu.memory_space<hbm>>
        tpu.wait_dma2 semaphore(%run_scoped3A_38 : memref<!tpu.dma_semaphore, #tpu.memory_space<semaphore_mem>>) src(%dma_wait3A_44 : memref<1000x64xf32, #tpu.memory_space<hbm>>) dst(%arg7 : memref<1000x64xf32, #tpu.memory_space<vmem>>)
        tpu.yield
      }) : () -> ()
      %jit3A = arith.constant 125 : i32
      %div3A = arith.divsi %add3A_14, %jit3A : i32
      %sign3A = arith.constant 0 : i32
      %sign3A_15 = arith.cmpi sgt, %add3A_14, %sign3A : i32
      %sign3A_16 = arith.extui %sign3A_15 : i1 to i32
      %sign3A_17 = arith.constant 0 : i32
      %sign3A_18 = arith.cmpi slt, %add3A_14, %sign3A_17 : i32
      %sign3A_19 = arith.extui %sign3A_18 : i1 to i32
      %sign3A_20 = arith.subi %sign3A_16, %sign3A_19 : i32
      %sign3A_21 = arith.constant 0 : i32
      %sign3A_22 = arith.cmpi sgt, %jit3A, %sign3A_21 : i32
      %sign3A_23 = arith.extui %sign3A_22 : i1 to i32
      %sign3A_24 = arith.constant 0 : i32
      %sign3A_25 = arith.cmpi slt, %jit3A, %sign3A_24 : i32
      %sign3A_26 = arith.extui %sign3A_25 : i1 to i32
      %sign3A_27 = arith.subi %sign3A_23, %sign3A_26 : i32
      %ne3A = arith.cmpi ne, %sign3A_20, %sign3A_27 : i32
      %rem3A = arith.remsi %add3A_14, %jit3A : i32
      %ne3A_28 = arith.constant 0 : i32
      %ne3A_29 = arith.cmpi ne, %rem3A, %ne3A_28 : i32
      %and3A = arith.andi %ne3A, %ne3A_29 : i1
      %sub3A = arith.constant 1 : i32
      %sub3A_30 = arith.subi %div3A, %sub3A : i32
      %select_n3A = arith.select %and3A, %sub3A_30, %div3A : i32
      "tpu.region"() ({
        %run_scoped3A_38 = tpu.sem_alloc : memref<!tpu.dma_semaphore, #tpu.memory_space<semaphore_mem>>
        %dma_start3A = arith.constant 0 : i32
        %dma_start3A_39 = tpu.memref_slice %arg3[%select_n3A, %dma_start3A] : memref<2560x125xi32, #tpu.memory_space<hbm>> -> memref<8x125xi32, #tpu.memory_space<hbm>>
        %dma_start3A_40 = arith.constant 0 : i32
        %dma_start3A_41 = tpu.memref_slice %arg3[%select_n3A, %dma_start3A_40] : memref<2560x125xi32, #tpu.memory_space<hbm>> -> memref<8x125xi32, #tpu.memory_space<hbm>>
        tpu.enqueue_dma source(%dma_start3A_41 : memref<8x125xi32, #tpu.memory_space<hbm>>) target(%arg6 : memref<8x125xi32, #tpu.memory_space<vmem>>) target_semaphore(%run_scoped3A_38 : memref<!tpu.dma_semaphore, #tpu.memory_space<semaphore_mem>>)
        %dma_wait3A = arith.constant 0 : i32
        %dma_wait3A_42 = tpu.memref_slice %arg3[%select_n3A, %dma_wait3A] : memref<2560x125xi32, #tpu.memory_space<hbm>> -> memref<8x125xi32, #tpu.memory_space<hbm>>
        %dma_wait3A_43 = arith.constant 0 : i32
        %dma_wait3A_44 = tpu.memref_slice %arg3[%select_n3A, %dma_wait3A_43] : memref<2560x125xi32, #tpu.memory_space<hbm>> -> memref<8x125xi32, #tpu.memory_space<hbm>>
        tpu.wait_dma2 semaphore(%run_scoped3A_38 : memref<!tpu.dma_semaphore, #tpu.memory_space<semaphore_mem>>) src(%dma_wait3A_44 : memref<8x125xi32, #tpu.memory_space<hbm>>) dst(%arg6 : memref<8x125xi32, #tpu.memory_space<vmem>>)
        tpu.yield
      }) : () -> ()
      %run_scoped3A = arith.constant 0 : i32
      "tpu.region"() ({
        %run_scoped3A_38 = tpu.sem_alloc : memref<!tpu.dma_semaphore, #tpu.memory_space<semaphore_mem>>
        %dma_start3A = arith.constant 0 : i32
        %dma_start3A_39 = arith.constant 0 : i32
        %dma_start3A_40 = tpu.memref_slice %arg7[%dma_start3A, %dma_start3A_39] : memref<1000x64xf32, #tpu.memory_space<vmem>> -> memref<125x64xf32, #tpu.memory_space<vmem>>
        %dma_start3A_41 = arith.constant 0 : i32
        %dma_start3A_42 = tpu.memref_slice %arg6[%run_scoped3A, %dma_start3A_41] : memref<8x125xi32, #tpu.memory_space<vmem>> -> memref<1x125xi32, #tpu.memory_space<vmem>>
        %dma_start3A_43 = tpu.memref_squeeze %dma_start3A_42 : memref<1x125xi32, #tpu.memory_space<vmem>> -> memref<125xi32, #tpu.memory_space<vmem>>
        %dma_start3A_44 = arith.constant 0 : i32
        %dma_start3A_45 = arith.constant 0 : i32
        %dma_start3A_46 = tpu.memref_slice %arg8[%dma_start3A_44, %dma_start3A_45] : memref<10000x64xf32, #tpu.memory_space<vmem_shared>> -> memref<10000x64xf32, #tpu.memory_space<vmem_shared>>
        tpu.enqueue_indirect_dma source(%dma_start3A_40 : memref<125x64xf32, #tpu.memory_space<vmem>>) target(%dma_start3A_46 : memref<10000x64xf32, #tpu.memory_space<vmem_shared>>) offsets(%dma_start3A_43 : memref<125xi32, #tpu.memory_space<vmem>>) semaphore(%run_scoped3A_38 : memref<!tpu.dma_semaphore, #tpu.memory_space<semaphore_mem>>) {add = true}
        %dma_wait3A = arith.constant 0 : i32
        %dma_wait3A_47 = arith.constant 0 : i32
        %dma_wait3A_48 = tpu.memref_slice %arg7[%dma_wait3A, %dma_wait3A_47] : memref<1000x64xf32, #tpu.memory_space<vmem>> -> memref<125x64xf32, #tpu.memory_space<vmem>>
        %dma_wait3A_49 = arith.constant 0 : i32
        %dma_wait3A_50 = tpu.memref_slice %arg6[%run_scoped3A, %dma_wait3A_49] : memref<8x125xi32, #tpu.memory_space<vmem>> -> memref<1x125xi32, #tpu.memory_space<vmem>>
        %dma_wait3A_51 = tpu.memref_squeeze %dma_wait3A_50 : memref<1x125xi32, #tpu.memory_space<vmem>> -> memref<125xi32, #tpu.memory_space<vmem>>
        %dma_wait3A_52 = arith.constant 0 : i32
        %dma_wait3A_53 = arith.constant 0 : i32
        %dma_wait3A_54 = tpu.memref_slice %arg8[%dma_wait3A_52, %dma_wait3A_53] : memref<10000x64xf32, #tpu.memory_space<vmem_shared>> -> memref<10000x64xf32, #tpu.memory_space<vmem_shared>>
        tpu.wait_indirect_dma semaphore(%run_scoped3A_38 : memref<!tpu.dma_semaphore, #tpu.memory_space<semaphore_mem>>) src(%dma_wait3A_48 : memref<125x64xf32, #tpu.memory_space<vmem>>) dst(%dma_wait3A_54 : memref<10000x64xf32, #tpu.memory_space<vmem_shared>>)
        tpu.yield
      }) : () -> ()
      %run_scoped3A_31 = arith.constant 1 : i32
      "tpu.region"() ({
        %run_scoped3A_38 = tpu.sem_alloc : memref<!tpu.dma_semaphore, #tpu.memory_space<semaphore_mem>>
        %dma_start3A = arith.constant 125 : i32
        %dma_start3A_39 = arith.constant 0 : i32
        %dma_start3A_40 = tpu.memref_slice %arg7[%dma_start3A, %dma_start3A_39] : memref<1000x64xf32, #tpu.memory_space<vmem>> -> memref<125x64xf32, #tpu.memory_space<vmem>>
        %dma_start3A_41 = arith.constant 0 : i32
        %dma_start3A_42 = tpu.memref_slice %arg6[%run_scoped3A_31, %dma_start3A_41] : memref<8x125xi32, #tpu.memory_space<vmem>> -> memref<1x125xi32, #tpu.memory_space<vmem>>
        %dma_start3A_43 = tpu.memref_squeeze %dma_start3A_42 : memref<1x125xi32, #tpu.memory_space<vmem>> -> memref<125xi32, #tpu.memory_space<vmem>>
        %dma_start3A_44 = arith.constant 0 : i32
        %dma_start3A_45 = arith.constant 0 : i32
        %dma_start3A_46 = tpu.memref_slice %arg8[%dma_start3A_44, %dma_start3A_45] : memref<10000x64xf32, #tpu.memory_space<vmem_shared>> -> memref<10000x64xf32, #tpu.memory_space<vmem_shared>>
        tpu.enqueue_indirect_dma source(%dma_start3A_40 : memref<125x64xf32, #tpu.memory_space<vmem>>) target(%dma_start3A_46 : memref<10000x64xf32, #tpu.memory_space<vmem_shared>>) offsets(%dma_start3A_43 : memref<125xi32, #tpu.memory_space<vmem>>) semaphore(%run_scoped3A_38 : memref<!tpu.dma_semaphore, #tpu.memory_space<semaphore_mem>>) {add = true}
        %dma_wait3A = arith.constant 125 : i32
        %dma_wait3A_47 = arith.constant 0 : i32
        %dma_wait3A_48 = tpu.memref_slice %arg7[%dma_wait3A, %dma_wait3A_47] : memref<1000x64xf32, #tpu.memory_space<vmem>> -> memref<125x64xf32, #tpu.memory_space<vmem>>
        %dma_wait3A_49 = arith.constant 0 : i32
        %dma_wait3A_50 = tpu.memref_slice %arg6[%run_scoped3A_31, %dma_wait3A_49] : memref<8x125xi32, #tpu.memory_space<vmem>> -> memref<1x125xi32, #tpu.memory_space<vmem>>
        %dma_wait3A_51 = tpu.memref_squeeze %dma_wait3A_50 : memref<1x125xi32, #tpu.memory_space<vmem>> -> memref<125xi32, #tpu.memory_space<vmem>>
        %dma_wait3A_52 = arith.constant 0 : i32
        %dma_wait3A_53 = arith.constant 0 : i32
        %dma_wait3A_54 = tpu.memref_slice %arg8[%dma_wait3A_52, %dma_wait3A_53] : memref<10000x64xf32, #tpu.memory_space<vmem_shared>> -> memref<10000x64xf32, #tpu.memory_space<vmem_shared>>
        tpu.wait_indirect_dma semaphore(%run_scoped3A_38 : memref<!tpu.dma_semaphore, #tpu.memory_space<semaphore_mem>>) src(%dma_wait3A_48 : memref<125x64xf32, #tpu.memory_space<vmem>>) dst(%dma_wait3A_54 : memref<10000x64xf32, #tpu.memory_space<vmem_shared>>)
        tpu.yield
      }) : () -> ()
      %run_scoped3A_32 = arith.constant 2 : i32
      "tpu.region"() ({
        %run_scoped3A_38 = tpu.sem_alloc : memref<!tpu.dma_semaphore, #tpu.memory_space<semaphore_mem>>
        %dma_start3A = arith.constant 250 : i32
        %dma_start3A_39 = arith.constant 0 : i32
        %dma_start3A_40 = tpu.memref_slice %arg7[%dma_start3A, %dma_start3A_39] : memref<1000x64xf32, #tpu.memory_space<vmem>> -> memref<125x64xf32, #tpu.memory_space<vmem>>
        %dma_start3A_41 = arith.constant 0 : i32
        %dma_start3A_42 = tpu.memref_slice %arg6[%run_scoped3A_32, %dma_start3A_41] : memref<8x125xi32, #tpu.memory_space<vmem>> -> memref<1x125xi32, #tpu.memory_space<vmem>>
        %dma_start3A_43 = tpu.memref_squeeze %dma_start3A_42 : memref<1x125xi32, #tpu.memory_space<vmem>> -> memref<125xi32, #tpu.memory_space<vmem>>
        %dma_start3A_44 = arith.constant 0 : i32
        %dma_start3A_45 = arith.constant 0 : i32
        %dma_start3A_46 = tpu.memref_slice %arg8[%dma_start3A_44, %dma_start3A_45] : memref<10000x64xf32, #tpu.memory_space<vmem_shared>> -> memref<10000x64xf32, #tpu.memory_space<vmem_shared>>
        tpu.enqueue_indirect_dma source(%dma_start3A_40 : memref<125x64xf32, #tpu.memory_space<vmem>>) target(%dma_start3A_46 : memref<10000x64xf32, #tpu.memory_space<vmem_shared>>) offsets(%dma_start3A_43 : memref<125xi32, #tpu.memory_space<vmem>>) semaphore(%run_scoped3A_38 : memref<!tpu.dma_semaphore, #tpu.memory_space<semaphore_mem>>) {add = true}
        %dma_wait3A = arith.constant 250 : i32
        %dma_wait3A_47 = arith.constant 0 : i32
        %dma_wait3A_48 = tpu.memref_slice %arg7[%dma_wait3A, %dma_wait3A_47] : memref<1000x64xf32, #tpu.memory_space<vmem>> -> memref<125x64xf32, #tpu.memory_space<vmem>>
        %dma_wait3A_49 = arith.constant 0 : i32
        %dma_wait3A_50 = tpu.memref_slice %arg6[%run_scoped3A_32, %dma_wait3A_49] : memref<8x125xi32, #tpu.memory_space<vmem>> -> memref<1x125xi32, #tpu.memory_space<vmem>>
        %dma_wait3A_51 = tpu.memref_squeeze %dma_wait3A_50 : memref<1x125xi32, #tpu.memory_space<vmem>> -> memref<125xi32, #tpu.memory_space<vmem>>
        %dma_wait3A_52 = arith.constant 0 : i32
        %dma_wait3A_53 = arith.constant 0 : i32
        %dma_wait3A_54 = tpu.memref_slice %arg8[%dma_wait3A_52, %dma_wait3A_53] : memref<10000x64xf32, #tpu.memory_space<vmem_shared>> -> memref<10000x64xf32, #tpu.memory_space<vmem_shared>>
        tpu.wait_indirect_dma semaphore(%run_scoped3A_38 : memref<!tpu.dma_semaphore, #tpu.memory_space<semaphore_mem>>) src(%dma_wait3A_48 : memref<125x64xf32, #tpu.memory_space<vmem>>) dst(%dma_wait3A_54 : memref<10000x64xf32, #tpu.memory_space<vmem_shared>>)
        tpu.yield
      }) : () -> ()
      %run_scoped3A_33 = arith.constant 3 : i32
      "tpu.region"() ({
        %run_scoped3A_38 = tpu.sem_alloc : memref<!tpu.dma_semaphore, #tpu.memory_space<semaphore_mem>>
        %dma_start3A = arith.constant 375 : i32
        %dma_start3A_39 = arith.constant 0 : i32
        %dma_start3A_40 = tpu.memref_slice %arg7[%dma_start3A, %dma_start3A_39] : memref<1000x64xf32, #tpu.memory_space<vmem>> -> memref<125x64xf32, #tpu.memory_space<vmem>>
        %dma_start3A_41 = arith.constant 0 : i32
        %dma_start3A_42 = tpu.memref_slice %arg6[%run_scoped3A_33, %dma_start3A_41] : memref<8x125xi32, #tpu.memory_space<vmem>> -> memref<1x125xi32, #tpu.memory_space<vmem>>
        %dma_start3A_43 = tpu.memref_squeeze %dma_start3A_42 : memref<1x125xi32, #tpu.memory_space<vmem>> -> memref<125xi32, #tpu.memory_space<vmem>>
        %dma_start3A_44 = arith.constant 0 : i32
        %dma_start3A_45 = arith.constant 0 : i32
        %dma_start3A_46 = tpu.memref_slice %arg8[%dma_start3A_44, %dma_start3A_45] : memref<10000x64xf32, #tpu.memory_space<vmem_shared>> -> memref<10000x64xf32, #tpu.memory_space<vmem_shared>>
        tpu.enqueue_indirect_dma source(%dma_start3A_40 : memref<125x64xf32, #tpu.memory_space<vmem>>) target(%dma_start3A_46 : memref<10000x64xf32, #tpu.memory_space<vmem_shared>>) offsets(%dma_start3A_43 : memref<125xi32, #tpu.memory_space<vmem>>) semaphore(%run_scoped3A_38 : memref<!tpu.dma_semaphore, #tpu.memory_space<semaphore_mem>>) {add = true}
        %dma_wait3A = arith.constant 375 : i32
        %dma_wait3A_47 = arith.constant 0 : i32
        %dma_wait3A_48 = tpu.memref_slice %arg7[%dma_wait3A, %dma_wait3A_47] : memref<1000x64xf32, #tpu.memory_space<vmem>> -> memref<125x64xf32, #tpu.memory_space<vmem>>
        %dma_wait3A_49 = arith.constant 0 : i32
        %dma_wait3A_50 = tpu.memref_slice %arg6[%run_scoped3A_33, %dma_wait3A_49] : memref<8x125xi32, #tpu.memory_space<vmem>> -> memref<1x125xi32, #tpu.memory_space<vmem>>
        %dma_wait3A_51 = tpu.memref_squeeze %dma_wait3A_50 : memref<1x125xi32, #tpu.memory_space<vmem>> -> memref<125xi32, #tpu.memory_space<vmem>>
        %dma_wait3A_52 = arith.constant 0 : i32
        %dma_wait3A_53 = arith.constant 0 : i32
        %dma_wait3A_54 = tpu.memref_slice %arg8[%dma_wait3A_52, %dma_wait3A_53] : memref<10000x64xf32, #tpu.memory_space<vmem_shared>> -> memref<10000x64xf32, #tpu.memory_space<vmem_shared>>
        tpu.wait_indirect_dma semaphore(%run_scoped3A_38 : memref<!tpu.dma_semaphore, #tpu.memory_space<semaphore_mem>>) src(%dma_wait3A_48 : memref<125x64xf32, #tpu.memory_space<vmem>>) dst(%dma_wait3A_54 : memref<10000x64xf32, #tpu.memory_space<vmem_shared>>)
        tpu.yield
      }) : () -> ()
      %run_scoped3A_34 = arith.constant 4 : i32
      "tpu.region"() ({
        %run_scoped3A_38 = tpu.sem_alloc : memref<!tpu.dma_semaphore, #tpu.memory_space<semaphore_mem>>
        %dma_start3A = arith.constant 500 : i32
        %dma_start3A_39 = arith.constant 0 : i32
        %dma_start3A_40 = tpu.memref_slice %arg7[%dma_start3A, %dma_start3A_39] : memref<1000x64xf32, #tpu.memory_space<vmem>> -> memref<125x64xf32, #tpu.memory_space<vmem>>
        %dma_start3A_41 = arith.constant 0 : i32
        %dma_start3A_42 = tpu.memref_slice %arg6[%run_scoped3A_34, %dma_start3A_41] : memref<8x125xi32, #tpu.memory_space<vmem>> -> memref<1x125xi32, #tpu.memory_space<vmem>>
        %dma_start3A_43 = tpu.memref_squeeze %dma_start3A_42 : memref<1x125xi32, #tpu.memory_space<vmem>> -> memref<125xi32, #tpu.memory_space<vmem>>
        %dma_start3A_44 = arith.constant 0 : i32
        %dma_start3A_45 = arith.constant 0 : i32
        %dma_start3A_46 = tpu.memref_slice %arg8[%dma_start3A_44, %dma_start3A_45] : memref<10000x64xf32, #tpu.memory_space<vmem_shared>> -> memref<10000x64xf32, #tpu.memory_space<vmem_shared>>
        tpu.enqueue_indirect_dma source(%dma_start3A_40 : memref<125x64xf32, #tpu.memory_space<vmem>>) target(%dma_start3A_46 : memref<10000x64xf32, #tpu.memory_space<vmem_shared>>) offsets(%dma_start3A_43 : memref<125xi32, #tpu.memory_space<vmem>>) semaphore(%run_scoped3A_38 : memref<!tpu.dma_semaphore, #tpu.memory_space<semaphore_mem>>) {add = true}
        %dma_wait3A = arith.constant 500 : i32
        %dma_wait3A_47 = arith.constant 0 : i32
        %dma_wait3A_48 = tpu.memref_slice %arg7[%dma_wait3A, %dma_wait3A_47] : memref<1000x64xf32, #tpu.memory_space<vmem>> -> memref<125x64xf32, #tpu.memory_space<vmem>>
        %dma_wait3A_49 = arith.constant 0 : i32
        %dma_wait3A_50 = tpu.memref_slice %arg6[%run_scoped3A_34, %dma_wait3A_49] : memref<8x125xi32, #tpu.memory_space<vmem>> -> memref<1x125xi32, #tpu.memory_space<vmem>>
        %dma_wait3A_51 = tpu.memref_squeeze %dma_wait3A_50 : memref<1x125xi32, #tpu.memory_space<vmem>> -> memref<125xi32, #tpu.memory_space<vmem>>
        %dma_wait3A_52 = arith.constant 0 : i32
        %dma_wait3A_53 = arith.constant 0 : i32
        %dma_wait3A_54 = tpu.memref_slice %arg8[%dma_wait3A_52, %dma_wait3A_53] : memref<10000x64xf32, #tpu.memory_space<vmem_shared>> -> memref<10000x64xf32, #tpu.memory_space<vmem_shared>>
        tpu.wait_indirect_dma semaphore(%run_scoped3A_38 : memref<!tpu.dma_semaphore, #tpu.memory_space<semaphore_mem>>) src(%dma_wait3A_48 : memref<125x64xf32, #tpu.memory_space<vmem>>) dst(%dma_wait3A_54 : memref<10000x64xf32, #tpu.memory_space<vmem_shared>>)
        tpu.yield
      }) : () -> ()
      %run_scoped3A_35 = arith.constant 5 : i32
      "tpu.region"() ({
        %run_scoped3A_38 = tpu.sem_alloc : memref<!tpu.dma_semaphore, #tpu.memory_space<semaphore_mem>>
        %dma_start3A = arith.constant 625 : i32
        %dma_start3A_39 = arith.constant 0 : i32
        %dma_start3A_40 = tpu.memref_slice %arg7[%dma_start3A, %dma_start3A_39] : memref<1000x64xf32, #tpu.memory_space<vmem>> -> memref<125x64xf32, #tpu.memory_space<vmem>>
        %dma_start3A_41 = arith.constant 0 : i32
        %dma_start3A_42 = tpu.memref_slice %arg6[%run_scoped3A_35, %dma_start3A_41] : memref<8x125xi32, #tpu.memory_space<vmem>> -> memref<1x125xi32, #tpu.memory_space<vmem>>
        %dma_start3A_43 = tpu.memref_squeeze %dma_start3A_42 : memref<1x125xi32, #tpu.memory_space<vmem>> -> memref<125xi32, #tpu.memory_space<vmem>>
        %dma_start3A_44 = arith.constant 0 : i32
        %dma_start3A_45 = arith.constant 0 : i32
        %dma_start3A_46 = tpu.memref_slice %arg8[%dma_start3A_44, %dma_start3A_45] : memref<10000x64xf32, #tpu.memory_space<vmem_shared>> -> memref<10000x64xf32, #tpu.memory_space<vmem_shared>>
        tpu.enqueue_indirect_dma source(%dma_start3A_40 : memref<125x64xf32, #tpu.memory_space<vmem>>) target(%dma_start3A_46 : memref<10000x64xf32, #tpu.memory_space<vmem_shared>>) offsets(%dma_start3A_43 : memref<125xi32, #tpu.memory_space<vmem>>) semaphore(%run_scoped3A_38 : memref<!tpu.dma_semaphore, #tpu.memory_space<semaphore_mem>>) {add = true}
        %dma_wait3A = arith.constant 625 : i32
        %dma_wait3A_47 = arith.constant 0 : i32
        %dma_wait3A_48 = tpu.memref_slice %arg7[%dma_wait3A, %dma_wait3A_47] : memref<1000x64xf32, #tpu.memory_space<vmem>> -> memref<125x64xf32, #tpu.memory_space<vmem>>
        %dma_wait3A_49 = arith.constant 0 : i32
        %dma_wait3A_50 = tpu.memref_slice %arg6[%run_scoped3A_35, %dma_wait3A_49] : memref<8x125xi32, #tpu.memory_space<vmem>> -> memref<1x125xi32, #tpu.memory_space<vmem>>
        %dma_wait3A_51 = tpu.memref_squeeze %dma_wait3A_50 : memref<1x125xi32, #tpu.memory_space<vmem>> -> memref<125xi32, #tpu.memory_space<vmem>>
        %dma_wait3A_52 = arith.constant 0 : i32
        %dma_wait3A_53 = arith.constant 0 : i32
        %dma_wait3A_54 = tpu.memref_slice %arg8[%dma_wait3A_52, %dma_wait3A_53] : memref<10000x64xf32, #tpu.memory_space<vmem_shared>> -> memref<10000x64xf32, #tpu.memory_space<vmem_shared>>
        tpu.wait_indirect_dma semaphore(%run_scoped3A_38 : memref<!tpu.dma_semaphore, #tpu.memory_space<semaphore_mem>>) src(%dma_wait3A_48 : memref<125x64xf32, #tpu.memory_space<vmem>>) dst(%dma_wait3A_54 : memref<10000x64xf32, #tpu.memory_space<vmem_shared>>)
        tpu.yield
      }) : () -> ()
      %run_scoped3A_36 = arith.constant 6 : i32
      "tpu.region"() ({
        %run_scoped3A_38 = tpu.sem_alloc : memref<!tpu.dma_semaphore, #tpu.memory_space<semaphore_mem>>
        %dma_start3A = arith.constant 750 : i32
        %dma_start3A_39 = arith.constant 0 : i32
        %dma_start3A_40 = tpu.memref_slice %arg7[%dma_start3A, %dma_start3A_39] : memref<1000x64xf32, #tpu.memory_space<vmem>> -> memref<125x64xf32, #tpu.memory_space<vmem>>
        %dma_start3A_41 = arith.constant 0 : i32
        %dma_start3A_42 = tpu.memref_slice %arg6[%run_scoped3A_36, %dma_start3A_41] : memref<8x125xi32, #tpu.memory_space<vmem>> -> memref<1x125xi32, #tpu.memory_space<vmem>>
        %dma_start3A_43 = tpu.memref_squeeze %dma_start3A_42 : memref<1x125xi32, #tpu.memory_space<vmem>> -> memref<125xi32, #tpu.memory_space<vmem>>
        %dma_start3A_44 = arith.constant 0 : i32
        %dma_start3A_45 = arith.constant 0 : i32
        %dma_start3A_46 = tpu.memref_slice %arg8[%dma_start3A_44, %dma_start3A_45] : memref<10000x64xf32, #tpu.memory_space<vmem_shared>> -> memref<10000x64xf32, #tpu.memory_space<vmem_shared>>
        tpu.enqueue_indirect_dma source(%dma_start3A_40 : memref<125x64xf32, #tpu.memory_space<vmem>>) target(%dma_start3A_46 : memref<10000x64xf32, #tpu.memory_space<vmem_shared>>) offsets(%dma_start3A_43 : memref<125xi32, #tpu.memory_space<vmem>>) semaphore(%run_scoped3A_38 : memref<!tpu.dma_semaphore, #tpu.memory_space<semaphore_mem>>) {add = true}
        %dma_wait3A = arith.constant 750 : i32
        %dma_wait3A_47 = arith.constant 0 : i32
        %dma_wait3A_48 = tpu.memref_slice %arg7[%dma_wait3A, %dma_wait3A_47] : memref<1000x64xf32, #tpu.memory_space<vmem>> -> memref<125x64xf32, #tpu.memory_space<vmem>>
        %dma_wait3A_49 = arith.constant 0 : i32
        %dma_wait3A_50 = tpu.memref_slice %arg6[%run_scoped3A_36, %dma_wait3A_49] : memref<8x125xi32, #tpu.memory_space<vmem>> -> memref<1x125xi32, #tpu.memory_space<vmem>>
        %dma_wait3A_51 = tpu.memref_squeeze %dma_wait3A_50 : memref<1x125xi32, #tpu.memory_space<vmem>> -> memref<125xi32, #tpu.memory_space<vmem>>
        %dma_wait3A_52 = arith.constant 0 : i32
        %dma_wait3A_53 = arith.constant 0 : i32
        %dma_wait3A_54 = tpu.memref_slice %arg8[%dma_wait3A_52, %dma_wait3A_53] : memref<10000x64xf32, #tpu.memory_space<vmem_shared>> -> memref<10000x64xf32, #tpu.memory_space<vmem_shared>>
        tpu.wait_indirect_dma semaphore(%run_scoped3A_38 : memref<!tpu.dma_semaphore, #tpu.memory_space<semaphore_mem>>) src(%dma_wait3A_48 : memref<125x64xf32, #tpu.memory_space<vmem>>) dst(%dma_wait3A_54 : memref<10000x64xf32, #tpu.memory_space<vmem_shared>>)
        tpu.yield
      }) : () -> ()
      %run_scoped3A_37 = arith.constant 7 : i32
      "tpu.region"() ({
        %run_scoped3A_38 = tpu.sem_alloc : memref<!tpu.dma_semaphore, #tpu.memory_space<semaphore_mem>>
        %dma_start3A = arith.constant 875 : i32
        %dma_start3A_39 = arith.constant 0 : i32
        %dma_start3A_40 = tpu.memref_slice %arg7[%dma_start3A, %dma_start3A_39] : memref<1000x64xf32, #tpu.memory_space<vmem>> -> memref<125x64xf32, #tpu.memory_space<vmem>>
        %dma_start3A_41 = arith.constant 0 : i32
        %dma_start3A_42 = tpu.memref_slice %arg6[%run_scoped3A_37, %dma_start3A_41] : memref<8x125xi32, #tpu.memory_space<vmem>> -> memref<1x125xi32, #tpu.memory_space<vmem>>
        %dma_start3A_43 = tpu.memref_squeeze %dma_start3A_42 : memref<1x125xi32, #tpu.memory_space<vmem>> -> memref<125xi32, #tpu.memory_space<vmem>>
        %dma_start3A_44 = arith.constant 0 : i32
        %dma_start3A_45 = arith.constant 0 : i32
        %dma_start3A_46 = tpu.memref_slice %arg8[%dma_start3A_44, %dma_start3A_45] : memref<10000x64xf32, #tpu.memory_space<vmem_shared>> -> memref<10000x64xf32, #tpu.memory_space<vmem_shared>>
        tpu.enqueue_indirect_dma source(%dma_start3A_40 : memref<125x64xf32, #tpu.memory_space<vmem>>) target(%dma_start3A_46 : memref<10000x64xf32, #tpu.memory_space<vmem_shared>>) offsets(%dma_start3A_43 : memref<125xi32, #tpu.memory_space<vmem>>) semaphore(%run_scoped3A_38 : memref<!tpu.dma_semaphore, #tpu.memory_space<semaphore_mem>>) {add = true}
        %dma_wait3A = arith.constant 875 : i32
        %dma_wait3A_47 = arith.constant 0 : i32
        %dma_wait3A_48 = tpu.memref_slice %arg7[%dma_wait3A, %dma_wait3A_47] : memref<1000x64xf32, #tpu.memory_space<vmem>> -> memref<125x64xf32, #tpu.memory_space<vmem>>
        %dma_wait3A_49 = arith.constant 0 : i32
        %dma_wait3A_50 = tpu.memref_slice %arg6[%run_scoped3A_37, %dma_wait3A_49] : memref<8x125xi32, #tpu.memory_space<vmem>> -> memref<1x125xi32, #tpu.memory_space<vmem>>
        %dma_wait3A_51 = tpu.memref_squeeze %dma_wait3A_50 : memref<1x125xi32, #tpu.memory_space<vmem>> -> memref<125xi32, #tpu.memory_space<vmem>>
        %dma_wait3A_52 = arith.constant 0 : i32
        %dma_wait3A_53 = arith.constant 0 : i32
        %dma_wait3A_54 = tpu.memref_slice %arg8[%dma_wait3A_52, %dma_wait3A_53] : memref<10000x64xf32, #tpu.memory_space<vmem_shared>> -> memref<10000x64xf32, #tpu.memory_space<vmem_shared>>
        tpu.wait_indirect_dma semaphore(%run_scoped3A_38 : memref<!tpu.dma_semaphore, #tpu.memory_space<semaphore_mem>>) src(%dma_wait3A_48 : memref<125x64xf32, #tpu.memory_space<vmem>>) dst(%dma_wait3A_54 : memref<10000x64xf32, #tpu.memory_space<vmem_shared>>)
        tpu.yield
      }) : () -> ()
    }
    %scan3A_5 = arith.constant 10 : i32
    %barrier3A_6 = arith.constant 0 : index
    tpu.barrier barrier_id(%barrier3A_6)
    "tpu.region"() ({
      %run_scoped3A = tpu.sem_alloc : memref<!tpu.dma_semaphore, #tpu.memory_space<semaphore_mem>>
      %dma_start3A = arith.constant 0 : i32
      %dma_start3A_7 = tpu.memref_slice %arg5[%arg0, %mul3A_0, %dma_start3A] : memref<2x10000x64xf32, #tpu.memory_space<hbm>> -> memref<1x625x64xf32, #tpu.memory_space<hbm>>
      %dma_start3A_8 = tpu.memref_squeeze %dma_start3A_7 : memref<1x625x64xf32, #tpu.memory_space<hbm>> -> memref<625x64xf32, #tpu.memory_space<hbm>>
      %dma_start3A_9 = arith.constant 0 : i32
      %dma_start3A_10 = tpu.memref_slice %arg8[%mul3A_0, %dma_start3A_9] : memref<10000x64xf32, #tpu.memory_space<vmem_shared>> -> memref<625x64xf32, #tpu.memory_space<vmem_shared>>
      tpu.enqueue_dma source(%dma_start3A_10 : memref<625x64xf32, #tpu.memory_space<vmem_shared>>) target(%dma_start3A_8 : memref<625x64xf32, #tpu.memory_space<hbm>>) target_semaphore(%run_scoped3A : memref<!tpu.dma_semaphore, #tpu.memory_space<semaphore_mem>>)
      %dma_wait3A = arith.constant 0 : i32
      %dma_wait3A_11 = tpu.memref_slice %arg5[%arg0, %mul3A_0, %dma_wait3A] : memref<2x10000x64xf32, #tpu.memory_space<hbm>> -> memref<1x625x64xf32, #tpu.memory_space<hbm>>
      %dma_wait3A_12 = tpu.memref_squeeze %dma_wait3A_11 : memref<1x625x64xf32, #tpu.memory_space<hbm>> -> memref<625x64xf32, #tpu.memory_space<hbm>>
      %dma_wait3A_13 = arith.constant 0 : i32
      %dma_wait3A_14 = tpu.memref_slice %arg8[%mul3A_0, %dma_wait3A_13] : memref<10000x64xf32, #tpu.memory_space<vmem_shared>> -> memref<625x64xf32, #tpu.memory_space<vmem_shared>>
      tpu.wait_dma2 semaphore(%run_scoped3A : memref<!tpu.dma_semaphore, #tpu.memory_space<semaphore_mem>>) src(%dma_wait3A_14 : memref<625x64xf32, #tpu.memory_space<vmem_shared>>) dst(%dma_wait3A_12 : memref<625x64xf32, #tpu.memory_space<hbm>>)
      tpu.yield
    }) : () -> ()
    return
  }
}

#map = affine_map<(d0, d1) -> (0, 0)>
#map1 = affine_map<(d0, d1) -> (0, 0, 0)>
module attributes {stable_mosaic.version = 14 : i64} {
  func.func @_scatter_body(%arg0: i32, %arg1: i32, %arg2: memref<320000x64xf32, #tpu.memory_space<hbm>>, %arg3: memref<2560x125xi32, #tpu.memory_space<hbm>>, %arg4: memref<625x64xf32, #tpu.memory_space<hbm>>, %arg5: memref<2x10000x64xf32, #tpu.memory_space<hbm>>, %arg6: memref<8x125xi32, #tpu.memory_space<vmem>>, %arg7: memref<1000x64xf32, #tpu.memory_space<vmem>>, %arg8: memref<10000x64xf32, #tpu.memory_space<vmem_shared>>, %arg9: memref<!tpu.dma_semaphore, #tpu.memory_space<semaphore_mem>>) attributes {dimension_semantics = [#tpu.dimension_semantics<core_parallel>, #tpu.dimension_semantics<subcore_parallel>], iteration_bounds = array<i64: 2, 16>, scalar_prefetch = 0 : i64, scratch_operands = 4 : i64, tpu.core_type = #tpu.core_type<sc_vector_subcore>, window_params = [{transform_indices = #map}, {transform_indices = #map}, {transform_indices = #map}, {transform_indices = #map1}]} {
    %mul3A = arith.constant 625 : i32
    %mul3A_0 = arith.muli %arg1, %mul3A : i32
    "tpu.region"() ({
      %run_scoped3A = tpu.sem_alloc : memref<!tpu.dma_semaphore, #tpu.memory_space<semaphore_mem>>
      %dma_start3A = arith.constant 0 : i32
      %dma_start3A_7 = tpu.memref_slice %arg8[%mul3A_0, %dma_start3A] : memref<10000x64xf32, #tpu.memory_space<vmem_shared>> -> memref<625x64xf32, #tpu.memory_space<vmem_shared>>
      tpu.enqueue_dma source(%arg4 : memref<625x64xf32, #tpu.memory_space<hbm>>) target(%dma_start3A_7 : memref<625x64xf32, #tpu.memory_space<vmem_shared>>) target_semaphore(%run_scoped3A : memref<!tpu.dma_semaphore, #tpu.memory_space<semaphore_mem>>)
      %dma_wait3A = arith.constant 0 : i32
      %dma_wait3A_8 = tpu.memref_slice %arg8[%mul3A_0, %dma_wait3A] : memref<10000x64xf32, #tpu.memory_space<vmem_shared>> -> memref<625x64xf32, #tpu.memory_space<vmem_shared>>
      tpu.wait_dma2 semaphore(%run_scoped3A : memref<!tpu.dma_semaphore, #tpu.memory_space<semaphore_mem>>) src(%arg4 : memref<625x64xf32, #tpu.memory_space<hbm>>) dst(%dma_wait3A_8 : memref<625x64xf32, #tpu.memory_space<vmem_shared>>)
      tpu.yield
    }) : () -> ()
    %barrier3A = arith.constant 0 : index
    tpu.barrier barrier_id(%barrier3A)
    %scan3A = arith.constant 0 : i32
    %scan3A_1 = arith.constant 0 : i32
    %scan3A_2 = arith.constant 10 : i32
    %scan3A_3 = arith.addi %scan3A_1, %scan3A_2 : i32
    %scan3A_4 = arith.constant 1 : i32
    scf.for %scan3A_7 = %scan3A_1 to %scan3A_3 step %scan3A_4  : i32 {
      %mul3A_8 = arith.constant 16 : i32
      %mul3A_9 = arith.muli %arg0, %mul3A_8 : i32
      %add3A = arith.addi %mul3A_9, %arg1 : i32
      %mul3A_10 = arith.constant 10000 : i32
      %mul3A_11 = arith.muli %add3A, %mul3A_10 : i32
      %mul3A_12 = arith.constant 1000 : i32
      %mul3A_13 = arith.muli %scan3A_7, %mul3A_12 : i32
      %add3A_14 = arith.addi %mul3A_11, %mul3A_13 : i32
      "tpu.region"() ({
        %run_scoped3A_38 = tpu.sem_alloc : memref<!tpu.dma_semaphore, #tpu.memory_space<semaphore_mem>>
        %dma_start3A = arith.constant 0 : i32
        %dma_start3A_39 = tpu.memref_slice %arg2[%add3A_14, %dma_start3A] : memref<320000x64xf32, #tpu.memory_space<hbm>> -> memref<1000x64xf32, #tpu.memory_space<hbm>>
        %dma_start3A_40 = arith.constant 0 : i32
        %dma_start3A_41 = tpu.memref_slice %arg2[%add3A_14, %dma_start3A_40] : memref<320000x64xf32, #tpu.memory_space<hbm>> -> memref<1000x64xf32, #tpu.memory_space<hbm>>
        tpu.enqueue_dma source(%dma_start3A_41 : memref<1000x64xf32, #tpu.memory_space<hbm>>) target(%arg7 : memref<1000x64xf32, #tpu.memory_space<vmem>>) target_semaphore(%run_scoped3A_38 : memref<!tpu.dma_semaphore, #tpu.memory_space<semaphore_mem>>)
        %dma_wait3A = arith.constant 0 : i32
        %dma_wait3A_42 = tpu.memref_slice %arg2[%add3A_14, %dma_wait3A] : memref<320000x64xf32, #tpu.memory_space<hbm>> -> memref<1000x64xf32, #tpu.memory_space<hbm>>
        %dma_wait3A_43 = arith.constant 0 : i32
        %dma_wait3A_44 = tpu.memref_slice %arg2[%add3A_14, %dma_wait3A_43] : memref<320000x64xf32, #tpu.memory_space<hbm>> -> memref<1000x64xf32, #tpu.memory_space<hbm>>
        tpu.wait_dma2 semaphore(%run_scoped3A_38 : memref<!tpu.dma_semaphore, #tpu.memory_space<semaphore_mem>>) src(%dma_wait3A_44 : memref<1000x64xf32, #tpu.memory_space<hbm>>) dst(%arg7 : memref<1000x64xf32, #tpu.memory_space<vmem>>)
        tpu.yield
      }) : () -> ()
      %jit3A = arith.constant 125 : i32
      %div3A = arith.divsi %add3A_14, %jit3A : i32
      %sign3A = arith.constant 0 : i32
      %sign3A_15 = arith.cmpi sgt, %add3A_14, %sign3A : i32
      %sign3A_16 = arith.extui %sign3A_15 : i1 to i32
      %sign3A_17 = arith.constant 0 : i32
      %sign3A_18 = arith.cmpi slt, %add3A_14, %sign3A_17 : i32
      %sign3A_19 = arith.extui %sign3A_18 : i1 to i32
      %sign3A_20 = arith.subi %sign3A_16, %sign3A_19 : i32
      %sign3A_21 = arith.constant 0 : i32
      %sign3A_22 = arith.cmpi sgt, %jit3A, %sign3A_21 : i32
      %sign3A_23 = arith.extui %sign3A_22 : i1 to i32
      %sign3A_24 = arith.constant 0 : i32
      %sign3A_25 = arith.cmpi slt, %jit3A, %sign3A_24 : i32
      %sign3A_26 = arith.extui %sign3A_25 : i1 to i32
      %sign3A_27 = arith.subi %sign3A_23, %sign3A_26 : i32
      %ne3A = arith.cmpi ne, %sign3A_20, %sign3A_27 : i32
      %rem3A = arith.remsi %add3A_14, %jit3A : i32
      %ne3A_28 = arith.constant 0 : i32
      %ne3A_29 = arith.cmpi ne, %rem3A, %ne3A_28 : i32
      %and3A = arith.andi %ne3A, %ne3A_29 : i1
      %sub3A = arith.constant 1 : i32
      %sub3A_30 = arith.subi %div3A, %sub3A : i32
      %select_n3A = arith.select %and3A, %sub3A_30, %div3A : i32
      "tpu.region"() ({
        %run_scoped3A_38 = tpu.sem_alloc : memref<!tpu.dma_semaphore, #tpu.memory_space<semaphore_mem>>
        %dma_start3A = arith.constant 0 : i32
        %dma_start3A_39 = tpu.memref_slice %arg3[%select_n3A, %dma_start3A] : memref<2560x125xi32, #tpu.memory_space<hbm>> -> memref<8x125xi32, #tpu.memory_space<hbm>>
        %dma_start3A_40 = arith.constant 0 : i32
        %dma_start3A_41 = tpu.memref_slice %arg3[%select_n3A, %dma_start3A_40] : memref<2560x125xi32, #tpu.memory_space<hbm>> -> memref<8x125xi32, #tpu.memory_space<hbm>>
        tpu.enqueue_dma source(%dma_start3A_41 : memref<8x125xi32, #tpu.memory_space<hbm>>) target(%arg6 : memref<8x125xi32, #tpu.memory_space<vmem>>) target_semaphore(%run_scoped3A_38 : memref<!tpu.dma_semaphore, #tpu.memory_space<semaphore_mem>>)
        %dma_wait3A = arith.constant 0 : i32
        %dma_wait3A_42 = tpu.memref_slice %arg3[%select_n3A, %dma_wait3A] : memref<2560x125xi32, #tpu.memory_space<hbm>> -> memref<8x125xi32, #tpu.memory_space<hbm>>
        %dma_wait3A_43 = arith.constant 0 : i32
        %dma_wait3A_44 = tpu.memref_slice %arg3[%select_n3A, %dma_wait3A_43] : memref<2560x125xi32, #tpu.memory_space<hbm>> -> memref<8x125xi32, #tpu.memory_space<hbm>>
        tpu.wait_dma2 semaphore(%run_scoped3A_38 : memref<!tpu.dma_semaphore, #tpu.memory_space<semaphore_mem>>) src(%dma_wait3A_44 : memref<8x125xi32, #tpu.memory_space<hbm>>) dst(%arg6 : memref<8x125xi32, #tpu.memory_space<vmem>>)
        tpu.yield
      }) : () -> ()
      %run_scoped3A = arith.constant 0 : i32
      "tpu.region"() ({
        %run_scoped3A_38 = tpu.sem_alloc : memref<!tpu.dma_semaphore, #tpu.memory_space<semaphore_mem>>
        %dma_start3A = arith.constant 0 : i32
        %dma_start3A_39 = arith.constant 0 : i32
        %dma_start3A_40 = tpu.memref_slice %arg7[%dma_start3A, %dma_start3A_39] : memref<1000x64xf32, #tpu.memory_space<vmem>> -> memref<125x64xf32, #tpu.memory_space<vmem>>
        %dma_start3A_41 = arith.constant 0 : i32
        %dma_start3A_42 = tpu.memref_slice %arg6[%run_scoped3A, %dma_start3A_41] : memref<8x125xi32, #tpu.memory_space<vmem>> -> memref<1x125xi32, #tpu.memory_space<vmem>>
        %dma_start3A_43 = tpu.memref_squeeze %dma_start3A_42 : memref<1x125xi32, #tpu.memory_space<vmem>> -> memref<125xi32, #tpu.memory_space<vmem>>
        %dma_start3A_44 = arith.constant 0 : i32
        %dma_start3A_45 = arith.constant 0 : i32
        %dma_start3A_46 = tpu.memref_slice %arg8[%dma_start3A_44, %dma_start3A_45] : memref<10000x64xf32, #tpu.memory_space<vmem_shared>> -> memref<10000x64xf32, #tpu.memory_space<vmem_shared>>
        tpu.enqueue_indirect_dma source(%dma_start3A_40 : memref<125x64xf32, #tpu.memory_space<vmem>>) target(%dma_start3A_46 : memref<10000x64xf32, #tpu.memory_space<vmem_shared>>) offsets(%dma_start3A_43 : memref<125xi32, #tpu.memory_space<vmem>>) semaphore(%run_scoped3A_38 : memref<!tpu.dma_semaphore, #tpu.memory_space<semaphore_mem>>) {add = true}
        %dma_wait3A = arith.constant 0 : i32
        %dma_wait3A_47 = arith.constant 0 : i32
        %dma_wait3A_48 = tpu.memref_slice %arg7[%dma_wait3A, %dma_wait3A_47] : memref<1000x64xf32, #tpu.memory_space<vmem>> -> memref<125x64xf32, #tpu.memory_space<vmem>>
        %dma_wait3A_49 = arith.constant 0 : i32
        %dma_wait3A_50 = tpu.memref_slice %arg6[%run_scoped3A, %dma_wait3A_49] : memref<8x125xi32, #tpu.memory_space<vmem>> -> memref<1x125xi32, #tpu.memory_space<vmem>>
        %dma_wait3A_51 = tpu.memref_squeeze %dma_wait3A_50 : memref<1x125xi32, #tpu.memory_space<vmem>> -> memref<125xi32, #tpu.memory_space<vmem>>
        %dma_wait3A_52 = arith.constant 0 : i32
        %dma_wait3A_53 = arith.constant 0 : i32
        %dma_wait3A_54 = tpu.memref_slice %arg8[%dma_wait3A_52, %dma_wait3A_53] : memref<10000x64xf32, #tpu.memory_space<vmem_shared>> -> memref<10000x64xf32, #tpu.memory_space<vmem_shared>>
        tpu.wait_indirect_dma semaphore(%run_scoped3A_38 : memref<!tpu.dma_semaphore, #tpu.memory_space<semaphore_mem>>) src(%dma_wait3A_48 : memref<125x64xf32, #tpu.memory_space<vmem>>) dst(%dma_wait3A_54 : memref<10000x64xf32, #tpu.memory_space<vmem_shared>>)
        tpu.yield
      }) : () -> ()
      %run_scoped3A_31 = arith.constant 1 : i32
      "tpu.region"() ({
        %run_scoped3A_38 = tpu.sem_alloc : memref<!tpu.dma_semaphore, #tpu.memory_space<semaphore_mem>>
        %dma_start3A = arith.constant 125 : i32
        %dma_start3A_39 = arith.constant 0 : i32
        %dma_start3A_40 = tpu.memref_slice %arg7[%dma_start3A, %dma_start3A_39] : memref<1000x64xf32, #tpu.memory_space<vmem>> -> memref<125x64xf32, #tpu.memory_space<vmem>>
        %dma_start3A_41 = arith.constant 0 : i32
        %dma_start3A_42 = tpu.memref_slice %arg6[%run_scoped3A_31, %dma_start3A_41] : memref<8x125xi32, #tpu.memory_space<vmem>> -> memref<1x125xi32, #tpu.memory_space<vmem>>
        %dma_start3A_43 = tpu.memref_squeeze %dma_start3A_42 : memref<1x125xi32, #tpu.memory_space<vmem>> -> memref<125xi32, #tpu.memory_space<vmem>>
        %dma_start3A_44 = arith.constant 0 : i32
        %dma_start3A_45 = arith.constant 0 : i32
        %dma_start3A_46 = tpu.memref_slice %arg8[%dma_start3A_44, %dma_start3A_45] : memref<10000x64xf32, #tpu.memory_space<vmem_shared>> -> memref<10000x64xf32, #tpu.memory_space<vmem_shared>>
        tpu.enqueue_indirect_dma source(%dma_start3A_40 : memref<125x64xf32, #tpu.memory_space<vmem>>) target(%dma_start3A_46 : memref<10000x64xf32, #tpu.memory_space<vmem_shared>>) offsets(%dma_start3A_43 : memref<125xi32, #tpu.memory_space<vmem>>) semaphore(%run_scoped3A_38 : memref<!tpu.dma_semaphore, #tpu.memory_space<semaphore_mem>>) {add = true}
        %dma_wait3A = arith.constant 125 : i32
        %dma_wait3A_47 = arith.constant 0 : i32
        %dma_wait3A_48 = tpu.memref_slice %arg7[%dma_wait3A, %dma_wait3A_47] : memref<1000x64xf32, #tpu.memory_space<vmem>> -> memref<125x64xf32, #tpu.memory_space<vmem>>
        %dma_wait3A_49 = arith.constant 0 : i32
        %dma_wait3A_50 = tpu.memref_slice %arg6[%run_scoped3A_31, %dma_wait3A_49] : memref<8x125xi32, #tpu.memory_space<vmem>> -> memref<1x125xi32, #tpu.memory_space<vmem>>
        %dma_wait3A_51 = tpu.memref_squeeze %dma_wait3A_50 : memref<1x125xi32, #tpu.memory_space<vmem>> -> memref<125xi32, #tpu.memory_space<vmem>>
        %dma_wait3A_52 = arith.constant 0 : i32
        %dma_wait3A_53 = arith.constant 0 : i32
        %dma_wait3A_54 = tpu.memref_slice %arg8[%dma_wait3A_52, %dma_wait3A_53] : memref<10000x64xf32, #tpu.memory_space<vmem_shared>> -> memref<10000x64xf32, #tpu.memory_space<vmem_shared>>
        tpu.wait_indirect_dma semaphore(%run_scoped3A_38 : memref<!tpu.dma_semaphore, #tpu.memory_space<semaphore_mem>>) src(%dma_wait3A_48 : memref<125x64xf32, #tpu.memory_space<vmem>>) dst(%dma_wait3A_54 : memref<10000x64xf32, #tpu.memory_space<vmem_shared>>)
        tpu.yield
      }) : () -> ()
      %run_scoped3A_32 = arith.constant 2 : i32
      "tpu.region"() ({
        %run_scoped3A_38 = tpu.sem_alloc : memref<!tpu.dma_semaphore, #tpu.memory_space<semaphore_mem>>
        %dma_start3A = arith.constant 250 : i32
        %dma_start3A_39 = arith.constant 0 : i32
        %dma_start3A_40 = tpu.memref_slice %arg7[%dma_start3A, %dma_start3A_39] : memref<1000x64xf32, #tpu.memory_space<vmem>> -> memref<125x64xf32, #tpu.memory_space<vmem>>
        %dma_start3A_41 = arith.constant 0 : i32
        %dma_start3A_42 = tpu.memref_slice %arg6[%run_scoped3A_32, %dma_start3A_41] : memref<8x125xi32, #tpu.memory_space<vmem>> -> memref<1x125xi32, #tpu.memory_space<vmem>>
        %dma_start3A_43 = tpu.memref_squeeze %dma_start3A_42 : memref<1x125xi32, #tpu.memory_space<vmem>> -> memref<125xi32, #tpu.memory_space<vmem>>
        %dma_start3A_44 = arith.constant 0 : i32
        %dma_start3A_45 = arith.constant 0 : i32
        %dma_start3A_46 = tpu.memref_slice %arg8[%dma_start3A_44, %dma_start3A_45] : memref<10000x64xf32, #tpu.memory_space<vmem_shared>> -> memref<10000x64xf32, #tpu.memory_space<vmem_shared>>
        tpu.enqueue_indirect_dma source(%dma_start3A_40 : memref<125x64xf32, #tpu.memory_space<vmem>>) target(%dma_start3A_46 : memref<10000x64xf32, #tpu.memory_space<vmem_shared>>) offsets(%dma_start3A_43 : memref<125xi32, #tpu.memory_space<vmem>>) semaphore(%run_scoped3A_38 : memref<!tpu.dma_semaphore, #tpu.memory_space<semaphore_mem>>) {add = true}
        %dma_wait3A = arith.constant 250 : i32
        %dma_wait3A_47 = arith.constant 0 : i32
        %dma_wait3A_48 = tpu.memref_slice %arg7[%dma_wait3A, %dma_wait3A_47] : memref<1000x64xf32, #tpu.memory_space<vmem>> -> memref<125x64xf32, #tpu.memory_space<vmem>>
        %dma_wait3A_49 = arith.constant 0 : i32
        %dma_wait3A_50 = tpu.memref_slice %arg6[%run_scoped3A_32, %dma_wait3A_49] : memref<8x125xi32, #tpu.memory_space<vmem>> -> memref<1x125xi32, #tpu.memory_space<vmem>>
        %dma_wait3A_51 = tpu.memref_squeeze %dma_wait3A_50 : memref<1x125xi32, #tpu.memory_space<vmem>> -> memref<125xi32, #tpu.memory_space<vmem>>
        %dma_wait3A_52 = arith.constant 0 : i32
        %dma_wait3A_53 = arith.constant 0 : i32
        %dma_wait3A_54 = tpu.memref_slice %arg8[%dma_wait3A_52, %dma_wait3A_53] : memref<10000x64xf32, #tpu.memory_space<vmem_shared>> -> memref<10000x64xf32, #tpu.memory_space<vmem_shared>>
        tpu.wait_indirect_dma semaphore(%run_scoped3A_38 : memref<!tpu.dma_semaphore, #tpu.memory_space<semaphore_mem>>) src(%dma_wait3A_48 : memref<125x64xf32, #tpu.memory_space<vmem>>) dst(%dma_wait3A_54 : memref<10000x64xf32, #tpu.memory_space<vmem_shared>>)
        tpu.yield
      }) : () -> ()
      %run_scoped3A_33 = arith.constant 3 : i32
      "tpu.region"() ({
        %run_scoped3A_38 = tpu.sem_alloc : memref<!tpu.dma_semaphore, #tpu.memory_space<semaphore_mem>>
        %dma_start3A = arith.constant 375 : i32
        %dma_start3A_39 = arith.constant 0 : i32
        %dma_start3A_40 = tpu.memref_slice %arg7[%dma_start3A, %dma_start3A_39] : memref<1000x64xf32, #tpu.memory_space<vmem>> -> memref<125x64xf32, #tpu.memory_space<vmem>>
        %dma_start3A_41 = arith.constant 0 : i32
        %dma_start3A_42 = tpu.memref_slice %arg6[%run_scoped3A_33, %dma_start3A_41] : memref<8x125xi32, #tpu.memory_space<vmem>> -> memref<1x125xi32, #tpu.memory_space<vmem>>
        %dma_start3A_43 = tpu.memref_squeeze %dma_start3A_42 : memref<1x125xi32, #tpu.memory_space<vmem>> -> memref<125xi32, #tpu.memory_space<vmem>>
        %dma_start3A_44 = arith.constant 0 : i32
        %dma_start3A_45 = arith.constant 0 : i32
        %dma_start3A_46 = tpu.memref_slice %arg8[%dma_start3A_44, %dma_start3A_45] : memref<10000x64xf32, #tpu.memory_space<vmem_shared>> -> memref<10000x64xf32, #tpu.memory_space<vmem_shared>>
        tpu.enqueue_indirect_dma source(%dma_start3A_40 : memref<125x64xf32, #tpu.memory_space<vmem>>) target(%dma_start3A_46 : memref<10000x64xf32, #tpu.memory_space<vmem_shared>>) offsets(%dma_start3A_43 : memref<125xi32, #tpu.memory_space<vmem>>) semaphore(%run_scoped3A_38 : memref<!tpu.dma_semaphore, #tpu.memory_space<semaphore_mem>>) {add = true}
        %dma_wait3A = arith.constant 375 : i32
        %dma_wait3A_47 = arith.constant 0 : i32
        %dma_wait3A_48 = tpu.memref_slice %arg7[%dma_wait3A, %dma_wait3A_47] : memref<1000x64xf32, #tpu.memory_space<vmem>> -> memref<125x64xf32, #tpu.memory_space<vmem>>
        %dma_wait3A_49 = arith.constant 0 : i32
        %dma_wait3A_50 = tpu.memref_slice %arg6[%run_scoped3A_33, %dma_wait3A_49] : memref<8x125xi32, #tpu.memory_space<vmem>> -> memref<1x125xi32, #tpu.memory_space<vmem>>
        %dma_wait3A_51 = tpu.memref_squeeze %dma_wait3A_50 : memref<1x125xi32, #tpu.memory_space<vmem>> -> memref<125xi32, #tpu.memory_space<vmem>>
        %dma_wait3A_52 = arith.constant 0 : i32
        %dma_wait3A_53 = arith.constant 0 : i32
        %dma_wait3A_54 = tpu.memref_slice %arg8[%dma_wait3A_52, %dma_wait3A_53] : memref<10000x64xf32, #tpu.memory_space<vmem_shared>> -> memref<10000x64xf32, #tpu.memory_space<vmem_shared>>
        tpu.wait_indirect_dma semaphore(%run_scoped3A_38 : memref<!tpu.dma_semaphore, #tpu.memory_space<semaphore_mem>>) src(%dma_wait3A_48 : memref<125x64xf32, #tpu.memory_space<vmem>>) dst(%dma_wait3A_54 : memref<10000x64xf32, #tpu.memory_space<vmem_shared>>)
        tpu.yield
      }) : () -> ()
      %run_scoped3A_34 = arith.constant 4 : i32
      "tpu.region"() ({
        %run_scoped3A_38 = tpu.sem_alloc : memref<!tpu.dma_semaphore, #tpu.memory_space<semaphore_mem>>
        %dma_start3A = arith.constant 500 : i32
        %dma_start3A_39 = arith.constant 0 : i32
        %dma_start3A_40 = tpu.memref_slice %arg7[%dma_start3A, %dma_start3A_39] : memref<1000x64xf32, #tpu.memory_space<vmem>> -> memref<125x64xf32, #tpu.memory_space<vmem>>
        %dma_start3A_41 = arith.constant 0 : i32
        %dma_start3A_42 = tpu.memref_slice %arg6[%run_scoped3A_34, %dma_start3A_41] : memref<8x125xi32, #tpu.memory_space<vmem>> -> memref<1x125xi32, #tpu.memory_space<vmem>>
        %dma_start3A_43 = tpu.memref_squeeze %dma_start3A_42 : memref<1x125xi32, #tpu.memory_space<vmem>> -> memref<125xi32, #tpu.memory_space<vmem>>
        %dma_start3A_44 = arith.constant 0 : i32
        %dma_start3A_45 = arith.constant 0 : i32
        %dma_start3A_46 = tpu.memref_slice %arg8[%dma_start3A_44, %dma_start3A_45] : memref<10000x64xf32, #tpu.memory_space<vmem_shared>> -> memref<10000x64xf32, #tpu.memory_space<vmem_shared>>
        tpu.enqueue_indirect_dma source(%dma_start3A_40 : memref<125x64xf32, #tpu.memory_space<vmem>>) target(%dma_start3A_46 : memref<10000x64xf32, #tpu.memory_space<vmem_shared>>) offsets(%dma_start3A_43 : memref<125xi32, #tpu.memory_space<vmem>>) semaphore(%run_scoped3A_38 : memref<!tpu.dma_semaphore, #tpu.memory_space<semaphore_mem>>) {add = true}
        %dma_wait3A = arith.constant 500 : i32
        %dma_wait3A_47 = arith.constant 0 : i32
        %dma_wait3A_48 = tpu.memref_slice %arg7[%dma_wait3A, %dma_wait3A_47] : memref<1000x64xf32, #tpu.memory_space<vmem>> -> memref<125x64xf32, #tpu.memory_space<vmem>>
        %dma_wait3A_49 = arith.constant 0 : i32
        %dma_wait3A_50 = tpu.memref_slice %arg6[%run_scoped3A_34, %dma_wait3A_49] : memref<8x125xi32, #tpu.memory_space<vmem>> -> memref<1x125xi32, #tpu.memory_space<vmem>>
        %dma_wait3A_51 = tpu.memref_squeeze %dma_wait3A_50 : memref<1x125xi32, #tpu.memory_space<vmem>> -> memref<125xi32, #tpu.memory_space<vmem>>
        %dma_wait3A_52 = arith.constant 0 : i32
        %dma_wait3A_53 = arith.constant 0 : i32
        %dma_wait3A_54 = tpu.memref_slice %arg8[%dma_wait3A_52, %dma_wait3A_53] : memref<10000x64xf32, #tpu.memory_space<vmem_shared>> -> memref<10000x64xf32, #tpu.memory_space<vmem_shared>>
        tpu.wait_indirect_dma semaphore(%run_scoped3A_38 : memref<!tpu.dma_semaphore, #tpu.memory_space<semaphore_mem>>) src(%dma_wait3A_48 : memref<125x64xf32, #tpu.memory_space<vmem>>) dst(%dma_wait3A_54 : memref<10000x64xf32, #tpu.memory_space<vmem_shared>>)
        tpu.yield
      }) : () -> ()
      %run_scoped3A_35 = arith.constant 5 : i32
      "tpu.region"() ({
        %run_scoped3A_38 = tpu.sem_alloc : memref<!tpu.dma_semaphore, #tpu.memory_space<semaphore_mem>>
        %dma_start3A = arith.constant 625 : i32
        %dma_start3A_39 = arith.constant 0 : i32
        %dma_start3A_40 = tpu.memref_slice %arg7[%dma_start3A, %dma_start3A_39] : memref<1000x64xf32, #tpu.memory_space<vmem>> -> memref<125x64xf32, #tpu.memory_space<vmem>>
        %dma_start3A_41 = arith.constant 0 : i32
        %dma_start3A_42 = tpu.memref_slice %arg6[%run_scoped3A_35, %dma_start3A_41] : memref<8x125xi32, #tpu.memory_space<vmem>> -> memref<1x125xi32, #tpu.memory_space<vmem>>
        %dma_start3A_43 = tpu.memref_squeeze %dma_start3A_42 : memref<1x125xi32, #tpu.memory_space<vmem>> -> memref<125xi32, #tpu.memory_space<vmem>>
        %dma_start3A_44 = arith.constant 0 : i32
        %dma_start3A_45 = arith.constant 0 : i32
        %dma_start3A_46 = tpu.memref_slice %arg8[%dma_start3A_44, %dma_start3A_45] : memref<10000x64xf32, #tpu.memory_space<vmem_shared>> -> memref<10000x64xf32, #tpu.memory_space<vmem_shared>>
        tpu.enqueue_indirect_dma source(%dma_start3A_40 : memref<125x64xf32, #tpu.memory_space<vmem>>) target(%dma_start3A_46 : memref<10000x64xf32, #tpu.memory_space<vmem_shared>>) offsets(%dma_start3A_43 : memref<125xi32, #tpu.memory_space<vmem>>) semaphore(%run_scoped3A_38 : memref<!tpu.dma_semaphore, #tpu.memory_space<semaphore_mem>>) {add = true}
        %dma_wait3A = arith.constant 625 : i32
        %dma_wait3A_47 = arith.constant 0 : i32
        %dma_wait3A_48 = tpu.memref_slice %arg7[%dma_wait3A, %dma_wait3A_47] : memref<1000x64xf32, #tpu.memory_space<vmem>> -> memref<125x64xf32, #tpu.memory_space<vmem>>
        %dma_wait3A_49 = arith.constant 0 : i32
        %dma_wait3A_50 = tpu.memref_slice %arg6[%run_scoped3A_35, %dma_wait3A_49] : memref<8x125xi32, #tpu.memory_space<vmem>> -> memref<1x125xi32, #tpu.memory_space<vmem>>
        %dma_wait3A_51 = tpu.memref_squeeze %dma_wait3A_50 : memref<1x125xi32, #tpu.memory_space<vmem>> -> memref<125xi32, #tpu.memory_space<vmem>>
        %dma_wait3A_52 = arith.constant 0 : i32
        %dma_wait3A_53 = arith.constant 0 : i32
        %dma_wait3A_54 = tpu.memref_slice %arg8[%dma_wait3A_52, %dma_wait3A_53] : memref<10000x64xf32, #tpu.memory_space<vmem_shared>> -> memref<10000x64xf32, #tpu.memory_space<vmem_shared>>
        tpu.wait_indirect_dma semaphore(%run_scoped3A_38 : memref<!tpu.dma_semaphore, #tpu.memory_space<semaphore_mem>>) src(%dma_wait3A_48 : memref<125x64xf32, #tpu.memory_space<vmem>>) dst(%dma_wait3A_54 : memref<10000x64xf32, #tpu.memory_space<vmem_shared>>)
        tpu.yield
      }) : () -> ()
      %run_scoped3A_36 = arith.constant 6 : i32
      "tpu.region"() ({
        %run_scoped3A_38 = tpu.sem_alloc : memref<!tpu.dma_semaphore, #tpu.memory_space<semaphore_mem>>
        %dma_start3A = arith.constant 750 : i32
        %dma_start3A_39 = arith.constant 0 : i32
        %dma_start3A_40 = tpu.memref_slice %arg7[%dma_start3A, %dma_start3A_39] : memref<1000x64xf32, #tpu.memory_space<vmem>> -> memref<125x64xf32, #tpu.memory_space<vmem>>
        %dma_start3A_41 = arith.constant 0 : i32
        %dma_start3A_42 = tpu.memref_slice %arg6[%run_scoped3A_36, %dma_start3A_41] : memref<8x125xi32, #tpu.memory_space<vmem>> -> memref<1x125xi32, #tpu.memory_space<vmem>>
        %dma_start3A_43 = tpu.memref_squeeze %dma_start3A_42 : memref<1x125xi32, #tpu.memory_space<vmem>> -> memref<125xi32, #tpu.memory_space<vmem>>
        %dma_start3A_44 = arith.constant 0 : i32
        %dma_start3A_45 = arith.constant 0 : i32
        %dma_start3A_46 = tpu.memref_slice %arg8[%dma_start3A_44, %dma_start3A_45] : memref<10000x64xf32, #tpu.memory_space<vmem_shared>> -> memref<10000x64xf32, #tpu.memory_space<vmem_shared>>
        tpu.enqueue_indirect_dma source(%dma_start3A_40 : memref<125x64xf32, #tpu.memory_space<vmem>>) target(%dma_start3A_46 : memref<10000x64xf32, #tpu.memory_space<vmem_shared>>) offsets(%dma_start3A_43 : memref<125xi32, #tpu.memory_space<vmem>>) semaphore(%run_scoped3A_38 : memref<!tpu.dma_semaphore, #tpu.memory_space<semaphore_mem>>) {add = true}
        %dma_wait3A = arith.constant 750 : i32
        %dma_wait3A_47 = arith.constant 0 : i32
        %dma_wait3A_48 = tpu.memref_slice %arg7[%dma_wait3A, %dma_wait3A_47] : memref<1000x64xf32, #tpu.memory_space<vmem>> -> memref<125x64xf32, #tpu.memory_space<vmem>>
        %dma_wait3A_49 = arith.constant 0 : i32
        %dma_wait3A_50 = tpu.memref_slice %arg6[%run_scoped3A_36, %dma_wait3A_49] : memref<8x125xi32, #tpu.memory_space<vmem>> -> memref<1x125xi32, #tpu.memory_space<vmem>>
        %dma_wait3A_51 = tpu.memref_squeeze %dma_wait3A_50 : memref<1x125xi32, #tpu.memory_space<vmem>> -> memref<125xi32, #tpu.memory_space<vmem>>
        %dma_wait3A_52 = arith.constant 0 : i32
        %dma_wait3A_53 = arith.constant 0 : i32
        %dma_wait3A_54 = tpu.memref_slice %arg8[%dma_wait3A_52, %dma_wait3A_53] : memref<10000x64xf32, #tpu.memory_space<vmem_shared>> -> memref<10000x64xf32, #tpu.memory_space<vmem_shared>>
        tpu.wait_indirect_dma semaphore(%run_scoped3A_38 : memref<!tpu.dma_semaphore, #tpu.memory_space<semaphore_mem>>) src(%dma_wait3A_48 : memref<125x64xf32, #tpu.memory_space<vmem>>) dst(%dma_wait3A_54 : memref<10000x64xf32, #tpu.memory_space<vmem_shared>>)
        tpu.yield
      }) : () -> ()
      %run_scoped3A_37 = arith.constant 7 : i32
      "tpu.region"() ({
        %run_scoped3A_38 = tpu.sem_alloc : memref<!tpu.dma_semaphore, #tpu.memory_space<semaphore_mem>>
        %dma_start3A = arith.constant 875 : i32
        %dma_start3A_39 = arith.constant 0 : i32
        %dma_start3A_40 = tpu.memref_slice %arg7[%dma_start3A, %dma_start3A_39] : memref<1000x64xf32, #tpu.memory_space<vmem>> -> memref<125x64xf32, #tpu.memory_space<vmem>>
        %dma_start3A_41 = arith.constant 0 : i32
        %dma_start3A_42 = tpu.memref_slice %arg6[%run_scoped3A_37, %dma_start3A_41] : memref<8x125xi32, #tpu.memory_space<vmem>> -> memref<1x125xi32, #tpu.memory_space<vmem>>
        %dma_start3A_43 = tpu.memref_squeeze %dma_start3A_42 : memref<1x125xi32, #tpu.memory_space<vmem>> -> memref<125xi32, #tpu.memory_space<vmem>>
        %dma_start3A_44 = arith.constant 0 : i32
        %dma_start3A_45 = arith.constant 0 : i32
        %dma_start3A_46 = tpu.memref_slice %arg8[%dma_start3A_44, %dma_start3A_45] : memref<10000x64xf32, #tpu.memory_space<vmem_shared>> -> memref<10000x64xf32, #tpu.memory_space<vmem_shared>>
        tpu.enqueue_indirect_dma source(%dma_start3A_40 : memref<125x64xf32, #tpu.memory_space<vmem>>) target(%dma_start3A_46 : memref<10000x64xf32, #tpu.memory_space<vmem_shared>>) offsets(%dma_start3A_43 : memref<125xi32, #tpu.memory_space<vmem>>) semaphore(%run_scoped3A_38 : memref<!tpu.dma_semaphore, #tpu.memory_space<semaphore_mem>>) {add = true}
        %dma_wait3A = arith.constant 875 : i32
        %dma_wait3A_47 = arith.constant 0 : i32
        %dma_wait3A_48 = tpu.memref_slice %arg7[%dma_wait3A, %dma_wait3A_47] : memref<1000x64xf32, #tpu.memory_space<vmem>> -> memref<125x64xf32, #tpu.memory_space<vmem>>
        %dma_wait3A_49 = arith.constant 0 : i32
        %dma_wait3A_50 = tpu.memref_slice %arg6[%run_scoped3A_37, %dma_wait3A_49] : memref<8x125xi32, #tpu.memory_space<vmem>> -> memref<1x125xi32, #tpu.memory_space<vmem>>
        %dma_wait3A_51 = tpu.memref_squeeze %dma_wait3A_50 : memref<1x125xi32, #tpu.memory_space<vmem>> -> memref<125xi32, #tpu.memory_space<vmem>>
        %dma_wait3A_52 = arith.constant 0 : i32
        %dma_wait3A_53 = arith.constant 0 : i32
        %dma_wait3A_54 = tpu.memref_slice %arg8[%dma_wait3A_52, %dma_wait3A_53] : memref<10000x64xf32, #tpu.memory_space<vmem_shared>> -> memref<10000x64xf32, #tpu.memory_space<vmem_shared>>
        tpu.wait_indirect_dma semaphore(%run_scoped3A_38 : memref<!tpu.dma_semaphore, #tpu.memory_space<semaphore_mem>>) src(%dma_wait3A_48 : memref<125x64xf32, #tpu.memory_space<vmem>>) dst(%dma_wait3A_54 : memref<10000x64xf32, #tpu.memory_space<vmem_shared>>)
        tpu.yield
      }) : () -> ()
    }
    %scan3A_5 = arith.constant 10 : i32
    %barrier3A_6 = arith.constant 0 : index
    tpu.barrier barrier_id(%barrier3A_6)
    "tpu.region"() ({
      %run_scoped3A = tpu.sem_alloc : memref<!tpu.dma_semaphore, #tpu.memory_space<semaphore_mem>>
      %dma_start3A = arith.constant 0 : i32
      %dma_start3A_7 = tpu.memref_slice %arg5[%arg0, %mul3A_0, %dma_start3A] : memref<2x10000x64xf32, #tpu.memory_space<hbm>> -> memref<1x625x64xf32, #tpu.memory_space<hbm>>
      %dma_start3A_8 = tpu.memref_squeeze %dma_start3A_7 : memref<1x625x64xf32, #tpu.memory_space<hbm>> -> memref<625x64xf32, #tpu.memory_space<hbm>>
      %dma_start3A_9 = arith.constant 0 : i32
      %dma_start3A_10 = tpu.memref_slice %arg8[%mul3A_0, %dma_start3A_9] : memref<10000x64xf32, #tpu.memory_space<vmem_shared>> -> memref<625x64xf32, #tpu.memory_space<vmem_shared>>
      tpu.enqueue_dma source(%dma_start3A_10 : memref<625x64xf32, #tpu.memory_space<vmem_shared>>) target(%dma_start3A_8 : memref<625x64xf32, #tpu.memory_space<hbm>>) target_semaphore(%run_scoped3A : memref<!tpu.dma_semaphore, #tpu.memory_space<semaphore_mem>>)
      %dma_wait3A = arith.constant 0 : i32
      %dma_wait3A_11 = tpu.memref_slice %arg5[%arg0, %mul3A_0, %dma_wait3A] : memref<2x10000x64xf32, #tpu.memory_space<hbm>> -> memref<1x625x64xf32, #tpu.memory_space<hbm>>
      %dma_wait3A_12 = tpu.memref_squeeze %dma_wait3A_11 : memref<1x625x64xf32, #tpu.memory_space<hbm>> -> memref<625x64xf32, #tpu.memory_space<hbm>>
      %dma_wait3A_13 = arith.constant 0 : i32
      %dma_wait3A_14 = tpu.memref_slice %arg8[%mul3A_0, %dma_wait3A_13] : memref<10000x64xf32, #tpu.memory_space<vmem_shared>> -> memref<625x64xf32, #tpu.memory_space<vmem_shared>>
      tpu.wait_dma2 semaphore(%run_scoped3A : memref<!tpu.dma_semaphore, #tpu.memory_space<semaphore_mem>>) src(%dma_wait3A_14 : memref<625x64xf32, #tpu.memory_space<vmem_shared>>) dst(%dma_wait3A_12 : memref<625x64xf32, #tpu.memory_space<hbm>>)
      tpu.yield
    }) : () -> ()
    return
  }
}

module attributes {stable_mosaic.version = 14 : i64} {
  func.func @_embed_body(%arg0: i32, %arg1: memref<2000x32xf32, #tpu.memory_space<vmem>>, %arg2: memref<32x64xf32, #tpu.memory_space<vmem>>, %arg3: memref<1x64xf32, #tpu.memory_space<vmem>>, %arg4: memref<64x128xf32, #tpu.memory_space<vmem>>, %arg5: memref<1x128xf32, #tpu.memory_space<vmem>>, %arg6: memref<128x64xf32, #tpu.memory_space<vmem>>, %arg7: memref<128x64xf32, #tpu.memory_space<vmem>>, %arg8: memref<2000x128xf32, #tpu.memory_space<vmem>>, %arg9: memref<2000x64xf32, #tpu.memory_space<vmem>>, %arg10: memref<2000x64xf32, #tpu.memory_space<vmem>>) attributes {dimension_semantics = [#tpu.dimension_semantics<arbitrary>], iteration_bounds = array<i64: 5>, scalar_prefetch = 0 : i64, scratch_operands = 0 : i64, tpu.core_type = #tpu.core_type<tc>, window_params = [{transform_indices = @transform_0, window_bounds = array<i64: 2000, 32>}, {pipeline_mode = #tpu.pipeline_mode<synchronous>, transform_indices = @transform_1, window_bounds = array<i64: 32, 64>}, {pipeline_mode = #tpu.pipeline_mode<synchronous>, transform_indices = @transform_2, window_bounds = array<i64: 1, 64>}, {pipeline_mode = #tpu.pipeline_mode<synchronous>, transform_indices = @transform_3, window_bounds = array<i64: 64, 128>}, {pipeline_mode = #tpu.pipeline_mode<synchronous>, transform_indices = @transform_4, window_bounds = array<i64: 1, 128>}, {pipeline_mode = #tpu.pipeline_mode<synchronous>, transform_indices = @transform_5, window_bounds = array<i64: 128, 64>}, {pipeline_mode = #tpu.pipeline_mode<synchronous>, transform_indices = @transform_6, window_bounds = array<i64: 128, 64>}, {transform_indices = @transform_7, window_bounds = array<i64: 2000, 128>}, {transform_indices = @transform_8, window_bounds = array<i64: 2000, 64>}, {transform_indices = @transform_9, window_bounds = array<i64: 2000, 64>}]} {
    %get3A = arith.constant 0 : index
    %get3A_0 = arith.constant 0 : index
    %get3A_1 = vector.load %arg1[%get3A, %get3A_0] : memref<2000x32xf32, #tpu.memory_space<vmem>>, vector<2000x32xf32>
    %get3A_2 = arith.constant 0 : index
    %get3A_3 = arith.constant 0 : index
    %get3A_4 = vector.load %arg2[%get3A_2, %get3A_3] : memref<32x64xf32, #tpu.memory_space<vmem>>, vector<32x64xf32>
    %dot_general3A = arith.constant dense<0.000000e+00> : vector<2000x64xf32>
    %dot_general3A_5 = tpu.matmul %get3A_1, %get3A_4, %dot_general3A {dimension_numbers = #tpu.dot_dimension_numbers<[1], [0], [0], [1], [0, 0, 1, 1], [], []>, transpose_lhs_hint = false} : vector<2000x32xf32>, vector<32x64xf32>, vector<2000x64xf32> -> vector<2000x64xf32>
    %get3A_6 = arith.constant 0 : index
    %get3A_7 = arith.constant 0 : index
    %get3A_8 = vector.load %arg3[%get3A_6, %get3A_7] : memref<1x64xf32, #tpu.memory_space<vmem>>, vector<1x64xf32>
    %add3A = vector.broadcast %get3A_8 : vector<1x64xf32> to vector<2000x64xf32>
    %add3A_9 = arith.addf %dot_general3A_5, %add3A : vector<2000x64xf32>
    %mul3A = arith.constant 5.000000e-01 : f32
    %mul3A_10 = vector.broadcast %mul3A : f32 to vector<2000x64xf32>
    %mul3A_11 = arith.mulf %mul3A_10, %add3A_9 : vector<2000x64xf32>
    %div3A = arith.constant 1.41421354 : f32
    %div3A_12 = vector.broadcast %div3A : f32 to vector<2000x64xf32>
    %div3A_13 = arith.divf %add3A_9, %div3A_12 : vector<2000x64xf32>
    %erf3A = math.erf %div3A_13 : vector<2000x64xf32>
    %add3A_14 = arith.constant 1.000000e+00 : f32
    %add3A_15 = vector.broadcast %add3A_14 : f32 to vector<2000x64xf32>
    %add3A_16 = arith.addf %add3A_15, %erf3A : vector<2000x64xf32>
    %mul3A_17 = arith.mulf %mul3A_11, %add3A_16 : vector<2000x64xf32>
    %get3A_18 = arith.constant 0 : index
    %get3A_19 = arith.constant 0 : index
    %get3A_20 = vector.load %arg4[%get3A_18, %get3A_19] : memref<64x128xf32, #tpu.memory_space<vmem>>, vector<64x128xf32>
    %dot_general3A_21 = arith.constant dense<0.000000e+00> : vector<2000x128xf32>
    %dot_general3A_22 = tpu.matmul %mul3A_17, %get3A_20, %dot_general3A_21 {dimension_numbers = #tpu.dot_dimension_numbers<[1], [0], [0], [1], [0, 0, 1, 1], [], []>, transpose_lhs_hint = false} : vector<2000x64xf32>, vector<64x128xf32>, vector<2000x128xf32> -> vector<2000x128xf32>
    %get3A_23 = arith.constant 0 : index
    %get3A_24 = arith.constant 0 : index
    %get3A_25 = vector.load %arg5[%get3A_23, %get3A_24] : memref<1x128xf32, #tpu.memory_space<vmem>>, vector<1x128xf32>
    %add3A_26 = vector.broadcast %get3A_25 : vector<1x128xf32> to vector<2000x128xf32>
    %add3A_27 = arith.addf %dot_general3A_22, %add3A_26 : vector<2000x128xf32>
    %swap3A = arith.constant 0 : index
    %swap3A_28 = arith.constant 0 : index
    %swap3A_29 = vector.load %arg8[%swap3A, %swap3A_28] : memref<2000x128xf32, #tpu.memory_space<vmem>>, vector<2000x128xf32>
    tpu.vector_store %arg8[%swap3A, %swap3A_28], %add3A_27 {strides = array<i32>} : memref<2000x128xf32, #tpu.memory_space<vmem>>, vector<2000x128xf32>,
    %get3A_30 = arith.constant 0 : index
    %get3A_31 = arith.constant 0 : index
    %get3A_32 = vector.load %arg6[%get3A_30, %get3A_31] : memref<128x64xf32, #tpu.memory_space<vmem>>, vector<128x64xf32>
    %dot_general3A_33 = arith.constant dense<0.000000e+00> : vector<2000x64xf32>
    %dot_general3A_34 = tpu.matmul %add3A_27, %get3A_32, %dot_general3A_33 {dimension_numbers = #tpu.dot_dimension_numbers<[1], [0], [0], [1], [0, 0, 1, 1], [], []>, transpose_lhs_hint = false} : vector<2000x128xf32>, vector<128x64xf32>, vector<2000x64xf32> -> vector<2000x64xf32>
    %swap3A_35 = arith.constant 0 : index
    %swap3A_36 = arith.constant 0 : index
    %swap3A_37 = vector.load %arg9[%swap3A_35, %swap3A_36] : memref<2000x64xf32, #tpu.memory_space<vmem>>, vector<2000x64xf32>
    tpu.vector_store %arg9[%swap3A_35, %swap3A_36], %dot_general3A_34 {strides = array<i32>} : memref<2000x64xf32, #tpu.memory_space<vmem>>, vector<2000x64xf32>,
    %get3A_38 = arith.constant 0 : index
    %get3A_39 = arith.constant 0 : index
    %get3A_40 = vector.load %arg7[%get3A_38, %get3A_39] : memref<128x64xf32, #tpu.memory_space<vmem>>, vector<128x64xf32>
    %dot_general3A_41 = arith.constant dense<0.000000e+00> : vector<2000x64xf32>
    %dot_general3A_42 = tpu.matmul %add3A_27, %get3A_40, %dot_general3A_41 {dimension_numbers = #tpu.dot_dimension_numbers<[1], [0], [0], [1], [0, 0, 1, 1], [], []>, transpose_lhs_hint = false} : vector<2000x128xf32>, vector<128x64xf32>, vector<2000x64xf32> -> vector<2000x64xf32>
    %swap3A_43 = arith.constant 0 : index
    %swap3A_44 = arith.constant 0 : index
    %swap3A_45 = vector.load %arg10[%swap3A_43, %swap3A_44] : memref<2000x64xf32, #tpu.memory_space<vmem>>, vector<2000x64xf32>
    tpu.vector_store %arg10[%swap3A_43, %swap3A_44], %dot_general3A_42 {strides = array<i32>} : memref<2000x64xf32, #tpu.memory_space<vmem>>, vector<2000x64xf32>,
    return
  }
  func.func @transform_0(%arg0: i32) -> (i32, i32) {
    %c0_i32 = arith.constant 0 : i32
    %c0_i32_0 = arith.constant 0 : i32
    return %arg0, %c0_i32 : i32, i32
  }
  func.func @transform_1(%arg0: i32) -> (i32, i32) {
    %c0_i32 = arith.constant 0 : i32
    %c0_i32_0 = arith.constant 0 : i32
    %c0_i32_1 = arith.constant 0 : i32
    return %c0_i32, %c0_i32_0 : i32, i32
  }
  func.func @transform_2(%arg0: i32) -> (i32, i32) {
    %c0_i32 = arith.constant 0 : i32
    %c0_i32_0 = arith.constant 0 : i32
    %c0_i32_1 = arith.constant 0 : i32
    return %c0_i32, %c0_i32_0 : i32, i32
  }
  func.func @transform_3(%arg0: i32) -> (i32, i32) {
    %c0_i32 = arith.constant 0 : i32
    %c0_i32_0 = arith.constant 0 : i32
    %c0_i32_1 = arith.constant 0 : i32
    return %c0_i32, %c0_i32_0 : i32, i32
  }
  func.func @transform_4(%arg0: i32) -> (i32, i32) {
    %c0_i32 = arith.constant 0 : i32
    %c0_i32_0 = arith.constant 0 : i32
    %c0_i32_1 = arith.constant 0 : i32
    return %c0_i32, %c0_i32_0 : i32, i32
  }
  func.func @transform_5(%arg0: i32) -> (i32, i32) {
    %c0_i32 = arith.constant 0 : i32
    %c0_i32_0 = arith.constant 0 : i32
    %c0_i32_1 = arith.constant 0 : i32
    return %c0_i32, %c0_i32_0 : i32, i32
  }
  func.func @transform_6(%arg0: i32) -> (i32, i32) {
    %c0_i32 = arith.constant 0 : i32
    %c0_i32_0 = arith.constant 0 : i32
    %c0_i32_1 = arith.constant 0 : i32
    return %c0_i32, %c0_i32_0 : i32, i32
  }
  func.func @transform_7(%arg0: i32) -> (i32, i32) {
    %c0_i32 = arith.constant 0 : i32
    %c0_i32_0 = arith.constant 0 : i32
    return %arg0, %c0_i32 : i32, i32
  }
  func.func @transform_8(%arg0: i32) -> (i32, i32) {
    %c0_i32 = arith.constant 0 : i32
    %c0_i32_0 = arith.constant 0 : i32
    return %arg0, %c0_i32 : i32, i32
  }
  func.func @transform_9(%arg0: i32) -> (i32, i32) {
    %c0_i32 = arith.constant 0 : i32
    %c0_i32_0 = arith.constant 0 : i32
    return %arg0, %c0_i32 : i32, i32
  }
}

module attributes {stable_mosaic.version = 14 : i64} {
  func.func @_edge0_body(%arg0: i32, %arg1: memref<1280x128xf32, #tpu.memory_space<vmem>>, %arg2: memref<1280x128xf32, #tpu.memory_space<vmem>>, %arg3: memref<1280x8xf32, #tpu.memory_space<vmem>>, %arg4: memref<1280x8xf32, #tpu.memory_space<vmem>>, %arg5: memref<1280x8xf32, #tpu.memory_space<vmem>>, %arg6: memref<1280x8xf32, #tpu.memory_space<vmem>>, %arg7: memref<1280x1xf32, #tpu.memory_space<vmem>>, %arg8: memref<1280x1xf32, #tpu.memory_space<vmem>>, %arg9: memref<12x64xf32, #tpu.memory_space<vmem>>, %arg10: memref<1x128xf32, #tpu.memory_space<vmem>>, %arg11: memref<128x128xf32, #tpu.memory_space<vmem>>, %arg12: memref<1x128xf32, #tpu.memory_space<vmem>>, %arg13: memref<128x128xf32, #tpu.memory_space<vmem>>, %arg14: memref<1x128xf32, #tpu.memory_space<vmem>>, %arg15: memref<1280x128xf32, #tpu.memory_space<vmem>>, %arg16: memref<1280x12xf32, #tpu.memory_space<vmem>>, %arg17: memref<1280x12xf32, #tpu.memory_space<vmem>>) attributes {dimension_semantics = [#tpu.dimension_semantics<arbitrary>], iteration_bounds = array<i64: 125>, scalar_prefetch = 0 : i64, scratch_operands = 0 : i64, tpu.core_type = #tpu.core_type<tc>, window_params = [{transform_indices = @transform_0, window_bounds = array<i64: 1280, 128>}, {transform_indices = @transform_1, window_bounds = array<i64: 1280, 128>}, {transform_indices = @transform_2, window_bounds = array<i64: 1280, 8>}, {transform_indices = @transform_3, window_bounds = array<i64: 1280, 8>}, {transform_indices = @transform_4, window_bounds = array<i64: 1280, 8>}, {transform_indices = @transform_5, window_bounds = array<i64: 1280, 8>}, {transform_indices = @transform_6, window_bounds = array<i64: 1280, 1>}, {transform_indices = @transform_7, window_bounds = array<i64: 1280, 1>}, {pipeline_mode = #tpu.pipeline_mode<synchronous>, transform_indices = @transform_8, window_bounds = array<i64: 12, 64>}, {pipeline_mode = #tpu.pipeline_mode<synchronous>, transform_indices = @transform_9, window_bounds = array<i64: 1, 128>}, {pipeline_mode = #tpu.pipeline_mode<synchronous>, transform_indices = @transform_10, window_bounds = array<i64: 128, 128>}, {pipeline_mode = #tpu.pipeline_mode<synchronous>, transform_indices = @transform_11, window_bounds = array<i64: 1, 128>}, {pipeline_mode = #tpu.pipeline_mode<synchronous>, transform_indices = @transform_12, window_bounds = array<i64: 128, 128>}, {pipeline_mode = #tpu.pipeline_mode<synchronous>, transform_indices = @transform_13, window_bounds = array<i64: 1, 128>}, {transform_indices = @transform_14, window_bounds = array<i64: 1280, 128>}, {transform_indices = @transform_15, window_bounds = array<i64: 1280, 12>}, {transform_indices = @transform_16, window_bounds = array<i64: 1280, 12>}]} {
    %get3A = arith.constant 0 : index
    %get3A_0 = arith.constant 0 : index
    %get3A_1 = vector.load %arg3[%get3A, %get3A_0] : memref<1280x8xf32, #tpu.memory_space<vmem>>, vector<1280x8xf32>
    %slice3A = vector.extract_strided_slice %get3A_1 {offsets = [0, 0], sizes = [1280, 3], strides = [1, 1]} : vector<1280x8xf32> to vector<1280x3xf32>
    %get3A_2 = arith.constant 0 : index
    %get3A_3 = arith.constant 0 : index
    %get3A_4 = vector.load %arg5[%get3A_2, %get3A_3] : memref<1280x8xf32, #tpu.memory_space<vmem>>, vector<1280x8xf32>
    %slice3A_5 = vector.extract_strided_slice %get3A_4 {offsets = [0, 0], sizes = [1280, 3], strides = [1, 1]} : vector<1280x8xf32> to vector<1280x3xf32>
    %sub3A = arith.subf %slice3A, %slice3A_5 : vector<1280x3xf32>
    %mul3A = arith.mulf %sub3A, %sub3A : vector<1280x3xf32>
    %reduce_sum3A = arith.constant dense<0.000000e+00> : vector<1280xf32>
    %reduce_sum3A_6 = vector.multi_reduction <add>, %mul3A, %reduce_sum3A [1] : vector<1280x3xf32> to vector<1280xf32>
    %broadcast_in_dim3A = vector.shape_cast %reduce_sum3A_6 : vector<1280xf32> to vector<1280x1xf32>
    %add3A = arith.constant 9.99999996E-13 : f32
    %add3A_7 = vector.broadcast %add3A : f32 to vector<1280x1xf32>
    %add3A_8 = arith.addf %broadcast_in_dim3A, %add3A_7 : vector<1280x1xf32>
    %sqrt3A = math.sqrt %add3A_8 : vector<1280x1xf32>
    %iota3A = tpu.iota {dimensions = array<i32: 1>} : vector<1x10xi32>
    %convert_element_type3A = arith.sitofp %iota3A : vector<1x10xi32> to vector<1x10xf32>
    %mul3A_9 = arith.constant 1.800000e+00 : f32
    %mul3A_10 = vector.broadcast %mul3A_9 : f32 to vector<1280x1xf32>
    %mul3A_11 = arith.mulf %sqrt3A, %mul3A_10 : vector<1280x1xf32>
    %sub3A_12 = vector.broadcast %mul3A_11 : vector<1280x1xf32> to vector<1280x10xf32>
    %sub3A_13 = vector.broadcast %convert_element_type3A : vector<1x10xf32> to vector<1280x10xf32>
    %sub3A_14 = arith.subf %sub3A_12, %sub3A_13 : vector<1280x10xf32>
    %integer_pow3A = arith.mulf %sub3A_14, %sub3A_14 : vector<1280x10xf32>
    %neg3A = arith.constant 0.000000e+00 : f32
    %neg3A_15 = vector.broadcast %neg3A : f32 to vector<1280x10xf32>
    %neg3A_16 = arith.subf %neg3A_15, %integer_pow3A : vector<1280x10xf32>
    %exp3A = math.exp %neg3A_16 : vector<1280x10xf32>
    %get3A_17 = arith.constant 0 : index
    %get3A_18 = arith.constant 0 : index
    %get3A_19 = vector.load %arg7[%get3A_17, %get3A_18] : memref<1280x1xf32, #tpu.memory_space<vmem>>, vector<1280x1xf32>
    %concatenate3A = tpu.concatenate %get3A_19, %sqrt3A, %exp3A in 1 : vector<1280x1xf32>, vector<1280x1xf32>, vector<1280x10xf32> -> vector<1280x12xf32>
    %get3A_20 = arith.constant 0 : index
    %get3A_21 = arith.constant 0 : index
    %get3A_22 = vector.load %arg4[%get3A_20, %get3A_21] : memref<1280x8xf32, #tpu.memory_space<vmem>>, vector<1280x8xf32>
    %slice3A_23 = vector.extract_strided_slice %get3A_22 {offsets = [0, 0], sizes = [1280, 3], strides = [1, 1]} : vector<1280x8xf32> to vector<1280x3xf32>
    %get3A_24 = arith.constant 0 : index
    %get3A_25 = arith.constant 0 : index
    %get3A_26 = vector.load %arg6[%get3A_24, %get3A_25] : memref<1280x8xf32, #tpu.memory_space<vmem>>, vector<1280x8xf32>
    %slice3A_27 = vector.extract_strided_slice %get3A_26 {offsets = [0, 0], sizes = [1280, 3], strides = [1, 1]} : vector<1280x8xf32> to vector<1280x3xf32>
    %sub3A_28 = arith.subf %slice3A_23, %slice3A_27 : vector<1280x3xf32>
    %mul3A_29 = arith.mulf %sub3A_28, %sub3A_28 : vector<1280x3xf32>
    %reduce_sum3A_30 = arith.constant dense<0.000000e+00> : vector<1280xf32>
    %reduce_sum3A_31 = vector.multi_reduction <add>, %mul3A_29, %reduce_sum3A_30 [1] : vector<1280x3xf32> to vector<1280xf32>
    %broadcast_in_dim3A_32 = vector.shape_cast %reduce_sum3A_31 : vector<1280xf32> to vector<1280x1xf32>
    %add3A_33 = arith.constant 9.99999996E-13 : f32
    %add3A_34 = vector.broadcast %add3A_33 : f32 to vector<1280x1xf32>
    %add3A_35 = arith.addf %broadcast_in_dim3A_32, %add3A_34 : vector<1280x1xf32>
    %sqrt3A_36 = math.sqrt %add3A_35 : vector<1280x1xf32>
    %iota3A_37 = tpu.iota {dimensions = array<i32: 1>} : vector<1x10xi32>
    %convert_element_type3A_38 = arith.sitofp %iota3A_37 : vector<1x10xi32> to vector<1x10xf32>
    %mul3A_39 = arith.constant 1.800000e+00 : f32
    %mul3A_40 = vector.broadcast %mul3A_39 : f32 to vector<1280x1xf32>
    %mul3A_41 = arith.mulf %sqrt3A_36, %mul3A_40 : vector<1280x1xf32>
    %sub3A_42 = vector.broadcast %mul3A_41 : vector<1280x1xf32> to vector<1280x10xf32>
    %sub3A_43 = vector.broadcast %convert_element_type3A_38 : vector<1x10xf32> to vector<1280x10xf32>
    %sub3A_44 = arith.subf %sub3A_42, %sub3A_43 : vector<1280x10xf32>
    %integer_pow3A_45 = arith.mulf %sub3A_44, %sub3A_44 : vector<1280x10xf32>
    %neg3A_46 = arith.constant 0.000000e+00 : f32
    %neg3A_47 = vector.broadcast %neg3A_46 : f32 to vector<1280x10xf32>
    %neg3A_48 = arith.subf %neg3A_47, %integer_pow3A_45 : vector<1280x10xf32>
    %exp3A_49 = math.exp %neg3A_48 : vector<1280x10xf32>
    %get3A_50 = arith.constant 0 : index
    %get3A_51 = arith.constant 0 : index
    %get3A_52 = vector.load %arg8[%get3A_50, %get3A_51] : memref<1280x1xf32, #tpu.memory_space<vmem>>, vector<1280x1xf32>
    %concatenate3A_53 = tpu.concatenate %get3A_52, %sqrt3A_36, %exp3A_49 in 1 : vector<1280x1xf32>, vector<1280x1xf32>, vector<1280x10xf32> -> vector<1280x12xf32>
    %swap3A = arith.constant 0 : index
    %swap3A_54 = arith.constant 0 : index
    %swap3A_55 = vector.load %arg16[%swap3A, %swap3A_54] : memref<1280x12xf32, #tpu.memory_space<vmem>>, vector<1280x12xf32>
    tpu.vector_store %arg16[%swap3A, %swap3A_54], %concatenate3A {strides = array<i32>} : memref<1280x12xf32, #tpu.memory_space<vmem>>, vector<1280x12xf32>,
    %swap3A_56 = arith.constant 0 : index
    %swap3A_57 = arith.constant 0 : index
    %swap3A_58 = vector.load %arg17[%swap3A_56, %swap3A_57] : memref<1280x12xf32, #tpu.memory_space<vmem>>, vector<1280x12xf32>
    tpu.vector_store %arg17[%swap3A_56, %swap3A_57], %concatenate3A_53 {strides = array<i32>} : memref<1280x12xf32, #tpu.memory_space<vmem>>, vector<1280x12xf32>,
    %get3A_59 = arith.constant 0 : index
    %get3A_60 = arith.constant 0 : index
    %get3A_61 = vector.load %arg9[%get3A_59, %get3A_60] : memref<12x64xf32, #tpu.memory_space<vmem>>, vector<12x64xf32>
    %dot_general3A = arith.constant dense<0.000000e+00> : vector<1280x64xf32>
    %dot_general3A_62 = tpu.matmul %concatenate3A, %get3A_61, %dot_general3A {dimension_numbers = #tpu.dot_dimension_numbers<[1], [0], [0], [1], [0, 0, 1, 1], [], []>, transpose_lhs_hint = false} : vector<1280x12xf32>, vector<12x64xf32>, vector<1280x64xf32> -> vector<1280x64xf32>
    %get3A_63 = arith.constant 0 : index
    %get3A_64 = arith.constant 0 : index
    %get3A_65 = vector.load %arg9[%get3A_63, %get3A_64] : memref<12x64xf32, #tpu.memory_space<vmem>>, vector<12x64xf32>
    %dot_general3A_66 = arith.constant dense<0.000000e+00> : vector<1280x64xf32>
    %dot_general3A_67 = tpu.matmul %concatenate3A_53, %get3A_65, %dot_general3A_66 {dimension_numbers = #tpu.dot_dimension_numbers<[1], [0], [0], [1], [0, 0, 1, 1], [], []>, transpose_lhs_hint = false} : vector<1280x12xf32>, vector<12x64xf32>, vector<1280x64xf32> -> vector<1280x64xf32>
    %concatenate3A_68 = tpu.concatenate %dot_general3A_62, %dot_general3A_67 in 1 : vector<1280x64xf32>, vector<1280x64xf32> -> vector<1280x128xf32>
    %get3A_69 = arith.constant 0 : index
    %get3A_70 = arith.constant 0 : index
    %get3A_71 = vector.load %arg1[%get3A_69, %get3A_70] : memref<1280x128xf32, #tpu.memory_space<vmem>>, vector<1280x128xf32>
    %get3A_72 = arith.constant 0 : index
    %get3A_73 = arith.constant 0 : index
    %get3A_74 = vector.load %arg2[%get3A_72, %get3A_73] : memref<1280x128xf32, #tpu.memory_space<vmem>>, vector<1280x128xf32>
    %add3A_75 = arith.addf %get3A_71, %get3A_74 : vector<1280x128xf32>
    %add3A_76 = arith.addf %add3A_75, %concatenate3A_68 : vector<1280x128xf32>
    %get3A_77 = arith.constant 0 : index
    %get3A_78 = arith.constant 0 : index
    %get3A_79 = vector.load %arg10[%get3A_77, %get3A_78] : memref<1x128xf32, #tpu.memory_space<vmem>>, vector<1x128xf32>
    %add3A_80 = vector.broadcast %get3A_79 : vector<1x128xf32> to vector<1280x128xf32>
    %add3A_81 = arith.addf %add3A_76, %add3A_80 : vector<1280x128xf32>
    %mul3A_82 = arith.constant 5.000000e-01 : f32
    %mul3A_83 = vector.broadcast %mul3A_82 : f32 to vector<1280x128xf32>
    %mul3A_84 = arith.mulf %mul3A_83, %add3A_81 : vector<1280x128xf32>
    %div3A = arith.constant 1.41421354 : f32
    %div3A_85 = vector.broadcast %div3A : f32 to vector<1280x128xf32>
    %div3A_86 = arith.divf %add3A_81, %div3A_85 : vector<1280x128xf32>
    %erf3A = math.erf %div3A_86 : vector<1280x128xf32>
    %add3A_87 = arith.constant 1.000000e+00 : f32
    %add3A_88 = vector.broadcast %add3A_87 : f32 to vector<1280x128xf32>
    %add3A_89 = arith.addf %add3A_88, %erf3A : vector<1280x128xf32>
    %mul3A_90 = arith.mulf %mul3A_84, %add3A_89 : vector<1280x128xf32>
    %get3A_91 = arith.constant 0 : index
    %get3A_92 = arith.constant 0 : index
    %get3A_93 = vector.load %arg11[%get3A_91, %get3A_92] : memref<128x128xf32, #tpu.memory_space<vmem>>, vector<128x128xf32>
    %dot_general3A_94 = arith.constant dense<0.000000e+00> : vector<1280x128xf32>
    %dot_general3A_95 = tpu.matmul %mul3A_90, %get3A_93, %dot_general3A_94 {dimension_numbers = #tpu.dot_dimension_numbers<[1], [0], [0], [1], [0, 0, 1, 1], [], []>, transpose_lhs_hint = false} : vector<1280x128xf32>, vector<128x128xf32>, vector<1280x128xf32> -> vector<1280x128xf32>
    %get3A_96 = arith.constant 0 : index
    %get3A_97 = arith.constant 0 : index
    %get3A_98 = vector.load %arg12[%get3A_96, %get3A_97] : memref<1x128xf32, #tpu.memory_space<vmem>>, vector<1x128xf32>
    %add3A_99 = vector.broadcast %get3A_98 : vector<1x128xf32> to vector<1280x128xf32>
    %add3A_100 = arith.addf %dot_general3A_95, %add3A_99 : vector<1280x128xf32>
    %mul3A_101 = arith.constant 5.000000e-01 : f32
    %mul3A_102 = vector.broadcast %mul3A_101 : f32 to vector<1280x128xf32>
    %mul3A_103 = arith.mulf %mul3A_102, %add3A_100 : vector<1280x128xf32>
    %div3A_104 = arith.constant 1.41421354 : f32
    %div3A_105 = vector.broadcast %div3A_104 : f32 to vector<1280x128xf32>
    %div3A_106 = arith.divf %add3A_100, %div3A_105 : vector<1280x128xf32>
    %erf3A_107 = math.erf %div3A_106 : vector<1280x128xf32>
    %add3A_108 = arith.constant 1.000000e+00 : f32
    %add3A_109 = vector.broadcast %add3A_108 : f32 to vector<1280x128xf32>
    %add3A_110 = arith.addf %add3A_109, %erf3A_107 : vector<1280x128xf32>
    %mul3A_111 = arith.mulf %mul3A_103, %add3A_110 : vector<1280x128xf32>
    %get3A_112 = arith.constant 0 : index
    %get3A_113 = arith.constant 0 : index
    %get3A_114 = vector.load %arg13[%get3A_112, %get3A_113] : memref<128x128xf32, #tpu.memory_space<vmem>>, vector<128x128xf32>
    %dot_general3A_115 = arith.constant dense<0.000000e+00> : vector<1280x128xf32>
    %dot_general3A_116 = tpu.matmul %mul3A_111, %get3A_114, %dot_general3A_115 {dimension_numbers = #tpu.dot_dimension_numbers<[1], [0], [0], [1], [0, 0, 1, 1], [], []>, transpose_lhs_hint = false} : vector<1280x128xf32>, vector<128x128xf32>, vector<1280x128xf32> -> vector<1280x128xf32>
    %get3A_117 = arith.constant 0 : index
    %get3A_118 = arith.constant 0 : index
    %get3A_119 = vector.load %arg14[%get3A_117, %get3A_118] : memref<1x128xf32, #tpu.memory_space<vmem>>, vector<1x128xf32>
    %add3A_120 = vector.broadcast %get3A_119 : vector<1x128xf32> to vector<1280x128xf32>
    %add3A_121 = arith.addf %dot_general3A_116, %add3A_120 : vector<1280x128xf32>
    %swap3A_122 = arith.constant 0 : index
    %swap3A_123 = arith.constant 0 : index
    %swap3A_124 = vector.load %arg15[%swap3A_122, %swap3A_123] : memref<1280x128xf32, #tpu.memory_space<vmem>>, vector<1280x128xf32>
    tpu.vector_store %arg15[%swap3A_122, %swap3A_123], %add3A_121 {strides = array<i32>} : memref<1280x128xf32, #tpu.memory_space<vmem>>, vector<1280x128xf32>,
    return
  }
  func.func @transform_0(%arg0: i32) -> (i32, i32) {
    %c0_i32 = arith.constant 0 : i32
    %c0_i32_0 = arith.constant 0 : i32
    return %arg0, %c0_i32 : i32, i32
  }
  func.func @transform_1(%arg0: i32) -> (i32, i32) {
    %c0_i32 = arith.constant 0 : i32
    %c0_i32_0 = arith.constant 0 : i32
    return %arg0, %c0_i32 : i32, i32
  }
  func.func @transform_2(%arg0: i32) -> (i32, i32) {
    %c0_i32 = arith.constant 0 : i32
    %c0_i32_0 = arith.constant 0 : i32
    return %arg0, %c0_i32 : i32, i32
  }
  func.func @transform_3(%arg0: i32) -> (i32, i32) {
    %c0_i32 = arith.constant 0 : i32
    %c0_i32_0 = arith.constant 0 : i32
    return %arg0, %c0_i32 : i32, i32
  }
  func.func @transform_4(%arg0: i32) -> (i32, i32) {
    %c0_i32 = arith.constant 0 : i32
    %c0_i32_0 = arith.constant 0 : i32
    return %arg0, %c0_i32 : i32, i32
  }
  func.func @transform_5(%arg0: i32) -> (i32, i32) {
    %c0_i32 = arith.constant 0 : i32
    %c0_i32_0 = arith.constant 0 : i32
    return %arg0, %c0_i32 : i32, i32
  }
  func.func @transform_6(%arg0: i32) -> (i32, i32) {
    %c0_i32 = arith.constant 0 : i32
    %c0_i32_0 = arith.constant 0 : i32
    return %arg0, %c0_i32 : i32, i32
  }
  func.func @transform_7(%arg0: i32) -> (i32, i32) {
    %c0_i32 = arith.constant 0 : i32
    %c0_i32_0 = arith.constant 0 : i32
    return %arg0, %c0_i32 : i32, i32
  }
  func.func @transform_8(%arg0: i32) -> (i32, i32) {
    %c0_i32 = arith.constant 0 : i32
    %c0_i32_0 = arith.constant 0 : i32
    %c0_i32_1 = arith.constant 0 : i32
    return %c0_i32, %c0_i32_0 : i32, i32
  }
  func.func @transform_9(%arg0: i32) -> (i32, i32) {
    %c0_i32 = arith.constant 0 : i32
    %c0_i32_0 = arith.constant 0 : i32
    %c0_i32_1 = arith.constant 0 : i32
    return %c0_i32, %c0_i32_0 : i32, i32
  }
  func.func @transform_10(%arg0: i32) -> (i32, i32) {
    %c0_i32 = arith.constant 0 : i32
    %c0_i32_0 = arith.constant 0 : i32
    %c0_i32_1 = arith.constant 0 : i32
    return %c0_i32, %c0_i32_0 : i32, i32
  }
  func.func @transform_11(%arg0: i32) -> (i32, i32) {
    %c0_i32 = arith.constant 0 : i32
    %c0_i32_0 = arith.constant 0 : i32
    %c0_i32_1 = arith.constant 0 : i32
    return %c0_i32, %c0_i32_0 : i32, i32
  }
  func.func @transform_12(%arg0: i32) -> (i32, i32) {
    %c0_i32 = arith.constant 0 : i32
    %c0_i32_0 = arith.constant 0 : i32
    %c0_i32_1 = arith.constant 0 : i32
    return %c0_i32, %c0_i32_0 : i32, i32
  }
  func.func @transform_13(%arg0: i32) -> (i32, i32) {
    %c0_i32 = arith.constant 0 : i32
    %c0_i32_0 = arith.constant 0 : i32
    %c0_i32_1 = arith.constant 0 : i32
    return %c0_i32, %c0_i32_0 : i32, i32
  }
  func.func @transform_14(%arg0: i32) -> (i32, i32) {
    %c0_i32 = arith.constant 0 : i32
    %c0_i32_0 = arith.constant 0 : i32
    return %arg0, %c0_i32 : i32, i32
  }
  func.func @transform_15(%arg0: i32) -> (i32, i32) {
    %c0_i32 = arith.constant 0 : i32
    %c0_i32_0 = arith.constant 0 : i32
    return %arg0, %c0_i32 : i32, i32
  }
  func.func @transform_16(%arg0: i32) -> (i32, i32) {
    %c0_i32 = arith.constant 0 : i32
    %c0_i32_0 = arith.constant 0 : i32
    return %arg0, %c0_i32 : i32, i32
  }
}

module attributes {stable_mosaic.version = 14 : i64} {
  func.func @_upd_body(%arg0: i32, %arg1: memref<2000x128xf32, #tpu.memory_space<vmem>>, %arg2: memref<2x2000x64xf32, #tpu.memory_space<vmem>>, %arg3: memref<128x128xf32, #tpu.memory_space<vmem>>, %arg4: memref<64x128xf32, #tpu.memory_space<vmem>>, %arg5: memref<1x128xf32, #tpu.memory_space<vmem>>, %arg6: memref<128x128xf32, #tpu.memory_space<vmem>>, %arg7: memref<1x128xf32, #tpu.memory_space<vmem>>, %arg8: memref<128x128xf32, #tpu.memory_space<vmem>>, %arg9: memref<1x128xf32, #tpu.memory_space<vmem>>, %arg10: memref<128x64xf32, #tpu.memory_space<vmem>>, %arg11: memref<128x64xf32, #tpu.memory_space<vmem>>, %arg12: memref<2000x128xf32, #tpu.memory_space<vmem>>, %arg13: memref<2000x64xf32, #tpu.memory_space<vmem>>, %arg14: memref<2000x64xf32, #tpu.memory_space<vmem>>) attributes {dimension_semantics = [#tpu.dimension_semantics<arbitrary>], iteration_bounds = array<i64: 5>, scalar_prefetch = 0 : i64, scratch_operands = 0 : i64, tpu.core_type = #tpu.core_type<tc>, window_params = [{transform_indices = @transform_0, window_bounds = array<i64: 2000, 128>}, {transform_indices = @transform_1, window_bounds = array<i64: 2, 2000, 64>}, {pipeline_mode = #tpu.pipeline_mode<synchronous>, transform_indices = @transform_2, window_bounds = array<i64: 128, 128>}, {pipeline_mode = #tpu.pipeline_mode<synchronous>, transform_indices = @transform_3, window_bounds = array<i64: 64, 128>}, {pipeline_mode = #tpu.pipeline_mode<synchronous>, transform_indices = @transform_4, window_bounds = array<i64: 1, 128>}, {pipeline_mode = #tpu.pipeline_mode<synchronous>, transform_indices = @transform_5, window_bounds = array<i64: 128, 128>}, {pipeline_mode = #tpu.pipeline_mode<synchronous>, transform_indices = @transform_6, window_bounds = array<i64: 1, 128>}, {pipeline_mode = #tpu.pipeline_mode<synchronous>, transform_indices = @transform_7, window_bounds = array<i64: 128, 128>}, {pipeline_mode = #tpu.pipeline_mode<synchronous>, transform_indices = @transform_8, window_bounds = array<i64: 1, 128>}, {pipeline_mode = #tpu.pipeline_mode<synchronous>, transform_indices = @transform_9, window_bounds = array<i64: 128, 64>}, {pipeline_mode = #tpu.pipeline_mode<synchronous>, transform_indices = @transform_10, window_bounds = array<i64: 128, 64>}, {transform_indices = @transform_11, window_bounds = array<i64: 2000, 128>}, {transform_indices = @transform_12, window_bounds = array<i64: 2000, 64>}, {transform_indices = @transform_13, window_bounds = array<i64: 2000, 64>}]} {
    %get3A = arith.constant 0 : index
    %get3A_0 = arith.constant 0 : index
    %get3A_1 = arith.constant 0 : index
    %get3A_2 = vector.load %arg2[%get3A, %get3A_0, %get3A_1] : memref<2x2000x64xf32, #tpu.memory_space<vmem>>, vector<2x2000x64xf32>
    %slice3A = vector.extract_strided_slice %get3A_2 {offsets = [0, 0, 0], sizes = [1, 2000, 64], strides = [1, 1, 1]} : vector<2x2000x64xf32> to vector<1x2000x64xf32>
    %squeeze3A = vector.shape_cast %slice3A : vector<1x2000x64xf32> to vector<2000x64xf32>
    %get3A_3 = arith.constant 0 : index
    %get3A_4 = arith.constant 0 : index
    %get3A_5 = arith.constant 0 : index
    %get3A_6 = vector.load %arg2[%get3A_3, %get3A_4, %get3A_5] : memref<2x2000x64xf32, #tpu.memory_space<vmem>>, vector<2x2000x64xf32>
    %slice3A_7 = vector.extract_strided_slice %get3A_6 {offsets = [1, 0, 0], sizes = [1, 2000, 64], strides = [1, 1, 1]} : vector<2x2000x64xf32> to vector<1x2000x64xf32>
    %squeeze3A_8 = vector.shape_cast %slice3A_7 : vector<1x2000x64xf32> to vector<2000x64xf32>
    %add3A = arith.addf %squeeze3A, %squeeze3A_8 : vector<2000x64xf32>
    %get3A_9 = arith.constant 0 : index
    %get3A_10 = arith.constant 0 : index
    %get3A_11 = vector.load %arg1[%get3A_9, %get3A_10] : memref<2000x128xf32, #tpu.memory_space<vmem>>, vector<2000x128xf32>
    %get3A_12 = arith.constant 0 : index
    %get3A_13 = arith.constant 0 : index
    %get3A_14 = vector.load %arg3[%get3A_12, %get3A_13] : memref<128x128xf32, #tpu.memory_space<vmem>>, vector<128x128xf32>
    %dot_general3A = arith.constant dense<0.000000e+00> : vector<2000x128xf32>
    %dot_general3A_15 = tpu.matmul %get3A_11, %get3A_14, %dot_general3A {dimension_numbers = #tpu.dot_dimension_numbers<[1], [0], [0], [1], [0, 0, 1, 1], [], []>, transpose_lhs_hint = false} : vector<2000x128xf32>, vector<128x128xf32>, vector<2000x128xf32> -> vector<2000x128xf32>
    %get3A_16 = arith.constant 0 : index
    %get3A_17 = arith.constant 0 : index
    %get3A_18 = vector.load %arg4[%get3A_16, %get3A_17] : memref<64x128xf32, #tpu.memory_space<vmem>>, vector<64x128xf32>
    %dot_general3A_19 = arith.constant dense<0.000000e+00> : vector<2000x128xf32>
    %dot_general3A_20 = tpu.matmul %add3A, %get3A_18, %dot_general3A_19 {dimension_numbers = #tpu.dot_dimension_numbers<[1], [0], [0], [1], [0, 0, 1, 1], [], []>, transpose_lhs_hint = false} : vector<2000x64xf32>, vector<64x128xf32>, vector<2000x128xf32> -> vector<2000x128xf32>
    %add3A_21 = arith.addf %dot_general3A_15, %dot_general3A_20 : vector<2000x128xf32>
    %get3A_22 = arith.constant 0 : index
    %get3A_23 = arith.constant 0 : index
    %get3A_24 = vector.load %arg5[%get3A_22, %get3A_23] : memref<1x128xf32, #tpu.memory_space<vmem>>, vector<1x128xf32>
    %add3A_25 = vector.broadcast %get3A_24 : vector<1x128xf32> to vector<2000x128xf32>
    %add3A_26 = arith.addf %add3A_21, %add3A_25 : vector<2000x128xf32>
    %mul3A = arith.constant 5.000000e-01 : f32
    %mul3A_27 = vector.broadcast %mul3A : f32 to vector<2000x128xf32>
    %mul3A_28 = arith.mulf %mul3A_27, %add3A_26 : vector<2000x128xf32>
    %div3A = arith.constant 1.41421354 : f32
    %div3A_29 = vector.broadcast %div3A : f32 to vector<2000x128xf32>
    %div3A_30 = arith.divf %add3A_26, %div3A_29 : vector<2000x128xf32>
    %erf3A = math.erf %div3A_30 : vector<2000x128xf32>
    %add3A_31 = arith.constant 1.000000e+00 : f32
    %add3A_32 = vector.broadcast %add3A_31 : f32 to vector<2000x128xf32>
    %add3A_33 = arith.addf %add3A_32, %erf3A : vector<2000x128xf32>
    %mul3A_34 = arith.mulf %mul3A_28, %add3A_33 : vector<2000x128xf32>
    %get3A_35 = arith.constant 0 : index
    %get3A_36 = arith.constant 0 : index
    %get3A_37 = vector.load %arg6[%get3A_35, %get3A_36] : memref<128x128xf32, #tpu.memory_space<vmem>>, vector<128x128xf32>
    %dot_general3A_38 = arith.constant dense<0.000000e+00> : vector<2000x128xf32>
    %dot_general3A_39 = tpu.matmul %mul3A_34, %get3A_37, %dot_general3A_38 {dimension_numbers = #tpu.dot_dimension_numbers<[1], [0], [0], [1], [0, 0, 1, 1], [], []>, transpose_lhs_hint = false} : vector<2000x128xf32>, vector<128x128xf32>, vector<2000x128xf32> -> vector<2000x128xf32>
    %get3A_40 = arith.constant 0 : index
    %get3A_41 = arith.constant 0 : index
    %get3A_42 = vector.load %arg7[%get3A_40, %get3A_41] : memref<1x128xf32, #tpu.memory_space<vmem>>, vector<1x128xf32>
    %add3A_43 = vector.broadcast %get3A_42 : vector<1x128xf32> to vector<2000x128xf32>
    %add3A_44 = arith.addf %dot_general3A_39, %add3A_43 : vector<2000x128xf32>
    %mul3A_45 = arith.constant 5.000000e-01 : f32
    %mul3A_46 = vector.broadcast %mul3A_45 : f32 to vector<2000x128xf32>
    %mul3A_47 = arith.mulf %mul3A_46, %add3A_44 : vector<2000x128xf32>
    %div3A_48 = arith.constant 1.41421354 : f32
    %div3A_49 = vector.broadcast %div3A_48 : f32 to vector<2000x128xf32>
    %div3A_50 = arith.divf %add3A_44, %div3A_49 : vector<2000x128xf32>
    %erf3A_51 = math.erf %div3A_50 : vector<2000x128xf32>
    %add3A_52 = arith.constant 1.000000e+00 : f32
    %add3A_53 = vector.broadcast %add3A_52 : f32 to vector<2000x128xf32>
    %add3A_54 = arith.addf %add3A_53, %erf3A_51 : vector<2000x128xf32>
    %mul3A_55 = arith.mulf %mul3A_47, %add3A_54 : vector<2000x128xf32>
    %get3A_56 = arith.constant 0 : index
    %get3A_57 = arith.constant 0 : index
    %get3A_58 = vector.load %arg1[%get3A_56, %get3A_57] : memref<2000x128xf32, #tpu.memory_space<vmem>>, vector<2000x128xf32>
    %get3A_59 = arith.constant 0 : index
    %get3A_60 = arith.constant 0 : index
    %get3A_61 = vector.load %arg8[%get3A_59, %get3A_60] : memref<128x128xf32, #tpu.memory_space<vmem>>, vector<128x128xf32>
    %dot_general3A_62 = arith.constant dense<0.000000e+00> : vector<2000x128xf32>
    %dot_general3A_63 = tpu.matmul %mul3A_55, %get3A_61, %dot_general3A_62 {dimension_numbers = #tpu.dot_dimension_numbers<[1], [0], [0], [1], [0, 0, 1, 1], [], []>, transpose_lhs_hint = false} : vector<2000x128xf32>, vector<128x128xf32>, vector<2000x128xf32> -> vector<2000x128xf32>
    %add3A_64 = arith.addf %get3A_58, %dot_general3A_63 : vector<2000x128xf32>
    %get3A_65 = arith.constant 0 : index
    %get3A_66 = arith.constant 0 : index
    %get3A_67 = vector.load %arg9[%get3A_65, %get3A_66] : memref<1x128xf32, #tpu.memory_space<vmem>>, vector<1x128xf32>
    %add3A_68 = vector.broadcast %get3A_67 : vector<1x128xf32> to vector<2000x128xf32>
    %add3A_69 = arith.addf %add3A_64, %add3A_68 : vector<2000x128xf32>
    %swap3A = arith.constant 0 : index
    %swap3A_70 = arith.constant 0 : index
    %swap3A_71 = vector.load %arg12[%swap3A, %swap3A_70] : memref<2000x128xf32, #tpu.memory_space<vmem>>, vector<2000x128xf32>
    tpu.vector_store %arg12[%swap3A, %swap3A_70], %add3A_69 {strides = array<i32>} : memref<2000x128xf32, #tpu.memory_space<vmem>>, vector<2000x128xf32>,
    %get3A_72 = arith.constant 0 : index
    %get3A_73 = arith.constant 0 : index
    %get3A_74 = vector.load %arg10[%get3A_72, %get3A_73] : memref<128x64xf32, #tpu.memory_space<vmem>>, vector<128x64xf32>
    %dot_general3A_75 = arith.constant dense<0.000000e+00> : vector<2000x64xf32>
    %dot_general3A_76 = tpu.matmul %add3A_69, %get3A_74, %dot_general3A_75 {dimension_numbers = #tpu.dot_dimension_numbers<[1], [0], [0], [1], [0, 0, 1, 1], [], []>, transpose_lhs_hint = false} : vector<2000x128xf32>, vector<128x64xf32>, vector<2000x64xf32> -> vector<2000x64xf32>
    %swap3A_77 = arith.constant 0 : index
    %swap3A_78 = arith.constant 0 : index
    %swap3A_79 = vector.load %arg13[%swap3A_77, %swap3A_78] : memref<2000x64xf32, #tpu.memory_space<vmem>>, vector<2000x64xf32>
    tpu.vector_store %arg13[%swap3A_77, %swap3A_78], %dot_general3A_76 {strides = array<i32>} : memref<2000x64xf32, #tpu.memory_space<vmem>>, vector<2000x64xf32>,
    %get3A_80 = arith.constant 0 : index
    %get3A_81 = arith.constant 0 : index
    %get3A_82 = vector.load %arg11[%get3A_80, %get3A_81] : memref<128x64xf32, #tpu.memory_space<vmem>>, vector<128x64xf32>
    %dot_general3A_83 = arith.constant dense<0.000000e+00> : vector<2000x64xf32>
    %dot_general3A_84 = tpu.matmul %add3A_69, %get3A_82, %dot_general3A_83 {dimension_numbers = #tpu.dot_dimension_numbers<[1], [0], [0], [1], [0, 0, 1, 1], [], []>, transpose_lhs_hint = false} : vector<2000x128xf32>, vector<128x64xf32>, vector<2000x64xf32> -> vector<2000x64xf32>
    %swap3A_85 = arith.constant 0 : index
    %swap3A_86 = arith.constant 0 : index
    %swap3A_87 = vector.load %arg14[%swap3A_85, %swap3A_86] : memref<2000x64xf32, #tpu.memory_space<vmem>>, vector<2000x64xf32>
    tpu.vector_store %arg14[%swap3A_85, %swap3A_86], %dot_general3A_84 {strides = array<i32>} : memref<2000x64xf32, #tpu.memory_space<vmem>>, vector<2000x64xf32>,
    return
  }
  func.func @transform_0(%arg0: i32) -> (i32, i32) {
    %c0_i32 = arith.constant 0 : i32
    %c0_i32_0 = arith.constant 0 : i32
    return %arg0, %c0_i32 : i32, i32
  }
  func.func @transform_1(%arg0: i32) -> (i32, i32, i32) {
    %c0_i32 = arith.constant 0 : i32
    %c0_i32_0 = arith.constant 0 : i32
    %c0_i32_1 = arith.constant 0 : i32
    return %c0_i32, %arg0, %c0_i32_0 : i32, i32, i32
  }
  func.func @transform_2(%arg0: i32) -> (i32, i32) {
    %c0_i32 = arith.constant 0 : i32
    %c0_i32_0 = arith.constant 0 : i32
    %c0_i32_1 = arith.constant 0 : i32
    return %c0_i32, %c0_i32_0 : i32, i32
  }
  func.func @transform_3(%arg0: i32) -> (i32, i32) {
    %c0_i32 = arith.constant 0 : i32
    %c0_i32_0 = arith.constant 0 : i32
    %c0_i32_1 = arith.constant 0 : i32
    return %c0_i32, %c0_i32_0 : i32, i32
  }
  func.func @transform_4(%arg0: i32) -> (i32, i32) {
    %c0_i32 = arith.constant 0 : i32
    %c0_i32_0 = arith.constant 0 : i32
    %c0_i32_1 = arith.constant 0 : i32
    return %c0_i32, %c0_i32_0 : i32, i32
  }
  func.func @transform_5(%arg0: i32) -> (i32, i32) {
    %c0_i32 = arith.constant 0 : i32
    %c0_i32_0 = arith.constant 0 : i32
    %c0_i32_1 = arith.constant 0 : i32
    return %c0_i32, %c0_i32_0 : i32, i32
  }
  func.func @transform_6(%arg0: i32) -> (i32, i32) {
    %c0_i32 = arith.constant 0 : i32
    %c0_i32_0 = arith.constant 0 : i32
    %c0_i32_1 = arith.constant 0 : i32
    return %c0_i32, %c0_i32_0 : i32, i32
  }
  func.func @transform_7(%arg0: i32) -> (i32, i32) {
    %c0_i32 = arith.constant 0 : i32
    %c0_i32_0 = arith.constant 0 : i32
    %c0_i32_1 = arith.constant 0 : i32
    return %c0_i32, %c0_i32_0 : i32, i32
  }
  func.func @transform_8(%arg0: i32) -> (i32, i32) {
    %c0_i32 = arith.constant 0 : i32
    %c0_i32_0 = arith.constant 0 : i32
    %c0_i32_1 = arith.constant 0 : i32
    return %c0_i32, %c0_i32_0 : i32, i32
  }
  func.func @transform_9(%arg0: i32) -> (i32, i32) {
    %c0_i32 = arith.constant 0 : i32
    %c0_i32_0 = arith.constant 0 : i32
    %c0_i32_1 = arith.constant 0 : i32
    return %c0_i32, %c0_i32_0 : i32, i32
  }
  func.func @transform_10(%arg0: i32) -> (i32, i32) {
    %c0_i32 = arith.constant 0 : i32
    %c0_i32_0 = arith.constant 0 : i32
    %c0_i32_1 = arith.constant 0 : i32
    return %c0_i32, %c0_i32_0 : i32, i32
  }
  func.func @transform_11(%arg0: i32) -> (i32, i32) {
    %c0_i32 = arith.constant 0 : i32
    %c0_i32_0 = arith.constant 0 : i32
    return %arg0, %c0_i32 : i32, i32
  }
  func.func @transform_12(%arg0: i32) -> (i32, i32) {
    %c0_i32 = arith.constant 0 : i32
    %c0_i32_0 = arith.constant 0 : i32
    return %arg0, %c0_i32 : i32, i32
  }
  func.func @transform_13(%arg0: i32) -> (i32, i32) {
    %c0_i32 = arith.constant 0 : i32
    %c0_i32_0 = arith.constant 0 : i32
    return %arg0, %c0_i32 : i32, i32
  }
}

module attributes {stable_mosaic.version = 14 : i64} {
  func.func @_edge1_body(%arg0: i32, %arg1: memref<1280x128xf32, #tpu.memory_space<vmem>>, %arg2: memref<1280x128xf32, #tpu.memory_space<vmem>>, %arg3: memref<1280x12xf32, #tpu.memory_space<vmem>>, %arg4: memref<1280x12xf32, #tpu.memory_space<vmem>>, %arg5: memref<12x64xf32, #tpu.memory_space<vmem>>, %arg6: memref<1x128xf32, #tpu.memory_space<vmem>>, %arg7: memref<128x128xf32, #tpu.memory_space<vmem>>, %arg8: memref<1x128xf32, #tpu.memory_space<vmem>>, %arg9: memref<128x128xf32, #tpu.memory_space<vmem>>, %arg10: memref<1x128xf32, #tpu.memory_space<vmem>>, %arg11: memref<1280x128xf32, #tpu.memory_space<vmem>>) attributes {dimension_semantics = [#tpu.dimension_semantics<arbitrary>], iteration_bounds = array<i64: 125>, scalar_prefetch = 0 : i64, scratch_operands = 0 : i64, tpu.core_type = #tpu.core_type<tc>, window_params = [{transform_indices = @transform_0, window_bounds = array<i64: 1280, 128>}, {transform_indices = @transform_1, window_bounds = array<i64: 1280, 128>}, {transform_indices = @transform_2, window_bounds = array<i64: 1280, 12>}, {transform_indices = @transform_3, window_bounds = array<i64: 1280, 12>}, {pipeline_mode = #tpu.pipeline_mode<synchronous>, transform_indices = @transform_4, window_bounds = array<i64: 12, 64>}, {pipeline_mode = #tpu.pipeline_mode<synchronous>, transform_indices = @transform_5, window_bounds = array<i64: 1, 128>}, {pipeline_mode = #tpu.pipeline_mode<synchronous>, transform_indices = @transform_6, window_bounds = array<i64: 128, 128>}, {pipeline_mode = #tpu.pipeline_mode<synchronous>, transform_indices = @transform_7, window_bounds = array<i64: 1, 128>}, {pipeline_mode = #tpu.pipeline_mode<synchronous>, transform_indices = @transform_8, window_bounds = array<i64: 128, 128>}, {pipeline_mode = #tpu.pipeline_mode<synchronous>, transform_indices = @transform_9, window_bounds = array<i64: 1, 128>}, {transform_indices = @transform_10, window_bounds = array<i64: 1280, 128>}]} {
    %get3A = arith.constant 0 : index
    %get3A_0 = arith.constant 0 : index
    %get3A_1 = vector.load %arg3[%get3A, %get3A_0] : memref<1280x12xf32, #tpu.memory_space<vmem>>, vector<1280x12xf32>
    %get3A_2 = arith.constant 0 : index
    %get3A_3 = arith.constant 0 : index
    %get3A_4 = vector.load %arg5[%get3A_2, %get3A_3] : memref<12x64xf32, #tpu.memory_space<vmem>>, vector<12x64xf32>
    %dot_general3A = arith.constant dense<0.000000e+00> : vector<1280x64xf32>
    %dot_general3A_5 = tpu.matmul %get3A_1, %get3A_4, %dot_general3A {dimension_numbers = #tpu.dot_dimension_numbers<[1], [0], [0], [1], [0, 0, 1, 1], [], []>, transpose_lhs_hint = false} : vector<1280x12xf32>, vector<12x64xf32>, vector<1280x64xf32> -> vector<1280x64xf32>
    %get3A_6 = arith.constant 0 : index
    %get3A_7 = arith.constant 0 : index
    %get3A_8 = vector.load %arg4[%get3A_6, %get3A_7] : memref<1280x12xf32, #tpu.memory_space<vmem>>, vector<1280x12xf32>
    %get3A_9 = arith.constant 0 : index
    %get3A_10 = arith.constant 0 : index
    %get3A_11 = vector.load %arg5[%get3A_9, %get3A_10] : memref<12x64xf32, #tpu.memory_space<vmem>>, vector<12x64xf32>
    %dot_general3A_12 = arith.constant dense<0.000000e+00> : vector<1280x64xf32>
    %dot_general3A_13 = tpu.matmul %get3A_8, %get3A_11, %dot_general3A_12 {dimension_numbers = #tpu.dot_dimension_numbers<[1], [0], [0], [1], [0, 0, 1, 1], [], []>, transpose_lhs_hint = false} : vector<1280x12xf32>, vector<12x64xf32>, vector<1280x64xf32> -> vector<1280x64xf32>
    %concatenate3A = tpu.concatenate %dot_general3A_5, %dot_general3A_13 in 1 : vector<1280x64xf32>, vector<1280x64xf32> -> vector<1280x128xf32>
    %get3A_14 = arith.constant 0 : index
    %get3A_15 = arith.constant 0 : index
    %get3A_16 = vector.load %arg1[%get3A_14, %get3A_15] : memref<1280x128xf32, #tpu.memory_space<vmem>>, vector<1280x128xf32>
    %get3A_17 = arith.constant 0 : index
    %get3A_18 = arith.constant 0 : index
    %get3A_19 = vector.load %arg2[%get3A_17, %get3A_18] : memref<1280x128xf32, #tpu.memory_space<vmem>>, vector<1280x128xf32>
    %add3A = arith.addf %get3A_16, %get3A_19 : vector<1280x128xf32>
    %add3A_20 = arith.addf %add3A, %concatenate3A : vector<1280x128xf32>
    %get3A_21 = arith.constant 0 : index
    %get3A_22 = arith.constant 0 : index
    %get3A_23 = vector.load %arg6[%get3A_21, %get3A_22] : memref<1x128xf32, #tpu.memory_space<vmem>>, vector<1x128xf32>
    %add3A_24 = vector.broadcast %get3A_23 : vector<1x128xf32> to vector<1280x128xf32>
    %add3A_25 = arith.addf %add3A_20, %add3A_24 : vector<1280x128xf32>
    %mul3A = arith.constant 5.000000e-01 : f32
    %mul3A_26 = vector.broadcast %mul3A : f32 to vector<1280x128xf32>
    %mul3A_27 = arith.mulf %mul3A_26, %add3A_25 : vector<1280x128xf32>
    %div3A = arith.constant 1.41421354 : f32
    %div3A_28 = vector.broadcast %div3A : f32 to vector<1280x128xf32>
    %div3A_29 = arith.divf %add3A_25, %div3A_28 : vector<1280x128xf32>
    %erf3A = math.erf %div3A_29 : vector<1280x128xf32>
    %add3A_30 = arith.constant 1.000000e+00 : f32
    %add3A_31 = vector.broadcast %add3A_30 : f32 to vector<1280x128xf32>
    %add3A_32 = arith.addf %add3A_31, %erf3A : vector<1280x128xf32>
    %mul3A_33 = arith.mulf %mul3A_27, %add3A_32 : vector<1280x128xf32>
    %get3A_34 = arith.constant 0 : index
    %get3A_35 = arith.constant 0 : index
    %get3A_36 = vector.load %arg7[%get3A_34, %get3A_35] : memref<128x128xf32, #tpu.memory_space<vmem>>, vector<128x128xf32>
    %dot_general3A_37 = arith.constant dense<0.000000e+00> : vector<1280x128xf32>
    %dot_general3A_38 = tpu.matmul %mul3A_33, %get3A_36, %dot_general3A_37 {dimension_numbers = #tpu.dot_dimension_numbers<[1], [0], [0], [1], [0, 0, 1, 1], [], []>, transpose_lhs_hint = false} : vector<1280x128xf32>, vector<128x128xf32>, vector<1280x128xf32> -> vector<1280x128xf32>
    %get3A_39 = arith.constant 0 : index
    %get3A_40 = arith.constant 0 : index
    %get3A_41 = vector.load %arg8[%get3A_39, %get3A_40] : memref<1x128xf32, #tpu.memory_space<vmem>>, vector<1x128xf32>
    %add3A_42 = vector.broadcast %get3A_41 : vector<1x128xf32> to vector<1280x128xf32>
    %add3A_43 = arith.addf %dot_general3A_38, %add3A_42 : vector<1280x128xf32>
    %mul3A_44 = arith.constant 5.000000e-01 : f32
    %mul3A_45 = vector.broadcast %mul3A_44 : f32 to vector<1280x128xf32>
    %mul3A_46 = arith.mulf %mul3A_45, %add3A_43 : vector<1280x128xf32>
    %div3A_47 = arith.constant 1.41421354 : f32
    %div3A_48 = vector.broadcast %div3A_47 : f32 to vector<1280x128xf32>
    %div3A_49 = arith.divf %add3A_43, %div3A_48 : vector<1280x128xf32>
    %erf3A_50 = math.erf %div3A_49 : vector<1280x128xf32>
    %add3A_51 = arith.constant 1.000000e+00 : f32
    %add3A_52 = vector.broadcast %add3A_51 : f32 to vector<1280x128xf32>
    %add3A_53 = arith.addf %add3A_52, %erf3A_50 : vector<1280x128xf32>
    %mul3A_54 = arith.mulf %mul3A_46, %add3A_53 : vector<1280x128xf32>
    %get3A_55 = arith.constant 0 : index
    %get3A_56 = arith.constant 0 : index
    %get3A_57 = vector.load %arg9[%get3A_55, %get3A_56] : memref<128x128xf32, #tpu.memory_space<vmem>>, vector<128x128xf32>
    %dot_general3A_58 = arith.constant dense<0.000000e+00> : vector<1280x128xf32>
    %dot_general3A_59 = tpu.matmul %mul3A_54, %get3A_57, %dot_general3A_58 {dimension_numbers = #tpu.dot_dimension_numbers<[1], [0], [0], [1], [0, 0, 1, 1], [], []>, transpose_lhs_hint = false} : vector<1280x128xf32>, vector<128x128xf32>, vector<1280x128xf32> -> vector<1280x128xf32>
    %get3A_60 = arith.constant 0 : index
    %get3A_61 = arith.constant 0 : index
    %get3A_62 = vector.load %arg10[%get3A_60, %get3A_61] : memref<1x128xf32, #tpu.memory_space<vmem>>, vector<1x128xf32>
    %add3A_63 = vector.broadcast %get3A_62 : vector<1x128xf32> to vector<1280x128xf32>
    %add3A_64 = arith.addf %dot_general3A_59, %add3A_63 : vector<1280x128xf32>
    %swap3A = arith.constant 0 : index
    %swap3A_65 = arith.constant 0 : index
    %swap3A_66 = vector.load %arg11[%swap3A, %swap3A_65] : memref<1280x128xf32, #tpu.memory_space<vmem>>, vector<1280x128xf32>
    tpu.vector_store %arg11[%swap3A, %swap3A_65], %add3A_64 {strides = array<i32>} : memref<1280x128xf32, #tpu.memory_space<vmem>>, vector<1280x128xf32>,
    return
  }
  func.func @transform_0(%arg0: i32) -> (i32, i32) {
    %c0_i32 = arith.constant 0 : i32
    %c0_i32_0 = arith.constant 0 : i32
    return %arg0, %c0_i32 : i32, i32
  }
  func.func @transform_1(%arg0: i32) -> (i32, i32) {
    %c0_i32 = arith.constant 0 : i32
    %c0_i32_0 = arith.constant 0 : i32
    return %arg0, %c0_i32 : i32, i32
  }
  func.func @transform_2(%arg0: i32) -> (i32, i32) {
    %c0_i32 = arith.constant 0 : i32
    %c0_i32_0 = arith.constant 0 : i32
    return %arg0, %c0_i32 : i32, i32
  }
  func.func @transform_3(%arg0: i32) -> (i32, i32) {
    %c0_i32 = arith.constant 0 : i32
    %c0_i32_0 = arith.constant 0 : i32
    return %arg0, %c0_i32 : i32, i32
  }
  func.func @transform_4(%arg0: i32) -> (i32, i32) {
    %c0_i32 = arith.constant 0 : i32
    %c0_i32_0 = arith.constant 0 : i32
    %c0_i32_1 = arith.constant 0 : i32
    return %c0_i32, %c0_i32_0 : i32, i32
  }
  func.func @transform_5(%arg0: i32) -> (i32, i32) {
    %c0_i32 = arith.constant 0 : i32
    %c0_i32_0 = arith.constant 0 : i32
    %c0_i32_1 = arith.constant 0 : i32
    return %c0_i32, %c0_i32_0 : i32, i32
  }
  func.func @transform_6(%arg0: i32) -> (i32, i32) {
    %c0_i32 = arith.constant 0 : i32
    %c0_i32_0 = arith.constant 0 : i32
    %c0_i32_1 = arith.constant 0 : i32
    return %c0_i32, %c0_i32_0 : i32, i32
  }
  func.func @transform_7(%arg0: i32) -> (i32, i32) {
    %c0_i32 = arith.constant 0 : i32
    %c0_i32_0 = arith.constant 0 : i32
    %c0_i32_1 = arith.constant 0 : i32
    return %c0_i32, %c0_i32_0 : i32, i32
  }
  func.func @transform_8(%arg0: i32) -> (i32, i32) {
    %c0_i32 = arith.constant 0 : i32
    %c0_i32_0 = arith.constant 0 : i32
    %c0_i32_1 = arith.constant 0 : i32
    return %c0_i32, %c0_i32_0 : i32, i32
  }
  func.func @transform_9(%arg0: i32) -> (i32, i32) {
    %c0_i32 = arith.constant 0 : i32
    %c0_i32_0 = arith.constant 0 : i32
    %c0_i32_1 = arith.constant 0 : i32
    return %c0_i32, %c0_i32_0 : i32, i32
  }
  func.func @transform_10(%arg0: i32) -> (i32, i32) {
    %c0_i32 = arith.constant 0 : i32
    %c0_i32_0 = arith.constant 0 : i32
    return %arg0, %c0_i32 : i32, i32
  }
}

module attributes {stable_mosaic.version = 14 : i64} {
  func.func @_upd_last_body(%arg0: i32, %arg1: memref<2000x128xf32, #tpu.memory_space<vmem>>, %arg2: memref<2x2000x64xf32, #tpu.memory_space<vmem>>, %arg3: memref<128x128xf32, #tpu.memory_space<vmem>>, %arg4: memref<64x128xf32, #tpu.memory_space<vmem>>, %arg5: memref<1x128xf32, #tpu.memory_space<vmem>>, %arg6: memref<128x128xf32, #tpu.memory_space<vmem>>, %arg7: memref<1x128xf32, #tpu.memory_space<vmem>>, %arg8: memref<128x128xf32, #tpu.memory_space<vmem>>, %arg9: memref<1x128xf32, #tpu.memory_space<vmem>>, %arg10: memref<2000x128xf32, #tpu.memory_space<vmem>>) attributes {dimension_semantics = [#tpu.dimension_semantics<arbitrary>], iteration_bounds = array<i64: 5>, scalar_prefetch = 0 : i64, scratch_operands = 0 : i64, tpu.core_type = #tpu.core_type<tc>, window_params = [{transform_indices = @transform_0, window_bounds = array<i64: 2000, 128>}, {transform_indices = @transform_1, window_bounds = array<i64: 2, 2000, 64>}, {pipeline_mode = #tpu.pipeline_mode<synchronous>, transform_indices = @transform_2, window_bounds = array<i64: 128, 128>}, {pipeline_mode = #tpu.pipeline_mode<synchronous>, transform_indices = @transform_3, window_bounds = array<i64: 64, 128>}, {pipeline_mode = #tpu.pipeline_mode<synchronous>, transform_indices = @transform_4, window_bounds = array<i64: 1, 128>}, {pipeline_mode = #tpu.pipeline_mode<synchronous>, transform_indices = @transform_5, window_bounds = array<i64: 128, 128>}, {pipeline_mode = #tpu.pipeline_mode<synchronous>, transform_indices = @transform_6, window_bounds = array<i64: 1, 128>}, {pipeline_mode = #tpu.pipeline_mode<synchronous>, transform_indices = @transform_7, window_bounds = array<i64: 128, 128>}, {pipeline_mode = #tpu.pipeline_mode<synchronous>, transform_indices = @transform_8, window_bounds = array<i64: 1, 128>}, {transform_indices = @transform_9, window_bounds = array<i64: 2000, 128>}]} {
    %get3A = arith.constant 0 : index
    %get3A_0 = arith.constant 0 : index
    %get3A_1 = arith.constant 0 : index
    %get3A_2 = vector.load %arg2[%get3A, %get3A_0, %get3A_1] : memref<2x2000x64xf32, #tpu.memory_space<vmem>>, vector<2x2000x64xf32>
    %slice3A = vector.extract_strided_slice %get3A_2 {offsets = [0, 0, 0], sizes = [1, 2000, 64], strides = [1, 1, 1]} : vector<2x2000x64xf32> to vector<1x2000x64xf32>
    %squeeze3A = vector.shape_cast %slice3A : vector<1x2000x64xf32> to vector<2000x64xf32>
    %get3A_3 = arith.constant 0 : index
    %get3A_4 = arith.constant 0 : index
    %get3A_5 = arith.constant 0 : index
    %get3A_6 = vector.load %arg2[%get3A_3, %get3A_4, %get3A_5] : memref<2x2000x64xf32, #tpu.memory_space<vmem>>, vector<2x2000x64xf32>
    %slice3A_7 = vector.extract_strided_slice %get3A_6 {offsets = [1, 0, 0], sizes = [1, 2000, 64], strides = [1, 1, 1]} : vector<2x2000x64xf32> to vector<1x2000x64xf32>
    %squeeze3A_8 = vector.shape_cast %slice3A_7 : vector<1x2000x64xf32> to vector<2000x64xf32>
    %add3A = arith.addf %squeeze3A, %squeeze3A_8 : vector<2000x64xf32>
    %get3A_9 = arith.constant 0 : index
    %get3A_10 = arith.constant 0 : index
    %get3A_11 = vector.load %arg1[%get3A_9, %get3A_10] : memref<2000x128xf32, #tpu.memory_space<vmem>>, vector<2000x128xf32>
    %get3A_12 = arith.constant 0 : index
    %get3A_13 = arith.constant 0 : index
    %get3A_14 = vector.load %arg3[%get3A_12, %get3A_13] : memref<128x128xf32, #tpu.memory_space<vmem>>, vector<128x128xf32>
    %dot_general3A = arith.constant dense<0.000000e+00> : vector<2000x128xf32>
    %dot_general3A_15 = tpu.matmul %get3A_11, %get3A_14, %dot_general3A {dimension_numbers = #tpu.dot_dimension_numbers<[1], [0], [0], [1], [0, 0, 1, 1], [], []>, transpose_lhs_hint = false} : vector<2000x128xf32>, vector<128x128xf32>, vector<2000x128xf32> -> vector<2000x128xf32>
    %get3A_16 = arith.constant 0 : index
    %get3A_17 = arith.constant 0 : index
    %get3A_18 = vector.load %arg4[%get3A_16, %get3A_17] : memref<64x128xf32, #tpu.memory_space<vmem>>, vector<64x128xf32>
    %dot_general3A_19 = arith.constant dense<0.000000e+00> : vector<2000x128xf32>
    %dot_general3A_20 = tpu.matmul %add3A, %get3A_18, %dot_general3A_19 {dimension_numbers = #tpu.dot_dimension_numbers<[1], [0], [0], [1], [0, 0, 1, 1], [], []>, transpose_lhs_hint = false} : vector<2000x64xf32>, vector<64x128xf32>, vector<2000x128xf32> -> vector<2000x128xf32>
    %add3A_21 = arith.addf %dot_general3A_15, %dot_general3A_20 : vector<2000x128xf32>
    %get3A_22 = arith.constant 0 : index
    %get3A_23 = arith.constant 0 : index
    %get3A_24 = vector.load %arg5[%get3A_22, %get3A_23] : memref<1x128xf32, #tpu.memory_space<vmem>>, vector<1x128xf32>
    %add3A_25 = vector.broadcast %get3A_24 : vector<1x128xf32> to vector<2000x128xf32>
    %add3A_26 = arith.addf %add3A_21, %add3A_25 : vector<2000x128xf32>
    %mul3A = arith.constant 5.000000e-01 : f32
    %mul3A_27 = vector.broadcast %mul3A : f32 to vector<2000x128xf32>
    %mul3A_28 = arith.mulf %mul3A_27, %add3A_26 : vector<2000x128xf32>
    %div3A = arith.constant 1.41421354 : f32
    %div3A_29 = vector.broadcast %div3A : f32 to vector<2000x128xf32>
    %div3A_30 = arith.divf %add3A_26, %div3A_29 : vector<2000x128xf32>
    %erf3A = math.erf %div3A_30 : vector<2000x128xf32>
    %add3A_31 = arith.constant 1.000000e+00 : f32
    %add3A_32 = vector.broadcast %add3A_31 : f32 to vector<2000x128xf32>
    %add3A_33 = arith.addf %add3A_32, %erf3A : vector<2000x128xf32>
    %mul3A_34 = arith.mulf %mul3A_28, %add3A_33 : vector<2000x128xf32>
    %get3A_35 = arith.constant 0 : index
    %get3A_36 = arith.constant 0 : index
    %get3A_37 = vector.load %arg6[%get3A_35, %get3A_36] : memref<128x128xf32, #tpu.memory_space<vmem>>, vector<128x128xf32>
    %dot_general3A_38 = arith.constant dense<0.000000e+00> : vector<2000x128xf32>
    %dot_general3A_39 = tpu.matmul %mul3A_34, %get3A_37, %dot_general3A_38 {dimension_numbers = #tpu.dot_dimension_numbers<[1], [0], [0], [1], [0, 0, 1, 1], [], []>, transpose_lhs_hint = false} : vector<2000x128xf32>, vector<128x128xf32>, vector<2000x128xf32> -> vector<2000x128xf32>
    %get3A_40 = arith.constant 0 : index
    %get3A_41 = arith.constant 0 : index
    %get3A_42 = vector.load %arg7[%get3A_40, %get3A_41] : memref<1x128xf32, #tpu.memory_space<vmem>>, vector<1x128xf32>
    %add3A_43 = vector.broadcast %get3A_42 : vector<1x128xf32> to vector<2000x128xf32>
    %add3A_44 = arith.addf %dot_general3A_39, %add3A_43 : vector<2000x128xf32>
    %mul3A_45 = arith.constant 5.000000e-01 : f32
    %mul3A_46 = vector.broadcast %mul3A_45 : f32 to vector<2000x128xf32>
    %mul3A_47 = arith.mulf %mul3A_46, %add3A_44 : vector<2000x128xf32>
    %div3A_48 = arith.constant 1.41421354 : f32
    %div3A_49 = vector.broadcast %div3A_48 : f32 to vector<2000x128xf32>
    %div3A_50 = arith.divf %add3A_44, %div3A_49 : vector<2000x128xf32>
    %erf3A_51 = math.erf %div3A_50 : vector<2000x128xf32>
    %add3A_52 = arith.constant 1.000000e+00 : f32
    %add3A_53 = vector.broadcast %add3A_52 : f32 to vector<2000x128xf32>
    %add3A_54 = arith.addf %add3A_53, %erf3A_51 : vector<2000x128xf32>
    %mul3A_55 = arith.mulf %mul3A_47, %add3A_54 : vector<2000x128xf32>
    %get3A_56 = arith.constant 0 : index
    %get3A_57 = arith.constant 0 : index
    %get3A_58 = vector.load %arg1[%get3A_56, %get3A_57] : memref<2000x128xf32, #tpu.memory_space<vmem>>, vector<2000x128xf32>
    %get3A_59 = arith.constant 0 : index
    %get3A_60 = arith.constant 0 : index
    %get3A_61 = vector.load %arg8[%get3A_59, %get3A_60] : memref<128x128xf32, #tpu.memory_space<vmem>>, vector<128x128xf32>
    %dot_general3A_62 = arith.constant dense<0.000000e+00> : vector<2000x128xf32>
    %dot_general3A_63 = tpu.matmul %mul3A_55, %get3A_61, %dot_general3A_62 {dimension_numbers = #tpu.dot_dimension_numbers<[1], [0], [0], [1], [0, 0, 1, 1], [], []>, transpose_lhs_hint = false} : vector<2000x128xf32>, vector<128x128xf32>, vector<2000x128xf32> -> vector<2000x128xf32>
    %add3A_64 = arith.addf %get3A_58, %dot_general3A_63 : vector<2000x128xf32>
    %get3A_65 = arith.constant 0 : index
    %get3A_66 = arith.constant 0 : index
    %get3A_67 = vector.load %arg9[%get3A_65, %get3A_66] : memref<1x128xf32, #tpu.memory_space<vmem>>, vector<1x128xf32>
    %add3A_68 = vector.broadcast %get3A_67 : vector<1x128xf32> to vector<2000x128xf32>
    %add3A_69 = arith.addf %add3A_64, %add3A_68 : vector<2000x128xf32>
    %swap3A = arith.constant 0 : index
    %swap3A_70 = arith.constant 0 : index
    %swap3A_71 = vector.load %arg10[%swap3A, %swap3A_70] : memref<2000x128xf32, #tpu.memory_space<vmem>>, vector<2000x128xf32>
    tpu.vector_store %arg10[%swap3A, %swap3A_70], %add3A_69 {strides = array<i32>} : memref<2000x128xf32, #tpu.memory_space<vmem>>, vector<2000x128xf32>,
    return
  }
  func.func @transform_0(%arg0: i32) -> (i32, i32) {
    %c0_i32 = arith.constant 0 : i32
    %c0_i32_0 = arith.constant 0 : i32
    return %arg0, %c0_i32 : i32, i32
  }
  func.func @transform_1(%arg0: i32) -> (i32, i32, i32) {
    %c0_i32 = arith.constant 0 : i32
    %c0_i32_0 = arith.constant 0 : i32
    %c0_i32_1 = arith.constant 0 : i32
    return %c0_i32, %arg0, %c0_i32_0 : i32, i32, i32
  }
  func.func @transform_2(%arg0: i32) -> (i32, i32) {
    %c0_i32 = arith.constant 0 : i32
    %c0_i32_0 = arith.constant 0 : i32
    %c0_i32_1 = arith.constant 0 : i32
    return %c0_i32, %c0_i32_0 : i32, i32
  }
  func.func @transform_3(%arg0: i32) -> (i32, i32) {
    %c0_i32 = arith.constant 0 : i32
    %c0_i32_0 = arith.constant 0 : i32
    %c0_i32_1 = arith.constant 0 : i32
    return %c0_i32, %c0_i32_0 : i32, i32
  }
  func.func @transform_4(%arg0: i32) -> (i32, i32) {
    %c0_i32 = arith.constant 0 : i32
    %c0_i32_0 = arith.constant 0 : i32
    %c0_i32_1 = arith.constant 0 : i32
    return %c0_i32, %c0_i32_0 : i32, i32
  }
  func.func @transform_5(%arg0: i32) -> (i32, i32) {
    %c0_i32 = arith.constant 0 : i32
    %c0_i32_0 = arith.constant 0 : i32
    %c0_i32_1 = arith.constant 0 : i32
    return %c0_i32, %c0_i32_0 : i32, i32
  }
  func.func @transform_6(%arg0: i32) -> (i32, i32) {
    %c0_i32 = arith.constant 0 : i32
    %c0_i32_0 = arith.constant 0 : i32
    %c0_i32_1 = arith.constant 0 : i32
    return %c0_i32, %c0_i32_0 : i32, i32
  }
  func.func @transform_7(%arg0: i32) -> (i32, i32) {
    %c0_i32 = arith.constant 0 : i32
    %c0_i32_0 = arith.constant 0 : i32
    %c0_i32_1 = arith.constant 0 : i32
    return %c0_i32, %c0_i32_0 : i32, i32
  }
  func.func @transform_8(%arg0: i32) -> (i32, i32) {
    %c0_i32 = arith.constant 0 : i32
    %c0_i32_0 = arith.constant 0 : i32
    %c0_i32_1 = arith.constant 0 : i32
    return %c0_i32, %c0_i32_0 : i32, i32
  }
  func.func @transform_9(%arg0: i32) -> (i32, i32) {
    %c0_i32 = arith.constant 0 : i32
    %c0_i32_0 = arith.constant 0 : i32
    return %arg0, %c0_i32 : i32, i32
  }
}

</mosaic_0001>

<sc_bundles>
// kernel: kernel.11.cloned.1.call-start
scs
__scs_entry_jumppad:
0x0: {  	(pc) =	sbr.rel $0x88, $3  }
0x1: {  	(tag) =	ssettag $0x0;
	lr =	simm.s32 $0x1  }
0x2: {  	[smem:$0x3F81] =	sst lr;
	_ =	strace $0xD0000000  }
0x3: {  	_ = 	snop  }
0x4: {  	_ = 	snop  }
0x5: {  	_ = 	snop  }
0x6: {  	_ = 	snop  }
0x7: {  	_ = 	snop  }
__scs_overlays_trampoline_lowered:
0x8: {  	[smem:$0x3F90] =	sst s0  }
0x9: {  	[smem:$0x3F91] =	sst s1  }
0xa: {  	[smem:$0x3F92] =	sst s2  }
0xb: {  	[smem:$0x3F93] =	sst s3  }
0xc: {  	[smem:$0x3F94] =	sst s4  }
0xd: {  	[smem:$0x3F95] =	sst s5  }
0xe: {  	[smem:$0x3F96] =	sst s6  }
0xf: {  	[smem:$0x3F97] =	sst s7  }
0x10: {  	[smem:$0x3F98] =	sst s8  }
0x11: {  	[smem:$0x3F99] =	sst s9;
	s0 =	simm.s32 @!p0 $0x0  }
0x12: {  	s1 =	sld [smem:$0x3F7F];
	s0 =	simm.s32 @p0 $0x1  }
0x13: {  	[smem:$0x3F9A] =	sst s0;
	s0 =	simm.s32 @!p1 $0x0  }
0x14: {  	s2 =	sld [smem:$0x3F7E];
	s0 =	simm.s32 @p1 $0x1  }
0x15: {  	[smem:$0x3F9B] =	sst s0;
	s0 =	simm.s32 @!p2 $0x0  }
0x16: {  	s3 =	sld [smem:$0x3FDB];
	s0 =	simm.s32 @p2 $0x1  }
0x17: {  	s4 =	simm.s32 $0x1BF5;
	[smem:$0x3F9D] =	sst s0  }
0x18: {  	s0 =	sld [smem:$0x3F80];
	_ =	swait.ge [sflag:s4], $0x0  }
0x19: {  	s7 =	sld [smem:$0x3F81]  }
0x1a: {  	s8 =	sadd.s32 $0xFFFFE003, lr  }
0x1b: {  	s9 =	sadd.s32 $0xFFFFFEF7, lr;
	s5 =	simm.s32 $0xFFFFFFFF;
	p2 =	slt.u32 s8, $0xFFFFF086  }
0x1c: {  	p1 =	slt.u32 s9, $0xF7A;
	s5 =	simm.s32 @!p2 $0x0  }
0x1d: {  	s5 =	simm.s32 @p1 $0x1;
	p0 =	seq.s32 s7, s2  }
0x1e: {  	s7 =	smul.u32 @!p0 $0xF7A, s2;
	p2 =	seq.s32 @!p0 s5, $0x0  }
0x1f: {  	s9 =	smul.u32 $0xF7A, s1;
	s8 =	simm.s32 @!p0 $0x1BF5;
	p2 =	por !p2, p0  }
0x20: {  	[sflag:s8] =	ssyncset.s32 @!p0 $0xFFFFF086;
	s6 =	sadd.s32 @!p0 s3, s7;
	s7 =	simm.s32 @!p0 $0x108  }
0x21: {  	s3 =	sadd.s32 s3, s9;
	s6 =	sadd.s32 @!p0 $0x88, s6;
	s7 =	simm.s32 @p2 $0x1082  }
0x22: {  	[simem:s7], [sflag:s8] =	dma.local @!p0 [hbm:s6], $0xF7A  }
0x23: {  	s9 =	sor.u32 $0xD0000000, s2;
	s6 =	simm.s32 $0x108;
	_ =	swait.ge @!p0 [sflag:s8], $0x0  }
0x24: {  	s3 =	sadd.s32 $0x88, s3;
	s6 =	simm.s32 @!p1 $0x1082;
	[sflag:s4] =	ssyncset.s32 $0xFFFFF086  }
0x25: {  	[simem:s6], [sflag:s4] =	dma.local [hbm:s3], $0xF7A  }
0x26: {  	[smem:$0x3F81] =	sst s1;
	(tag) =	ssettag s2;
	_ =	strace s9  }
0x27: {  	s1 =	sld [smem:$0x3F91]  }
0x28: {  	s2 =	sld [smem:$0x3F92]  }
0x29: {  	s4 =	sld [smem:$0x3F94]  }
0x2a: {  	p0 =	seq.s32 s5, $0x0;
	s5 =	sld [smem:$0x3F95]  }
0x2b: {  	s6 =	sld [smem:$0x3F96]  }
0x2c: {  	s7 =	sld [smem:$0x3F97]  }
0x2d: {  	s3 =	simm.s32 $0x108;
	s8 =	sld [smem:$0x3F98]  }
0x2e: {  	s3 =	simm.s32 @!p0 $0x1082;
	s9 =	sld [smem:$0x3F99]  }
0x2f: {  	lr =	sadd.s32 s0, s3;
	s0 =	sld [smem:$0x3F90]  }
0x30: {  	s3 =	sld [smem:$0x3F93]  }
0x31: {  	[smem:$0x3F9C] =	sst s10  }
0x32: {  	s10 =	sld [smem:$0x3F9A];
	_ =	sdelay $0x3  }
0x33: {  	p0 =	seq.s32 s10, $0x1;
	s10 =	sld [smem:$0x3F9C];
	_ =	sdelay $0x3  }
0x34: {  	[smem:$0x3F9C] =	sst s10  }
0x35: {  	s10 =	sld [smem:$0x3F9B];
	_ =	sdelay $0x3  }
0x36: {  	p1 =	seq.s32 s10, $0x1;
	s10 =	sld [smem:$0x3F9C];
	_ =	sdelay $0x3  }
0x37: {  	[smem:$0x3F9C] =	sst s10  }
0x38: {  	s10 =	sld [smem:$0x3F9D]  }
0x39: {  	_ = 	snop;
	(pc) =	sbr.ind lr, $3  }
0x3a: {  	_ = 	snop  }
0x3b: {  	_ = 	snop  }
0x3c: {  	p2 =	seq.s32 s10, $0x1;
	s10 =	sld [smem:$0x3F9C]  }
0x3d: {  	_ =	shalt  }
0x3e: {  	_ =	shalt  }
0x3f: {  	_ =	shalt  }
0x40: {  	_ =	shalt  }
0x41: {  	_ =	shalt  }
0x42: {  	_ =	shalt  }
0x43: {  	_ =	shalt  }
0x44: {  	_ =	shalt  }
0x45: {  	_ =	shalt  }
0x46: {  	_ =	shalt  }
0x47: {  	_ =	shalt  }
0x48: {  	_ =	shalt  }
0x49: {  	_ =	shalt  }
0x4a: {  	_ =	shalt  }
0x4b: {  	_ =	shalt  }
0x4c: {  	_ =	shalt  }
0x4d: {  	_ =	shalt  }
0x4e: {  	_ =	shalt  }
0x4f: {  	_ =	shalt  }
0x50: {  	_ =	shalt  }
0x51: {  	_ =	shalt  }
0x52: {  	_ =	shalt  }
0x53: {  	_ =	shalt  }
0x54: {  	_ =	shalt  }
0x55: {  	_ =	shalt  }
0x56: {  	_ =	shalt  }
0x57: {  	_ =	shalt  }
0x58: {  	_ =	shalt  }
0x59: {  	_ =	shalt  }
0x5a: {  	_ =	shalt  }
0x5b: {  	_ =	shalt  }
0x5c: {  	_ =	shalt  }
0x5d: {  	_ =	shalt  }
0x5e: {  	_ =	shalt  }
0x5f: {  	_ =	shalt  }
0x60: {  	_ =	shalt  }
0x61: {  	_ =	shalt  }
0x62: {  	_ =	shalt  }
0x63: {  	_ =	shalt  }
0x64: {  	_ =	shalt  }
0x65: {  	_ =	shalt  }
0x66: {  	_ =	shalt  }
0x67: {  	_ =	shalt  }
0x68: {  	_ =	shalt  }
0x69: {  	_ =	shalt  }
0x6a: {  	_ =	shalt  }
0x6b: {  	_ =	shalt  }
0x6c: {  	_ =	shalt  }
0x6d: {  	_ =	shalt  }
0x6e: {  	_ =	shalt  }
0x6f: {  	_ =	shalt  }
0x70: {  	_ =	shalt  }
0x71: {  	_ =	shalt  }
0x72: {  	_ =	shalt  }
0x73: {  	_ =	shalt  }
0x74: {  	_ =	shalt  }
0x75: {  	_ =	shalt  }
0x76: {  	_ =	shalt  }
0x77: {  	_ =	shalt  }
0x78: {  	_ =	shalt  }
0x79: {  	_ =	shalt  }
0x7a: {  	_ =	shalt  }
0x7b: {  	_ =	shalt  }
0x7c: {  	_ =	shalt  }
0x7d: {  	_ =	shalt  }
0x7e: {  	_ =	shalt  }
0x7f: {  	_ =	shalt  }
0x80: {  	_ =	shalt  }
0x81: {  	_ =	shalt  }
0x82: {  	_ =	shalt  }
0x83: {  	_ =	shalt  }
0x84: {  	_ =	shalt  }
0x85: {  	_ =	shalt  }
0x86: {  	_ =	shalt  }
0x87: {  	_ =	shalt  }
.Lfunc_end0:
.L_simem_size_0:
called_computation_lowered:
.L_overlay_start_0:
0x88: {  	s2 =	sld [smem:$0x3FD9]  }
0x89: {  	s3 =	sld [smem:$0x3FFE];
	_ =	sdelay $0x1  }
0x8a: {  	s1 =	srdreg.scid  }
0x8b: {  	s0 =	sand.u32 $0x1, s1  }
0x8c: {  	s16 =	sshll.u32 s0, $0xA;
	s2 =	sadd.s32 s3, s2  }
0x8d: {  	s2 =	sadd.s32 s2, s16  }
0x8e: {  	[smem:$0x3FA8] =	sst s2  }
0x8f: {  	_ = 	snop  }
0x90: {  	(tm) =	ssettm $0x1  }
0x91: {  	s17 =	sld [smem:$0x3FFB];
	_ =	sdelay $0x3  }
0x92: {  	_ =	strace s17  }
0x93: {  	s2 =	sld [smem:$0x3FFC];
	_ =	sdelay $0x3  }
0x94: {  	_ =	strace s2  }
0x95: {  	s2 =	sld [smem:$0x3FFD];
	_ =	sdelay $0x3  }
0x96: {  	_ =	strace s2  }
0x97: {  	_ =	strace $0x8FFFFFFF  }
0x98: {  	s18 =	sld [smem:$0x3FDB];
	_ =	sdelay $0x1  }
0x99: {  	s19 =	simm.s32 $_scs_section_size  }
0x9a: {  	s4 =	simm.s32 $_size__tile_overlayer_lowered;
	s5 =	simm.s32 $_tile_overlayer_lowered  }
0x9b: {  	s22 =	simm.s32 $0x1BFF;
	s21 =	sshll.u32 s5, $0x1;
	s2 =	sadd.s32 s19, s18  }
0x9c: {  	s6 =	simm.s32 $0x0;
	s20 =	sshll.u32 s4, $0x1;
	s4 =	sadd.s32 s21, s2  }
0x9d: {  	[timem:s6], [sflag:s22] =	dma.local [hbm:s4], s20  }
0x9e: {  	_ =	swait.ge [sflag:s22], s20  }
0x9f: {  	s3 =	ssub.s32 $0x0, s20;
	[sflag:s22] =	ssyncset.done $0x0  }
0xa0: {  	[sflag:s22] =	ssyncadd.s32 s3;
	_ =	sdelay $0x1  }
0xa1: {  	s23 =	simm.s32 $0x1B8B  }
0xa2: {  	_ =	swait.ge [sflag:s23], $0x1  }
0xa3: {  	[sflag:s23] =	ssyncset.done $0x0  }
0xa4: {  	s25 =	simm.s32 $0x1B8E;
	s24 =	sld [smem:$0x3FFE];
	[sflag:s23] =	ssyncadd.s32 $0xFFFFFFFF  }
0xa5: {  	s26 =	simm.s32 $execute0_lowered;
	[smem:$0x3FD2] =	sst s25  }
0xa6: {  	s4 =	sshll.u32 s26, $0x1;
	_ =	strace $0x80000046;
	[dreg:$0x1] =	wrdreg $0xFFFFFFFF  }
0xa7: {  	s28 =	simm.s32 $_size_execute0_lowered;
	s2 =	sadd.s32 s2, s4;
	[dreg:$0x0] =	wrdreg $0x0  }
0xa8: {  	s4 =	sshll.u32 s28, $0x1;
	[dreg:$0x2] =	wrdreg s2  }
0xa9: {  	[dreg:$0x3] =	wrdreg s4  }
0xaa: {  	[dreg:$0x4] =	wrdreg $0xC0  }
0xab: {  	_ =	task [dreg:s6], $0x5FFFF  }
0xac: {  	[dreg:$0x1] =	wrdreg $0xFFFFFFFF  }
0xad: {  	[dreg:$0x0] =	wrdreg $0x60  }
0xae: {  	[dreg:$0x2] =	wrdreg s24  }
0xaf: {  	[dreg:$0x3] =	wrdreg $0x9  }
0xb0: {  	_ =	task.clear_ibuf [dreg:s6], $0x4FFFF;
	_ =	strace $0x90000046  }
0xb1: {  	s29 =	simm.s32 $0x9;
	_ =	strace $0x80000048  }
0xb2: {  	_ =	swait.ge [sflag:s29], $0x1  }
0xb3: {  	[sflag:s29] =	ssyncadd.s32 $0xFFFFFFFF  }
0xb4: {  	_ =	strace $0x90000048  }
0xb5: {  	_ =	sfence  }
0xb6: {  	s30 =	sld [smem:$0x0];
	_ =	sdelay $0x2  }
0xb7: {  	s31 =	sshll.u32 s1, $0xD;
	s1 =	sshrl.u32 s1, $0x2  }
0xb8: {  	s3 =	sand.u32 $0x4000, s31;
	s1 =	sadd.s32 s1, s30  }
0xb9: {  	s0 =	sor.u32 s3, s0;
	s1 =	sshll.u32 s1, $0x11  }
0xba: {  	s0 =	sor.u32 s1, s0  }
0xbb: {  	s0 =	sadd.s32 $0x8F2B, s0  }
0xbc: {  	[sflag:s0] =	ssyncadd.remote.s32 $0x1  }
0xbd: {  	_ =	sfence.sel $0xFFFF  }
0xbe: {  	[dreg:$0x0] =	wrdreg $0xFFFFFFFF;
	(pc) =	sbr.abs _section_cstart, $3  }
0xbf: {  	[dreg:$0x1] =	wrdreg $0xFFFFFFFF  }
0xc0: {  	_ =	task.clear_ibuf [dreg:s6], $0x2FFFF;
	_ =	strace $0x9FFFFFFF  }
0xc1: {  	(tm) =	ssettm $0x7FFFFFFF  }
tec
execute0_lowered:
.L_overlay_start_1:
0x0: {  	(tag) =	ssettag $0x1  }
0x1: {  	s0 =	srdreg.scid  }
0x2: {  	s9 =	stileid.u32;
	s6 =	rddreg [dreg:$0x0];
	s2 =	simm.s32 $0x0  }
0x3: {  	s12 =	simm.s32 $0x80;
	s14 =	simm.s32 $0x100;
	s15 =	simm.s32 $0x180  }
0x4: {  	s16 =	simm.s32 $0x200;
	[smem:$0x7FF] =	sst s2;
	s10 =	sadd.s32 $0x43800, s6  }
0x5: {  	s20 =	sadd.s32 $0x48800, s6;
	_ =	strace $0x80000047;
	[dreg:$0x14] =	wrdreg s10  }
0x6: {  	s17 =	simm.s32 $0x280;
	s21 =	sadd.s32 $0x4D800, s6;
	[dreg:$0x15] =	wrdreg s20  }
0x7: {  	s18 =	simm.s32 $0x300;
	s22 =	sadd.s32 $0x52800, s6;
	[dreg:$0x16] =	wrdreg s21  }
0x8: {  	s19 =	simm.s32 $0x380;
	s29 =	simm.s32 $0x800;
	[dreg:$0x17] =	wrdreg s22  }
0x9: {  	s30 =	simm.s32 $0x10400;
	s28 =	simm.s32 $0x67C0;
	[dreg:$0x6] =	wrdreg s12  }
0xa: {  	s31 =	simm.s32 $0xA00;
	s1 =	smul.u32 $0x4E20, s9;
	[dreg:$0x7] =	wrdreg s14  }
0xb: {  	s0 =	sand.u32 $0x1, s0;
	s7 =	smul.u32 $0x2710, s9;
	[dreg:$0x8] =	wrdreg s15  }
0xc: {  	s4 =	sadd.s32 $0x19600, s6;
	s9 =	smul.u32 $0x27100, s9;
	[dreg:$0x9] =	wrdreg s16  }
0xd: {  	s5 =	sadd.s32 $0x2D000, s6;
	s3 =	smul.u32 $0x2710, s0;
	[dreg:$0xa] =	wrdreg s17  }
0xe: {  	s8 =	smul.u32 $0x1388, s0;
	s24 =	ssub.s32 $0x2, s0;
	[dreg:$0xb] =	wrdreg s18  }
0xf: {  	s0 =	smul.u32 $0x13880, s0;
	s16 =	simm.s32 $0x2;
	[dreg:$0xc] =	wrdreg s19  }
0x10: {  	s20 =	simm.s32 $0x480;
	s21 =	simm.s32 $0x500;
	s18 =	simm.s32 $0x7D  }
0x11: {  	s22 =	simm.s32 $0x580;
	s19 =	simm.s32 $0xA00;
	[dreg:$0xd] =	wrdreg s20  }
0x12: {  	s17 =	simm.s32 $0x4880;
	s10 =	simm.s32 $0x10BD0;
	[dreg:$0xe] =	wrdreg s21  }
0x13: {  	s12 =	simm.s32 $0x0;
	s25 =	sshrl.u32 s24, $0x1;
	[dreg:$0xf] =	wrdreg s22  }
0x14: {  	s20 =	simm.s32 $0x1;
	s21 =	simm.s32 $0x67C0;
	s7 =	sadd.s32 s8, s7  }
0x15: {  	s22 =	simm.s32 $0x8700;
	s1 =	sadd.s32 s3, s1;
	s23 =	sadd.s32 s7, s6  }
0x16: {  	s3 =	sadd.s32 $0x5C00, s6;
	s1 =	smulhi.u32 $0x20C49BB, s1;
	s11 =	sadd.s32 $0xCCE00, s23  }
0x17: {  	s7 =	smulhi.u32 $0x20C49BB, s7;
	s26 =	sadd.s32 $0xA5C00, s23;
	[dreg:$0x2] =	wrdreg s11  }
0x18: {  	s8 =	sadd.s32 $0x57800, s23;
	s1 =	sshll.u32 s1, $0x4;
	[dreg:$0x3] =	wrdreg s26  }
0x19: {  	s11 =	sadd.s32 $0x7EA00, s23;
	[dreg:$0x5] =	wrdreg s8;
	s23 =	simm.s32 $0x600  }
0x1a: {  	s26 =	simm.s32 $0x780;
	s1 =	sadd.s32 s1, s6;
	[dreg:$0x4] =	wrdreg s11  }
0x1b: {  	s6 =	sadd.s32 s9, s6;
	s9 =	ssub.s32 s24, s25;
	[dreg:$0x10] =	wrdreg s23  }
0x1c: {  	s11 =	sshll.u32 s7, $0x4;
	s24 =	simm.s32 $0x680;
	[dreg:$0x13] =	wrdreg s26  }
0x1d: {  	s25 =	simm.s32 $0x700;
	s23 =	simm.s32 $0xA640;
	[dreg:$0x11] =	wrdreg s24  }
0x1e: {  	s26 =	simm.s32 $0x880;
	s9 =	smax.u32 s9, $0x1;
	[dreg:$0x12] =	wrdreg s25  }
0x1f: {  	s7 =	simm.s32 $0x10FB8;
	s13 =	sadd.s32 $0x39800, s1;
	[dreg:$0x18] =	wrdreg s9  }
0x20: {  	s1 =	sadd.s32 $0x2F800, s1;
	s0 =	sadd.s32 s0, s6;
	[dreg:$0x19] =	wrdreg s13  }
0x21: {  	s24 =	simm.s32 $0xC580;
	s25 =	simm.s32 $0xE4C0;
	[dreg:$0x1a] =	wrdreg s1  }
0x22: {  	s6 =	sadd.s32 $0x365000, s0;
	s0 =	sadd.s32 $0xF4000, s0;
	s9 =	simm.s32 $0x400  }
0x23: {  	s13 =	simm.s32 $0x2940;
	s1 =	simm.s32 $0x107E8;
	[dreg:$0x1b] =	wrdreg s6  }
0x24: {  	[dreg:$0x1c] =	wrdreg s0;
	s0 =	simm.s32 $0x900;
	s6 =	simm.s32 $0x980  }
.LBB2_1:
0x25: {  	[dreg:$0x1d] =	wrdreg s12  }
0x26: {  	s15 =	rddreg [dreg:$0x1a]  }
0x27: {  	[tilespmem:s2], [sflag:$0x2] =	stream.linear.gather [hbm4b:s15+s2], $0x400, $0x38;
	[tilespmem:$0x113A0] =	vst v63  }
0x28: {  	_ =	swait.ge [sflag:s16], $0x400  }
0x29: {  	[sflag:s16] =	ssyncset.done $0x0  }
0x2a: {  	s14 =	rddreg [dreg:$0x19];
	[sflag:s16] =	ssyncadd.s32 $0xFFFFFC00  }
0x2b: {  	[tilespmem:s9], [sflag:$0x2] =	stream.linear.gather [hbm4b:s14+s2], $0x400, $0x38;
	[tilespmem:$0x113A0] =	vst v63  }
0x2c: {  	_ =	swait.ge [sflag:s16], $0x400  }
0x2d: {  	[sflag:s16] =	ssyncset.done $0x0  }
0x2e: {  	[sflag:s16] =	ssyncadd.s32 $0xFFFFFC00  }
0x2f: {  	[tilespmem:s19], [sflag:$0x1] =	stream.indirect.gather [hbm4b:s3+s18], $0x40, s2, s18, $0xb8;
	[tilespmem:$0x113A0] =	vst v63  }
0x30: {  	_ =	swait.ge [sflag:s20], $0x1F40  }
0x31: {  	[sflag:s20] =	ssyncset.done $0x0  }
0x32: {  	s8 =	rddreg [dreg:$0x6];
	[sflag:s20] =	ssyncadd.s32 $0xFFFFE0C0  }
0x33: {  	[tilespmem:s13], [sflag:$0x1] =	stream.indirect.gather [hbm4b:s3+s18], $0x40, s8, s18, $0xb8;
	[tilespmem:$0x113A0] =	vst v63  }
0x34: {  	_ =	swait.ge [sflag:s20], $0x1F40  }
0x35: {  	[sflag:s20] =	ssyncset.done $0x0  }
0x36: {  	s12 =	rddreg [dreg:$0x7];
	[sflag:s20] =	ssyncadd.s32 $0xFFFFE0C0  }
0x37: {  	[tilespmem:s17], [sflag:$0x1] =	stream.indirect.gather [hbm4b:s3+s18], $0x40, s12, s18, $0xb8;
	[tilespmem:$0x113A0] =	vst v63  }
0x38: {  	_ =	swait.ge [sflag:s20], $0x1F40  }
0x39: {  	[sflag:s20] =	ssyncset.done $0x0  }
0x3a: {  	s12 =	rddreg [dreg:$0x8];
	[sflag:s20] =	ssyncadd.s32 $0xFFFFE0C0  }
0x3b: {  	[tilespmem:s21], [sflag:$0x1] =	stream.indirect.gather [hbm4b:s3+s18], $0x40, s12, s18, $0xb8;
	[tilespmem:$0x113A0] =	vst v63  }
0x3c: {  	_ =	swait.ge [sflag:s20], $0x1F40  }
0x3d: {  	[sflag:s20] =	ssyncset.done $0x0  }
0x3e: {  	s12 =	rddreg [dreg:$0x9];
	[sflag:s20] =	ssyncadd.s32 $0xFFFFE0C0  }
0x3f: {  	[tilespmem:s22], [sflag:$0x1] =	stream.indirect.gather [hbm4b:s3+s18], $0x40, s12, s18, $0xb8;
	[tilespmem:$0x113A0] =	vst v63  }
0x40: {  	_ =	swait.ge [sflag:s20], $0x1F40  }
0x41: {  	[sflag:s20] =	ssyncset.done $0x0  }
0x42: {  	s12 =	rddreg [dreg:$0xa];
	[sflag:s20] =	ssyncadd.s32 $0xFFFFE0C0  }
0x43: {  	[tilespmem:s23], [sflag:$0x1] =	stream.indirect.gather [hbm4b:s3+s18], $0x40, s12, s18, $0xb8;
	[tilespmem:$0x113A0] =	vst v63  }
0x44: {  	_ =	swait.ge [sflag:s20], $0x1F40  }
0x45: {  	[sflag:s20] =	ssyncset.done $0x0  }
0x46: {  	s12 =	rddreg [dreg:$0xb];
	[sflag:s20] =	ssyncadd.s32 $0xFFFFE0C0  }
0x47: {  	[tilespmem:s24], [sflag:$0x1] =	stream.indirect.gather [hbm4b:s3+s18], $0x40, s12, s18, $0xb8;
	[tilespmem:$0x113A0] =	vst v63  }
0x48: {  	_ =	swait.ge [sflag:s20], $0x1F40  }
0x49: {  	[sflag:s20] =	ssyncset.done $0x0  }
0x4a: {  	s12 =	rddreg [dreg:$0xc];
	[sflag:s20] =	ssyncadd.s32 $0xFFFFE0C0  }
0x4b: {  	[tilespmem:s25], [sflag:$0x1] =	stream.indirect.gather [hbm4b:s3+s18], $0x40, s12, s18, $0xb8;
	[tilespmem:$0x113A0] =	vst v63  }
0x4c: {  	_ =	swait.ge [sflag:s20], $0x1F40  }
0x4d: {  	[sflag:s20] =	ssyncset.done $0x0  }
0x4e: {  	s12 =	rddreg [dreg:$0x1c];
	[sflag:s20] =	ssyncadd.s32 $0xFFFFE0C0  }
0x4f: {  	[hbm4b:s12+s2] =	stream.linear.scatter [tilespmem:s19], [sflag:$0x2], $0xFA00, $0x38;
	[tilespmem:$0x113A0] =	vst v63  }
0x50: {  	_ =	swait.ge [sflag:s16], $0xFA00  }
0x51: {  	[sflag:s16] =	ssyncset.done $0x0  }
0x52: {  	[sflag:s16] =	ssyncadd.s32 $0xFFFF0600  }
0x53: {  	[tilespmem:s19], [sflag:$0x1] =	stream.indirect.gather [hbm4b:s4+s18], $0x40, s9, s18, $0xb8;
	[tilespmem:$0x113A0] =	vst v63  }
0x54: {  	_ =	swait.ge [sflag:s20], $0x1F40  }
0x55: {  	[sflag:s20] =	ssyncset.done $0x0  }
0x56: {  	s9 =	rddreg [dreg:$0xd];
	[sflag:s20] =	ssyncadd.s32 $0xFFFFE0C0  }
0x57: {  	[tilespmem:s13], [sflag:$0x1] =	stream.indirect.gather [hbm4b:s4+s18], $0x40, s9, s18, $0xb8;
	[tilespmem:$0x113A0] =	vst v63  }
0x58: {  	_ =	swait.ge [sflag:s20], $0x1F40  }
0x59: {  	[sflag:s20] =	ssyncset.done $0x0  }
0x5a: {  	s13 =	rddreg [dreg:$0xe];
	[sflag:s20] =	ssyncadd.s32 $0xFFFFE0C0  }
0x5b: {  	[tilespmem:s17], [sflag:$0x1] =	stream.indirect.gather [hbm4b:s4+s18], $0x40, s13, s18, $0xb8;
	[tilespmem:$0x113A0] =	vst v63  }
0x5c: {  	_ =	swait.ge [sflag:s20], $0x1F40  }
0x5d: {  	[sflag:s20] =	ssyncset.done $0x0  }
0x5e: {  	s17 =	rddreg [dreg:$0xf];
	[sflag:s20] =	ssyncadd.s32 $0xFFFFE0C0  }
0x5f: {  	[tilespmem:s21], [sflag:$0x1] =	stream.indirect.gather [hbm4b:s4+s18], $0x40, s17, s18, $0xb8;
	[tilespmem:$0x113A0] =	vst v63  }
0x60: {  	_ =	swait.ge [sflag:s20], $0x1F40  }
0x61: {  	[sflag:s20] =	ssyncset.done $0x0  }
0x62: {  	s9 =	rddreg [dreg:$0x10];
	[sflag:s20] =	ssyncadd.s32 $0xFFFFE0C0  }
0x63: {  	[tilespmem:s22], [sflag:$0x1] =	stream.indirect.gather [hbm4b:s4+s18], $0x40, s9, s18, $0xb8;
	[tilespmem:$0x113A0] =	vst v63  }
0x64: {  	_ =	swait.ge [sflag:s20], $0x1F40  }
0x65: {  	[sflag:s20] =	ssyncset.done $0x0  }
0x66: {  	s13 =	rddreg [dreg:$0x11];
	[sflag:s20] =	ssyncadd.s32 $0xFFFFE0C0  }
0x67: {  	[tilespmem:s23], [sflag:$0x1] =	stream.indirect.gather [hbm4b:s4+s18], $0x40, s13, s18, $0xb8;
	[tilespmem:$0x113A0] =	vst v63  }
0x68: {  	_ =	swait.ge [sflag:s20], $0x1F40  }
0x69: {  	[sflag:s20] =	ssyncset.done $0x0  }
0x6a: {  	s17 =	rddreg [dreg:$0x12];
	[sflag:s20] =	ssyncadd.s32 $0xFFFFE0C0  }
0x6b: {  	[tilespmem:s24], [sflag:$0x1] =	stream.indirect.gather [hbm4b:s4+s18], $0x40, s17, s18, $0xb8;
	[tilespmem:$0x113A0] =	vst v63  }
0x6c: {  	_ =	swait.ge [sflag:s20], $0x1F40  }
0x6d: {  	[sflag:s20] =	ssyncset.done $0x0  }
0x6e: {  	s21 =	rddreg [dreg:$0x13];
	[sflag:s20] =	ssyncadd.s32 $0xFFFFE0C0  }
0x6f: {  	[tilespmem:s25], [sflag:$0x1] =	stream.indirect.gather [hbm4b:s4+s18], $0x40, s21, s18, $0xb8;
	[tilespmem:$0x113A0] =	vst v63  }
0x70: {  	_ =	swait.ge [sflag:s20], $0x1F40  }
0x71: {  	[sflag:s20] =	ssyncset.done $0x0  }
0x72: {  	s13 =	rddreg [dreg:$0x1b];
	[sflag:s20] =	ssyncadd.s32 $0xFFFFE0C0  }
0x73: {  	[hbm4b:s13+s2] =	stream.linear.scatter [tilespmem:s19], [sflag:$0x2], $0xFA00, $0x38;
	[tilespmem:$0x113A0] =	vst v63  }
0x74: {  	_ =	swait.ge [sflag:s16], $0xFA00  }
0x75: {  	[sflag:s16] =	ssyncset.done $0x0;
	s17 =	rddreg [dreg:$0x14]  }
0x76: {  	[sflag:s16] =	ssyncadd.s32 $0xFFFF0600;
	s22 =	sadd.s32 s17, s11  }
0x77: {  	[tilespmem:s29], [sflag:$0x2] =	stream.linear.gather [hbm4b:s22+s2], $0x200, $0x38;
	[tilespmem:$0x113A0] =	vst v63  }
0x78: {  	_ =	swait.ge [sflag:s16], $0x200  }
0x79: {  	[sflag:s16] =	ssyncset.done $0x0  }
0x7a: {  	[sflag:s16] =	ssyncadd.s32 $0xFFFFFE00  }
0x7b: {  	[tilespmem:s30], [sflag:$0x1] =	stream.indirect.gather [hbm4b:s5+s18], $0x8, s29, s18, $0xb8;
	[tilespmem:$0x113A0] =	vst v63  }
0x7c: {  	_ =	swait.ge [sflag:s20], $0x3E8  }
0x7d: {  	[sflag:s20] =	ssyncset.done $0x0  }
0x7e: {  	[sflag:s20] =	ssyncadd.s32 $0xFFFFFC18  }
0x7f: {  	[tilespmem:s1], [sflag:$0x1] =	stream.indirect.gather [hbm4b:s5+s18], $0x8, s26, s18, $0xb8;
	[tilespmem:$0x113A0] =	vst v63  }
0x80: {  	_ =	swait.ge [sflag:s20], $0x3E8  }
0x81: {  	[sflag:s20] =	ssyncset.done $0x0  }
0x82: {  	[sflag:s20] =	ssyncadd.s32 $0xFFFFFC18  }
0x83: {  	[tilespmem:s10], [sflag:$0x1] =	stream.indirect.gather [hbm4b:s5+s18], $0x8, s0, s18, $0xb8;
	[tilespmem:$0x113A0] =	vst v63  }
0x84: {  	_ =	swait.ge [sflag:s20], $0x3E8  }
0x85: {  	[sflag:s20] =	ssyncset.done $0x0  }
0x86: {  	[sflag:s20] =	ssyncadd.s32 $0xFFFFFC18  }
0x87: {  	[tilespmem:s7], [sflag:$0x1] =	stream.indirect.gather [hbm4b:s5+s18], $0x8, s6, s18, $0xb8;
	[tilespmem:$0x113A0] =	vst v63  }
0x88: {  	_ =	swait.ge [sflag:s20], $0x3E8  }
0x89: {  	s23 =	rddreg [dreg:$0x5];
	[sflag:s20] =	ssyncset.done $0x0  }
0x8a: {  	[sflag:s20] =	ssyncadd.s32 $0xFFFFFC18;
	s8 =	sadd.s32 $0x0, s23  }
0x8b: {  	[hbm4b:s8+s2] =	stream.linear.scatter [tilespmem:s30], [sflag:$0x2], $0xFA0, $0x38;
	[tilespmem:$0x113A0] =	vst v63  }
0x8c: {  	_ =	swait.ge [sflag:s16], $0xFA0  }
0x8d: {  	[sflag:s16] =	ssyncset.done $0x0;
	s21 =	rddreg [dreg:$0x15]  }
0x8e: {  	[sflag:s16] =	ssyncadd.s32 $0xFFFFF060;
	s24 =	sadd.s32 s21, s11  }
0x8f: {  	[tilespmem:s29], [sflag:$0x2] =	stream.linear.gather [hbm4b:s24+s2], $0x200, $0x38;
	[tilespmem:$0x113A0] =	vst v63  }
0x90: {  	_ =	swait.ge [sflag:s16], $0x200  }
0x91: {  	[sflag:s16] =	ssyncset.done $0x0  }
0x92: {  	[sflag:s16] =	ssyncadd.s32 $0xFFFFFE00  }
0x93: {  	[tilespmem:s30], [sflag:$0x1] =	stream.indirect.gather [hbm4b:s5+s18], $0x8, s29, s18, $0xb8;
	[tilespmem:$0x113A0] =	vst v63  }
0x94: {  	_ =	swait.ge [sflag:s20], $0x3E8  }
0x95: {  	[sflag:s20] =	ssyncset.done $0x0  }
0x96: {  	[sflag:s20] =	ssyncadd.s32 $0xFFFFFC18  }
0x97: {  	[tilespmem:s1], [sflag:$0x1] =	stream.indirect.gather [hbm4b:s5+s18], $0x8, s26, s18, $0xb8;
	[tilespmem:$0x113A0] =	vst v63  }
0x98: {  	_ =	swait.ge [sflag:s20], $0x3E8  }
0x99: {  	[sflag:s20] =	ssyncset.done $0x0  }
0x9a: {  	[sflag:s20] =	ssyncadd.s32 $0xFFFFFC18  }
0x9b: {  	[tilespmem:s10], [sflag:$0x1] =	stream.indirect.gather [hbm4b:s5+s18], $0x8, s0, s18, $0xb8;
	[tilespmem:$0x113A0] =	vst v63  }
0x9c: {  	_ =	swait.ge [sflag:s20], $0x3E8  }
0x9d: {  	[sflag:s20] =	ssyncset.done $0x0  }
0x9e: {  	[sflag:s20] =	ssyncadd.s32 $0xFFFFFC18  }
0x9f: {  	[tilespmem:s7], [sflag:$0x1] =	stream.indirect.gather [hbm4b:s5+s18], $0x8, s6, s18, $0xb8;
	[tilespmem:$0x113A0] =	vst v63  }
0xa0: {  	_ =	swait.ge [sflag:s20], $0x3E8  }
0xa1: {  	s25 =	rddreg [dreg:$0x4];
	[sflag:s20] =	ssyncset.done $0x0  }
0xa2: {  	[sflag:s20] =	ssyncadd.s32 $0xFFFFFC18;
	s8 =	sadd.s32 $0x0, s25  }
0xa3: {  	[hbm4b:s8+s2] =	stream.linear.scatter [tilespmem:s30], [sflag:$0x2], $0xFA0, $0x38;
	[tilespmem:$0x113A0] =	vst v63  }
0xa4: {  	_ =	swait.ge [sflag:s16], $0xFA0  }
0xa5: {  	[sflag:s16] =	ssyncset.done $0x0;
	s22 =	rddreg [dreg:$0x16]  }
0xa6: {  	[sflag:s16] =	ssyncadd.s32 $0xFFFFF060;
	s9 =	sadd.s32 s22, s11  }
0xa7: {  	[tilespmem:s29], [sflag:$0x2] =	stream.linear.gather [hbm4b:s9+s2], $0x200, $0x38;
	[tilespmem:$0x113A0] =	vst v63  }
0xa8: {  	_ =	swait.ge [sflag:s16], $0x200  }
0xa9: {  	[sflag:s16] =	ssyncset.done $0x0  }
0xaa: {  	[sflag:s16] =	ssyncadd.s32 $0xFFFFFE00  }
0xab: {  	[tilespmem:s30], [sflag:$0x1] =	stream.indirect.gather [hbm4b:s5+s18], $0x8, s29, s18, $0xb8;
	[tilespmem:$0x113A0] =	vst v63  }
0xac: {  	_ =	swait.ge [sflag:s20], $0x3E8  }
0xad: {  	[sflag:s20] =	ssyncset.done $0x0  }
0xae: {  	[sflag:s20] =	ssyncadd.s32 $0xFFFFFC18  }
0xaf: {  	[tilespmem:s1], [sflag:$0x1] =	stream.indirect.gather [hbm4b:s5+s18], $0x8, s26, s18, $0xb8;
	[tilespmem:$0x113A0] =	vst v63  }
0xb0: {  	_ =	swait.ge [sflag:s20], $0x3E8  }
0xb1: {  	[sflag:s20] =	ssyncset.done $0x0  }
0xb2: {  	[sflag:s20] =	ssyncadd.s32 $0xFFFFFC18  }
0xb3: {  	[tilespmem:s10], [sflag:$0x1] =	stream.indirect.gather [hbm4b:s5+s18], $0x8, s0, s18, $0xb8;
	[tilespmem:$0x113A0] =	vst v63  }
0xb4: {  	_ =	swait.ge [sflag:s20], $0x3E8  }
0xb5: {  	[sflag:s20] =	ssyncset.done $0x0  }
0xb6: {  	[sflag:s20] =	ssyncadd.s32 $0xFFFFFC18  }
0xb7: {  	[tilespmem:s7], [sflag:$0x1] =	stream.indirect.gather [hbm4b:s5+s18], $0x8, s6, s18, $0xb8;
	[tilespmem:$0x113A0] =	vst v63  }
0xb8: {  	_ =	swait.ge [sflag:s20], $0x3E8  }
0xb9: {  	s23 =	rddreg [dreg:$0x3];
	[sflag:s20] =	ssyncset.done $0x0  }
0xba: {  	[sflag:s20] =	ssyncadd.s32 $0xFFFFFC18;
	s8 =	sadd.s32 $0x0, s23  }
0xbb: {  	[hbm4b:s8+s2] =	stream.linear.scatter [tilespmem:s30], [sflag:$0x2], $0xFA0, $0x38;
	[tilespmem:$0x113A0] =	vst v63  }
0xbc: {  	_ =	swait.ge [sflag:s16], $0xFA0  }
0xbd: {  	[sflag:s16] =	ssyncset.done $0x0;
	s24 =	rddreg [dreg:$0x17]  }
0xbe: {  	[sflag:s16] =	ssyncadd.s32 $0xFFFFF060;
	s25 =	sadd.s32 s24, s11  }
0xbf: {  	[tilespmem:s29], [sflag:$0x2] =	stream.linear.gather [hbm4b:s25+s2], $0x200, $0x38;
	[tilespmem:$0x113A0] =	vst v63  }
0xc0: {  	_ =	swait.ge [sflag:s16], $0x200  }
0xc1: {  	[sflag:s16] =	ssyncset.done $0x0  }
0xc2: {  	[sflag:s16] =	ssyncadd.s32 $0xFFFFFE00  }
0xc3: {  	[tilespmem:s30], [sflag:$0x1] =	stream.indirect.gather [hbm4b:s5+s18], $0x8, s29, s18, $0xb8;
	[tilespmem:$0x113A0] =	vst v63  }
0xc4: {  	_ =	swait.ge [sflag:s20], $0x3E8  }
0xc5: {  	[sflag:s20] =	ssyncset.done $0x0  }
0xc6: {  	[sflag:s20] =	ssyncadd.s32 $0xFFFFFC18  }
0xc7: {  	[tilespmem:s1], [sflag:$0x1] =	stream.indirect.gather [hbm4b:s5+s18], $0x8, s26, s18, $0xb8;
	[tilespmem:$0x113A0] =	vst v63  }
0xc8: {  	_ =	swait.ge [sflag:s20], $0x3E8  }
0xc9: {  	[sflag:s20] =	ssyncset.done $0x0  }
0xca: {  	[sflag:s20] =	ssyncadd.s32 $0xFFFFFC18  }
0xcb: {  	[tilespmem:s10], [sflag:$0x1] =	stream.indirect.gather [hbm4b:s5+s18], $0x8, s0, s18, $0xb8;
	[tilespmem:$0x113A0] =	vst v63  }
0xcc: {  	_ =	swait.ge [sflag:s20], $0x3E8  }
0xcd: {  	[sflag:s20] =	ssyncset.done $0x0  }
0xce: {  	[sflag:s20] =	ssyncadd.s32 $0xFFFFFC18  }
0xcf: {  	[tilespmem:s7], [sflag:$0x1] =	stream.indirect.gather [hbm4b:s5+s18], $0x8, s6, s18, $0xb8;
	[tilespmem:$0x113A0] =	vst v63  }
0xd0: {  	s15 =	sadd.s32 $0x80, s15;
	s14 =	sadd.s32 $0x80, s14;
	_ =	swait.ge [sflag:s20], $0x3E8  }
0xd1: {  	s12 =	sadd.s32 $0x1F40, s12;
	s26 =	rddreg [dreg:$0x2];
	[sflag:s20] =	ssyncset.done $0x0  }
0xd2: {  	s13 =	sadd.s32 $0x1F40, s13;
	[sflag:s20] =	ssyncadd.s32 $0xFFFFFC18;
	s8 =	sadd.s32 $0x0, s26  }
0xd3: {  	[hbm4b:s8+s2] =	stream.linear.scatter [tilespmem:s30], [sflag:$0x2], $0xFA0, $0x38;
	[tilespmem:$0x113A0] =	vst v63  }
0xd4: {  	s17 =	sadd.s32 $0x40, s17;
	s9 =	simm.s32 $0x1F4;
	_ =	swait.ge [sflag:s16], $0xFA0  }
0xd5: {  	s8 =	sadd.s32 $0x40, s21;
	s21 =	smov.u32 s24;
	[sflag:s16] =	ssyncset.done $0x0  }
.LBB2_2:
0xd6: {  	[sflag:s16] =	ssyncadd.s32 $0xFFFFF060  }
0xd7: {  	[tilespmem:s2], [sflag:$0x2] =	stream.linear.gather [hbm4b:s15+s2], $0x400, $0x38;
	[tilespmem:$0x113A0] =	vst v63  }
0xd8: {  	_ =	swait.ge [sflag:s16], $0x400  }
0xd9: {  	[sflag:s16] =	ssyncset.done $0x0  }
0xda: {  	s10 =	simm.s32 $0x400;
	[sflag:s16] =	ssyncadd.s32 $0xFFFFFC00  }
0xdb: {  	[tilespmem:s10], [sflag:$0x2] =	stream.linear.gather [hbm4b:s14+s2], $0x400, $0x38;
	[tilespmem:$0x113A0] =	vst v63  }
0xdc: {  	_ =	swait.ge [sflag:s16], $0x400  }
0xdd: {  	[sflag:s16] =	ssyncset.done $0x0  }
0xde: {  	[sflag:s16] =	ssyncadd.s32 $0xFFFFFC00  }
0xdf: {  	[tilespmem:s19], [sflag:$0x1] =	stream.indirect.gather [hbm4b:s3+s18], $0x40, s2, s18, $0xb8;
	[tilespmem:$0x113A0] =	vst v63  }
0xe0: {  	_ =	swait.ge [sflag:s20], $0x1F40  }
0xe1: {  	[sflag:s20] =	ssyncset.done $0x0  }
0xe2: {  	s26 =	simm.s32 $0x2940;
	s24 =	rddreg [dreg:$0x6];
	[sflag:s20] =	ssyncadd.s32 $0xFFFFE0C0  }
0xe3: {  	[tilespmem:s26], [sflag:$0x1] =	stream.indirect.gather [hbm4b:s3+s18], $0x40, s24, s18, $0xb8;
	[tilespmem:$0x113A0] =	vst v63  }
0xe4: {  	_ =	swait.ge [sflag:s20], $0x1F40  }
0xe5: {  	[sflag:s20] =	ssyncset.done $0x0  }
0xe6: {  	s25 =	simm.s32 $0x4880;
	s19 =	rddreg [dreg:$0x7];
	[sflag:s20] =	ssyncadd.s32 $0xFFFFE0C0  }
0xe7: {  	[tilespmem:s25], [sflag:$0x1] =	stream.indirect.gather [hbm4b:s3+s18], $0x40, s19, s18, $0xb8;
	[tilespmem:$0x113A0] =	vst v63  }
0xe8: {  	_ =	swait.ge [sflag:s20], $0x1F40  }
0xe9: {  	[sflag:s20] =	ssyncset.done $0x0  }
0xea: {  	s0 =	rddreg [dreg:$0x8];
	[sflag:s20] =	ssyncadd.s32 $0xFFFFE0C0  }
0xeb: {  	[tilespmem:s28], [sflag:$0x1] =	stream.indirect.gather [hbm4b:s3+s18], $0x40, s0, s18, $0xb8;
	[tilespmem:$0x113A0] =	vst v63  }
0xec: {  	_ =	swait.ge [sflag:s20], $0x1F40  }
0xed: {  	[sflag:s20] =	ssyncset.done $0x0  }
0xee: {  	s19 =	simm.s32 $0x8700;
	s1 =	rddreg [dreg:$0x9];
	[sflag:s20] =	ssyncadd.s32 $0xFFFFE0C0  }
0xef: {  	[tilespmem:s19], [sflag:$0x1] =	stream.indirect.gather [hbm4b:s3+s18], $0x40, s1, s18, $0xb8;
	[tilespmem:$0x113A0] =	vst v63  }
0xf0: {  	_ =	swait.ge [sflag:s20], $0x1F40  }
0xf1: {  	[sflag:s20] =	ssyncset.done $0x0  }
0xf2: {  	s1 =	simm.s32 $0xA640;
	s6 =	rddreg [dreg:$0xa];
	[sflag:s20] =	ssyncadd.s32 $0xFFFFE0C0  }
0xf3: {  	[tilespmem:s1], [sflag:$0x1] =	stream.indirect.gather [hbm4b:s3+s18], $0x40, s6, s18, $0xb8;
	[tilespmem:$0x113A0] =	vst v63  }
0xf4: {  	_ =	swait.ge [sflag:s20], $0x1F40  }
0xf5: {  	[sflag:s20] =	ssyncset.done $0x0  }
0xf6: {  	s6 =	simm.s32 $0xC580;
	s0 =	rddreg [dreg:$0xb];
	[sflag:s20] =	ssyncadd.s32 $0xFFFFE0C0  }
0xf7: {  	[tilespmem:s6], [sflag:$0x1] =	stream.indirect.gather [hbm4b:s3+s18], $0x40, s0, s18, $0xb8;
	[tilespmem:$0x113A0] =	vst v63  }
0xf8: {  	_ =	swait.ge [sflag:s20], $0x1F40  }
0xf9: {  	[sflag:s20] =	ssyncset.done $0x0  }
0xfa: {  	s0 =	simm.s32 $0xE4C0;
	s24 =	rddreg [dreg:$0xc];
	[sflag:s20] =	ssyncadd.s32 $0xFFFFE0C0  }
0xfb: {  	[tilespmem:s0], [sflag:$0x1] =	stream.indirect.gather [hbm4b:s3+s18], $0x40, s24, s18, $0xb8;
	[tilespmem:$0x113A0] =	vst v63  }
0xfc: {  	_ =	swait.ge [sflag:s20], $0x1F40  }
0xfd: {  	[sflag:s20] =	ssyncset.done $0x0  }
0xfe: {  	[sflag:s20] =	ssyncadd.s32 $0xFFFFE0C0  }
0xff: {  	[hbm4b:s12+s2] =	stream.linear.scatter [tilespmem:s31], [sflag:$0x2], $0xFA00, $0x38;
	[tilespmem:$0x113A0] =	vst v63  }
0x100: {  	_ =	swait.ge [sflag:s16], $0xFA00  }
0x101: {  	[sflag:s16] =	ssyncset.done $0x0  }
0x102: {  	[sflag:s16] =	ssyncadd.s32 $0xFFFF0600  }
0x103: {  	[tilespmem:s31], [sflag:$0x1] =	stream.indirect.gather [hbm4b:s4+s18], $0x40, s10, s18, $0xb8;
	[tilespmem:$0x113A0] =	vst v63  }
0x104: {  	_ =	swait.ge [sflag:s20], $0x1F40  }
0x105: {  	[sflag:s20] =	ssyncset.done $0x0  }
0x106: {  	s24 =	rddreg [dreg:$0xd];
	[sflag:s20] =	ssyncadd.s32 $0xFFFFE0C0  }
0x107: {  	[tilespmem:s26], [sflag:$0x1] =	stream.indirect.gather [hbm4b:s4+s18], $0x40, s24, s18, $0xb8;
	[tilespmem:$0x113A0] =	vst v63  }
0x108: {  	_ =	swait.ge [sflag:s20], $0x1F40  }
0x109: {  	[sflag:s20] =	ssyncset.done $0x0  }
0x10a: {  	s24 =	rddreg [dreg:$0xe];
	[sflag:s20] =	ssyncadd.s32 $0xFFFFE0C0  }
0x10b: {  	[tilespmem:s25], [sflag:$0x1] =	stream.indirect.gather [hbm4b:s4+s18], $0x40, s24, s18, $0xb8;
	[tilespmem:$0x113A0] =	vst v63  }
0x10c: {  	_ =	swait.ge [sflag:s20], $0x1F40  }
0x10d: {  	[sflag:s20] =	ssyncset.done $0x0  }
0x10e: {  	s25 =	rddreg [dreg:$0xf];
	[sflag:s20] =	ssyncadd.s32 $0xFFFFE0C0  }
0x10f: {  	[tilespmem:s28], [sflag:$0x1] =	stream.indirect.gather [hbm4b:s4+s18], $0x40, s25, s18, $0xb8;
	[tilespmem:$0x113A0] =	vst v63  }
0x110: {  	_ =	swait.ge [sflag:s20], $0x1F40  }
0x111: {  	[sflag:s20] =	ssyncset.done $0x0  }
0x112: {  	s25 =	rddreg [dreg:$0x10];
	[sflag:s20] =	ssyncadd.s32 $0xFFFFE0C0  }
0x113: {  	[tilespmem:s19], [sflag:$0x1] =	stream.indirect.gather [hbm4b:s4+s18], $0x40, s25, s18, $0xb8;
	[tilespmem:$0x113A0] =	vst v63  }
0x114: {  	_ =	swait.ge [sflag:s20], $0x1F40  }
0x115: {  	[sflag:s20] =	ssyncset.done $0x0  }
0x116: {  	s25 =	rddreg [dreg:$0x11];
	[sflag:s20] =	ssyncadd.s32 $0xFFFFE0C0  }
0x117: {  	[tilespmem:s1], [sflag:$0x1] =	stream.indirect.gather [hbm4b:s4+s18], $0x40, s25, s18, $0xb8;
	[tilespmem:$0x113A0] =	vst v63  }
0x118: {  	_ =	swait.ge [sflag:s20], $0x1F40  }
0x119: {  	[sflag:s20] =	ssyncset.done $0x0  }
0x11a: {  	s25 =	rddreg [dreg:$0x12];
	[sflag:s20] =	ssyncadd.s32 $0xFFFFE0C0  }
0x11b: {  	[tilespmem:s6], [sflag:$0x1] =	stream.indirect.gather [hbm4b:s4+s18], $0x40, s25, s18, $0xb8;
	[tilespmem:$0x113A0] =	vst v63  }
0x11c: {  	_ =	swait.ge [sflag:s20], $0x1F40  }
0x11d: {  	[sflag:s20] =	ssyncset.done $0x0  }
0x11e: {  	s25 =	rddreg [dreg:$0x13];
	[sflag:s20] =	ssyncadd.s32 $0xFFFFE0C0  }
0x11f: {  	[tilespmem:s0], [sflag:$0x1] =	stream.indirect.gather [hbm4b:s4+s18], $0x40, s25, s18, $0xb8;
	[tilespmem:$0x113A0] =	vst v63  }
0x120: {  	_ =	swait.ge [sflag:s20], $0x1F40  }
0x121: {  	[sflag:s20] =	ssyncset.done $0x0  }
0x122: {  	s19 =	simm.s32 $0xA00;
	[sflag:s20] =	ssyncadd.s32 $0xFFFFE0C0  }
0x123: {  	[hbm4b:s13+s2] =	stream.linear.scatter [tilespmem:s19], [sflag:$0x2], $0xFA00, $0x38;
	[tilespmem:$0x113A0] =	vst v63  }
0x124: {  	_ =	swait.ge [sflag:s16], $0xFA00  }
0x125: {  	[sflag:s16] =	ssyncset.done $0x0  }
0x126: {  	s25 =	sadd.s32 s17, s11;
	[sflag:s16] =	ssyncadd.s32 $0xFFFF0600  }
0x127: {  	[tilespmem:s29], [sflag:$0x2] =	stream.linear.gather [hbm4b:s25+s2], $0x200, $0x38;
	[tilespmem:$0x113A0] =	vst v63  }
0x128: {  	_ =	swait.ge [sflag:s16], $0x200  }
0x129: {  	[sflag:s16] =	ssyncset.done $0x0  }
0x12a: {  	[sflag:s16] =	ssyncadd.s32 $0xFFFFFE00  }
0x12b: {  	[tilespmem:s30], [sflag:$0x1] =	stream.indirect.gather [hbm4b:s5+s18], $0x8, s29, s18, $0xb8;
	[tilespmem:$0x113A0] =	vst v63  }
0x12c: {  	_ =	swait.ge [sflag:s20], $0x3E8  }
0x12d: {  	[sflag:s20] =	ssyncset.done $0x0  }
0x12e: {  	s26 =	simm.s32 $0x880;
	s1 =	simm.s32 $0x107E8;
	[sflag:s20] =	ssyncadd.s32 $0xFFFFFC18  }
0x12f: {  	[tilespmem:s1], [sflag:$0x1] =	stream.indirect.gather [hbm4b:s5+s18], $0x8, s26, s18, $0xb8;
	[tilespmem:$0x113A0] =	vst v63  }
0x130: {  	_ =	swait.ge [sflag:s20], $0x3E8  }
0x131: {  	[sflag:s20] =	ssyncset.done $0x0  }
0x132: {  	s10 =	simm.s32 $0x10BD0;
	s0 =	simm.s32 $0x900;
	[sflag:s20] =	ssyncadd.s32 $0xFFFFFC18  }
0x133: {  	[tilespmem:s10], [sflag:$0x1] =	stream.indirect.gather [hbm4b:s5+s18], $0x8, s0, s18, $0xb8;
	[tilespmem:$0x113A0] =	vst v63  }
0x134: {  	_ =	swait.ge [sflag:s20], $0x3E8  }
0x135: {  	[sflag:s20] =	ssyncset.done $0x0  }
0x136: {  	s6 =	simm.s32 $0x980;
	[sflag:s20] =	ssyncadd.s32 $0xFFFFFC18  }
0x137: {  	[tilespmem:s7], [sflag:$0x1] =	stream.indirect.gather [hbm4b:s5+s18], $0x8, s6, s18, $0xb8;
	[tilespmem:$0x113A0] =	vst v63  }
0x138: {  	_ =	swait.ge [sflag:s20], $0x3E8  }
0x139: {  	s23 =	smov.u32 s9;
	s25 =	rddreg [dreg:$0x5];
	[sflag:s20] =	ssyncset.done $0x0  }
0x13a: {  	[sflag:s20] =	ssyncadd.s32 $0xFFFFFC18;
	s24 =	sadd.s32 s23, s25  }
0x13b: {  	[hbm4b:s24+s2] =	stream.linear.scatter [tilespmem:s30], [sflag:$0x2], $0xFA0, $0x38;
	[tilespmem:$0x113A0] =	vst v63  }
0x13c: {  	_ =	swait.ge [sflag:s16], $0xFA0  }
0x13d: {  	[sflag:s16] =	ssyncset.done $0x0  }
0x13e: {  	s25 =	sadd.s32 s8, s11;
	[sflag:s16] =	ssyncadd.s32 $0xFFFFF060  }
0x13f: {  	[tilespmem:s29], [sflag:$0x2] =	stream.linear.gather [hbm4b:s25+s2], $0x200, $0x38;
	[tilespmem:$0x113A0] =	vst v63  }
0x140: {  	_ =	swait.ge [sflag:s16], $0x200  }
0x141: {  	[sflag:s16] =	ssyncset.done $0x0  }
0x142: {  	[sflag:s16] =	ssyncadd.s32 $0xFFFFFE00  }
0x143: {  	[tilespmem:s30], [sflag:$0x1] =	stream.indirect.gather [hbm4b:s5+s18], $0x8, s29, s18, $0xb8;
	[tilespmem:$0x113A0] =	vst v63  }
0x144: {  	_ =	swait.ge [sflag:s20], $0x3E8  }
0x145: {  	[sflag:s20] =	ssyncset.done $0x0  }
0x146: {  	[sflag:s20] =	ssyncadd.s32 $0xFFFFFC18  }
0x147: {  	[tilespmem:s1], [sflag:$0x1] =	stream.indirect.gather [hbm4b:s5+s18], $0x8, s26, s18, $0xb8;
	[tilespmem:$0x113A0] =	vst v63  }
0x148: {  	_ =	swait.ge [sflag:s20], $0x3E8  }
0x149: {  	[sflag:s20] =	ssyncset.done $0x0  }
0x14a: {  	[sflag:s20] =	ssyncadd.s32 $0xFFFFFC18  }
0x14b: {  	[tilespmem:s10], [sflag:$0x1] =	stream.indirect.gather [hbm4b:s5+s18], $0x8, s0, s18, $0xb8;
	[tilespmem:$0x113A0] =	vst v63  }
0x14c: {  	_ =	swait.ge [sflag:s20], $0x3E8  }
0x14d: {  	[sflag:s20] =	ssyncset.done $0x0  }
0x14e: {  	[sflag:s20] =	ssyncadd.s32 $0xFFFFFC18  }
0x14f: {  	[tilespmem:s7], [sflag:$0x1] =	stream.indirect.gather [hbm4b:s5+s18], $0x8, s6, s18, $0xb8;
	[tilespmem:$0x113A0] =	vst v63  }
0x150: {  	_ =	swait.ge [sflag:s20], $0x3E8  }
0x151: {  	s25 =	rddreg [dreg:$0x4];
	[sflag:s20] =	ssyncset.done $0x0  }
0x152: {  	[sflag:s20] =	ssyncadd.s32 $0xFFFFFC18;
	s24 =	sadd.s32 s23, s25  }
0x153: {  	[hbm4b:s24+s2] =	stream.linear.scatter [tilespmem:s30], [sflag:$0x2], $0xFA0, $0x38;
	[tilespmem:$0x113A0] =	vst v63  }
0x154: {  	_ =	swait.ge [sflag:s16], $0xFA0  }
0x155: {  	s22 =	sadd.s32 $0x40, s22;
	[sflag:s16] =	ssyncset.done $0x0  }
0x156: {  	s25 =	sadd.s32 s22, s11;
	[sflag:s16] =	ssyncadd.s32 $0xFFFFF060  }
0x157: {  	[tilespmem:s29], [sflag:$0x2] =	stream.linear.gather [hbm4b:s25+s2], $0x200, $0x38;
	[tilespmem:$0x113A0] =	vst v63  }
0x158: {  	_ =	swait.ge [sflag:s16], $0x200  }
0x159: {  	[sflag:s16] =	ssyncset.done $0x0  }
0x15a: {  	[sflag:s16] =	ssyncadd.s32 $0xFFFFFE00  }
0x15b: {  	[tilespmem:s30], [sflag:$0x1] =	stream.indirect.gather [hbm4b:s5+s18], $0x8, s29, s18, $0xb8;
	[tilespmem:$0x113A0] =	vst v63  }
0x15c: {  	_ =	swait.ge [sflag:s20], $0x3E8  }
0x15d: {  	[sflag:s20] =	ssyncset.done $0x0  }
0x15e: {  	[sflag:s20] =	ssyncadd.s32 $0xFFFFFC18  }
0x15f: {  	[tilespmem:s1], [sflag:$0x1] =	stream.indirect.gather [hbm4b:s5+s18], $0x8, s26, s18, $0xb8;
	[tilespmem:$0x113A0] =	vst v63  }
0x160: {  	_ =	swait.ge [sflag:s20], $0x3E8  }
0x161: {  	[sflag:s20] =	ssyncset.done $0x0  }
0x162: {  	[sflag:s20] =	ssyncadd.s32 $0xFFFFFC18  }
0x163: {  	[tilespmem:s10], [sflag:$0x1] =	stream.indirect.gather [hbm4b:s5+s18], $0x8, s0, s18, $0xb8;
	[tilespmem:$0x113A0] =	vst v63  }
0x164: {  	_ =	swait.ge [sflag:s20], $0x3E8  }
0x165: {  	[sflag:s20] =	ssyncset.done $0x0  }
0x166: {  	[sflag:s20] =	ssyncadd.s32 $0xFFFFFC18  }
0x167: {  	[tilespmem:s7], [sflag:$0x1] =	stream.indirect.gather [hbm4b:s5+s18], $0x8, s6, s18, $0xb8;
	[tilespmem:$0x113A0] =	vst v63  }
0x168: {  	_ =	swait.ge [sflag:s20], $0x3E8  }
0x169: {  	s25 =	rddreg [dreg:$0x3];
	[sflag:s20] =	ssyncset.done $0x0  }
0x16a: {  	[sflag:s20] =	ssyncadd.s32 $0xFFFFFC18;
	s24 =	sadd.s32 s23, s25  }
0x16b: {  	[hbm4b:s24+s2] =	stream.linear.scatter [tilespmem:s30], [sflag:$0x2], $0xFA0, $0x38;
	[tilespmem:$0x113A0] =	vst v63  }
0x16c: {  	_ =	swait.ge [sflag:s16], $0xFA0  }
0x16d: {  	s21 =	sadd.s32 $0x40, s21;
	[sflag:s16] =	ssyncset.done $0x0  }
0x16e: {  	s25 =	sadd.s32 s21, s11;
	[sflag:s16] =	ssyncadd.s32 $0xFFFFF060  }
0x16f: {  	[tilespmem:s29], [sflag:$0x2] =	stream.linear.gather [hbm4b:s25+s2], $0x200, $0x38;
	[tilespmem:$0x113A0] =	vst v63  }
0x170: {  	_ =	swait.ge [sflag:s16], $0x200  }
0x171: {  	[sflag:s16] =	ssyncset.done $0x0  }
0x172: {  	[sflag:s16] =	ssyncadd.s32 $0xFFFFFE00  }
0x173: {  	[tilespmem:s30], [sflag:$0x1] =	stream.indirect.gather [hbm4b:s5+s18], $0x8, s29, s18, $0xb8;
	[tilespmem:$0x113A0] =	vst v63  }
0x174: {  	_ =	swait.ge [sflag:s20], $0x3E8  }
0x175: {  	[sflag:s20] =	ssyncset.done $0x0  }
0x176: {  	[sflag:s20] =	ssyncadd.s32 $0xFFFFFC18  }
0x177: {  	[tilespmem:s1], [sflag:$0x1] =	stream.indirect.gather [hbm4b:s5+s18], $0x8, s26, s18, $0xb8;
	[tilespmem:$0x113A0] =	vst v63  }
0x178: {  	_ =	swait.ge [sflag:s20], $0x3E8  }
0x179: {  	[sflag:s20] =	ssyncset.done $0x0  }
0x17a: {  	[sflag:s20] =	ssyncadd.s32 $0xFFFFFC18  }
0x17b: {  	[tilespmem:s10], [sflag:$0x1] =	stream.indirect.gather [hbm4b:s5+s18], $0x8, s0, s18, $0xb8;
	[tilespmem:$0x113A0] =	vst v63  }
0x17c: {  	_ =	swait.ge [sflag:s20], $0x3E8  }
0x17d: {  	[sflag:s20] =	ssyncset.done $0x0  }
0x17e: {  	p0 =	sne.s32 s9, $0x1194;
	[sflag:s20] =	ssyncadd.s32 $0xFFFFFC18  }
0x17f: {  	[tilespmem:s7], [sflag:$0x1] =	stream.indirect.gather [hbm4b:s5+s18], $0x8, s6, s18, $0xb8;
	[tilespmem:$0x113A0] =	vst v63  }
0x180: {  	s9 =	sadd.s32 $0x1F4, s9;
	s15 =	sadd.s32 $0x80, s15;
	_ =	swait.ge [sflag:s20], $0x3E8  }
.Ltmp0:
0x181: {  	s25 =	rddreg [dreg:$0x2];
	[sflag:s20] =	ssyncset.done $0x0;
	(pc) =	sbr.rel @p0 .LBB2_2-.Ltmp0, $4  }
0x182: {  	s14 =	sadd.s32 $0x80, s14;
	[sflag:s20] =	ssyncadd.s32 $0xFFFFFC18;
	s23 =	sadd.s32 s23, s25  }
0x183: {  	[hbm4b:s23+s2] =	stream.linear.scatter [tilespmem:s30], [sflag:$0x2], $0xFA0, $0x38;
	[tilespmem:$0x113A0] =	vst v63  }
0x184: {  	s12 =	sadd.s32 $0x1F40, s12;
	s17 =	sadd.s32 $0x40, s17;
	_ =	swait.ge [sflag:s16], $0xFA0  }
0x185: {  	s13 =	sadd.s32 $0x1F40, s13;
	s8 =	sadd.s32 $0x40, s8;
	[sflag:s16] =	ssyncset.done $0x0  }
0x186: {  	s12 =	rddreg [dreg:$0x1d]  }
0x187: {  	s8 =	rddreg [dreg:$0x18];
	s12 =	sadd.s32 $0x1, s12  }
0x188: {  	p0 =	sne.s32 s12, s8  }
.Ltmp1:
0x189: {  	_ = 	snop;
	(pc) =	sbr.rel @p0 .LBB2_1-.Ltmp1, $4  }
0x18a: {  	_ = 	snop  }
0x18b: {  	[sflag:s16] =	ssyncadd.s32 $0xFFFFF060;
	s9 =	simm.s32 $0x400;
	s13 =	simm.s32 $0x2940  }
0x18c: {  	s17 =	simm.s32 $0x4880;
	s21 =	simm.s32 $0x67C0;
	s22 =	simm.s32 $0x8700  }
0x18d: {  	s23 =	simm.s32 $0xA640;
	s24 =	simm.s32 $0xC580;
	s25 =	simm.s32 $0xE4C0  }
0x18e: {  	_ =	sfence.sel $0x180000  }
0x18f: {  	[bflag:$0x0] =	sbarrier.arrive $0xFFFF  }
0x190: {  	_ =	strace $0x90000047  }
0x191: {  	s0 =	stileid.u32;
	[bflag:$0x2] =	sbarrier.arrive $0xFFFF  }
0x192: {  	p0 =	sne.s32 s0, $0x0;
	s0 =	rddreg [dreg:$0x1]  }
0x193: {  	s0 =	sadd.s32 @!p0 $0x100000, s0  }
0x194: {  	[sflag:s0] =	ssyncadd.tile.s32 @!p0 $0x1;
	_ =	shalt  }
.Lfunc_end2:
_tile_overlayer_lowered:
.L_overlay_start_2:
0x195: {  	(tag) =	ssettag $0x2  }
0x196: {  	s0 =	rddreg [dreg:$0x0];
	s2 =	stileid.u32  }
0x197: {  	s1 =	rddreg [dreg:$0x1];
	p0 =	sne.s32 s2, $0x0  }
0x198: {  	s3 =	rddreg [dreg:$0x2];
	[bflag:$0x3] =	sbarrier.arrive $0xFFFF;
	s2 =	simm.s32 @!p0 $0x1C02  }
0x199: {  	[timem:s3], [sflag:s2] =	dma.local @!p0 [hbm:s0], s1  }
0x19a: {  	s0 =	simm.s32 @!p0 $0x2  }
0x19b: {  	_ =	swait.ge @!p0 [sflag:s0], s1  }
0x19c: {  	s1 =	ssub.s32 @!p0 $0x0, s1;
	[sflag:s0] =	ssyncset.done @!p0 $0x0  }
0x19d: {  	[sflag:s0] =	ssyncadd.s32 @!p0 s1  }
0x19e: {  	[bflag:$0x3] =	sbarrier.arrive $0xFFFF  }
0x19f: {  	_ =	shalt  }

// kernel: kernel.14.cloned.1.call-start
scs
__scs_entry_jumppad:
0x0: {  	(pc) =	sbr.rel $0x88, $3  }
0x1: {  	(tag) =	ssettag $0x0;
	lr =	simm.s32 $0x1  }
0x2: {  	[smem:$0x3F81] =	sst lr;
	_ =	strace $0xD0000000  }
0x3: {  	_ = 	snop  }
0x4: {  	_ = 	snop  }
0x5: {  	_ = 	snop  }
0x6: {  	_ = 	snop  }
0x7: {  	_ = 	snop  }
__scs_overlays_trampoline_lowered:
0x8: {  	[smem:$0x3F90] =	sst s0  }
0x9: {  	[smem:$0x3F91] =	sst s1  }
0xa: {  	[smem:$0x3F92] =	sst s2  }
0xb: {  	[smem:$0x3F93] =	sst s3  }
0xc: {  	[smem:$0x3F94] =	sst s4  }
0xd: {  	[smem:$0x3F95] =	sst s5  }
0xe: {  	[smem:$0x3F96] =	sst s6  }
0xf: {  	[smem:$0x3F97] =	sst s7  }
0x10: {  	[smem:$0x3F98] =	sst s8  }
0x11: {  	[smem:$0x3F99] =	sst s9;
	s0 =	simm.s32 @!p0 $0x0  }
0x12: {  	s1 =	sld [smem:$0x3F7F];
	s0 =	simm.s32 @p0 $0x1  }
0x13: {  	[smem:$0x3F9A] =	sst s0;
	s0 =	simm.s32 @!p1 $0x0  }
0x14: {  	s2 =	sld [smem:$0x3F7E];
	s0 =	simm.s32 @p1 $0x1  }
0x15: {  	[smem:$0x3F9B] =	sst s0;
	s0 =	simm.s32 @!p2 $0x0  }
0x16: {  	s3 =	sld [smem:$0x3FDB];
	s0 =	simm.s32 @p2 $0x1  }
0x17: {  	s4 =	simm.s32 $0x1BF5;
	[smem:$0x3F9D] =	sst s0  }
0x18: {  	s0 =	sld [smem:$0x3F80];
	_ =	swait.ge [sflag:s4], $0x0  }
0x19: {  	s7 =	sld [smem:$0x3F81]  }
0x1a: {  	s8 =	sadd.s32 $0xFFFFE003, lr  }
0x1b: {  	s9 =	sadd.s32 $0xFFFFFEF7, lr;
	s5 =	simm.s32 $0xFFFFFFFF;
	p2 =	slt.u32 s8, $0xFFFFF086  }
0x1c: {  	p1 =	slt.u32 s9, $0xF7A;
	s5 =	simm.s32 @!p2 $0x0  }
0x1d: {  	s5 =	simm.s32 @p1 $0x1;
	p0 =	seq.s32 s7, s2  }
0x1e: {  	s7 =	smul.u32 @!p0 $0xF7A, s2;
	p2 =	seq.s32 @!p0 s5, $0x0  }
0x1f: {  	s9 =	smul.u32 $0xF7A, s1;
	s8 =	simm.s32 @!p0 $0x1BF5;
	p2 =	por !p2, p0  }
0x20: {  	[sflag:s8] =	ssyncset.s32 @!p0 $0xFFFFF086;
	s6 =	sadd.s32 @!p0 s3, s7;
	s7 =	simm.s32 @!p0 $0x108  }
0x21: {  	s3 =	sadd.s32 s3, s9;
	s6 =	sadd.s32 @!p0 $0x88, s6;
	s7 =	simm.s32 @p2 $0x1082  }
0x22: {  	[simem:s7], [sflag:s8] =	dma.local @!p0 [hbm:s6], $0xF7A  }
0x23: {  	s9 =	sor.u32 $0xD0000000, s2;
	s6 =	simm.s32 $0x108;
	_ =	swait.ge @!p0 [sflag:s8], $0x0  }
0x24: {  	s3 =	sadd.s32 $0x88, s3;
	s6 =	simm.s32 @!p1 $0x1082;
	[sflag:s4] =	ssyncset.s32 $0xFFFFF086  }
0x25: {  	[simem:s6], [sflag:s4] =	dma.local [hbm:s3], $0xF7A  }
0x26: {  	[smem:$0x3F81] =	sst s1;
	(tag) =	ssettag s2;
	_ =	strace s9  }
0x27: {  	s1 =	sld [smem:$0x3F91]  }
0x28: {  	s2 =	sld [smem:$0x3F92]  }
0x29: {  	s4 =	sld [smem:$0x3F94]  }
0x2a: {  	p0 =	seq.s32 s5, $0x0;
	s5 =	sld [smem:$0x3F95]  }
0x2b: {  	s6 =	sld [smem:$0x3F96]  }
0x2c: {  	s7 =	sld [smem:$0x3F97]  }
0x2d: {  	s3 =	simm.s32 $0x108;
	s8 =	sld [smem:$0x3F98]  }
0x2e: {  	s3 =	simm.s32 @!p0 $0x1082;
	s9 =	sld [smem:$0x3F99]  }
0x2f: {  	lr =	sadd.s32 s0, s3;
	s0 =	sld [smem:$0x3F90]  }
0x30: {  	s3 =	sld [smem:$0x3F93]  }
0x31: {  	[smem:$0x3F9C] =	sst s10  }
0x32: {  	s10 =	sld [smem:$0x3F9A];
	_ =	sdelay $0x3  }
0x33: {  	p0 =	seq.s32 s10, $0x1;
	s10 =	sld [smem:$0x3F9C];
	_ =	sdelay $0x3  }
0x34: {  	[smem:$0x3F9C] =	sst s10  }
0x35: {  	s10 =	sld [smem:$0x3F9B];
	_ =	sdelay $0x3  }
0x36: {  	p1 =	seq.s32 s10, $0x1;
	s10 =	sld [smem:$0x3F9C];
	_ =	sdelay $0x3  }
0x37: {  	[smem:$0x3F9C] =	sst s10  }
0x38: {  	s10 =	sld [smem:$0x3F9D]  }
0x39: {  	_ = 	snop;
	(pc) =	sbr.ind lr, $3  }
0x3a: {  	_ = 	snop  }
0x3b: {  	_ = 	snop  }
0x3c: {  	p2 =	seq.s32 s10, $0x1;
	s10 =	sld [smem:$0x3F9C]  }
0x3d: {  	_ =	shalt  }
0x3e: {  	_ =	shalt  }
0x3f: {  	_ =	shalt  }
0x40: {  	_ =	shalt  }
0x41: {  	_ =	shalt  }
0x42: {  	_ =	shalt  }
0x43: {  	_ =	shalt  }
0x44: {  	_ =	shalt  }
0x45: {  	_ =	shalt  }
0x46: {  	_ =	shalt  }
0x47: {  	_ =	shalt  }
0x48: {  	_ =	shalt  }
0x49: {  	_ =	shalt  }
0x4a: {  	_ =	shalt  }
0x4b: {  	_ =	shalt  }
0x4c: {  	_ =	shalt  }
0x4d: {  	_ =	shalt  }
0x4e: {  	_ =	shalt  }
0x4f: {  	_ =	shalt  }
0x50: {  	_ =	shalt  }
0x51: {  	_ =	shalt  }
0x52: {  	_ =	shalt  }
0x53: {  	_ =	shalt  }
0x54: {  	_ =	shalt  }
0x55: {  	_ =	shalt  }
0x56: {  	_ =	shalt  }
0x57: {  	_ =	shalt  }
0x58: {  	_ =	shalt  }
0x59: {  	_ =	shalt  }
0x5a: {  	_ =	shalt  }
0x5b: {  	_ =	shalt  }
0x5c: {  	_ =	shalt  }
0x5d: {  	_ =	shalt  }
0x5e: {  	_ =	shalt  }
0x5f: {  	_ =	shalt  }
0x60: {  	_ =	shalt  }
0x61: {  	_ =	shalt  }
0x62: {  	_ =	shalt  }
0x63: {  	_ =	shalt  }
0x64: {  	_ =	shalt  }
0x65: {  	_ =	shalt  }
0x66: {  	_ =	shalt  }
0x67: {  	_ =	shalt  }
0x68: {  	_ =	shalt  }
0x69: {  	_ =	shalt  }
0x6a: {  	_ =	shalt  }
0x6b: {  	_ =	shalt  }
0x6c: {  	_ =	shalt  }
0x6d: {  	_ =	shalt  }
0x6e: {  	_ =	shalt  }
0x6f: {  	_ =	shalt  }
0x70: {  	_ =	shalt  }
0x71: {  	_ =	shalt  }
0x72: {  	_ =	shalt  }
0x73: {  	_ =	shalt  }
0x74: {  	_ =	shalt  }
0x75: {  	_ =	shalt  }
0x76: {  	_ =	shalt  }
0x77: {  	_ =	shalt  }
0x78: {  	_ =	shalt  }
0x79: {  	_ =	shalt  }
0x7a: {  	_ =	shalt  }
0x7b: {  	_ =	shalt  }
0x7c: {  	_ =	shalt  }
0x7d: {  	_ =	shalt  }
0x7e: {  	_ =	shalt  }
0x7f: {  	_ =	shalt  }
0x80: {  	_ =	shalt  }
0x81: {  	_ =	shalt  }
0x82: {  	_ =	shalt  }
0x83: {  	_ =	shalt  }
0x84: {  	_ =	shalt  }
0x85: {  	_ =	shalt  }
0x86: {  	_ =	shalt  }
0x87: {  	_ =	shalt  }
.Lfunc_end0:
.L_simem_size_0:
called_computation.1_lowered:
.L_overlay_start_0:
0x88: {  	s2 =	sld [smem:$0x3FD9]  }
0x89: {  	s3 =	sld [smem:$0x3FFE];
	_ =	sdelay $0x1  }
0x8a: {  	s1 =	srdreg.scid  }
0x8b: {  	s0 =	sand.u32 $0x1, s1  }
0x8c: {  	s16 =	sshll.u32 s0, $0xA;
	s2 =	sadd.s32 s3, s2  }
0x8d: {  	s2 =	sadd.s32 s2, s16  }
0x8e: {  	[smem:$0x3FA8] =	sst s2  }
0x8f: {  	_ = 	snop  }
0x90: {  	(tm) =	ssettm $0x1  }
0x91: {  	s17 =	sld [smem:$0x3FFB];
	_ =	sdelay $0x3  }
0x92: {  	_ =	strace s17  }
0x93: {  	s2 =	sld [smem:$0x3FFC];
	_ =	sdelay $0x3  }
0x94: {  	_ =	strace s2  }
0x95: {  	s2 =	sld [smem:$0x3FFD];
	_ =	sdelay $0x3  }
0x96: {  	_ =	strace s2  }
0x97: {  	_ =	strace $0x8FFFFFFF  }
0x98: {  	s18 =	sld [smem:$0x3FDB];
	_ =	sdelay $0x1  }
0x99: {  	s19 =	simm.s32 $_scs_section_size  }
0x9a: {  	s4 =	simm.s32 $_size__tile_overlayer_lowered;
	s5 =	simm.s32 $_tile_overlayer_lowered  }
0x9b: {  	s22 =	simm.s32 $0x1BFF;
	s21 =	sshll.u32 s5, $0x1;
	s2 =	sadd.s32 s19, s18  }
0x9c: {  	s6 =	simm.s32 $0x0;
	s20 =	sshll.u32 s4, $0x1;
	s4 =	sadd.s32 s21, s2  }
0x9d: {  	[timem:s6], [sflag:s22] =	dma.local [hbm:s4], s20  }
0x9e: {  	_ =	swait.ge [sflag:s22], s20  }
0x9f: {  	s3 =	ssub.s32 $0x0, s20;
	[sflag:s22] =	ssyncset.done $0x0  }
0xa0: {  	[sflag:s22] =	ssyncadd.s32 s3;
	_ =	sdelay $0x1  }
0xa1: {  	s23 =	simm.s32 $0x1B8B  }
0xa2: {  	_ =	swait.ge [sflag:s23], $0x1  }
0xa3: {  	[sflag:s23] =	ssyncset.done $0x0  }
0xa4: {  	s25 =	simm.s32 $0x1B8E;
	s24 =	sld [smem:$0x3FFE];
	[sflag:s23] =	ssyncadd.s32 $0xFFFFFFFF  }
0xa5: {  	s26 =	simm.s32 $execute0_lowered;
	[smem:$0x3FD2] =	sst s25  }
0xa6: {  	s4 =	sshll.u32 s26, $0x1;
	_ =	strace $0x80000049;
	[dreg:$0x1] =	wrdreg $0xFFFFFFFF  }
0xa7: {  	s28 =	simm.s32 $_size_execute0_lowered;
	s2 =	sadd.s32 s2, s4;
	[dreg:$0x0] =	wrdreg $0x0  }
0xa8: {  	s4 =	sshll.u32 s28, $0x1;
	[dreg:$0x2] =	wrdreg s2  }
0xa9: {  	[dreg:$0x3] =	wrdreg s4  }
0xaa: {  	[dreg:$0x4] =	wrdreg $0xC0  }
0xab: {  	_ =	task [dreg:s6], $0x5FFFF  }
0xac: {  	[dreg:$0x1] =	wrdreg $0xFFFFFFFF  }
0xad: {  	[dreg:$0x0] =	wrdreg $0x60  }
0xae: {  	[dreg:$0x2] =	wrdreg s24  }
0xaf: {  	[dreg:$0x3] =	wrdreg $0xFE000  }
0xb0: {  	[dreg:$0x4] =	wrdreg $0x9  }
0xb1: {  	_ =	task.clear_ibuf [dreg:s6], $0x5FFFF;
	_ =	strace $0x90000049  }
0xb2: {  	s29 =	simm.s32 $0x9;
	_ =	strace $0x8000004B  }
0xb3: {  	_ =	swait.ge [sflag:s29], $0x1  }
0xb4: {  	[sflag:s29] =	ssyncadd.s32 $0xFFFFFFFF  }
0xb5: {  	_ =	strace $0x9000004B  }
0xb6: {  	_ =	sfence  }
0xb7: {  	s30 =	sld [smem:$0x0];
	_ =	sdelay $0x2  }
0xb8: {  	s31 =	sshll.u32 s1, $0xD;
	s1 =	sshrl.u32 s1, $0x2  }
0xb9: {  	s3 =	sand.u32 $0x4000, s31;
	s1 =	sadd.s32 s1, s30  }
0xba: {  	s0 =	sor.u32 s3, s0;
	s1 =	sshll.u32 s1, $0x11  }
0xbb: {  	s0 =	sor.u32 s1, s0  }
0xbc: {  	s0 =	sadd.s32 $0x8F2B, s0  }
0xbd: {  	[sflag:s0] =	ssyncadd.remote.s32 $0x1  }
0xbe: {  	_ =	sfence.sel $0xFFFF  }
0xbf: {  	[dreg:$0x0] =	wrdreg $0xFFFFFFFF;
	(pc) =	sbr.abs _section_cstart, $3  }
0xc0: {  	[dreg:$0x1] =	wrdreg $0xFFFFFFFF  }
0xc1: {  	_ =	task.clear_ibuf [dreg:s6], $0x2FFFF;
	_ =	strace $0x9FFFFFFF  }
0xc2: {  	(tm) =	ssettm $0x7FFFFFFF  }
0xc3: {  	_ =	shalt  }
tec
execute0_lowered:
.L_overlay_start_1:
0x0: {  	(tag) =	ssettag $0x1  }
0x1: {  	s0 =	srdreg.scid;
	s6 =	rddreg [dreg:$0x0]  }
0x2: {  	s3 =	simm.s32 $0x0;
	s14 =	simm.s32 $0x80;
	s15 =	simm.s32 $0x2340  }
0x3: {  	s16 =	simm.s32 $0x100;
	s17 =	simm.s32 $0x4280;
	s18 =	simm.s32 $0x180  }
0x4: {  	s19 =	simm.s32 $0x61C0;
	s20 =	simm.s32 $0x200;
	s5 =	sand.u32 $0x1, s0  }
0x5: {  	s21 =	simm.s32 $0x8100;
	s0 =	stileid.u32;
	s1 =	smul.u32 $0x27100, s5  }
0x6: {  	s22 =	simm.s32 $0x280;
	s23 =	simm.s32 $0xA040;
	s2 =	smul.u32 $0x2710, s0  }
0x7: {  	s24 =	simm.s32 $0x300;
	s25 =	simm.s32 $0xBF80;
	s7 =	smul.u32 $0x9C40, s0  }
0x8: {  	s26 =	simm.s32 $0x380;
	s28 =	simm.s32 $0xDEC0;
	s8 =	smul.u32 $0x9C400, s5  }
0x9: {  	s29 =	simm.s32 $0x0;
	[smem:$0x7FF] =	sst s3;
	s9 =	smul.u32 $0x138800, s5  }
0xa: {  	s5 =	ssub.s32 $0x2, s5;
	s11 =	sshll.u32 s0, $0x6;
	s12 =	smul.u32 $0x13880, s0  }
0xb: {  	s31 =	sshrl.u32 s5, $0x1;
	s1 =	sadd.s32 s2, s1;
	s2 =	rddreg [dreg:$0x1]  }
0xc: {  	_ =	strace $0x8000004A;
	s8 =	sadd.s32 s7, s8;
	s4 =	smulhi.u32 $0x20C49BB, s1  }
0xd: {  	s9 =	sadd.s32 s9, s6;
	s8 =	sshrl.u32 s8, $0x3;
	s13 =	sadd.s32 s7, s2  }
0xe: {  	s9 =	sadd.s32 s12, s9;
	s12 =	simm.s32 $0x400;
	s4 =	sshll.u32 s4, $0x4  }
0xf: {  	s9 =	sadd.s32 $0x147C000, s9;
	s10 =	sadd.s32 s4, s6;
	s4 =	sadd.s32 $0x5C00, s6  }
0x10: {  	s6 =	sadd.s32 s8, s6;
	s8 =	ssub.s32 s5, s31;
	s5 =	sor.u32 $0x1C01, s11  }
0x11: {  	s11 =	simm.s32 $0x1;
	s6 =	sadd.s32 $0x7000, s6;
	s7 =	smax.u32 s8, $0x1  }
0x12: {  	s8 =	sadd.s32 $0x39800, s10;
	s10 =	sshrl.u32 s13, $0x3;
	s13 =	simm.s32 $0x7D  }
.LBB2_1:
0x13: {  	[spmem:s10], [sflag:s5] =	dma.local [hbm:s4], $0x1388  }
0x14: {  	_ =	swait.ge [sflag:s11], $0x1388  }
0x15: {  	[sflag:s11] =	ssyncset.done $0x0  }
0x16: {  	[sflag:s11] =	ssyncadd.s32 $0xFFFFEC78  }
0x17: {  	[bflag:$0x0] =	sbarrier.arrive $0xFFFF  }
0x18: {  	[tilespmem:s12], [sflag:$0x1] =	stream.linear.gather [hbm4b:s9+s3], $0xFA00, $0x38;
	[tilespmem:$0x19A40] =	vst v63  }
0x19: {  	_ =	swait.ge [sflag:s11], $0xFA00  }
0x1a: {  	[sflag:s11] =	ssyncset.done $0x0  }
0x1b: {  	s30 =	sadd.s32 $0x0, s8;
	[sflag:s11] =	ssyncadd.s32 $0xFFFF0600  }
0x1c: {  	[tilespmem:s3], [sflag:$0x1] =	stream.linear.gather [hbm4b:s30+s3], $0x400, $0x38;
	[tilespmem:$0x19A40] =	vst v63  }
0x1d: {  	_ =	swait.ge [sflag:s11], $0x400  }
0x1e: {  	[sflag:s11] =	ssyncset.done $0x0  }
0x1f: {  	[sflag:s11] =	ssyncadd.s32 $0xFFFFFC00  }
0x20: {  	[spmem:s2] =	stream.indirect.scatter.add.f32 [tilespmem:s12], [sflag:$0x1], $0x40, s3, s13, $0xb8;
	[tilespmem:$0x19A40] =	vst v63  }
0x21: {  	_ =	swait.ge [sflag:s11], $0x1F40  }
0x22: {  	[sflag:s11] =	ssyncset.done $0x0  }
0x23: {  	[sflag:s11] =	ssyncadd.s32 $0xFFFFE0C0  }
0x24: {  	[spmem:s2] =	stream.indirect.scatter.add.f32 [tilespmem:s15], [sflag:$0x1], $0x40, s14, s13, $0xb8;
	[tilespmem:$0x19A40] =	vst v63  }
0x25: {  	_ =	swait.ge [sflag:s11], $0x1F40  }
0x26: {  	[sflag:s11] =	ssyncset.done $0x0  }
0x27: {  	[sflag:s11] =	ssyncadd.s32 $0xFFFFE0C0  }
0x28: {  	[spmem:s2] =	stream.indirect.scatter.add.f32 [tilespmem:s17], [sflag:$0x1], $0x40, s16, s13, $0xb8;
	[tilespmem:$0x19A40] =	vst v63  }
0x29: {  	_ =	swait.ge [sflag:s11], $0x1F40  }
0x2a: {  	[sflag:s11] =	ssyncset.done $0x0  }
0x2b: {  	[sflag:s11] =	ssyncadd.s32 $0xFFFFE0C0  }
0x2c: {  	[spmem:s2] =	stream.indirect.scatter.add.f32 [tilespmem:s19], [sflag:$0x1], $0x40, s18, s13, $0xb8;
	[tilespmem:$0x19A40] =	vst v63  }
0x2d: {  	_ =	swait.ge [sflag:s11], $0x1F40  }
0x2e: {  	[sflag:s11] =	ssyncset.done $0x0  }
0x2f: {  	[sflag:s11] =	ssyncadd.s32 $0xFFFFE0C0  }
0x30: {  	[spmem:s2] =	stream.indirect.scatter.add.f32 [tilespmem:s21], [sflag:$0x1], $0x40, s20, s13, $0xb8;
	[tilespmem:$0x19A40] =	vst v63  }
0x31: {  	_ =	swait.ge [sflag:s11], $0x1F40  }
0x32: {  	[sflag:s11] =	ssyncset.done $0x0  }
0x33: {  	[sflag:s11] =	ssyncadd.s32 $0xFFFFE0C0  }
0x34: {  	[spmem:s2] =	stream.indirect.scatter.add.f32 [tilespmem:s23], [sflag:$0x1], $0x40, s22, s13, $0xb8;
	[tilespmem:$0x19A40] =	vst v63  }
0x35: {  	_ =	swait.ge [sflag:s11], $0x1F40  }
0x36: {  	[sflag:s11] =	ssyncset.done $0x0  }
0x37: {  	[sflag:s11] =	ssyncadd.s32 $0xFFFFE0C0  }
0x38: {  	[spmem:s2] =	stream.indirect.scatter.add.f32 [tilespmem:s25], [sflag:$0x1], $0x40, s24, s13, $0xb8;
	[tilespmem:$0x19A40] =	vst v63  }
0x39: {  	_ =	swait.ge [sflag:s11], $0x1F40  }
0x3a: {  	[sflag:s11] =	ssyncset.done $0x0  }
0x3b: {  	[sflag:s11] =	ssyncadd.s32 $0xFFFFE0C0  }
0x3c: {  	[spmem:s2] =	stream.indirect.scatter.add.f32 [tilespmem:s28], [sflag:$0x1], $0x40, s26, s13, $0xb8;
	[tilespmem:$0x19A40] =	vst v63  }
0x3d: {  	_ =	swait.ge [sflag:s11], $0x1F40  }
0x3e: {  	s31 =	smov.u32 s9;
	s30 =	simm.s32 $0x80;
	[sflag:s11] =	ssyncset.done $0x0  }
.LBB2_2:
0x3f: {  	p0 =	sne.s32 s30, $0x480;
	[sflag:s11] =	ssyncadd.s32 $0xFFFFE0C0;
	s31 =	sadd.s32 $0x1F40, s31  }
0x40: {  	[tilespmem:s12], [sflag:$0x1] =	stream.linear.gather [hbm4b:s31+s3], $0xFA00, $0x38;
	[tilespmem:$0x19A40] =	vst v63  }
0x41: {  	s1 =	smov.u32 s30;
	s30 =	sadd.s32 $0x80, s30;
	_ =	swait.ge [sflag:s11], $0xFA00  }
0x42: {  	[sflag:s11] =	ssyncset.done $0x0  }
0x43: {  	s1 =	sadd.s32 s1, s8;
	[sflag:s11] =	ssyncadd.s32 $0xFFFF0600  }
0x44: {  	[tilespmem:s3], [sflag:$0x1] =	stream.linear.gather [hbm4b:s1+s3], $0x400, $0x38;
	[tilespmem:$0x19A40] =	vst v63  }
0x45: {  	_ =	swait.ge [sflag:s11], $0x400  }
0x46: {  	[sflag:s11] =	ssyncset.done $0x0  }
0x47: {  	[sflag:s11] =	ssyncadd.s32 $0xFFFFFC00  }
0x48: {  	[spmem:s2] =	stream.indirect.scatter.add.f32 [tilespmem:s12], [sflag:$0x1], $0x40, s3, s13, $0xb8;
	[tilespmem:$0x19A40] =	vst v63  }
0x49: {  	_ =	swait.ge [sflag:s11], $0x1F40  }
0x4a: {  	[sflag:s11] =	ssyncset.done $0x0  }
0x4b: {  	[sflag:s11] =	ssyncadd.s32 $0xFFFFE0C0  }
0x4c: {  	[spmem:s2] =	stream.indirect.scatter.add.f32 [tilespmem:s15], [sflag:$0x1], $0x40, s14, s13, $0xb8;
	[tilespmem:$0x19A40] =	vst v63  }
0x4d: {  	_ =	swait.ge [sflag:s11], $0x1F40  }
0x4e: {  	[sflag:s11] =	ssyncset.done $0x0  }
0x4f: {  	[sflag:s11] =	ssyncadd.s32 $0xFFFFE0C0  }
0x50: {  	[spmem:s2] =	stream.indirect.scatter.add.f32 [tilespmem:s17], [sflag:$0x1], $0x40, s16, s13, $0xb8;
	[tilespmem:$0x19A40] =	vst v63  }
0x51: {  	_ =	swait.ge [sflag:s11], $0x1F40  }
0x52: {  	[sflag:s11] =	ssyncset.done $0x0  }
0x53: {  	[sflag:s11] =	ssyncadd.s32 $0xFFFFE0C0  }
0x54: {  	[spmem:s2] =	stream.indirect.scatter.add.f32 [tilespmem:s19], [sflag:$0x1], $0x40, s18, s13, $0xb8;
	[tilespmem:$0x19A40] =	vst v63  }
0x55: {  	_ =	swait.ge [sflag:s11], $0x1F40  }
0x56: {  	[sflag:s11] =	ssyncset.done $0x0  }
0x57: {  	[sflag:s11] =	ssyncadd.s32 $0xFFFFE0C0  }
0x58: {  	[spmem:s2] =	stream.indirect.scatter.add.f32 [tilespmem:s21], [sflag:$0x1], $0x40, s20, s13, $0xb8;
	[tilespmem:$0x19A40] =	vst v63  }
0x59: {  	_ =	swait.ge [sflag:s11], $0x1F40  }
0x5a: {  	[sflag:s11] =	ssyncset.done $0x0  }
0x5b: {  	[sflag:s11] =	ssyncadd.s32 $0xFFFFE0C0  }
0x5c: {  	[spmem:s2] =	stream.indirect.scatter.add.f32 [tilespmem:s23], [sflag:$0x1], $0x40, s22, s13, $0xb8;
	[tilespmem:$0x19A40] =	vst v63  }
0x5d: {  	_ =	swait.ge [sflag:s11], $0x1F40  }
0x5e: {  	[sflag:s11] =	ssyncset.done $0x0  }
0x5f: {  	[sflag:s11] =	ssyncadd.s32 $0xFFFFE0C0  }
0x60: {  	[spmem:s2] =	stream.indirect.scatter.add.f32 [tilespmem:s25], [sflag:$0x1], $0x40, s24, s13, $0xb8;
	[tilespmem:$0x19A40] =	vst v63  }
0x61: {  	_ =	swait.ge [sflag:s11], $0x1F40  }
.Ltmp0:
0x62: {  	[sflag:s11] =	ssyncset.done $0x0;
	(pc) =	sbr.rel @p0 .LBB2_2-.Ltmp0, $4  }
0x63: {  	[sflag:s11] =	ssyncadd.s32 $0xFFFFE0C0  }
0x64: {  	[spmem:s2] =	stream.indirect.scatter.add.f32 [tilespmem:s28], [sflag:$0x1], $0x40, s26, s13, $0xb8;
	[tilespmem:$0x19A40] =	vst v63  }
0x65: {  	_ =	swait.ge [sflag:s11], $0x1F40  }
0x66: {  	[sflag:s11] =	ssyncset.done $0x0  }
0x67: {  	s29 =	sadd.s32 $0x1, s29  }
0x68: {  	[sflag:s11] =	ssyncadd.s32 $0xFFFFE0C0;
	p0 =	sne.s32 s29, s7  }
.Ltmp1:
0x69: {  	[bflag:$0x0] =	sbarrier.arrive $0xFFFF;
	(pc) =	sbr.rel @p0 .LBB2_1-.Ltmp1, $4  }
0x6a: {  	[hbm:s6], [sflag:s5] =	dma.local [spmem:s10], $0x1388  }
0x6b: {  	_ =	swait.ge [sflag:s11], $0x1388  }
0x6c: {  	[sflag:s11] =	ssyncset.done $0x0  }
0x6d: {  	[sflag:s11] =	ssyncadd.s32 $0xFFFFEC78  }
0x6e: {  	_ =	sfence.sel $0x180000  }
0x6f: {  	[bflag:$0x0] =	sbarrier.arrive $0xFFFF  }
0x70: {  	_ =	strace $0x9000004A  }
0x71: {  	[bflag:$0x2] =	sbarrier.arrive $0xFFFF  }
0x72: {  	p0 =	sne.s32 s0, $0x0;
	s0 =	rddreg [dreg:$0x2]  }
0x73: {  	s0 =	sadd.s32 @!p0 $0x100000, s0  }
0x74: {  	[sflag:s0] =	ssyncadd.tile.s32 @!p0 $0x1;
	_ =	shalt  }
.Lfunc_end2:
_tile_overlayer_lowered:
.L_overlay_start_2:
0x75: {  	(tag) =	ssettag $0x2  }
0x76: {  	s0 =	rddreg [dreg:$0x0];
	s2 =	stileid.u32  }
0x77: {  	s1 =	rddreg [dreg:$0x1];
	p0 =	sne.s32 s2, $0x0  }
0x78: {  	s3 =	rddreg [dreg:$0x2];
	[bflag:$0x3] =	sbarrier.arrive $0xFFFF;
	s2 =	simm.s32 @!p0 $0x1C01  }
0x79: {  	[timem:s3], [sflag:s2] =	dma.local @!p0 [hbm:s0], s1  }
0x7a: {  	s0 =	simm.s32 @!p0 $0x1  }
0x7b: {  	_ =	swait.ge @!p0 [sflag:s0], s1  }
0x7c: {  	s1 =	ssub.s32 @!p0 $0x0, s1;
	[sflag:s0] =	ssyncset.done @!p0 $0x0  }
0x7d: {  	[sflag:s0] =	ssyncadd.s32 @!p0 s1  }
0x7e: {  	[bflag:$0x3] =	sbarrier.arrive $0xFFFF  }
0x7f: {  	_ =	shalt  }

// kernel: kernel.17.cloned.1.call-start
scs
__scs_entry_jumppad:
0x0: {  	(pc) =	sbr.rel $0x88, $3  }
0x1: {  	(tag) =	ssettag $0x0;
	lr =	simm.s32 $0x1  }
0x2: {  	[smem:$0x3F81] =	sst lr;
	_ =	strace $0xD0000000  }
0x3: {  	_ = 	snop  }
0x4: {  	_ = 	snop  }
0x5: {  	_ = 	snop  }
0x6: {  	_ = 	snop  }
0x7: {  	_ = 	snop  }
__scs_overlays_trampoline_lowered:
0x8: {  	[smem:$0x3F90] =	sst s0  }
0x9: {  	[smem:$0x3F91] =	sst s1  }
0xa: {  	[smem:$0x3F92] =	sst s2  }
0xb: {  	[smem:$0x3F93] =	sst s3  }
0xc: {  	[smem:$0x3F94] =	sst s4  }
0xd: {  	[smem:$0x3F95] =	sst s5  }
0xe: {  	[smem:$0x3F96] =	sst s6  }
0xf: {  	[smem:$0x3F97] =	sst s7  }
0x10: {  	[smem:$0x3F98] =	sst s8  }
0x11: {  	[smem:$0x3F99] =	sst s9;
	s0 =	simm.s32 @!p0 $0x0  }
0x12: {  	s1 =	sld [smem:$0x3F7F];
	s0 =	simm.s32 @p0 $0x1  }
0x13: {  	[smem:$0x3F9A] =	sst s0;
	s0 =	simm.s32 @!p1 $0x0  }
0x14: {  	s2 =	sld [smem:$0x3F7E];
	s0 =	simm.s32 @p1 $0x1  }
0x15: {  	[smem:$0x3F9B] =	sst s0;
	s0 =	simm.s32 @!p2 $0x0  }
0x16: {  	s3 =	sld [smem:$0x3FDB];
	s0 =	simm.s32 @p2 $0x1  }
0x17: {  	s4 =	simm.s32 $0x1BF5;
	[smem:$0x3F9D] =	sst s0  }
0x18: {  	s0 =	sld [smem:$0x3F80];
	_ =	swait.ge [sflag:s4], $0x0  }
0x19: {  	s7 =	sld [smem:$0x3F81]  }
0x1a: {  	s8 =	sadd.s32 $0xFFFFE003, lr  }
0x1b: {  	s9 =	sadd.s32 $0xFFFFFEF7, lr;
	s5 =	simm.s32 $0xFFFFFFFF;
	p2 =	slt.u32 s8, $0xFFFFF086  }
0x1c: {  	p1 =	slt.u32 s9, $0xF7A;
	s5 =	simm.s32 @!p2 $0x0  }
0x1d: {  	s5 =	simm.s32 @p1 $0x1;
	p0 =	seq.s32 s7, s2  }
0x1e: {  	s7 =	smul.u32 @!p0 $0xF7A, s2;
	p2 =	seq.s32 @!p0 s5, $0x0  }
0x1f: {  	s9 =	smul.u32 $0xF7A, s1;
	s8 =	simm.s32 @!p0 $0x1BF5;
	p2 =	por !p2, p0  }
0x20: {  	[sflag:s8] =	ssyncset.s32 @!p0 $0xFFFFF086;
	s6 =	sadd.s32 @!p0 s3, s7;
	s7 =	simm.s32 @!p0 $0x108  }
0x21: {  	s3 =	sadd.s32 s3, s9;
	s6 =	sadd.s32 @!p0 $0x88, s6;
	s7 =	simm.s32 @p2 $0x1082  }
0x22: {  	[simem:s7], [sflag:s8] =	dma.local @!p0 [hbm:s6], $0xF7A  }
0x23: {  	s9 =	sor.u32 $0xD0000000, s2;
	s6 =	simm.s32 $0x108;
	_ =	swait.ge @!p0 [sflag:s8], $0x0  }
0x24: {  	s3 =	sadd.s32 $0x88, s3;
	s6 =	simm.s32 @!p1 $0x1082;
	[sflag:s4] =	ssyncset.s32 $0xFFFFF086  }
0x25: {  	[simem:s6], [sflag:s4] =	dma.local [hbm:s3], $0xF7A  }
0x26: {  	[smem:$0x3F81] =	sst s1;
	(tag) =	ssettag s2;
	_ =	strace s9  }
0x27: {  	s1 =	sld [smem:$0x3F91]  }
0x28: {  	s2 =	sld [smem:$0x3F92]  }
0x29: {  	s4 =	sld [smem:$0x3F94]  }
0x2a: {  	p0 =	seq.s32 s5, $0x0;
	s5 =	sld [smem:$0x3F95]  }
0x2b: {  	s6 =	sld [smem:$0x3F96]  }
0x2c: {  	s7 =	sld [smem:$0x3F97]  }
0x2d: {  	s3 =	simm.s32 $0x108;
	s8 =	sld [smem:$0x3F98]  }
0x2e: {  	s3 =	simm.s32 @!p0 $0x1082;
	s9 =	sld [smem:$0x3F99]  }
0x2f: {  	lr =	sadd.s32 s0, s3;
	s0 =	sld [smem:$0x3F90]  }
0x30: {  	s3 =	sld [smem:$0x3F93]  }
0x31: {  	[smem:$0x3F9C] =	sst s10  }
0x32: {  	s10 =	sld [smem:$0x3F9A];
	_ =	sdelay $0x3  }
0x33: {  	p0 =	seq.s32 s10, $0x1;
	s10 =	sld [smem:$0x3F9C];
	_ =	sdelay $0x3  }
0x34: {  	[smem:$0x3F9C] =	sst s10  }
0x35: {  	s10 =	sld [smem:$0x3F9B];
	_ =	sdelay $0x3  }
0x36: {  	p1 =	seq.s32 s10, $0x1;
	s10 =	sld [smem:$0x3F9C];
	_ =	sdelay $0x3  }
0x37: {  	[smem:$0x3F9C] =	sst s10  }
0x38: {  	s10 =	sld [smem:$0x3F9D]  }
0x39: {  	_ = 	snop;
	(pc) =	sbr.ind lr, $3  }
0x3a: {  	_ = 	snop  }
0x3b: {  	_ = 	snop  }
0x3c: {  	p2 =	seq.s32 s10, $0x1;
	s10 =	sld [smem:$0x3F9C]  }
0x3d: {  	_ =	shalt  }
0x3e: {  	_ =	shalt  }
0x3f: {  	_ =	shalt  }
0x40: {  	_ =	shalt  }
0x41: {  	_ =	shalt  }
0x42: {  	_ =	shalt  }
0x43: {  	_ =	shalt  }
0x44: {  	_ =	shalt  }
0x45: {  	_ =	shalt  }
0x46: {  	_ =	shalt  }
0x47: {  	_ =	shalt  }
0x48: {  	_ =	shalt  }
0x49: {  	_ =	shalt  }
0x4a: {  	_ =	shalt  }
0x4b: {  	_ =	shalt  }
0x4c: {  	_ =	shalt  }
0x4d: {  	_ =	shalt  }
0x4e: {  	_ =	shalt  }
0x4f: {  	_ =	shalt  }
0x50: {  	_ =	shalt  }
0x51: {  	_ =	shalt  }
0x52: {  	_ =	shalt  }
0x53: {  	_ =	shalt  }
0x54: {  	_ =	shalt  }
0x55: {  	_ =	shalt  }
0x56: {  	_ =	shalt  }
0x57: {  	_ =	shalt  }
0x58: {  	_ =	shalt  }
0x59: {  	_ =	shalt  }
0x5a: {  	_ =	shalt  }
0x5b: {  	_ =	shalt  }
0x5c: {  	_ =	shalt  }
0x5d: {  	_ =	shalt  }
0x5e: {  	_ =	shalt  }
0x5f: {  	_ =	shalt  }
0x60: {  	_ =	shalt  }
0x61: {  	_ =	shalt  }
0x62: {  	_ =	shalt  }
0x63: {  	_ =	shalt  }
0x64: {  	_ =	shalt  }
0x65: {  	_ =	shalt  }
0x66: {  	_ =	shalt  }
0x67: {  	_ =	shalt  }
0x68: {  	_ =	shalt  }
0x69: {  	_ =	shalt  }
0x6a: {  	_ =	shalt  }
0x6b: {  	_ =	shalt  }
0x6c: {  	_ =	shalt  }
0x6d: {  	_ =	shalt  }
0x6e: {  	_ =	shalt  }
0x6f: {  	_ =	shalt  }
0x70: {  	_ =	shalt  }
0x71: {  	_ =	shalt  }
0x72: {  	_ =	shalt  }
0x73: {  	_ =	shalt  }
0x74: {  	_ =	shalt  }
0x75: {  	_ =	shalt  }
0x76: {  	_ =	shalt  }
0x77: {  	_ =	shalt  }
0x78: {  	_ =	shalt  }
0x79: {  	_ =	shalt  }
0x7a: {  	_ =	shalt  }
0x7b: {  	_ =	shalt  }
0x7c: {  	_ =	shalt  }
0x7d: {  	_ =	shalt  }
0x7e: {  	_ =	shalt  }
0x7f: {  	_ =	shalt  }
0x80: {  	_ =	shalt  }
0x81: {  	_ =	shalt  }
0x82: {  	_ =	shalt  }
0x83: {  	_ =	shalt  }
0x84: {  	_ =	shalt  }
0x85: {  	_ =	shalt  }
0x86: {  	_ =	shalt  }
0x87: {  	_ =	shalt  }
.Lfunc_end0:
.L_simem_size_0:
called_computation.2_lowered:
.L_overlay_start_0:
0x88: {  	s2 =	sld [smem:$0x3FD9]  }
0x89: {  	s3 =	sld [smem:$0x3FFE];
	_ =	sdelay $0x1  }
0x8a: {  	s1 =	srdreg.scid  }
0x8b: {  	s0 =	sand.u32 $0x1, s1  }
0x8c: {  	s16 =	sshll.u32 s0, $0xA;
	s2 =	sadd.s32 s3, s2  }
0x8d: {  	s2 =	sadd.s32 s2, s16  }
0x8e: {  	[smem:$0x3FA8] =	sst s2  }
0x8f: {  	_ = 	snop  }
0x90: {  	(tm) =	ssettm $0x1  }
0x91: {  	s17 =	sld [smem:$0x3FFB];
	_ =	sdelay $0x3  }
0x92: {  	_ =	strace s17  }
0x93: {  	s2 =	sld [smem:$0x3FFC];
	_ =	sdelay $0x3  }
0x94: {  	_ =	strace s2  }
0x95: {  	s2 =	sld [smem:$0x3FFD];
	_ =	sdelay $0x3  }
0x96: {  	_ =	strace s2  }
0x97: {  	_ =	strace $0x8FFFFFFF  }
0x98: {  	s18 =	sld [smem:$0x3FDB];
	_ =	sdelay $0x1  }
0x99: {  	s19 =	simm.s32 $_scs_section_size  }
0x9a: {  	s4 =	simm.s32 $_size__tile_overlayer_lowered;
	s5 =	simm.s32 $_tile_overlayer_lowered  }
0x9b: {  	s22 =	simm.s32 $0x1BFF;
	s21 =	sshll.u32 s5, $0x1;
	s2 =	sadd.s32 s19, s18  }
0x9c: {  	s6 =	simm.s32 $0x0;
	s20 =	sshll.u32 s4, $0x1;
	s4 =	sadd.s32 s21, s2  }
0x9d: {  	[timem:s6], [sflag:s22] =	dma.local [hbm:s4], s20  }
0x9e: {  	_ =	swait.ge [sflag:s22], s20  }
0x9f: {  	s3 =	ssub.s32 $0x0, s20;
	[sflag:s22] =	ssyncset.done $0x0  }
0xa0: {  	[sflag:s22] =	ssyncadd.s32 s3;
	_ =	sdelay $0x1  }
0xa1: {  	s23 =	simm.s32 $0x1B8B  }
0xa2: {  	_ =	swait.ge [sflag:s23], $0x1  }
0xa3: {  	[sflag:s23] =	ssyncset.done $0x0  }
0xa4: {  	s25 =	simm.s32 $0x1B8E;
	s24 =	sld [smem:$0x3FFE];
	[sflag:s23] =	ssyncadd.s32 $0xFFFFFFFF  }
0xa5: {  	s26 =	simm.s32 $execute0_lowered;
	[smem:$0x3FD2] =	sst s25  }
0xa6: {  	s4 =	sshll.u32 s26, $0x1;
	_ =	strace $0x8000004C;
	[dreg:$0x1] =	wrdreg $0xFFFFFFFF  }
0xa7: {  	s28 =	simm.s32 $_size_execute0_lowered;
	s2 =	sadd.s32 s2, s4;
	[dreg:$0x0] =	wrdreg $0x0  }
0xa8: {  	s4 =	sshll.u32 s28, $0x1;
	[dreg:$0x2] =	wrdreg s2  }
0xa9: {  	[dreg:$0x3] =	wrdreg s4  }
0xaa: {  	[dreg:$0x4] =	wrdreg $0xC0  }
0xab: {  	_ =	task [dreg:s6], $0x5FFFF  }
0xac: {  	[dreg:$0x1] =	wrdreg $0xFFFFFFFF  }
0xad: {  	[dreg:$0x0] =	wrdreg $0x60  }
0xae: {  	[dreg:$0x2] =	wrdreg s24  }
0xaf: {  	[dreg:$0x3] =	wrdreg $0x9  }
0xb0: {  	_ =	task.clear_ibuf [dreg:s6], $0x4FFFF;
	_ =	strace $0x9000004C  }
0xb1: {  	s29 =	simm.s32 $0x9;
	_ =	strace $0x8000004E  }
0xb2: {  	_ =	swait.ge [sflag:s29], $0x1  }
0xb3: {  	[sflag:s29] =	ssyncadd.s32 $0xFFFFFFFF  }
0xb4: {  	_ =	strace $0x9000004E  }
0xb5: {  	_ =	sfence  }
0xb6: {  	s30 =	sld [smem:$0x0];
	_ =	sdelay $0x2  }
0xb7: {  	s31 =	sshll.u32 s1, $0xD;
	s1 =	sshrl.u32 s1, $0x2  }
0xb8: {  	s3 =	sand.u32 $0x4000, s31;
	s1 =	sadd.s32 s1, s30  }
0xb9: {  	s0 =	sor.u32 s3, s0;
	s1 =	sshll.u32 s1, $0x11  }
0xba: {  	s0 =	sor.u32 s1, s0  }
0xbb: {  	s0 =	sadd.s32 $0x8F2B, s0  }
0xbc: {  	[sflag:s0] =	ssyncadd.remote.s32 $0x1  }
0xbd: {  	_ =	sfence.sel $0xFFFF  }
0xbe: {  	[dreg:$0x0] =	wrdreg $0xFFFFFFFF;
	(pc) =	sbr.abs _section_cstart, $3  }
0xbf: {  	[dreg:$0x1] =	wrdreg $0xFFFFFFFF  }
0xc0: {  	_ =	task.clear_ibuf [dreg:s6], $0x2FFFF;
	_ =	strace $0x9FFFFFFF  }
0xc1: {  	(tm) =	ssettm $0x7FFFFFFF  }
tec
execute0_lowered:
.L_overlay_start_1:
0x0: {  	(tag) =	ssettag $0x1  }
0x1: {  	s0 =	srdreg.scid  }
0x2: {  	s7 =	stileid.u32;
	s5 =	rddreg [dreg:$0x0];
	s2 =	simm.s32 $0x0  }
0x3: {  	s9 =	simm.s32 $0x400;
	s10 =	simm.s32 $0x7D;
	s11 =	simm.s32 $0x800  }
0x4: {  	s12 =	simm.s32 $0x1;
	s23 =	simm.s32 $0x80;
	s13 =	simm.s32 $0x2740  }
0x5: {  	s24 =	simm.s32 $0x100;
	s14 =	simm.s32 $0x4680;
	s25 =	simm.s32 $0x180  }
0x6: {  	s15 =	simm.s32 $0x65C0;
	s26 =	simm.s32 $0x200;
	s16 =	simm.s32 $0x8500  }
0x7: {  	s30 =	simm.s32 $0x280;
	s17 =	simm.s32 $0xA440;
	s31 =	simm.s32 $0x300  }
0x8: {  	s18 =	simm.s32 $0xC380;
	s19 =	simm.s32 $0x380;
	[smem:$0x7FF] =	sst s2  }
0x9: {  	s20 =	simm.s32 $0xE2C0;
	_ =	strace $0x8000004D;
	[dreg:$0x4] =	wrdreg s23  }
0xa: {  	s28 =	simm.s32 $0x780;
	s29 =	simm.s32 $0x0;
	[dreg:$0x5] =	wrdreg s24  }
0xb: {  	s0 =	sand.u32 $0x1, s0;
	s1 =	smul.u32 $0x4E20, s7;
	[dreg:$0x6] =	wrdreg s25  }
0xc: {  	s4 =	sadd.s32 $0x1AA00, s5;
	s3 =	smul.u32 $0x2710, s0;
	[dreg:$0x7] =	wrdreg s26  }
0xd: {  	s7 =	smul.u32 $0x27100, s7;
	s6 =	ssub.s32 $0x2, s0;
	[dreg:$0x8] =	wrdreg s30  }
0xe: {  	s0 =	smul.u32 $0x13880, s0;
	[dreg:$0x9] =	wrdreg s31;
	s1 =	sadd.s32 s3, s1  }
0xf: {  	s23 =	simm.s32 $0x580;
	s24 =	simm.s32 $0x600;
	s1 =	smulhi.u32 $0x20C49BB, s1  }
0x10: {  	s25 =	simm.s32 $0x680;
	s26 =	simm.s32 $0x700;
	s8 =	sshrl.u32 s6, $0x1  }
0x11: {  	s3 =	sadd.s32 $0x7000, s5;
	s6 =	ssub.s32 s6, s8;
	s1 =	sshll.u32 s1, $0x4  }
0x12: {  	s8 =	simm.s32 $0x2;
	s6 =	smax.u32 s6, $0x1;
	s1 =	sadd.s32 s1, s5  }
0x13: {  	[dreg:$0xa] =	wrdreg s6;
	s5 =	sadd.s32 s7, s5;
	s21 =	sadd.s32 $0x39800, s1  }
0x14: {  	s1 =	sadd.s32 $0x2F800, s1;
	s0 =	sadd.s32 s0, s5;
	[dreg:$0x2] =	wrdreg s21  }
0x15: {  	[dreg:$0x3] =	wrdreg s1;
	s22 =	sadd.s32 $0x2B4800, s0;
	s7 =	sadd.s32 $0x43800, s0  }
0x16: {  	s21 =	simm.s32 $0x480;
	[dreg:$0xb] =	wrdreg s22;
	s22 =	simm.s32 $0x500  }
.LBB2_1:
0x17: {  	s0 =	rddreg [dreg:$0x3]  }
0x18: {  	s0 =	sadd.s32 $0x0, s0  }
0x19: {  	[tilespmem:s2], [sflag:$0x2] =	stream.linear.gather [hbm4b:s0+s2], $0x400, $0x38;
	[tilespmem:$0x10200] =	vst v63  }
0x1a: {  	_ =	swait.ge [sflag:s8], $0x400  }
0x1b: {  	s6 =	rddreg [dreg:$0x2];
	[sflag:s8] =	ssyncset.done $0x0  }
0x1c: {  	[sflag:s8] =	ssyncadd.s32 $0xFFFFFC00;
	s0 =	sadd.s32 $0x0, s6  }
0x1d: {  	[tilespmem:s9], [sflag:$0x2] =	stream.linear.gather [hbm4b:s0+s2], $0x400, $0x38;
	[tilespmem:$0x10200] =	vst v63  }
0x1e: {  	_ =	swait.ge [sflag:s8], $0x400  }
0x1f: {  	[sflag:s8] =	ssyncset.done $0x0  }
0x20: {  	[sflag:s8] =	ssyncadd.s32 $0xFFFFFC00  }
0x21: {  	[tilespmem:s11], [sflag:$0x1] =	stream.indirect.gather [hbm4b:s3+s10], $0x40, s2, s10, $0xb8;
	[tilespmem:$0x10200] =	vst v63  }
0x22: {  	_ =	swait.ge [sflag:s12], $0x1F40  }
0x23: {  	[sflag:s12] =	ssyncset.done $0x0  }
0x24: {  	s1 =	rddreg [dreg:$0x4];
	[sflag:s12] =	ssyncadd.s32 $0xFFFFE0C0  }
0x25: {  	[tilespmem:s13], [sflag:$0x1] =	stream.indirect.gather [hbm4b:s3+s10], $0x40, s1, s10, $0xb8;
	[tilespmem:$0x10200] =	vst v63  }
0x26: {  	_ =	swait.ge [sflag:s12], $0x1F40  }
0x27: {  	[sflag:s12] =	ssyncset.done $0x0  }
0x28: {  	s5 =	rddreg [dreg:$0x5];
	[sflag:s12] =	ssyncadd.s32 $0xFFFFE0C0  }
0x29: {  	[tilespmem:s14], [sflag:$0x1] =	stream.indirect.gather [hbm4b:s3+s10], $0x40, s5, s10, $0xb8;
	[tilespmem:$0x10200] =	vst v63  }
0x2a: {  	_ =	swait.ge [sflag:s12], $0x1F40  }
0x2b: {  	[sflag:s12] =	ssyncset.done $0x0  }
0x2c: {  	s6 =	rddreg [dreg:$0x6];
	[sflag:s12] =	ssyncadd.s32 $0xFFFFE0C0  }
0x2d: {  	[tilespmem:s15], [sflag:$0x1] =	stream.indirect.gather [hbm4b:s3+s10], $0x40, s6, s10, $0xb8;
	[tilespmem:$0x10200] =	vst v63  }
0x2e: {  	_ =	swait.ge [sflag:s12], $0x1F40  }
0x2f: {  	[sflag:s12] =	ssyncset.done $0x0  }
0x30: {  	s1 =	rddreg [dreg:$0x7];
	[sflag:s12] =	ssyncadd.s32 $0xFFFFE0C0  }
0x31: {  	[tilespmem:s16], [sflag:$0x1] =	stream.indirect.gather [hbm4b:s3+s10], $0x40, s1, s10, $0xb8;
	[tilespmem:$0x10200] =	vst v63  }
0x32: {  	_ =	swait.ge [sflag:s12], $0x1F40  }
0x33: {  	[sflag:s12] =	ssyncset.done $0x0  }
0x34: {  	s5 =	rddreg [dreg:$0x8];
	[sflag:s12] =	ssyncadd.s32 $0xFFFFE0C0  }
0x35: {  	[tilespmem:s17], [sflag:$0x1] =	stream.indirect.gather [hbm4b:s3+s10], $0x40, s5, s10, $0xb8;
	[tilespmem:$0x10200] =	vst v63  }
0x36: {  	_ =	swait.ge [sflag:s12], $0x1F40  }
0x37: {  	[sflag:s12] =	ssyncset.done $0x0  }
0x38: {  	s6 =	rddreg [dreg:$0x9];
	[sflag:s12] =	ssyncadd.s32 $0xFFFFE0C0  }
0x39: {  	[tilespmem:s18], [sflag:$0x1] =	stream.indirect.gather [hbm4b:s3+s10], $0x40, s6, s10, $0xb8;
	[tilespmem:$0x10200] =	vst v63  }
0x3a: {  	_ =	swait.ge [sflag:s12], $0x1F40  }
0x3b: {  	[sflag:s12] =	ssyncset.done $0x0  }
0x3c: {  	[sflag:s12] =	ssyncadd.s32 $0xFFFFE0C0  }
0x3d: {  	[tilespmem:s20], [sflag:$0x1] =	stream.indirect.gather [hbm4b:s3+s10], $0x40, s19, s10, $0xb8;
	[tilespmem:$0x10200] =	vst v63  }
0x3e: {  	_ =	swait.ge [sflag:s12], $0x1F40  }
0x3f: {  	[sflag:s12] =	ssyncset.done $0x0  }
0x40: {  	[sflag:s12] =	ssyncadd.s32 $0xFFFFE0C0  }
0x41: {  	[hbm4b:s7+s2] =	stream.linear.scatter [tilespmem:s11], [sflag:$0x2], $0xFA00, $0x38;
	[tilespmem:$0x10200] =	vst v63  }
0x42: {  	_ =	swait.ge [sflag:s8], $0xFA00  }
0x43: {  	[sflag:s8] =	ssyncset.done $0x0  }
0x44: {  	[sflag:s8] =	ssyncadd.s32 $0xFFFF0600  }
0x45: {  	[tilespmem:s11], [sflag:$0x1] =	stream.indirect.gather [hbm4b:s4+s10], $0x40, s9, s10, $0xb8;
	[tilespmem:$0x10200] =	vst v63  }
0x46: {  	_ =	swait.ge [sflag:s12], $0x1F40  }
0x47: {  	[sflag:s12] =	ssyncset.done $0x0  }
0x48: {  	[sflag:s12] =	ssyncadd.s32 $0xFFFFE0C0  }
0x49: {  	[tilespmem:s13], [sflag:$0x1] =	stream.indirect.gather [hbm4b:s4+s10], $0x40, s21, s10, $0xb8;
	[tilespmem:$0x10200] =	vst v63  }
0x4a: {  	_ =	swait.ge [sflag:s12], $0x1F40  }
0x4b: {  	[sflag:s12] =	ssyncset.done $0x0  }
0x4c: {  	[sflag:s12] =	ssyncadd.s32 $0xFFFFE0C0  }
0x4d: {  	[tilespmem:s14], [sflag:$0x1] =	stream.indirect.gather [hbm4b:s4+s10], $0x40, s22, s10, $0xb8;
	[tilespmem:$0x10200] =	vst v63  }
0x4e: {  	_ =	swait.ge [sflag:s12], $0x1F40  }
0x4f: {  	[sflag:s12] =	ssyncset.done $0x0  }
0x50: {  	[sflag:s12] =	ssyncadd.s32 $0xFFFFE0C0  }
0x51: {  	[tilespmem:s15], [sflag:$0x1] =	stream.indirect.gather [hbm4b:s4+s10], $0x40, s23, s10, $0xb8;
	[tilespmem:$0x10200] =	vst v63  }
0x52: {  	_ =	swait.ge [sflag:s12], $0x1F40  }
0x53: {  	[sflag:s12] =	ssyncset.done $0x0  }
0x54: {  	[sflag:s12] =	ssyncadd.s32 $0xFFFFE0C0  }
0x55: {  	[tilespmem:s16], [sflag:$0x1] =	stream.indirect.gather [hbm4b:s4+s10], $0x40, s24, s10, $0xb8;
	[tilespmem:$0x10200] =	vst v63  }
0x56: {  	_ =	swait.ge [sflag:s12], $0x1F40  }
0x57: {  	[sflag:s12] =	ssyncset.done $0x0  }
0x58: {  	[sflag:s12] =	ssyncadd.s32 $0xFFFFE0C0  }
0x59: {  	[tilespmem:s17], [sflag:$0x1] =	stream.indirect.gather [hbm4b:s4+s10], $0x40, s25, s10, $0xb8;
	[tilespmem:$0x10200] =	vst v63  }
0x5a: {  	_ =	swait.ge [sflag:s12], $0x1F40  }
0x5b: {  	[sflag:s12] =	ssyncset.done $0x0  }
0x5c: {  	[sflag:s12] =	ssyncadd.s32 $0xFFFFE0C0  }
0x5d: {  	[tilespmem:s18], [sflag:$0x1] =	stream.indirect.gather [hbm4b:s4+s10], $0x40, s26, s10, $0xb8;
	[tilespmem:$0x10200] =	vst v63  }
0x5e: {  	_ =	swait.ge [sflag:s12], $0x1F40  }
0x5f: {  	[sflag:s12] =	ssyncset.done $0x0  }
0x60: {  	[sflag:s12] =	ssyncadd.s32 $0xFFFFE0C0  }
0x61: {  	[tilespmem:s20], [sflag:$0x1] =	stream.indirect.gather [hbm4b:s4+s10], $0x40, s28, s10, $0xb8;
	[tilespmem:$0x10200] =	vst v63  }
0x62: {  	_ =	swait.ge [sflag:s12], $0x1F40  }
0x63: {  	[sflag:s12] =	ssyncset.done $0x0  }
0x64: {  	s30 =	rddreg [dreg:$0xb];
	[sflag:s12] =	ssyncadd.s32 $0xFFFFE0C0  }
0x65: {  	[hbm4b:s30+s2] =	stream.linear.scatter [tilespmem:s11], [sflag:$0x2], $0xFA00, $0x38;
	[tilespmem:$0x10200] =	vst v63  }
0x66: {  	s31 =	smov.u32 s7;
	s0 =	simm.s32 $0x100;
	_ =	swait.ge [sflag:s8], $0xFA00  }
0x67: {  	s1 =	simm.s32 $0x80;
	s5 =	rddreg [dreg:$0x3];
	[sflag:s8] =	ssyncset.done $0x0  }
.LBB2_2:
0x68: {  	[sflag:s8] =	ssyncadd.s32 $0xFFFF0600;
	s5 =	sadd.s32 s1, s5  }
0x69: {  	[tilespmem:s2], [sflag:$0x2] =	stream.linear.gather [hbm4b:s5+s2], $0x400, $0x38;
	[tilespmem:$0x10200] =	vst v63  }
0x6a: {  	_ =	swait.ge [sflag:s8], $0x400  }
0x6b: {  	s5 =	rddreg [dreg:$0x2];
	[sflag:s8] =	ssyncset.done $0x0  }
0x6c: {  	[sflag:s8] =	ssyncadd.s32 $0xFFFFFC00;
	s5 =	sadd.s32 s1, s5  }
0x6d: {  	[tilespmem:s9], [sflag:$0x2] =	stream.linear.gather [hbm4b:s5+s2], $0x400, $0x38;
	[tilespmem:$0x10200] =	vst v63  }
0x6e: {  	_ =	swait.ge [sflag:s8], $0x400  }
0x6f: {  	[sflag:s8] =	ssyncset.done $0x0  }
0x70: {  	[sflag:s8] =	ssyncadd.s32 $0xFFFFFC00  }
0x71: {  	[tilespmem:s11], [sflag:$0x1] =	stream.indirect.gather [hbm4b:s3+s10], $0x40, s2, s10, $0xb8;
	[tilespmem:$0x10200] =	vst v63  }
0x72: {  	_ =	swait.ge [sflag:s12], $0x1F40  }
0x73: {  	s6 =	smov.u32 s0;
	[sflag:s12] =	ssyncset.done $0x0  }
0x74: {  	s1 =	smov.u32 s6;
	s6 =	rddreg [dreg:$0x4];
	[sflag:s12] =	ssyncadd.s32 $0xFFFFE0C0  }
0x75: {  	[tilespmem:s13], [sflag:$0x1] =	stream.indirect.gather [hbm4b:s3+s10], $0x40, s6, s10, $0xb8;
	[tilespmem:$0x10200] =	vst v63  }
0x76: {  	_ =	swait.ge [sflag:s12], $0x1F40  }
0x77: {  	[sflag:s12] =	ssyncset.done $0x0  }
0x78: {  	s6 =	rddreg [dreg:$0x5];
	[sflag:s12] =	ssyncadd.s32 $0xFFFFE0C0  }
0x79: {  	[tilespmem:s14], [sflag:$0x1] =	stream.indirect.gather [hbm4b:s3+s10], $0x40, s6, s10, $0xb8;
	[tilespmem:$0x10200] =	vst v63  }
0x7a: {  	_ =	swait.ge [sflag:s12], $0x1F40  }
0x7b: {  	[sflag:s12] =	ssyncset.done $0x0  }
0x7c: {  	s6 =	rddreg [dreg:$0x6];
	[sflag:s12] =	ssyncadd.s32 $0xFFFFE0C0  }
0x7d: {  	[tilespmem:s15], [sflag:$0x1] =	stream.indirect.gather [hbm4b:s3+s10], $0x40, s6, s10, $0xb8;
	[tilespmem:$0x10200] =	vst v63  }
0x7e: {  	_ =	swait.ge [sflag:s12], $0x1F40  }
0x7f: {  	[sflag:s12] =	ssyncset.done $0x0  }
0x80: {  	s6 =	rddreg [dreg:$0x7];
	[sflag:s12] =	ssyncadd.s32 $0xFFFFE0C0  }
0x81: {  	[tilespmem:s16], [sflag:$0x1] =	stream.indirect.gather [hbm4b:s3+s10], $0x40, s6, s10, $0xb8;
	[tilespmem:$0x10200] =	vst v63  }
0x82: {  	_ =	swait.ge [sflag:s12], $0x1F40  }
0x83: {  	[sflag:s12] =	ssyncset.done $0x0  }
0x84: {  	s6 =	rddreg [dreg:$0x8];
	[sflag:s12] =	ssyncadd.s32 $0xFFFFE0C0  }
0x85: {  	[tilespmem:s17], [sflag:$0x1] =	stream.indirect.gather [hbm4b:s3+s10], $0x40, s6, s10, $0xb8;
	[tilespmem:$0x10200] =	vst v63  }
0x86: {  	_ =	swait.ge [sflag:s12], $0x1F40  }
0x87: {  	[sflag:s12] =	ssyncset.done $0x0  }
0x88: {  	s6 =	rddreg [dreg:$0x9];
	[sflag:s12] =	ssyncadd.s32 $0xFFFFE0C0  }
0x89: {  	[tilespmem:s18], [sflag:$0x1] =	stream.indirect.gather [hbm4b:s3+s10], $0x40, s6, s10, $0xb8;
	[tilespmem:$0x10200] =	vst v63  }
0x8a: {  	_ =	swait.ge [sflag:s12], $0x1F40  }
0x8b: {  	[sflag:s12] =	ssyncset.done $0x0  }
0x8c: {  	[sflag:s12] =	ssyncadd.s32 $0xFFFFE0C0  }
0x8d: {  	[tilespmem:s20], [sflag:$0x1] =	stream.indirect.gather [hbm4b:s3+s10], $0x40, s19, s10, $0xb8;
	[tilespmem:$0x10200] =	vst v63  }
0x8e: {  	_ =	swait.ge [sflag:s12], $0x1F40  }
0x8f: {  	[sflag:s12] =	ssyncset.done $0x0  }
0x90: {  	s31 =	sadd.s32 $0x1F40, s31;
	[sflag:s12] =	ssyncadd.s32 $0xFFFFE0C0  }
0x91: {  	[hbm4b:s31+s2] =	stream.linear.scatter [tilespmem:s11], [sflag:$0x2], $0xFA00, $0x38;
	[tilespmem:$0x10200] =	vst v63  }
0x92: {  	_ =	swait.ge [sflag:s8], $0xFA00  }
0x93: {  	[sflag:s8] =	ssyncset.done $0x0  }
0x94: {  	[sflag:s8] =	ssyncadd.s32 $0xFFFF0600  }
0x95: {  	[tilespmem:s11], [sflag:$0x1] =	stream.indirect.gather [hbm4b:s4+s10], $0x40, s9, s10, $0xb8;
	[tilespmem:$0x10200] =	vst v63  }
0x96: {  	_ =	swait.ge [sflag:s12], $0x1F40  }
0x97: {  	[sflag:s12] =	ssyncset.done $0x0  }
0x98: {  	[sflag:s12] =	ssyncadd.s32 $0xFFFFE0C0  }
0x99: {  	[tilespmem:s13], [sflag:$0x1] =	stream.indirect.gather [hbm4b:s4+s10], $0x40, s21, s10, $0xb8;
	[tilespmem:$0x10200] =	vst v63  }
0x9a: {  	_ =	swait.ge [sflag:s12], $0x1F40  }
0x9b: {  	[sflag:s12] =	ssyncset.done $0x0  }
0x9c: {  	[sflag:s12] =	ssyncadd.s32 $0xFFFFE0C0  }
0x9d: {  	[tilespmem:s14], [sflag:$0x1] =	stream.indirect.gather [hbm4b:s4+s10], $0x40, s22, s10, $0xb8;
	[tilespmem:$0x10200] =	vst v63  }
0x9e: {  	_ =	swait.ge [sflag:s12], $0x1F40  }
0x9f: {  	[sflag:s12] =	ssyncset.done $0x0  }
0xa0: {  	[sflag:s12] =	ssyncadd.s32 $0xFFFFE0C0  }
0xa1: {  	[tilespmem:s15], [sflag:$0x1] =	stream.indirect.gather [hbm4b:s4+s10], $0x40, s23, s10, $0xb8;
	[tilespmem:$0x10200] =	vst v63  }
0xa2: {  	_ =	swait.ge [sflag:s12], $0x1F40  }
0xa3: {  	[sflag:s12] =	ssyncset.done $0x0  }
0xa4: {  	[sflag:s12] =	ssyncadd.s32 $0xFFFFE0C0  }
0xa5: {  	[tilespmem:s16], [sflag:$0x1] =	stream.indirect.gather [hbm4b:s4+s10], $0x40, s24, s10, $0xb8;
	[tilespmem:$0x10200] =	vst v63  }
0xa6: {  	_ =	swait.ge [sflag:s12], $0x1F40  }
0xa7: {  	[sflag:s12] =	ssyncset.done $0x0  }
0xa8: {  	[sflag:s12] =	ssyncadd.s32 $0xFFFFE0C0  }
0xa9: {  	[tilespmem:s17], [sflag:$0x1] =	stream.indirect.gather [hbm4b:s4+s10], $0x40, s25, s10, $0xb8;
	[tilespmem:$0x10200] =	vst v63  }
0xaa: {  	_ =	swait.ge [sflag:s12], $0x1F40  }
0xab: {  	[sflag:s12] =	ssyncset.done $0x0  }
0xac: {  	[sflag:s12] =	ssyncadd.s32 $0xFFFFE0C0  }
0xad: {  	[tilespmem:s18], [sflag:$0x1] =	stream.indirect.gather [hbm4b:s4+s10], $0x40, s26, s10, $0xb8;
	[tilespmem:$0x10200] =	vst v63  }
0xae: {  	_ =	swait.ge [sflag:s12], $0x1F40  }
0xaf: {  	[sflag:s12] =	ssyncset.done $0x0  }
0xb0: {  	[sflag:s12] =	ssyncadd.s32 $0xFFFFE0C0  }
0xb1: {  	[tilespmem:s20], [sflag:$0x1] =	stream.indirect.gather [hbm4b:s4+s10], $0x40, s28, s10, $0xb8;
	[tilespmem:$0x10200] =	vst v63  }
0xb2: {  	p0 =	sne.s32 s0, $0x480;
	_ =	swait.ge [sflag:s12], $0x1F40  }
.Ltmp0:
0xb3: {  	[sflag:s12] =	ssyncset.done $0x0;
	(pc) =	sbr.rel @p0 .LBB2_2-.Ltmp0, $4  }
0xb4: {  	s30 =	sadd.s32 $0x1F40, s30;
	[sflag:s12] =	ssyncadd.s32 $0xFFFFE0C0  }
0xb5: {  	[hbm4b:s30+s2] =	stream.linear.scatter [tilespmem:s11], [sflag:$0x2], $0xFA00, $0x38;
	[tilespmem:$0x10200] =	vst v63  }
0xb6: {  	_ =	swait.ge [sflag:s8], $0xFA00  }
0xb7: {  	s0 =	sadd.s32 $0x80, s0;
	s5 =	rddreg [dreg:$0x3];
	[sflag:s8] =	ssyncset.done $0x0  }
0xb8: {  	[sflag:s8] =	ssyncadd.s32 $0xFFFF0600;
	s0 =	sadd.s32 s1, s5  }
0xb9: {  	[tilespmem:s2], [sflag:$0x2] =	stream.linear.gather [hbm4b:s0+s2], $0x400, $0x38;
	[tilespmem:$0x10200] =	vst v63  }
0xba: {  	_ =	swait.ge [sflag:s8], $0x400  }
0xbb: {  	s5 =	rddreg [dreg:$0x2];
	[sflag:s8] =	ssyncset.done $0x0  }
0xbc: {  	s0 =	sadd.s32 s1, s5;
	[sflag:s8] =	ssyncadd.s32 $0xFFFFFC00  }
0xbd: {  	[tilespmem:s9], [sflag:$0x2] =	stream.linear.gather [hbm4b:s0+s2], $0x400, $0x38;
	[tilespmem:$0x10200] =	vst v63  }
0xbe: {  	_ =	swait.ge [sflag:s8], $0x400  }
0xbf: {  	[sflag:s8] =	ssyncset.done $0x0  }
0xc0: {  	[sflag:s8] =	ssyncadd.s32 $0xFFFFFC00  }
0xc1: {  	[tilespmem:s11], [sflag:$0x1] =	stream.indirect.gather [hbm4b:s3+s10], $0x40, s2, s10, $0xb8;
	[tilespmem:$0x10200] =	vst v63  }
0xc2: {  	_ =	swait.ge [sflag:s12], $0x1F40  }
0xc3: {  	[sflag:s12] =	ssyncset.done $0x0  }
0xc4: {  	s6 =	rddreg [dreg:$0x4];
	[sflag:s12] =	ssyncadd.s32 $0xFFFFE0C0  }
0xc5: {  	[tilespmem:s13], [sflag:$0x1] =	stream.indirect.gather [hbm4b:s3+s10], $0x40, s6, s10, $0xb8;
	[tilespmem:$0x10200] =	vst v63  }
0xc6: {  	_ =	swait.ge [sflag:s12], $0x1F40  }
0xc7: {  	[sflag:s12] =	ssyncset.done $0x0  }
0xc8: {  	s1 =	rddreg [dreg:$0x5];
	[sflag:s12] =	ssyncadd.s32 $0xFFFFE0C0  }
0xc9: {  	[tilespmem:s14], [sflag:$0x1] =	stream.indirect.gather [hbm4b:s3+s10], $0x40, s1, s10, $0xb8;
	[tilespmem:$0x10200] =	vst v63  }
0xca: {  	_ =	swait.ge [sflag:s12], $0x1F40  }
0xcb: {  	[sflag:s12] =	ssyncset.done $0x0  }
0xcc: {  	s5 =	rddreg [dreg:$0x6];
	[sflag:s12] =	ssyncadd.s32 $0xFFFFE0C0  }
0xcd: {  	[tilespmem:s15], [sflag:$0x1] =	stream.indirect.gather [hbm4b:s3+s10], $0x40, s5, s10, $0xb8;
	[tilespmem:$0x10200] =	vst v63  }
0xce: {  	_ =	swait.ge [sflag:s12], $0x1F40  }
0xcf: {  	[sflag:s12] =	ssyncset.done $0x0  }
0xd0: {  	s6 =	rddreg [dreg:$0x7];
	[sflag:s12] =	ssyncadd.s32 $0xFFFFE0C0  }
0xd1: {  	[tilespmem:s16], [sflag:$0x1] =	stream.indirect.gather [hbm4b:s3+s10], $0x40, s6, s10, $0xb8;
	[tilespmem:$0x10200] =	vst v63  }
0xd2: {  	_ =	swait.ge [sflag:s12], $0x1F40  }
0xd3: {  	[sflag:s12] =	ssyncset.done $0x0  }
0xd4: {  	s1 =	rddreg [dreg:$0x8];
	[sflag:s12] =	ssyncadd.s32 $0xFFFFE0C0  }
0xd5: {  	[tilespmem:s17], [sflag:$0x1] =	stream.indirect.gather [hbm4b:s3+s10], $0x40, s1, s10, $0xb8;
	[tilespmem:$0x10200] =	vst v63  }
0xd6: {  	_ =	swait.ge [sflag:s12], $0x1F40  }
0xd7: {  	[sflag:s12] =	ssyncset.done $0x0  }
0xd8: {  	s5 =	rddreg [dreg:$0x9];
	[sflag:s12] =	ssyncadd.s32 $0xFFFFE0C0  }
0xd9: {  	[tilespmem:s18], [sflag:$0x1] =	stream.indirect.gather [hbm4b:s3+s10], $0x40, s5, s10, $0xb8;
	[tilespmem:$0x10200] =	vst v63  }
0xda: {  	_ =	swait.ge [sflag:s12], $0x1F40  }
0xdb: {  	[sflag:s12] =	ssyncset.done $0x0  }
0xdc: {  	[sflag:s12] =	ssyncadd.s32 $0xFFFFE0C0  }
0xdd: {  	[tilespmem:s20], [sflag:$0x1] =	stream.indirect.gather [hbm4b:s3+s10], $0x40, s19, s10, $0xb8;
	[tilespmem:$0x10200] =	vst v63  }
0xde: {  	_ =	swait.ge [sflag:s12], $0x1F40  }
0xdf: {  	[sflag:s12] =	ssyncset.done $0x0  }
0xe0: {  	s6 =	sadd.s32 $0x1F40, s31;
	[sflag:s12] =	ssyncadd.s32 $0xFFFFE0C0  }
0xe1: {  	[hbm4b:s6+s2] =	stream.linear.scatter [tilespmem:s11], [sflag:$0x2], $0xFA00, $0x38;
	[tilespmem:$0x10200] =	vst v63  }
0xe2: {  	_ =	swait.ge [sflag:s8], $0xFA00  }
0xe3: {  	[sflag:s8] =	ssyncset.done $0x0  }
0xe4: {  	[sflag:s8] =	ssyncadd.s32 $0xFFFF0600  }
0xe5: {  	[tilespmem:s11], [sflag:$0x1] =	stream.indirect.gather [hbm4b:s4+s10], $0x40, s9, s10, $0xb8;
	[tilespmem:$0x10200] =	vst v63  }
0xe6: {  	_ =	swait.ge [sflag:s12], $0x1F40  }
0xe7: {  	[sflag:s12] =	ssyncset.done $0x0  }
0xe8: {  	[sflag:s12] =	ssyncadd.s32 $0xFFFFE0C0  }
0xe9: {  	[tilespmem:s13], [sflag:$0x1] =	stream.indirect.gather [hbm4b:s4+s10], $0x40, s21, s10, $0xb8;
	[tilespmem:$0x10200] =	vst v63  }
0xea: {  	_ =	swait.ge [sflag:s12], $0x1F40  }
0xeb: {  	[sflag:s12] =	ssyncset.done $0x0  }
0xec: {  	[sflag:s12] =	ssyncadd.s32 $0xFFFFE0C0  }
0xed: {  	[tilespmem:s14], [sflag:$0x1] =	stream.indirect.gather [hbm4b:s4+s10], $0x40, s22, s10, $0xb8;
	[tilespmem:$0x10200] =	vst v63  }
0xee: {  	_ =	swait.ge [sflag:s12], $0x1F40  }
0xef: {  	[sflag:s12] =	ssyncset.done $0x0  }
0xf0: {  	[sflag:s12] =	ssyncadd.s32 $0xFFFFE0C0  }
0xf1: {  	[tilespmem:s15], [sflag:$0x1] =	stream.indirect.gather [hbm4b:s4+s10], $0x40, s23, s10, $0xb8;
	[tilespmem:$0x10200] =	vst v63  }
0xf2: {  	_ =	swait.ge [sflag:s12], $0x1F40  }
0xf3: {  	[sflag:s12] =	ssyncset.done $0x0  }
0xf4: {  	[sflag:s12] =	ssyncadd.s32 $0xFFFFE0C0  }
0xf5: {  	[tilespmem:s16], [sflag:$0x1] =	stream.indirect.gather [hbm4b:s4+s10], $0x40, s24, s10, $0xb8;
	[tilespmem:$0x10200] =	vst v63  }
0xf6: {  	_ =	swait.ge [sflag:s12], $0x1F40  }
0xf7: {  	[sflag:s12] =	ssyncset.done $0x0  }
0xf8: {  	[sflag:s12] =	ssyncadd.s32 $0xFFFFE0C0  }
0xf9: {  	[tilespmem:s17], [sflag:$0x1] =	stream.indirect.gather [hbm4b:s4+s10], $0x40, s25, s10, $0xb8;
	[tilespmem:$0x10200] =	vst v63  }
0xfa: {  	_ =	swait.ge [sflag:s12], $0x1F40  }
0xfb: {  	[sflag:s12] =	ssyncset.done $0x0  }
0xfc: {  	[sflag:s12] =	ssyncadd.s32 $0xFFFFE0C0  }
0xfd: {  	[tilespmem:s18], [sflag:$0x1] =	stream.indirect.gather [hbm4b:s4+s10], $0x40, s26, s10, $0xb8;
	[tilespmem:$0x10200] =	vst v63  }
0xfe: {  	_ =	swait.ge [sflag:s12], $0x1F40  }
0xff: {  	[sflag:s12] =	ssyncset.done $0x0  }
0x100: {  	[sflag:s12] =	ssyncadd.s32 $0xFFFFE0C0  }
0x101: {  	[tilespmem:s20], [sflag:$0x1] =	stream.indirect.gather [hbm4b:s4+s10], $0x40, s28, s10, $0xb8;
	[tilespmem:$0x10200] =	vst v63  }
0x102: {  	_ =	swait.ge [sflag:s12], $0x1F40  }
0x103: {  	[sflag:s12] =	ssyncset.done $0x0  }
0x104: {  	s30 =	sadd.s32 $0x1F40, s30;
	[sflag:s12] =	ssyncadd.s32 $0xFFFFE0C0  }
0x105: {  	[hbm4b:s30+s2] =	stream.linear.scatter [tilespmem:s11], [sflag:$0x2], $0xFA00, $0x38;
	[tilespmem:$0x10200] =	vst v63  }
0x106: {  	_ =	swait.ge [sflag:s8], $0xFA00  }
0x107: {  	s29 =	sadd.s32 $0x1, s29;
	s31 =	rddreg [dreg:$0xa]  }
0x108: {  	p0 =	sne.s32 s29, s31  }
.Ltmp1:
0x109: {  	_ = 	snop;
	(pc) =	sbr.rel @p0 .LBB2_1-.Ltmp1, $3  }
0x10a: {  	_ =	sdelay $0x1  }
0x10b: {  	[sflag:s8] =	ssyncset.done $0x0  }
0x10c: {  	[sflag:s8] =	ssyncadd.s32 $0xFFFF0600  }
0x10d: {  	_ =	sfence.sel $0x180000  }
0x10e: {  	[bflag:$0x0] =	sbarrier.arrive $0xFFFF  }
0x10f: {  	_ =	strace $0x9000004D  }
0x110: {  	s0 =	stileid.u32;
	[bflag:$0x2] =	sbarrier.arrive $0xFFFF  }
0x111: {  	p0 =	sne.s32 s0, $0x0;
	s0 =	rddreg [dreg:$0x1]  }
0x112: {  	s0 =	sadd.s32 @!p0 $0x100000, s0  }
0x113: {  	[sflag:s0] =	ssyncadd.tile.s32 @!p0 $0x1;
	_ =	shalt  }
.Lfunc_end2:
_tile_overlayer_lowered:
.L_overlay_start_2:
0x114: {  	(tag) =	ssettag $0x2  }
0x115: {  	s0 =	rddreg [dreg:$0x0];
	s2 =	stileid.u32  }
0x116: {  	s1 =	rddreg [dreg:$0x1];
	p0 =	sne.s32 s2, $0x0  }
0x117: {  	s3 =	rddreg [dreg:$0x2];
	[bflag:$0x3] =	sbarrier.arrive $0xFFFF;
	s2 =	simm.s32 @!p0 $0x1C02  }
0x118: {  	[timem:s3], [sflag:s2] =	dma.local @!p0 [hbm:s0], s1  }
0x119: {  	s0 =	simm.s32 @!p0 $0x2  }
0x11a: {  	_ =	swait.ge @!p0 [sflag:s0], s1  }
0x11b: {  	s1 =	ssub.s32 @!p0 $0x0, s1;
	[sflag:s0] =	ssyncset.done @!p0 $0x0  }
0x11c: {  	[sflag:s0] =	ssyncadd.s32 @!p0 s1  }
0x11d: {  	[bflag:$0x3] =	sbarrier.arrive $0xFFFF  }
0x11e: {  	_ =	shalt  }

// kernel: kernel.20.cloned.1.call-start
scs
__scs_entry_jumppad:
0x0: {  	(pc) =	sbr.rel $0x88, $3  }
0x1: {  	(tag) =	ssettag $0x0;
	lr =	simm.s32 $0x1  }
0x2: {  	[smem:$0x3F81] =	sst lr;
	_ =	strace $0xD0000000  }
0x3: {  	_ = 	snop  }
0x4: {  	_ = 	snop  }
0x5: {  	_ = 	snop  }
0x6: {  	_ = 	snop  }
0x7: {  	_ = 	snop  }
__scs_overlays_trampoline_lowered:
0x8: {  	[smem:$0x3F90] =	sst s0  }
0x9: {  	[smem:$0x3F91] =	sst s1  }
0xa: {  	[smem:$0x3F92] =	sst s2  }
0xb: {  	[smem:$0x3F93] =	sst s3  }
0xc: {  	[smem:$0x3F94] =	sst s4  }
0xd: {  	[smem:$0x3F95] =	sst s5  }
0xe: {  	[smem:$0x3F96] =	sst s6  }
0xf: {  	[smem:$0x3F97] =	sst s7  }
0x10: {  	[smem:$0x3F98] =	sst s8  }
0x11: {  	[smem:$0x3F99] =	sst s9;
	s0 =	simm.s32 @!p0 $0x0  }
0x12: {  	s1 =	sld [smem:$0x3F7F];
	s0 =	simm.s32 @p0 $0x1  }
0x13: {  	[smem:$0x3F9A] =	sst s0;
	s0 =	simm.s32 @!p1 $0x0  }
0x14: {  	s2 =	sld [smem:$0x3F7E];
	s0 =	simm.s32 @p1 $0x1  }
0x15: {  	[smem:$0x3F9B] =	sst s0;
	s0 =	simm.s32 @!p2 $0x0  }
0x16: {  	s3 =	sld [smem:$0x3FDB];
	s0 =	simm.s32 @p2 $0x1  }
0x17: {  	s4 =	simm.s32 $0x1BF5;
	[smem:$0x3F9D] =	sst s0  }
0x18: {  	s0 =	sld [smem:$0x3F80];
	_ =	swait.ge [sflag:s4], $0x0  }
0x19: {  	s7 =	sld [smem:$0x3F81]  }
0x1a: {  	s8 =	sadd.s32 $0xFFFFE003, lr  }
0x1b: {  	s9 =	sadd.s32 $0xFFFFFEF7, lr;
	s5 =	simm.s32 $0xFFFFFFFF;
	p2 =	slt.u32 s8, $0xFFFFF086  }
0x1c: {  	p1 =	slt.u32 s9, $0xF7A;
	s5 =	simm.s32 @!p2 $0x0  }
0x1d: {  	s5 =	simm.s32 @p1 $0x1;
	p0 =	seq.s32 s7, s2  }
0x1e: {  	s7 =	smul.u32 @!p0 $0xF7A, s2;
	p2 =	seq.s32 @!p0 s5, $0x0  }
0x1f: {  	s9 =	smul.u32 $0xF7A, s1;
	s8 =	simm.s32 @!p0 $0x1BF5;
	p2 =	por !p2, p0  }
0x20: {  	[sflag:s8] =	ssyncset.s32 @!p0 $0xFFFFF086;
	s6 =	sadd.s32 @!p0 s3, s7;
	s7 =	simm.s32 @!p0 $0x108  }
0x21: {  	s3 =	sadd.s32 s3, s9;
	s6 =	sadd.s32 @!p0 $0x88, s6;
	s7 =	simm.s32 @p2 $0x1082  }
0x22: {  	[simem:s7], [sflag:s8] =	dma.local @!p0 [hbm:s6], $0xF7A  }
0x23: {  	s9 =	sor.u32 $0xD0000000, s2;
	s6 =	simm.s32 $0x108;
	_ =	swait.ge @!p0 [sflag:s8], $0x0  }
0x24: {  	s3 =	sadd.s32 $0x88, s3;
	s6 =	simm.s32 @!p1 $0x1082;
	[sflag:s4] =	ssyncset.s32 $0xFFFFF086  }
0x25: {  	[simem:s6], [sflag:s4] =	dma.local [hbm:s3], $0xF7A  }
0x26: {  	[smem:$0x3F81] =	sst s1;
	(tag) =	ssettag s2;
	_ =	strace s9  }
0x27: {  	s1 =	sld [smem:$0x3F91]  }
0x28: {  	s2 =	sld [smem:$0x3F92]  }
0x29: {  	s4 =	sld [smem:$0x3F94]  }
0x2a: {  	p0 =	seq.s32 s5, $0x0;
	s5 =	sld [smem:$0x3F95]  }
0x2b: {  	s6 =	sld [smem:$0x3F96]  }
0x2c: {  	s7 =	sld [smem:$0x3F97]  }
0x2d: {  	s3 =	simm.s32 $0x108;
	s8 =	sld [smem:$0x3F98]  }
0x2e: {  	s3 =	simm.s32 @!p0 $0x1082;
	s9 =	sld [smem:$0x3F99]  }
0x2f: {  	lr =	sadd.s32 s0, s3;
	s0 =	sld [smem:$0x3F90]  }
0x30: {  	s3 =	sld [smem:$0x3F93]  }
0x31: {  	[smem:$0x3F9C] =	sst s10  }
0x32: {  	s10 =	sld [smem:$0x3F9A];
	_ =	sdelay $0x3  }
0x33: {  	p0 =	seq.s32 s10, $0x1;
	s10 =	sld [smem:$0x3F9C];
	_ =	sdelay $0x3  }
0x34: {  	[smem:$0x3F9C] =	sst s10  }
0x35: {  	s10 =	sld [smem:$0x3F9B];
	_ =	sdelay $0x3  }
0x36: {  	p1 =	seq.s32 s10, $0x1;
	s10 =	sld [smem:$0x3F9C];
	_ =	sdelay $0x3  }
0x37: {  	[smem:$0x3F9C] =	sst s10  }
0x38: {  	s10 =	sld [smem:$0x3F9D]  }
0x39: {  	_ = 	snop;
	(pc) =	sbr.ind lr, $3  }
0x3a: {  	_ = 	snop  }
0x3b: {  	_ = 	snop  }
0x3c: {  	p2 =	seq.s32 s10, $0x1;
	s10 =	sld [smem:$0x3F9C]  }
0x3d: {  	_ =	shalt  }
0x3e: {  	_ =	shalt  }
0x3f: {  	_ =	shalt  }
0x40: {  	_ =	shalt  }
0x41: {  	_ =	shalt  }
0x42: {  	_ =	shalt  }
0x43: {  	_ =	shalt  }
0x44: {  	_ =	shalt  }
0x45: {  	_ =	shalt  }
0x46: {  	_ =	shalt  }
0x47: {  	_ =	shalt  }
0x48: {  	_ =	shalt  }
0x49: {  	_ =	shalt  }
0x4a: {  	_ =	shalt  }
0x4b: {  	_ =	shalt  }
0x4c: {  	_ =	shalt  }
0x4d: {  	_ =	shalt  }
0x4e: {  	_ =	shalt  }
0x4f: {  	_ =	shalt  }
0x50: {  	_ =	shalt  }
0x51: {  	_ =	shalt  }
0x52: {  	_ =	shalt  }
0x53: {  	_ =	shalt  }
0x54: {  	_ =	shalt  }
0x55: {  	_ =	shalt  }
0x56: {  	_ =	shalt  }
0x57: {  	_ =	shalt  }
0x58: {  	_ =	shalt  }
0x59: {  	_ =	shalt  }
0x5a: {  	_ =	shalt  }
0x5b: {  	_ =	shalt  }
0x5c: {  	_ =	shalt  }
0x5d: {  	_ =	shalt  }
0x5e: {  	_ =	shalt  }
0x5f: {  	_ =	shalt  }
0x60: {  	_ =	shalt  }
0x61: {  	_ =	shalt  }
0x62: {  	_ =	shalt  }
0x63: {  	_ =	shalt  }
0x64: {  	_ =	shalt  }
0x65: {  	_ =	shalt  }
0x66: {  	_ =	shalt  }
0x67: {  	_ =	shalt  }
0x68: {  	_ =	shalt  }
0x69: {  	_ =	shalt  }
0x6a: {  	_ =	shalt  }
0x6b: {  	_ =	shalt  }
0x6c: {  	_ =	shalt  }
0x6d: {  	_ =	shalt  }
0x6e: {  	_ =	shalt  }
0x6f: {  	_ =	shalt  }
0x70: {  	_ =	shalt  }
0x71: {  	_ =	shalt  }
0x72: {  	_ =	shalt  }
0x73: {  	_ =	shalt  }
0x74: {  	_ =	shalt  }
0x75: {  	_ =	shalt  }
0x76: {  	_ =	shalt  }
0x77: {  	_ =	shalt  }
0x78: {  	_ =	shalt  }
0x79: {  	_ =	shalt  }
0x7a: {  	_ =	shalt  }
0x7b: {  	_ =	shalt  }
0x7c: {  	_ =	shalt  }
0x7d: {  	_ =	shalt  }
0x7e: {  	_ =	shalt  }
0x7f: {  	_ =	shalt  }
0x80: {  	_ =	shalt  }
0x81: {  	_ =	shalt  }
0x82: {  	_ =	shalt  }
0x83: {  	_ =	shalt  }
0x84: {  	_ =	shalt  }
0x85: {  	_ =	shalt  }
0x86: {  	_ =	shalt  }
0x87: {  	_ =	shalt  }
.Lfunc_end0:
.L_simem_size_0:
called_computation.3_lowered:
.L_overlay_start_0:
0x88: {  	s2 =	sld [smem:$0x3FD9]  }
0x89: {  	s3 =	sld [smem:$0x3FFE];
	_ =	sdelay $0x1  }
0x8a: {  	s1 =	srdreg.scid  }
0x8b: {  	s0 =	sand.u32 $0x1, s1  }
0x8c: {  	s16 =	sshll.u32 s0, $0xA;
	s2 =	sadd.s32 s3, s2  }
0x8d: {  	s2 =	sadd.s32 s2, s16  }
0x8e: {  	[smem:$0x3FA8] =	sst s2  }
0x8f: {  	_ = 	snop  }
0x90: {  	(tm) =	ssettm $0x1  }
0x91: {  	s17 =	sld [smem:$0x3FFB];
	_ =	sdelay $0x3  }
0x92: {  	_ =	strace s17  }
0x93: {  	s2 =	sld [smem:$0x3FFC];
	_ =	sdelay $0x3  }
0x94: {  	_ =	strace s2  }
0x95: {  	s2 =	sld [smem:$0x3FFD];
	_ =	sdelay $0x3  }
0x96: {  	_ =	strace s2  }
0x97: {  	_ =	strace $0x8FFFFFFF  }
0x98: {  	s18 =	sld [smem:$0x3FDB];
	_ =	sdelay $0x1  }
0x99: {  	s19 =	simm.s32 $_scs_section_size  }
0x9a: {  	s4 =	simm.s32 $_size__tile_overlayer_lowered;
	s5 =	simm.s32 $_tile_overlayer_lowered  }
0x9b: {  	s22 =	simm.s32 $0x1BFF;
	s21 =	sshll.u32 s5, $0x1;
	s2 =	sadd.s32 s19, s18  }
0x9c: {  	s6 =	simm.s32 $0x0;
	s20 =	sshll.u32 s4, $0x1;
	s4 =	sadd.s32 s21, s2  }
0x9d: {  	[timem:s6], [sflag:s22] =	dma.local [hbm:s4], s20  }
0x9e: {  	_ =	swait.ge [sflag:s22], s20  }
0x9f: {  	s3 =	ssub.s32 $0x0, s20;
	[sflag:s22] =	ssyncset.done $0x0  }
0xa0: {  	[sflag:s22] =	ssyncadd.s32 s3;
	_ =	sdelay $0x1  }
0xa1: {  	s23 =	simm.s32 $0x1B8B  }
0xa2: {  	_ =	swait.ge [sflag:s23], $0x1  }
0xa3: {  	[sflag:s23] =	ssyncset.done $0x0  }
0xa4: {  	s25 =	simm.s32 $0x1B8E;
	s24 =	sld [smem:$0x3FFE];
	[sflag:s23] =	ssyncadd.s32 $0xFFFFFFFF  }
0xa5: {  	s26 =	simm.s32 $execute0_lowered;
	[smem:$0x3FD2] =	sst s25  }
0xa6: {  	s4 =	sshll.u32 s26, $0x1;
	_ =	strace $0x8000004F;
	[dreg:$0x1] =	wrdreg $0xFFFFFFFF  }
0xa7: {  	s28 =	simm.s32 $_size_execute0_lowered;
	s2 =	sadd.s32 s2, s4;
	[dreg:$0x0] =	wrdreg $0x0  }
0xa8: {  	s4 =	sshll.u32 s28, $0x1;
	[dreg:$0x2] =	wrdreg s2  }
0xa9: {  	[dreg:$0x3] =	wrdreg s4  }
0xaa: {  	[dreg:$0x4] =	wrdreg $0xC0  }
0xab: {  	_ =	task [dreg:s6], $0x5FFFF  }
0xac: {  	[dreg:$0x1] =	wrdreg $0xFFFFFFFF  }
0xad: {  	[dreg:$0x0] =	wrdreg $0x60  }
0xae: {  	[dreg:$0x2] =	wrdreg s24  }
0xaf: {  	[dreg:$0x3] =	wrdreg $0xFE000  }
0xb0: {  	[dreg:$0x4] =	wrdreg $0x9  }
0xb1: {  	_ =	task.clear_ibuf [dreg:s6], $0x5FFFF;
	_ =	strace $0x9000004F  }
0xb2: {  	s29 =	simm.s32 $0x9;
	_ =	strace $0x80000051  }
0xb3: {  	_ =	swait.ge [sflag:s29], $0x1  }
0xb4: {  	[sflag:s29] =	ssyncadd.s32 $0xFFFFFFFF  }
0xb5: {  	_ =	strace $0x90000051  }
0xb6: {  	_ =	sfence  }
0xb7: {  	s30 =	sld [smem:$0x0];
	_ =	sdelay $0x2  }
0xb8: {  	s31 =	sshll.u32 s1, $0xD;
	s1 =	sshrl.u32 s1, $0x2  }
0xb9: {  	s3 =	sand.u32 $0x4000, s31;
	s1 =	sadd.s32 s1, s30  }
0xba: {  	s0 =	sor.u32 s3, s0;
	s1 =	sshll.u32 s1, $0x11  }
0xbb: {  	s0 =	sor.u32 s1, s0  }
0xbc: {  	s0 =	sadd.s32 $0x8F2B, s0  }
0xbd: {  	[sflag:s0] =	ssyncadd.remote.s32 $0x1  }
0xbe: {  	_ =	sfence.sel $0xFFFF  }
0xbf: {  	[dreg:$0x0] =	wrdreg $0xFFFFFFFF;
	(pc) =	sbr.abs _section_cstart, $3  }
0xc0: {  	[dreg:$0x1] =	wrdreg $0xFFFFFFFF  }
0xc1: {  	_ =	task.clear_ibuf [dreg:s6], $0x2FFFF;
	_ =	strace $0x9FFFFFFF  }
0xc2: {  	(tm) =	ssettm $0x7FFFFFFF  }
0xc3: {  	_ =	shalt  }
tec
execute0_lowered:
.L_overlay_start_1:
0x0: {  	(tag) =	ssettag $0x1  }
0x1: {  	s0 =	srdreg.scid;
	s6 =	rddreg [dreg:$0x0]  }
0x2: {  	s3 =	simm.s32 $0x0;
	s14 =	simm.s32 $0x80;
	s15 =	simm.s32 $0x2340  }
0x3: {  	s16 =	simm.s32 $0x100;
	s17 =	simm.s32 $0x4280;
	s18 =	simm.s32 $0x180  }
0x4: {  	s19 =	simm.s32 $0x61C0;
	s20 =	simm.s32 $0x200;
	s5 =	sand.u32 $0x1, s0  }
0x5: {  	s21 =	simm.s32 $0x8100;
	s0 =	stileid.u32;
	s1 =	smul.u32 $0x27100, s5  }
0x6: {  	s22 =	simm.s32 $0x280;
	s23 =	simm.s32 $0xA040;
	s2 =	smul.u32 $0x2710, s0  }
0x7: {  	s24 =	simm.s32 $0x300;
	s25 =	simm.s32 $0xBF80;
	s7 =	smul.u32 $0x9C40, s0  }
0x8: {  	s26 =	simm.s32 $0x380;
	s28 =	simm.s32 $0xDEC0;
	s8 =	smul.u32 $0x9C400, s5  }
0x9: {  	s29 =	simm.s32 $0x0;
	[smem:$0x7FF] =	sst s3;
	s9 =	smul.u32 $0x138800, s5  }
0xa: {  	s5 =	ssub.s32 $0x2, s5;
	s11 =	sshll.u32 s0, $0x6;
	s12 =	smul.u32 $0x13880, s0  }
0xb: {  	s31 =	sshrl.u32 s5, $0x1;
	s1 =	sadd.s32 s2, s1;
	s2 =	rddreg [dreg:$0x1]  }
0xc: {  	_ =	strace $0x80000050;
	s8 =	sadd.s32 s7, s8;
	s4 =	smulhi.u32 $0x20C49BB, s1  }
0xd: {  	s9 =	sadd.s32 s9, s6;
	s8 =	sshrl.u32 s8, $0x3;
	s13 =	sadd.s32 s7, s2  }
0xe: {  	s9 =	sadd.s32 s12, s9;
	s12 =	simm.s32 $0x400;
	s4 =	sshll.u32 s4, $0x4  }
0xf: {  	s9 =	sadd.s32 $0x525800, s9;
	s10 =	sadd.s32 s4, s6;
	s4 =	sadd.s32 $0x5C00, s6  }
0x10: {  	s6 =	sadd.s32 s8, s6;
	s8 =	ssub.s32 s5, s31;
	s5 =	sor.u32 $0x1C01, s11  }
0x11: {  	s11 =	simm.s32 $0x1;
	s6 =	sadd.s32 $0x7000, s6;
	s7 =	smax.u32 s8, $0x1  }
0x12: {  	s8 =	sadd.s32 $0x39800, s10;
	s10 =	sshrl.u32 s13, $0x3;
	s13 =	simm.s32 $0x7D  }
.LBB2_1:
0x13: {  	[spmem:s10], [sflag:s5] =	dma.local [hbm:s4], $0x1388  }
0x14: {  	_ =	swait.ge [sflag:s11], $0x1388  }
0x15: {  	[sflag:s11] =	ssyncset.done $0x0  }
0x16: {  	[sflag:s11] =	ssyncadd.s32 $0xFFFFEC78  }
0x17: {  	[bflag:$0x0] =	sbarrier.arrive $0xFFFF  }
0x18: {  	[tilespmem:s12], [sflag:$0x1] =	stream.linear.gather [hbm4b:s9+s3], $0xFA00, $0x38;
	[tilespmem:$0x19A40] =	vst v63  }
0x19: {  	_ =	swait.ge [sflag:s11], $0xFA00  }
0x1a: {  	[sflag:s11] =	ssyncset.done $0x0  }
0x1b: {  	s30 =	sadd.s32 $0x0, s8;
	[sflag:s11] =	ssyncadd.s32 $0xFFFF0600  }
0x1c: {  	[tilespmem:s3], [sflag:$0x1] =	stream.linear.gather [hbm4b:s30+s3], $0x400, $0x38;
	[tilespmem:$0x19A40] =	vst v63  }
0x1d: {  	_ =	swait.ge [sflag:s11], $0x400  }
0x1e: {  	[sflag:s11] =	ssyncset.done $0x0  }
0x1f: {  	[sflag:s11] =	ssyncadd.s32 $0xFFFFFC00  }
0x20: {  	[spmem:s2] =	stream.indirect.scatter.add.f32 [tilespmem:s12], [sflag:$0x1], $0x40, s3, s13, $0xb8;
	[tilespmem:$0x19A40] =	vst v63  }
0x21: {  	_ =	swait.ge [sflag:s11], $0x1F40  }
0x22: {  	[sflag:s11] =	ssyncset.done $0x0  }
0x23: {  	[sflag:s11] =	ssyncadd.s32 $0xFFFFE0C0  }
0x24: {  	[spmem:s2] =	stream.indirect.scatter.add.f32 [tilespmem:s15], [sflag:$0x1], $0x40, s14, s13, $0xb8;
	[tilespmem:$0x19A40] =	vst v63  }
0x25: {  	_ =	swait.ge [sflag:s11], $0x1F40  }
0x26: {  	[sflag:s11] =	ssyncset.done $0x0  }
0x27: {  	[sflag:s11] =	ssyncadd.s32 $0xFFFFE0C0  }
0x28: {  	[spmem:s2] =	stream.indirect.scatter.add.f32 [tilespmem:s17], [sflag:$0x1], $0x40, s16, s13, $0xb8;
	[tilespmem:$0x19A40] =	vst v63  }
0x29: {  	_ =	swait.ge [sflag:s11], $0x1F40  }
0x2a: {  	[sflag:s11] =	ssyncset.done $0x0  }
0x2b: {  	[sflag:s11] =	ssyncadd.s32 $0xFFFFE0C0  }
0x2c: {  	[spmem:s2] =	stream.indirect.scatter.add.f32 [tilespmem:s19], [sflag:$0x1], $0x40, s18, s13, $0xb8;
	[tilespmem:$0x19A40] =	vst v63  }
0x2d: {  	_ =	swait.ge [sflag:s11], $0x1F40  }
0x2e: {  	[sflag:s11] =	ssyncset.done $0x0  }
0x2f: {  	[sflag:s11] =	ssyncadd.s32 $0xFFFFE0C0  }
0x30: {  	[spmem:s2] =	stream.indirect.scatter.add.f32 [tilespmem:s21], [sflag:$0x1], $0x40, s20, s13, $0xb8;
	[tilespmem:$0x19A40] =	vst v63  }
0x31: {  	_ =	swait.ge [sflag:s11], $0x1F40  }
0x32: {  	[sflag:s11] =	ssyncset.done $0x0  }
0x33: {  	[sflag:s11] =	ssyncadd.s32 $0xFFFFE0C0  }
0x34: {  	[spmem:s2] =	stream.indirect.scatter.add.f32 [tilespmem:s23], [sflag:$0x1], $0x40, s22, s13, $0xb8;
	[tilespmem:$0x19A40] =	vst v63  }
0x35: {  	_ =	swait.ge [sflag:s11], $0x1F40  }
0x36: {  	[sflag:s11] =	ssyncset.done $0x0  }
0x37: {  	[sflag:s11] =	ssyncadd.s32 $0xFFFFE0C0  }
0x38: {  	[spmem:s2] =	stream.indirect.scatter.add.f32 [tilespmem:s25], [sflag:$0x1], $0x40, s24, s13, $0xb8;
	[tilespmem:$0x19A40] =	vst v63  }
0x39: {  	_ =	swait.ge [sflag:s11], $0x1F40  }
0x3a: {  	[sflag:s11] =	ssyncset.done $0x0  }
0x3b: {  	[sflag:s11] =	ssyncadd.s32 $0xFFFFE0C0  }
0x3c: {  	[spmem:s2] =	stream.indirect.scatter.add.f32 [tilespmem:s28], [sflag:$0x1], $0x40, s26, s13, $0xb8;
	[tilespmem:$0x19A40] =	vst v63  }
0x3d: {  	_ =	swait.ge [sflag:s11], $0x1F40  }
0x3e: {  	s31 =	smov.u32 s9;
	s30 =	simm.s32 $0x80;
	[sflag:s11] =	ssyncset.done $0x0  }
.LBB2_2:
0x3f: {  	p0 =	sne.s32 s30, $0x480;
	[sflag:s11] =	ssyncadd.s32 $0xFFFFE0C0;
	s31 =	sadd.s32 $0x1F40, s31  }
0x40: {  	[tilespmem:s12], [sflag:$0x1] =	stream.linear.gather [hbm4b:s31+s3], $0xFA00, $0x38;
	[tilespmem:$0x19A40] =	vst v63  }
0x41: {  	s1 =	smov.u32 s30;
	s30 =	sadd.s32 $0x80, s30;
	_ =	swait.ge [sflag:s11], $0xFA00  }
0x42: {  	[sflag:s11] =	ssyncset.done $0x0  }
0x43: {  	s1 =	sadd.s32 s1, s8;
	[sflag:s11] =	ssyncadd.s32 $0xFFFF0600  }
0x44: {  	[tilespmem:s3], [sflag:$0x1] =	stream.linear.gather [hbm4b:s1+s3], $0x400, $0x38;
	[tilespmem:$0x19A40] =	vst v63  }
0x45: {  	_ =	swait.ge [sflag:s11], $0x400  }
0x46: {  	[sflag:s11] =	ssyncset.done $0x0  }
0x47: {  	[sflag:s11] =	ssyncadd.s32 $0xFFFFFC00  }
0x48: {  	[spmem:s2] =	stream.indirect.scatter.add.f32 [tilespmem:s12], [sflag:$0x1], $0x40, s3, s13, $0xb8;
	[tilespmem:$0x19A40] =	vst v63  }
0x49: {  	_ =	swait.ge [sflag:s11], $0x1F40  }
0x4a: {  	[sflag:s11] =	ssyncset.done $0x0  }
0x4b: {  	[sflag:s11] =	ssyncadd.s32 $0xFFFFE0C0  }
0x4c: {  	[spmem:s2] =	stream.indirect.scatter.add.f32 [tilespmem:s15], [sflag:$0x1], $0x40, s14, s13, $0xb8;
	[tilespmem:$0x19A40] =	vst v63  }
0x4d: {  	_ =	swait.ge [sflag:s11], $0x1F40  }
0x4e: {  	[sflag:s11] =	ssyncset.done $0x0  }
0x4f: {  	[sflag:s11] =	ssyncadd.s32 $0xFFFFE0C0  }
0x50: {  	[spmem:s2] =	stream.indirect.scatter.add.f32 [tilespmem:s17], [sflag:$0x1], $0x40, s16, s13, $0xb8;
	[tilespmem:$0x19A40] =	vst v63  }
0x51: {  	_ =	swait.ge [sflag:s11], $0x1F40  }
0x52: {  	[sflag:s11] =	ssyncset.done $0x0  }
0x53: {  	[sflag:s11] =	ssyncadd.s32 $0xFFFFE0C0  }
0x54: {  	[spmem:s2] =	stream.indirect.scatter.add.f32 [tilespmem:s19], [sflag:$0x1], $0x40, s18, s13, $0xb8;
	[tilespmem:$0x19A40] =	vst v63  }
0x55: {  	_ =	swait.ge [sflag:s11], $0x1F40  }
0x56: {  	[sflag:s11] =	ssyncset.done $0x0  }
0x57: {  	[sflag:s11] =	ssyncadd.s32 $0xFFFFE0C0  }
0x58: {  	[spmem:s2] =	stream.indirect.scatter.add.f32 [tilespmem:s21], [sflag:$0x1], $0x40, s20, s13, $0xb8;
	[tilespmem:$0x19A40] =	vst v63  }
0x59: {  	_ =	swait.ge [sflag:s11], $0x1F40  }
0x5a: {  	[sflag:s11] =	ssyncset.done $0x0  }
0x5b: {  	[sflag:s11] =	ssyncadd.s32 $0xFFFFE0C0  }
0x5c: {  	[spmem:s2] =	stream.indirect.scatter.add.f32 [tilespmem:s23], [sflag:$0x1], $0x40, s22, s13, $0xb8;
	[tilespmem:$0x19A40] =	vst v63  }
0x5d: {  	_ =	swait.ge [sflag:s11], $0x1F40  }
0x5e: {  	[sflag:s11] =	ssyncset.done $0x0  }
0x5f: {  	[sflag:s11] =	ssyncadd.s32 $0xFFFFE0C0  }
0x60: {  	[spmem:s2] =	stream.indirect.scatter.add.f32 [tilespmem:s25], [sflag:$0x1], $0x40, s24, s13, $0xb8;
	[tilespmem:$0x19A40] =	vst v63  }
0x61: {  	_ =	swait.ge [sflag:s11], $0x1F40  }
.Ltmp0:
0x62: {  	[sflag:s11] =	ssyncset.done $0x0;
	(pc) =	sbr.rel @p0 .LBB2_2-.Ltmp0, $4  }
0x63: {  	[sflag:s11] =	ssyncadd.s32 $0xFFFFE0C0  }
0x64: {  	[spmem:s2] =	stream.indirect.scatter.add.f32 [tilespmem:s28], [sflag:$0x1], $0x40, s26, s13, $0xb8;
	[tilespmem:$0x19A40] =	vst v63  }
0x65: {  	_ =	swait.ge [sflag:s11], $0x1F40  }
0x66: {  	[sflag:s11] =	ssyncset.done $0x0  }
0x67: {  	s29 =	sadd.s32 $0x1, s29  }
0x68: {  	[sflag:s11] =	ssyncadd.s32 $0xFFFFE0C0;
	p0 =	sne.s32 s29, s7  }
.Ltmp1:
0x69: {  	[bflag:$0x0] =	sbarrier.arrive $0xFFFF;
	(pc) =	sbr.rel @p0 .LBB2_1-.Ltmp1, $4  }
0x6a: {  	[hbm:s6], [sflag:s5] =	dma.local [spmem:s10], $0x1388  }
0x6b: {  	_ =	swait.ge [sflag:s11], $0x1388  }
0x6c: {  	[sflag:s11] =	ssyncset.done $0x0  }
0x6d: {  	[sflag:s11] =	ssyncadd.s32 $0xFFFFEC78  }
0x6e: {  	_ =	sfence.sel $0x180000  }
0x6f: {  	[bflag:$0x0] =	sbarrier.arrive $0xFFFF  }
0x70: {  	_ =	strace $0x90000050  }
0x71: {  	[bflag:$0x2] =	sbarrier.arrive $0xFFFF  }
0x72: {  	p0 =	sne.s32 s0, $0x0;
	s0 =	rddreg [dreg:$0x2]  }
0x73: {  	s0 =	sadd.s32 @!p0 $0x100000, s0  }
0x74: {  	[sflag:s0] =	ssyncadd.tile.s32 @!p0 $0x1;
	_ =	shalt  }
.Lfunc_end2:
_tile_overlayer_lowered:
.L_overlay_start_2:
0x75: {  	(tag) =	ssettag $0x2  }
0x76: {  	s0 =	rddreg [dreg:$0x0];
	s2 =	stileid.u32  }
0x77: {  	s1 =	rddreg [dreg:$0x1];
	p0 =	sne.s32 s2, $0x0  }
0x78: {  	s3 =	rddreg [dreg:$0x2];
	[bflag:$0x3] =	sbarrier.arrive $0xFFFF;
	s2 =	simm.s32 @!p0 $0x1C01  }
0x79: {  	[timem:s3], [sflag:s2] =	dma.local @!p0 [hbm:s0], s1  }
0x7a: {  	s0 =	simm.s32 @!p0 $0x1  }
0x7b: {  	_ =	swait.ge @!p0 [sflag:s0], s1  }
0x7c: {  	s1 =	ssub.s32 @!p0 $0x0, s1;
	[sflag:s0] =	ssyncset.done @!p0 $0x0  }
0x7d: {  	[sflag:s0] =	ssyncadd.s32 @!p0 s1  }
0x7e: {  	[bflag:$0x3] =	sbarrier.arrive $0xFFFF  }
0x7f: {  	_ =	shalt  }

</sc_bundles>
